<compile_context>
chip_gen: v7x
topology: tpu7x:2x2x1
jax: 0.10.2.dev20260603
libtpu: 0.0.44.dev20260713+nightly
codegen_flags: <defaults>
</compile_context>

<pallas_src>
import jax
import jax.numpy as jnp
from jax import lax
from jax.experimental import pallas as pl
from jax.experimental.pallas import tpu as pltpu
from jax.experimental.pallas import tpu_sc as plsc

_N = 10000
_E = 320000
_F = 128
_NL = 4
_NCORES = 2
_NSUB = 16
_NW = _NCORES * _NSUB
_EPW = _E // _NW
_C = 80
_NCHUNK = _EPW // _C
_C2 = 200
_NCH2 = _EPW // _C2
_ACCR = 10112
_TROW = _ACCR // _NSUB
_BE = 2000
_BES = 1280

_f32 = jnp.float32



def _embed_h_body(h_ref, w_ref, b_ref, o_ref):
    o_ref[...] = (
        jnp.dot(h_ref[...], w_ref[...], preferred_element_type=_f32)
        + b_ref[...]
    )


def _tables_body(h_ref, wa, ba, wd, bd, wb, bb, we, be,
                 ah_ref, td_ref, tb_ref, te_ref):
    x = h_ref[...]
    ah_ref[...] = jnp.dot(x, wa[...], preferred_element_type=_f32) + ba[...]
    td_ref[...] = jnp.dot(x, wd[...], preferred_element_type=_f32) + bd[...]
    tb_ref[...] = jnp.dot(x, wb[...], preferred_element_type=_f32) + bb[...]
    te_ref[...] = jnp.dot(x, we[...], preferred_element_type=_f32) + be[...]


def _hupd_body(ah_ref, hin_ref, snb_ref, bnp_ref, np_ref, dp_ref, out_ref):
    nump = np_ref[...]
    denp = dp_ref[...]
    num = nump[0, 0:_N, :] + nump[1, 0:_N, :]
    den = denp[0, 0:_N, :] + denp[1, 0:_N, :]
    m = num / (den + 1e-6)
    t = (ah_ref[...] + m) * snb_ref[...]
    mu = jnp.mean(t, axis=0, keepdims=True)
    var = jnp.mean(t * t, axis=0, keepdims=True) - mu * mu
    bp = bnp_ref[...]
    hb = bp[0:1] * (t - mu) * lax.rsqrt(var + 1e-5) + bp[1:2]
    out_ref[...] = hin_ref[...] + jnp.maximum(hb, 0.0)


def _mlp_body(h_ref, w0, b0, w1, b1, w2, b2, o_ref):
    y = jnp.maximum(
        jnp.dot(h_ref[...], w0[...], preferred_element_type=_f32) + b0[...],
        0.0)
    y = jnp.maximum(
        jnp.dot(y, w1[...], preferred_element_type=_f32) + b1[...], 0.0)
    o_ref[...] = jnp.dot(y, w2[...], preferred_element_type=_f32) + b2[...]


def _embed_e_body(e_ref, we, be, cw, cb, e0_ref, ce_ref):
    e0 = jnp.dot(e_ref[...], we[...], preferred_element_type=_f32) + be[...]
    e0_ref[...] = e0
    ce_ref[...] = jnp.dot(e0, cw[...], preferred_element_type=_f32) + cb[...]


def _row_bcast(sb):
    parts = []
    for j in range(_BES // _F):
        t = jnp.broadcast_to(sb[j:j + 1, :], (_F, _F))
        parts.append(t.T)
    return jnp.concatenate(parts, axis=0)


def _estats_body(en_ref, se_ref, st_ref):
    i = pl.program_id(0)
    x = en_ref[...] * _row_bcast(se_ref[0])
    upd = jnp.concatenate(
        [jnp.sum(x, axis=0, keepdims=True),
         jnp.sum(x * x, axis=0, keepdims=True),
         jnp.zeros((6, _F), _f32)], axis=0)

    @pl.when(i == 0)
    def _init():
        st_ref[...] = upd

    @pl.when(i > 0)
    def _acc():
        st_ref[...] = st_ref[...] + upd


def _apply_body(en_ref, ep_ref, se_ref, st_ref, bnp_ref, cw_ref, cb_ref,
                eo_ref, ce_ref):
    st = st_ref[...]
    mu = st[0:1] * (1.0 / _E)
    var = st[1:2] * (1.0 / _E) - mu * mu
    x = en_ref[...] * _row_bcast(se_ref[0])
    bp = bnp_ref[...]
    xb = bp[0:1] * (x - mu) * lax.rsqrt(var + 1e-5) + bp[1:2]
    eo = ep_ref[...] + jnp.maximum(xb, 0.0)
    eo_ref[...] = eo
    ce_ref[...] = (
        jnp.dot(eo, cw_ref[...], preferred_element_type=_f32) + cb_ref[...]
    )


def _full_call(body, n_out):
    return pl.pallas_call(
        body,
        out_shape=[jax.ShapeDtypeStruct((_N, _F), _f32)] * n_out,
    )


def _embed_e_call():
    nb = _E // _BE
    blk = pl.BlockSpec((_BE, _F), lambda i: (i, 0))
    wspec = pl.BlockSpec((_F, _F), lambda i: (0, 0))
    bspec = pl.BlockSpec((1, _F), lambda i: (0, 0))
    return pl.pallas_call(
        _embed_e_body,
        grid=(nb,),
        in_specs=[blk, wspec, bspec, wspec, bspec],
        out_specs=[blk, blk],
        out_shape=[jax.ShapeDtypeStruct((_E, _F), _f32)] * 2,
    )


def _estats_call():
    nb = _E // _BES
    blk = pl.BlockSpec((_BES, _F), lambda i: (i, 0))
    sespec = pl.BlockSpec((1, _BES // _F, _F), lambda i: (i, 0, 0))
    stspec = pl.BlockSpec((8, _F), lambda i: (0, 0))
    return pl.pallas_call(
        _estats_body,
        grid=(nb,),
        in_specs=[blk, sespec],
        out_specs=stspec,
        out_shape=jax.ShapeDtypeStruct((8, _F), _f32),
    )


def _apply_call():
    nb = _E // _BES
    blk = pl.BlockSpec((_BES, _F), lambda i: (i, 0))
    sespec = pl.BlockSpec((1, _BES // _F, _F), lambda i: (i, 0, 0))
    stspec = pl.BlockSpec((8, _F), lambda i: (0, 0))
    wspec = pl.BlockSpec((_F, _F), lambda i: (0, 0))
    bspec = pl.BlockSpec((1, _F), lambda i: (0, 0))
    bnspec = pl.BlockSpec((2, _F), lambda i: (0, 0))
    return pl.pallas_call(
        _apply_body,
        grid=(nb,),
        in_specs=[blk, blk, sespec, stspec, bnspec, wspec, bspec],
        out_specs=[blk, blk],
        out_shape=[jax.ShapeDtypeStruct((_E, _F), _f32)] * 2,
    )



_MESH = dict(core_axis_name="c", subcore_axis_name="s",
             num_cores=_NCORES, num_subcores=_NSUB)


def _phase1_sc(spill_en):
    out_type = [jax.ShapeDtypeStruct((_NCORES, _ACCR, _F), _f32),
                jax.ShapeDtypeStruct((_E, _F), _f32)]
    scratch = [
        pltpu.VMEM_SHARED((_ACCR, _F), _f32),
        pltpu.VMEM((_C,), jnp.int32),
        pltpu.VMEM((_C,), jnp.int32),
        pltpu.VMEM((_C, _F), _f32),
        pltpu.VMEM((_C, _F), _f32),
        pltpu.VMEM((_C, _F), _f32),
        pltpu.VMEM((_C, _F), _f32),
        pltpu.SemaphoreType.DMA,
        pltpu.SemaphoreType.DMA,
    ]

    def body(td_h, tb_h, te_h, ce_h, src_h, dst_h, z_h, nump_h, spill_h,
             acc, src_b, dst_b, td_b, tb_b, te_b, ce_b, sem, sem2):
        c = lax.axis_index("c")
        s = lax.axis_index("s")
        w = c * _NSUB + s
        trow = pl.ds(s * _TROW, _TROW)
        pltpu.sync_copy(z_h.at[trow], acc.at[trow])
        plsc.subcore_barrier()
        base = w * _EPW

        def chunk_fn(i, carry):
            off = base + i * _C
            d1 = pltpu.async_copy(src_h.at[pl.ds(off, _C)], src_b, sem)
            d2 = pltpu.async_copy(dst_h.at[pl.ds(off, _C)], dst_b, sem)
            d3 = pltpu.async_copy(ce_h.at[pl.ds(off, _C)], ce_b, sem2)
            d1.wait()
            d2.wait()
            g1 = pltpu.async_copy(td_h.at[src_b], td_b, sem)
            g2 = pltpu.async_copy(tb_h.at[src_b], tb_b, sem)
            g3 = pltpu.async_copy(te_h.at[dst_b], te_b, sem)
            d3.wait()
            g1.wait()
            g2.wait()
            g3.wait()

            def row_fn(r, rc):
                for v in range(8):
                    sl = pl.ds(v * 16, 16)
                    en = td_b[r, sl] + te_b[r, sl] + ce_b[r, sl]
                    sg = 1.0 / (1.0 + jnp.exp(-en))
                    td_b[r, sl] = sg * tb_b[r, sl]
                    ce_b[r, sl] = en if spill_en else sg
                return rc

            lax.fori_loop(0, _C, row_fn, 0)
            o1 = pltpu.async_copy(td_b, acc.at[dst_b], sem, add=True)
            o2 = pltpu.async_copy(ce_b, spill_h.at[pl.ds(off, _C)], sem2)
            o1.wait()
            o2.wait()
            return carry

        lax.fori_loop(0, _NCHUNK, chunk_fn, 0)
        plsc.subcore_barrier()
        pltpu.sync_copy(acc.at[trow], nump_h.at[c, trow])

    return pl.kernel(
        body,
        out_type=out_type,
        mesh=plsc.VectorSubcoreMesh(**_MESH),
        scratch_types=scratch,
    )


def _phase2_sc(recompute):
    out_type = [jax.ShapeDtypeStruct((_NCORES, _ACCR, _F), _f32)]
    scratch = [
        pltpu.VMEM_SHARED((_ACCR, _F), _f32),
        pltpu.VMEM((_C2,), jnp.int32),
        pltpu.VMEM((_C2, _F), _f32),
        pltpu.SemaphoreType.DMA,
    ]

    def body(spill_h, dst_h, z_h, denp_h, acc, dst_b, en_b, sem):
        c = lax.axis_index("c")
        s = lax.axis_index("s")
        w = c * _NSUB + s
        trow = pl.ds(s * _TROW, _TROW)
        pltpu.sync_copy(z_h.at[trow], acc.at[trow])
        plsc.subcore_barrier()
        base = w * _EPW

        def chunk_fn(i, carry):
            off = base + i * _C2
            d = pltpu.async_copy(spill_h.at[pl.ds(off, _C2)], en_b, sem)
            d1 = pltpu.async_copy(dst_h.at[pl.ds(off, _C2)], dst_b, sem)
            d.wait()
            d1.wait()
            if recompute:
                def row_fn(r, rc):
                    for v in range(8):
                        sl = pl.ds(v * 16, 16)
                        en_b[r, sl] = 1.0 / (1.0 + jnp.exp(-en_b[r, sl]))
                    return rc

                lax.fori_loop(0, _C2, row_fn, 0)
            o = pltpu.async_copy(en_b, acc.at[dst_b], sem, add=True)
            o.wait()
            return carry

        lax.fori_loop(0, _NCH2, chunk_fn, 0)
        plsc.subcore_barrier()
        pltpu.sync_copy(acc.at[trow], denp_h.at[c, trow])

    return pl.kernel(
        body,
        out_type=out_type,
        mesh=plsc.VectorSubcoreMesh(**_MESH),
        scratch_types=scratch,
    )



def _pad2(wt):
    out = jnp.zeros((_F, _F), _f32)
    return out.at[: wt.shape[0], : wt.shape[1]].set(wt)


def _pad1(b):
    out = jnp.zeros((1, _F), _f32)
    return out.at[0, : b.shape[0]].set(b)


def _bnp(g, b):
    out = jnp.zeros((2, _F), _f32)
    return out.at[0, : g.shape[0]].set(g).at[1, : b.shape[0]].set(b)


def kernel(h, e, edge_index, snorm_n, snorm_e, emb_h_w, emb_h_b, emb_e_w,
           emb_e_b, A_w, A_b, B_w, B_b, C_w, C_b, D_w, D_b, E_w, E_b,
           bn_h_g, bn_h_b, bn_e_g, bn_e_b, mlp_w0, mlp_b0, mlp_w1, mlp_b1,
           mlp_w2, mlp_b2):
    src = edge_index[0]
    dst = edge_index[1]
    se2 = snorm_e.reshape(_E // _BES, _BES // _F, _F)
    snb = jnp.broadcast_to(snorm_n[:, None], (_N, _F))
    zeros_acc = jnp.zeros((_ACCR, _F), _f32)

    embed_h = _full_call(_embed_h_body, 1)
    tables = _full_call(_tables_body, 4)
    hupd = _full_call(_hupd_body, 1)
    mlp = _full_call(_mlp_body, 1)
    embed_e = _embed_e_call()
    estats = _estats_call()
    apply_e = _apply_call()
    p1_en = _phase1_sc(True)
    p1_sig = _phase1_sc(False)
    p2_rec = _phase2_sc(True)
    p2_dir = _phase2_sc(False)

    (hcur,) = embed_h(h, _pad2(emb_h_w), _pad1(emb_h_b))
    ecur, ce = embed_e(e, _pad2(emb_e_w), _pad1(emb_e_b),
                       _pad2(C_w[0]), _pad1(C_b[0]))

    for l in range(_NL):
        ah, td, tb, te = tables(
            hcur,
            _pad2(A_w[l]), _pad1(A_b[l]), _pad2(D_w[l]), _pad1(D_b[l]),
            _pad2(B_w[l]), _pad1(B_b[l]), _pad2(E_w[l]), _pad1(E_b[l]))
        p1 = p1_en if l < _NL - 1 else p1_sig
        nump, spill = p1(td, tb, te, ce, src, dst, zeros_acc)
        p2 = p2_rec if l < _NL - 1 else p2_dir
        denp = p2(spill, dst, zeros_acc)
        if isinstance(denp, (tuple, list)):
            (denp,) = denp
        if l < _NL - 1:
            st = estats(spill, se2)
            ecur, ce = apply_e(spill, ecur, se2, st,
                               _bnp(bn_e_g[l], bn_e_b[l]),
                               _pad2(C_w[l + 1]), _pad1(C_b[l + 1]))
        (hcur,) = hupd(ah, hcur, snb, _bnp(bn_h_g[l], bn_h_b[l]),
                       nump, denp)

    (y,) = mlp(hcur, _pad2(mlp_w0), _pad1(mlp_b0), _pad2(mlp_w1),
               _pad1(mlp_b1), _pad2(mlp_w2), _pad1(mlp_b2))
    return y[:, : mlp_w2.shape[1]]

# --- scband reference (transcript-rebuilt; emitter-appended) ---
"""Pipeline reference for scband-gated-gcnnet-3753801417624 (READ-ONLY COPY).

The authoritative reference and input builder live on the scoring server;
editing this copy changes nothing except your own understanding.
"""

import jax, jax.numpy as jnp
import numpy as np

N = 10000
E = 320000
IN_DIM = 128
HID = 70
NL = 4
NC = 10

def _lin_init(key, fan_in, fan_out, stacked=0):
    s = 1.0 / np.sqrt(fan_in)
    shape = (stacked, fan_in, fan_out) if stacked else (fan_in, fan_out)
    return jax.random.uniform(key, shape, jnp.float32, -s, s)

def setup_inputs(seed: int = 0):
    key = jax.random.key(seed)
    ks = jax.random.split(key, 40)
    inp = {}
    inp["h"] = jax.random.normal(ks[0], (N, IN_DIM), dtype=jnp.float32)
    inp["e"] = jax.random.normal(ks[1], (E, IN_DIM), dtype=jnp.float32)
    inp["edge_index"] = jax.random.randint(ks[2], (2, E), 0, N, dtype=jnp.int32)
    inp["snorm_n"] = jax.random.uniform(ks[3], (N,), dtype=jnp.float32)
    inp["snorm_e"] = jax.random.uniform(ks[4], (E,), dtype=jnp.float32)
    inp["emb_h_w"] = _lin_init(ks[5], IN_DIM, HID)
    inp["emb_h_b"] = jnp.zeros((HID,), jnp.float32)
    inp["emb_e_w"] = _lin_init(ks[6], IN_DIM, HID)
    inp["emb_e_b"] = jnp.zeros((HID,), jnp.float32)
    for i, nm in enumerate(["A", "B", "C", "D", "E"]):
        inp[nm + "_w"] = _lin_init(ks[7 + i], HID, HID, stacked=NL)
        inp[nm + "_b"] = jnp.zeros((NL, HID), jnp.float32)
    inp["bn_h_g"] = jnp.ones((NL, HID), jnp.float32)
    inp["bn_h_b"] = jnp.zeros((NL, HID), jnp.float32)
    inp["bn_e_g"] = jnp.ones((NL, HID), jnp.float32)
    inp["bn_e_b"] = jnp.zeros((NL, HID), jnp.float32)
    inp["mlp_w0"] = _lin_init(ks[20], HID, HID // 2)
    inp["mlp_b0"] = jnp.zeros((HID // 2,), jnp.float32)
    inp["mlp_w1"] = _lin_init(ks[21], HID // 2, HID // 4)
    inp["mlp_b1"] = jnp.zeros((HID // 4,), jnp.float32)
    inp["mlp_w2"] = _lin_init(ks[22], HID // 4, NC)
    inp["mlp_b2"] = jnp.zeros((NC,), jnp.float32)
    return inp

def _bn(x, g, b):
    mu = jnp.mean(x, axis=0)
    var = jnp.var(x, axis=0)
    return g * (x - mu) / jnp.sqrt(var + 1e-5) + b

def _forward(edge_index, h, e, snorm_n, snorm_e, emb_h_w, emb_h_b, emb_e_w, emb_e_b, A_w, A_b, B_w, B_b, C_w, C_b, D_w, D_b, E_w, E_b, bn_h_g, bn_h_b, bn_e_g, bn_e_b, mlp_w0, mlp_b0, mlp_w1, mlp_b1, mlp_w2, mlp_b2):
    src = edge_index[0]
    dst = edge_index[1]
    sn = snorm_n[:, None]
    se = snorm_e[:, None]
    h = h @ emb_h_w + emb_h_b
    e = e @ emb_e_w + emb_e_b
    for l in range(NL):
        h_in, e_in = h, e
        Ah = h @ A_w[l] + A_b[l]
        Bh = h @ B_w[l] + B_b[l]
        Dh = h @ D_w[l] + D_b[l]
        Eh = h @ E_w[l] + E_b[l]
        Ce = e @ C_w[l] + C_b[l]
        e_new = Dh[src] + Eh[dst] + Ce
        sigma = jax.nn.sigmoid(e_new)
        num = jax.ops.segment_sum(sigma * Bh[src], dst, num_segments=N)
        den = jax.ops.segment_sum(sigma, dst, num_segments=N) + 1e-6
        h = Ah + num / den
        e = e_new
        h = _bn(h * sn, bn_h_g[l], bn_h_b[l])
        e = _bn(e * se, bn_e_g[l], bn_e_b[l])
        h = h_in + jax.nn.relu(h)
        e = e_in + jax.nn.relu(e)
    y = jax.nn.relu(h @ mlp_w0 + mlp_b0)
    y = jax.nn.relu(y @ mlp_w1 + mlp_b1)
    return y @ mlp_w2 + mlp_b2

def reference(h, e, edge_index, snorm_n, snorm_e, emb_h_w, emb_h_b, emb_e_w, emb_e_b, A_w, A_b, B_w, B_b, C_w, C_b, D_w, D_b, E_w, E_b, bn_h_g, bn_h_b, bn_e_g, bn_e_b, mlp_w0, mlp_b0, mlp_w1, mlp_b1, mlp_w2, mlp_b2):
    return _forward(edge_index, h, e, snorm_n, snorm_e, emb_h_w, emb_h_b, emb_e_w, emb_e_b, A_w, A_b, B_w, B_b, C_w, C_b, D_w, D_b, E_w, E_b, bn_h_g, bn_h_b, bn_e_g, bn_e_b, mlp_w0, mlp_b0, mlp_w1, mlp_b1, mlp_w2, mlp_b2)

if __name__ == "__main__":
    import jax
    _d = setup_inputs()
    print(jax.jit(kernel)(*tuple(_d.values())))

</pallas_src>

<mosaic_0001>
#map = affine_map<(d0, d1) -> (0, 0)>
#map1 = affine_map<(d0, d1) -> (0)>
#map2 = affine_map<(d0, d1) -> (0, 0, 0)>
module attributes {stable_mosaic.version = 14 : i64} {
  func.func @body(%arg0: i32, %arg1: i32, %arg2: memref<320000x128xf32, #tpu.memory_space<hbm>>, %arg3: memref<320000xi32, #tpu.memory_space<hbm>>, %arg4: memref<10112x128xf32, #tpu.memory_space<hbm>>, %arg5: memref<2x10112x128xf32, #tpu.memory_space<hbm>>, %arg6: memref<10112x128xf32, #tpu.memory_space<vmem_shared>>, %arg7: memref<200xi32, #tpu.memory_space<vmem>>, %arg8: memref<200x128xf32, #tpu.memory_space<vmem>>, %arg9: memref<!tpu.dma_semaphore, #tpu.memory_space<semaphore_mem>>) attributes {dimension_semantics = [#tpu.dimension_semantics<core_parallel>, #tpu.dimension_semantics<subcore_parallel>], iteration_bounds = array<i64: 2, 16>, scalar_prefetch = 0 : i64, scratch_operands = 4 : i64, tpu.core_type = #tpu.core_type<sc_vector_subcore>, window_params = [{transform_indices = #map}, {transform_indices = #map1}, {transform_indices = #map}, {transform_indices = #map2}]} {
    %mul3A = arith.constant 16 : i32
    %mul3A_0 = arith.muli %arg0, %mul3A : i32
    %add3A = arith.addi %mul3A_0, %arg1 : i32
    %mul3A_1 = arith.constant 632 : i32
    %mul3A_2 = arith.muli %arg1, %mul3A_1 : i32
    "tpu.region"() ({
      %run_scoped3A = tpu.sem_alloc : memref<!tpu.dma_semaphore, #tpu.memory_space<semaphore_mem>>
      %dma_start3A = arith.constant 0 : i32
      %dma_start3A_11 = tpu.memref_slice %arg6[%mul3A_2, %dma_start3A] : memref<10112x128xf32, #tpu.memory_space<vmem_shared>> -> memref<632x128xf32, #tpu.memory_space<vmem_shared>>
      %dma_start3A_12 = arith.constant 0 : i32
      %dma_start3A_13 = tpu.memref_slice %arg4[%mul3A_2, %dma_start3A_12] : memref<10112x128xf32, #tpu.memory_space<hbm>> -> memref<632x128xf32, #tpu.memory_space<hbm>>
      tpu.enqueue_dma source(%dma_start3A_13 : memref<632x128xf32, #tpu.memory_space<hbm>>) target(%dma_start3A_11 : memref<632x128xf32, #tpu.memory_space<vmem_shared>>) target_semaphore(%run_scoped3A : memref<!tpu.dma_semaphore, #tpu.memory_space<semaphore_mem>>)
      %dma_wait3A = arith.constant 0 : i32
      %dma_wait3A_14 = tpu.memref_slice %arg6[%mul3A_2, %dma_wait3A] : memref<10112x128xf32, #tpu.memory_space<vmem_shared>> -> memref<632x128xf32, #tpu.memory_space<vmem_shared>>
      %dma_wait3A_15 = arith.constant 0 : i32
      %dma_wait3A_16 = tpu.memref_slice %arg4[%mul3A_2, %dma_wait3A_15] : memref<10112x128xf32, #tpu.memory_space<hbm>> -> memref<632x128xf32, #tpu.memory_space<hbm>>
      tpu.wait_dma2 semaphore(%run_scoped3A : memref<!tpu.dma_semaphore, #tpu.memory_space<semaphore_mem>>) src(%dma_wait3A_16 : memref<632x128xf32, #tpu.memory_space<hbm>>) dst(%dma_wait3A_14 : memref<632x128xf32, #tpu.memory_space<vmem_shared>>)
      tpu.yield
    }) : () -> ()
    %barrier3A = arith.constant 0 : index
    tpu.barrier barrier_id(%barrier3A)
    %mul3A_3 = arith.constant 10000 : i32
    %mul3A_4 = arith.muli %add3A, %mul3A_3 : i32
    %scan3A = arith.constant 0 : i32
    %scan3A_5 = arith.constant 0 : i32
    %scan3A_6 = arith.constant 50 : i32
    %scan3A_7 = arith.addi %scan3A_5, %scan3A_6 : i32
    %scan3A_8 = arith.constant 1 : i32
    scf.for %scan3A_11 = %scan3A_5 to %scan3A_7 step %scan3A_8  : i32 {
      %mul3A_12 = arith.constant 200 : i32
      %mul3A_13 = arith.muli %scan3A_11, %mul3A_12 : i32
      %add3A_14 = arith.addi %mul3A_4, %mul3A_13 : i32
      %dma_start3A = arith.constant 0 : i32
      %dma_start3A_15 = tpu.memref_slice %arg2[%add3A_14, %dma_start3A] : memref<320000x128xf32, #tpu.memory_space<hbm>> -> memref<200x128xf32, #tpu.memory_space<hbm>>
      %dma_start3A_16 = arith.constant 0 : i32
      %dma_start3A_17 = tpu.memref_slice %arg2[%add3A_14, %dma_start3A_16] : memref<320000x128xf32, #tpu.memory_space<hbm>> -> memref<200x128xf32, #tpu.memory_space<hbm>>
      tpu.enqueue_dma source(%dma_start3A_17 : memref<200x128xf32, #tpu.memory_space<hbm>>) target(%arg8 : memref<200x128xf32, #tpu.memory_space<vmem>>) target_semaphore(%arg9 : memref<!tpu.dma_semaphore, #tpu.memory_space<semaphore_mem>>)
      %dma_start3A_18 = tpu.memref_slice %arg3[%add3A_14] : memref<320000xi32, #tpu.memory_space<hbm>> -> memref<200xi32, #tpu.memory_space<hbm>>
      %dma_start3A_19 = tpu.memref_slice %arg3[%add3A_14] : memref<320000xi32, #tpu.memory_space<hbm>> -> memref<200xi32, #tpu.memory_space<hbm>>
      tpu.enqueue_dma source(%dma_start3A_19 : memref<200xi32, #tpu.memory_space<hbm>>) target(%arg7 : memref<200xi32, #tpu.memory_space<vmem>>) target_semaphore(%arg9 : memref<!tpu.dma_semaphore, #tpu.memory_space<semaphore_mem>>)
      %dma_wait3A = arith.constant 0 : i32
      %dma_wait3A_20 = tpu.memref_slice %arg2[%add3A_14, %dma_wait3A] : memref<320000x128xf32, #tpu.memory_space<hbm>> -> memref<200x128xf32, #tpu.memory_space<hbm>>
      %dma_wait3A_21 = arith.constant 0 : i32
      %dma_wait3A_22 = tpu.memref_slice %arg2[%add3A_14, %dma_wait3A_21] : memref<320000x128xf32, #tpu.memory_space<hbm>> -> memref<200x128xf32, #tpu.memory_space<hbm>>
      tpu.wait_dma2 semaphore(%arg9 : memref<!tpu.dma_semaphore, #tpu.memory_space<semaphore_mem>>) src(%dma_wait3A_22 : memref<200x128xf32, #tpu.memory_space<hbm>>) dst(%arg8 : memref<200x128xf32, #tpu.memory_space<vmem>>)
      %dma_wait3A_23 = tpu.memref_slice %arg3[%add3A_14] : memref<320000xi32, #tpu.memory_space<hbm>> -> memref<200xi32, #tpu.memory_space<hbm>>
      %dma_wait3A_24 = tpu.memref_slice %arg3[%add3A_14] : memref<320000xi32, #tpu.memory_space<hbm>> -> memref<200xi32, #tpu.memory_space<hbm>>
      tpu.wait_dma2 semaphore(%arg9 : memref<!tpu.dma_semaphore, #tpu.memory_space<semaphore_mem>>) src(%dma_wait3A_24 : memref<200xi32, #tpu.memory_space<hbm>>) dst(%arg7 : memref<200xi32, #tpu.memory_space<vmem>>)
      %scan3A_25 = arith.constant 0 : i32
      %scan3A_26 = arith.constant 0 : i32
      %scan3A_27 = arith.constant 200 : i32
      %scan3A_28 = arith.addi %scan3A_26, %scan3A_27 : i32
      %scan3A_29 = arith.constant 1 : i32
      scf.for %scan3A_37 = %scan3A_26 to %scan3A_28 step %scan3A_29  : i32 {
        %get3A = arith.index_cast %scan3A_37 : i32 to index
        %get3A_38 = arith.constant 0 : index
        %get3A_39 = tpu.vector_load %arg8[%get3A, %get3A_38] {strides = array<i32>} : memref<200x128xf32, #tpu.memory_space<vmem>>, vector<1x16xf32>,
        %get3A_40 = vector.shape_cast %get3A_39 : vector<1x16xf32> to vector<16xf32>
        %neg3A = arith.constant 0.000000e+00 : f32
        %neg3A_41 = vector.broadcast %neg3A : f32 to vector<16xf32>
        %neg3A_42 = arith.subf %neg3A_41, %get3A_40 : vector<16xf32>
        %exp3A = math.exp %neg3A_42 : vector<16xf32>
        %add3A_43 = arith.constant 1.000000e+00 : f32
        %add3A_44 = vector.broadcast %add3A_43 : f32 to vector<16xf32>
        %add3A_45 = arith.addf %add3A_44, %exp3A : vector<16xf32>
        %div3A = arith.constant 1.000000e+00 : f32
        %div3A_46 = vector.broadcast %div3A : f32 to vector<16xf32>
        %div3A_47 = arith.divf %div3A_46, %add3A_45 : vector<16xf32>
        %swap3A = arith.index_cast %scan3A_37 : i32 to index
        %swap3A_48 = arith.constant 0 : index
        %swap3A_49 = tpu.vector_load %arg8[%swap3A, %swap3A_48] {strides = array<i32>} : memref<200x128xf32, #tpu.memory_space<vmem>>, vector<1x16xf32>,
        %swap3A_50 = vector.shape_cast %swap3A_49 : vector<1x16xf32> to vector<16xf32>
        %swap3A_51 = vector.shape_cast %div3A_47 : vector<16xf32> to vector<1x16xf32>
        tpu.vector_store %arg8[%swap3A, %swap3A_48], %swap3A_51 {strides = array<i32>} : memref<200x128xf32, #tpu.memory_space<vmem>>, vector<1x16xf32>,
        %get3A_52 = arith.index_cast %scan3A_37 : i32 to index
        %get3A_53 = arith.constant 16 : index
        %get3A_54 = tpu.vector_load %arg8[%get3A_52, %get3A_53] {strides = array<i32>} : memref<200x128xf32, #tpu.memory_space<vmem>>, vector<1x16xf32>,
        %get3A_55 = vector.shape_cast %get3A_54 : vector<1x16xf32> to vector<16xf32>
        %neg3A_56 = arith.constant 0.000000e+00 : f32
        %neg3A_57 = vector.broadcast %neg3A_56 : f32 to vector<16xf32>
        %neg3A_58 = arith.subf %neg3A_57, %get3A_55 : vector<16xf32>
        %exp3A_59 = math.exp %neg3A_58 : vector<16xf32>
        %add3A_60 = arith.constant 1.000000e+00 : f32
        %add3A_61 = vector.broadcast %add3A_60 : f32 to vector<16xf32>
        %add3A_62 = arith.addf %add3A_61, %exp3A_59 : vector<16xf32>
        %div3A_63 = arith.constant 1.000000e+00 : f32
        %div3A_64 = vector.broadcast %div3A_63 : f32 to vector<16xf32>
        %div3A_65 = arith.divf %div3A_64, %add3A_62 : vector<16xf32>
        %swap3A_66 = arith.index_cast %scan3A_37 : i32 to index
        %swap3A_67 = arith.constant 16 : index
        %swap3A_68 = tpu.vector_load %arg8[%swap3A_66, %swap3A_67] {strides = array<i32>} : memref<200x128xf32, #tpu.memory_space<vmem>>, vector<1x16xf32>,
        %swap3A_69 = vector.shape_cast %swap3A_68 : vector<1x16xf32> to vector<16xf32>
        %swap3A_70 = vector.shape_cast %div3A_65 : vector<16xf32> to vector<1x16xf32>
        tpu.vector_store %arg8[%swap3A_66, %swap3A_67], %swap3A_70 {strides = array<i32>} : memref<200x128xf32, #tpu.memory_space<vmem>>, vector<1x16xf32>,
        %get3A_71 = arith.index_cast %scan3A_37 : i32 to index
        %get3A_72 = arith.constant 32 : index
        %get3A_73 = tpu.vector_load %arg8[%get3A_71, %get3A_72] {strides = array<i32>} : memref<200x128xf32, #tpu.memory_space<vmem>>, vector<1x16xf32>,
        %get3A_74 = vector.shape_cast %get3A_73 : vector<1x16xf32> to vector<16xf32>
        %neg3A_75 = arith.constant 0.000000e+00 : f32
        %neg3A_76 = vector.broadcast %neg3A_75 : f32 to vector<16xf32>
        %neg3A_77 = arith.subf %neg3A_76, %get3A_74 : vector<16xf32>
        %exp3A_78 = math.exp %neg3A_77 : vector<16xf32>
        %add3A_79 = arith.constant 1.000000e+00 : f32
        %add3A_80 = vector.broadcast %add3A_79 : f32 to vector<16xf32>
        %add3A_81 = arith.addf %add3A_80, %exp3A_78 : vector<16xf32>
        %div3A_82 = arith.constant 1.000000e+00 : f32
        %div3A_83 = vector.broadcast %div3A_82 : f32 to vector<16xf32>
        %div3A_84 = arith.divf %div3A_83, %add3A_81 : vector<16xf32>
        %swap3A_85 = arith.index_cast %scan3A_37 : i32 to index
        %swap3A_86 = arith.constant 32 : index
        %swap3A_87 = tpu.vector_load %arg8[%swap3A_85, %swap3A_86] {strides = array<i32>} : memref<200x128xf32, #tpu.memory_space<vmem>>, vector<1x16xf32>,
        %swap3A_88 = vector.shape_cast %swap3A_87 : vector<1x16xf32> to vector<16xf32>
        %swap3A_89 = vector.shape_cast %div3A_84 : vector<16xf32> to vector<1x16xf32>
        tpu.vector_store %arg8[%swap3A_85, %swap3A_86], %swap3A_89 {strides = array<i32>} : memref<200x128xf32, #tpu.memory_space<vmem>>, vector<1x16xf32>,
        %get3A_90 = arith.index_cast %scan3A_37 : i32 to index
        %get3A_91 = arith.constant 48 : index
        %get3A_92 = tpu.vector_load %arg8[%get3A_90, %get3A_91] {strides = array<i32>} : memref<200x128xf32, #tpu.memory_space<vmem>>, vector<1x16xf32>,
        %get3A_93 = vector.shape_cast %get3A_92 : vector<1x16xf32> to vector<16xf32>
        %neg3A_94 = arith.constant 0.000000e+00 : f32
        %neg3A_95 = vector.broadcast %neg3A_94 : f32 to vector<16xf32>
        %neg3A_96 = arith.subf %neg3A_95, %get3A_93 : vector<16xf32>
        %exp3A_97 = math.exp %neg3A_96 : vector<16xf32>
        %add3A_98 = arith.constant 1.000000e+00 : f32
        %add3A_99 = vector.broadcast %add3A_98 : f32 to vector<16xf32>
        %add3A_100 = arith.addf %add3A_99, %exp3A_97 : vector<16xf32>
        %div3A_101 = arith.constant 1.000000e+00 : f32
        %div3A_102 = vector.broadcast %div3A_101 : f32 to vector<16xf32>
        %div3A_103 = arith.divf %div3A_102, %add3A_100 : vector<16xf32>
        %swap3A_104 = arith.index_cast %scan3A_37 : i32 to index
        %swap3A_105 = arith.constant 48 : index
        %swap3A_106 = tpu.vector_load %arg8[%swap3A_104, %swap3A_105] {strides = array<i32>} : memref<200x128xf32, #tpu.memory_space<vmem>>, vector<1x16xf32>,
        %swap3A_107 = vector.shape_cast %swap3A_106 : vector<1x16xf32> to vector<16xf32>
        %swap3A_108 = vector.shape_cast %div3A_103 : vector<16xf32> to vector<1x16xf32>
        tpu.vector_store %arg8[%swap3A_104, %swap3A_105], %swap3A_108 {strides = array<i32>} : memref<200x128xf32, #tpu.memory_space<vmem>>, vector<1x16xf32>,
        %get3A_109 = arith.index_cast %scan3A_37 : i32 to index
        %get3A_110 = arith.constant 64 : index
        %get3A_111 = tpu.vector_load %arg8[%get3A_109, %get3A_110] {strides = array<i32>} : memref<200x128xf32, #tpu.memory_space<vmem>>, vector<1x16xf32>,
        %get3A_112 = vector.shape_cast %get3A_111 : vector<1x16xf32> to vector<16xf32>
        %neg3A_113 = arith.constant 0.000000e+00 : f32
        %neg3A_114 = vector.broadcast %neg3A_113 : f32 to vector<16xf32>
        %neg3A_115 = arith.subf %neg3A_114, %get3A_112 : vector<16xf32>
        %exp3A_116 = math.exp %neg3A_115 : vector<16xf32>
        %add3A_117 = arith.constant 1.000000e+00 : f32
        %add3A_118 = vector.broadcast %add3A_117 : f32 to vector<16xf32>
        %add3A_119 = arith.addf %add3A_118, %exp3A_116 : vector<16xf32>
        %div3A_120 = arith.constant 1.000000e+00 : f32
        %div3A_121 = vector.broadcast %div3A_120 : f32 to vector<16xf32>
        %div3A_122 = arith.divf %div3A_121, %add3A_119 : vector<16xf32>
        %swap3A_123 = arith.index_cast %scan3A_37 : i32 to index
        %swap3A_124 = arith.constant 64 : index
        %swap3A_125 = tpu.vector_load %arg8[%swap3A_123, %swap3A_124] {strides = array<i32>} : memref<200x128xf32, #tpu.memory_space<vmem>>, vector<1x16xf32>,
        %swap3A_126 = vector.shape_cast %swap3A_125 : vector<1x16xf32> to vector<16xf32>
        %swap3A_127 = vector.shape_cast %div3A_122 : vector<16xf32> to vector<1x16xf32>
        tpu.vector_store %arg8[%swap3A_123, %swap3A_124], %swap3A_127 {strides = array<i32>} : memref<200x128xf32, #tpu.memory_space<vmem>>, vector<1x16xf32>,
        %get3A_128 = arith.index_cast %scan3A_37 : i32 to index
        %get3A_129 = arith.constant 80 : index
        %get3A_130 = tpu.vector_load %arg8[%get3A_128, %get3A_129] {strides = array<i32>} : memref<200x128xf32, #tpu.memory_space<vmem>>, vector<1x16xf32>,
        %get3A_131 = vector.shape_cast %get3A_130 : vector<1x16xf32> to vector<16xf32>
        %neg3A_132 = arith.constant 0.000000e+00 : f32
        %neg3A_133 = vector.broadcast %neg3A_132 : f32 to vector<16xf32>
        %neg3A_134 = arith.subf %neg3A_133, %get3A_131 : vector<16xf32>
        %exp3A_135 = math.exp %neg3A_134 : vector<16xf32>
        %add3A_136 = arith.constant 1.000000e+00 : f32
        %add3A_137 = vector.broadcast %add3A_136 : f32 to vector<16xf32>
        %add3A_138 = arith.addf %add3A_137, %exp3A_135 : vector<16xf32>
        %div3A_139 = arith.constant 1.000000e+00 : f32
        %div3A_140 = vector.broadcast %div3A_139 : f32 to vector<16xf32>
        %div3A_141 = arith.divf %div3A_140, %add3A_138 : vector<16xf32>
        %swap3A_142 = arith.index_cast %scan3A_37 : i32 to index
        %swap3A_143 = arith.constant 80 : index
        %swap3A_144 = tpu.vector_load %arg8[%swap3A_142, %swap3A_143] {strides = array<i32>} : memref<200x128xf32, #tpu.memory_space<vmem>>, vector<1x16xf32>,
        %swap3A_145 = vector.shape_cast %swap3A_144 : vector<1x16xf32> to vector<16xf32>
        %swap3A_146 = vector.shape_cast %div3A_141 : vector<16xf32> to vector<1x16xf32>
        tpu.vector_store %arg8[%swap3A_142, %swap3A_143], %swap3A_146 {strides = array<i32>} : memref<200x128xf32, #tpu.memory_space<vmem>>, vector<1x16xf32>,
        %get3A_147 = arith.index_cast %scan3A_37 : i32 to index
        %get3A_148 = arith.constant 96 : index
        %get3A_149 = tpu.vector_load %arg8[%get3A_147, %get3A_148] {strides = array<i32>} : memref<200x128xf32, #tpu.memory_space<vmem>>, vector<1x16xf32>,
        %get3A_150 = vector.shape_cast %get3A_149 : vector<1x16xf32> to vector<16xf32>
        %neg3A_151 = arith.constant 0.000000e+00 : f32
        %neg3A_152 = vector.broadcast %neg3A_151 : f32 to vector<16xf32>
        %neg3A_153 = arith.subf %neg3A_152, %get3A_150 : vector<16xf32>
        %exp3A_154 = math.exp %neg3A_153 : vector<16xf32>
        %add3A_155 = arith.constant 1.000000e+00 : f32
        %add3A_156 = vector.broadcast %add3A_155 : f32 to vector<16xf32>
        %add3A_157 = arith.addf %add3A_156, %exp3A_154 : vector<16xf32>
        %div3A_158 = arith.constant 1.000000e+00 : f32
        %div3A_159 = vector.broadcast %div3A_158 : f32 to vector<16xf32>
        %div3A_160 = arith.divf %div3A_159, %add3A_157 : vector<16xf32>
        %swap3A_161 = arith.index_cast %scan3A_37 : i32 to index
        %swap3A_162 = arith.constant 96 : index
        %swap3A_163 = tpu.vector_load %arg8[%swap3A_161, %swap3A_162] {strides = array<i32>} : memref<200x128xf32, #tpu.memory_space<vmem>>, vector<1x16xf32>,
        %swap3A_164 = vector.shape_cast %swap3A_163 : vector<1x16xf32> to vector<16xf32>
        %swap3A_165 = vector.shape_cast %div3A_160 : vector<16xf32> to vector<1x16xf32>
        tpu.vector_store %arg8[%swap3A_161, %swap3A_162], %swap3A_165 {strides = array<i32>} : memref<200x128xf32, #tpu.memory_space<vmem>>, vector<1x16xf32>,
        %get3A_166 = arith.index_cast %scan3A_37 : i32 to index
        %get3A_167 = arith.constant 112 : index
        %get3A_168 = tpu.vector_load %arg8[%get3A_166, %get3A_167] {strides = array<i32>} : memref<200x128xf32, #tpu.memory_space<vmem>>, vector<1x16xf32>,
        %get3A_169 = vector.shape_cast %get3A_168 : vector<1x16xf32> to vector<16xf32>
        %neg3A_170 = arith.constant 0.000000e+00 : f32
        %neg3A_171 = vector.broadcast %neg3A_170 : f32 to vector<16xf32>
        %neg3A_172 = arith.subf %neg3A_171, %get3A_169 : vector<16xf32>
        %exp3A_173 = math.exp %neg3A_172 : vector<16xf32>
        %add3A_174 = arith.constant 1.000000e+00 : f32
        %add3A_175 = vector.broadcast %add3A_174 : f32 to vector<16xf32>
        %add3A_176 = arith.addf %add3A_175, %exp3A_173 : vector<16xf32>
        %div3A_177 = arith.constant 1.000000e+00 : f32
        %div3A_178 = vector.broadcast %div3A_177 : f32 to vector<16xf32>
        %div3A_179 = arith.divf %div3A_178, %add3A_176 : vector<16xf32>
        %swap3A_180 = arith.index_cast %scan3A_37 : i32 to index
        %swap3A_181 = arith.constant 112 : index
        %swap3A_182 = tpu.vector_load %arg8[%swap3A_180, %swap3A_181] {strides = array<i32>} : memref<200x128xf32, #tpu.memory_space<vmem>>, vector<1x16xf32>,
        %swap3A_183 = vector.shape_cast %swap3A_182 : vector<1x16xf32> to vector<16xf32>
        %swap3A_184 = vector.shape_cast %div3A_179 : vector<16xf32> to vector<1x16xf32>
        tpu.vector_store %arg8[%swap3A_180, %swap3A_181], %swap3A_184 {strides = array<i32>} : memref<200x128xf32, #tpu.memory_space<vmem>>, vector<1x16xf32>,
      }
      %scan3A_30 = arith.constant 200 : i32
      %dma_start3A_31 = arith.constant 0 : i32
      %dma_start3A_32 = arith.constant 0 : i32
      %dma_start3A_33 = tpu.memref_slice %arg6[%dma_start3A_31, %dma_start3A_32] : memref<10112x128xf32, #tpu.memory_space<vmem_shared>> -> memref<10112x128xf32, #tpu.memory_space<vmem_shared>>
      tpu.enqueue_indirect_dma source(%arg8 : memref<200x128xf32, #tpu.memory_space<vmem>>) target(%dma_start3A_33 : memref<10112x128xf32, #tpu.memory_space<vmem_shared>>) offsets(%arg7 : memref<200xi32, #tpu.memory_space<vmem>>) semaphore(%arg9 : memref<!tpu.dma_semaphore, #tpu.memory_space<semaphore_mem>>) {add = true}
      %dma_wait3A_34 = arith.constant 0 : i32
      %dma_wait3A_35 = arith.constant 0 : i32
      %dma_wait3A_36 = tpu.memref_slice %arg6[%dma_wait3A_34, %dma_wait3A_35] : memref<10112x128xf32, #tpu.memory_space<vmem_shared>> -> memref<10112x128xf32, #tpu.memory_space<vmem_shared>>
      tpu.wait_indirect_dma semaphore(%arg9 : memref<!tpu.dma_semaphore, #tpu.memory_space<semaphore_mem>>) src(%arg8 : memref<200x128xf32, #tpu.memory_space<vmem>>) dst(%dma_wait3A_36 : memref<10112x128xf32, #tpu.memory_space<vmem_shared>>)
    }
    %scan3A_9 = arith.constant 50 : i32
    %barrier3A_10 = arith.constant 0 : index
    tpu.barrier barrier_id(%barrier3A_10)
    "tpu.region"() ({
      %run_scoped3A = tpu.sem_alloc : memref<!tpu.dma_semaphore, #tpu.memory_space<semaphore_mem>>
      %dma_start3A = arith.constant 0 : i32
      %dma_start3A_11 = tpu.memref_slice %arg5[%arg0, %mul3A_2, %dma_start3A] : memref<2x10112x128xf32, #tpu.memory_space<hbm>> -> memref<1x632x128xf32, #tpu.memory_space<hbm>>
      %dma_start3A_12 = tpu.memref_squeeze %dma_start3A_11 : memref<1x632x128xf32, #tpu.memory_space<hbm>> -> memref<632x128xf32, #tpu.memory_space<hbm>>
      %dma_start3A_13 = arith.constant 0 : i32
      %dma_start3A_14 = tpu.memref_slice %arg6[%mul3A_2, %dma_start3A_13] : memref<10112x128xf32, #tpu.memory_space<vmem_shared>> -> memref<632x128xf32, #tpu.memory_space<vmem_shared>>
      tpu.enqueue_dma source(%dma_start3A_14 : memref<632x128xf32, #tpu.memory_space<vmem_shared>>) target(%dma_start3A_12 : memref<632x128xf32, #tpu.memory_space<hbm>>) target_semaphore(%run_scoped3A : memref<!tpu.dma_semaphore, #tpu.memory_space<semaphore_mem>>)
      %dma_wait3A = arith.constant 0 : i32
      %dma_wait3A_15 = tpu.memref_slice %arg5[%arg0, %mul3A_2, %dma_wait3A] : memref<2x10112x128xf32, #tpu.memory_space<hbm>> -> memref<1x632x128xf32, #tpu.memory_space<hbm>>
      %dma_wait3A_16 = tpu.memref_squeeze %dma_wait3A_15 : memref<1x632x128xf32, #tpu.memory_space<hbm>> -> memref<632x128xf32, #tpu.memory_space<hbm>>
      %dma_wait3A_17 = arith.constant 0 : i32
      %dma_wait3A_18 = tpu.memref_slice %arg6[%mul3A_2, %dma_wait3A_17] : memref<10112x128xf32, #tpu.memory_space<vmem_shared>> -> memref<632x128xf32, #tpu.memory_space<vmem_shared>>
      tpu.wait_dma2 semaphore(%run_scoped3A : memref<!tpu.dma_semaphore, #tpu.memory_space<semaphore_mem>>) src(%dma_wait3A_18 : memref<632x128xf32, #tpu.memory_space<vmem_shared>>) dst(%dma_wait3A_16 : memref<632x128xf32, #tpu.memory_space<hbm>>)
      tpu.yield
    }) : () -> ()
    return
  }
}

#map = affine_map<(d0, d1) -> (0, 0)>
#map1 = affine_map<(d0, d1) -> (0)>
#map2 = affine_map<(d0, d1) -> (0, 0, 0)>
module attributes {stable_mosaic.version = 14 : i64} {
  func.func @body(%arg0: i32, %arg1: i32, %arg2: memref<10000x128xf32, #tpu.memory_space<hbm>>, %arg3: memref<10000x128xf32, #tpu.memory_space<hbm>>, %arg4: memref<10000x128xf32, #tpu.memory_space<hbm>>, %arg5: memref<320000x128xf32, #tpu.memory_space<hbm>>, %arg6: memref<320000xi32, #tpu.memory_space<hbm>>, %arg7: memref<320000xi32, #tpu.memory_space<hbm>>, %arg8: memref<10112x128xf32, #tpu.memory_space<hbm>>, %arg9: memref<2x10112x128xf32, #tpu.memory_space<hbm>>, %arg10: memref<320000x128xf32, #tpu.memory_space<hbm>>, %arg11: memref<10112x128xf32, #tpu.memory_space<vmem_shared>>, %arg12: memref<80xi32, #tpu.memory_space<vmem>>, %arg13: memref<80xi32, #tpu.memory_space<vmem>>, %arg14: memref<80x128xf32, #tpu.memory_space<vmem>>, %arg15: memref<80x128xf32, #tpu.memory_space<vmem>>, %arg16: memref<80x128xf32, #tpu.memory_space<vmem>>, %arg17: memref<80x128xf32, #tpu.memory_space<vmem>>, %arg18: memref<!tpu.dma_semaphore, #tpu.memory_space<semaphore_mem>>, %arg19: memref<!tpu.dma_semaphore, #tpu.memory_space<semaphore_mem>>) attributes {dimension_semantics = [#tpu.dimension_semantics<core_parallel>, #tpu.dimension_semantics<subcore_parallel>], iteration_bounds = array<i64: 2, 16>, scalar_prefetch = 0 : i64, scratch_operands = 9 : i64, tpu.core_type = #tpu.core_type<sc_vector_subcore>, window_params = [{transform_indices = #map}, {transform_indices = #map}, {transform_indices = #map}, {transform_indices = #map}, {transform_indices = #map1}, {transform_indices = #map1}, {transform_indices = #map}, {transform_indices = #map2}, {transform_indices = #map}]} {
    %mul3A = arith.constant 16 : i32
    %mul3A_0 = arith.muli %arg0, %mul3A : i32
    %add3A = arith.addi %mul3A_0, %arg1 : i32
    %mul3A_1 = arith.constant 632 : i32
    %mul3A_2 = arith.muli %arg1, %mul3A_1 : i32
    "tpu.region"() ({
      %run_scoped3A = tpu.sem_alloc : memref<!tpu.dma_semaphore, #tpu.memory_space<semaphore_mem>>
      %dma_start3A = arith.constant 0 : i32
      %dma_start3A_11 = tpu.memref_slice %arg11[%mul3A_2, %dma_start3A] : memref<10112x128xf32, #tpu.memory_space<vmem_shared>> -> memref<632x128xf32, #tpu.memory_space<vmem_shared>>
      %dma_start3A_12 = arith.constant 0 : i32
      %dma_start3A_13 = tpu.memref_slice %arg8[%mul3A_2, %dma_start3A_12] : memref<10112x128xf32, #tpu.memory_space<hbm>> -> memref<632x128xf32, #tpu.memory_space<hbm>>
      tpu.enqueue_dma source(%dma_start3A_13 : memref<632x128xf32, #tpu.memory_space<hbm>>) target(%dma_start3A_11 : memref<632x128xf32, #tpu.memory_space<vmem_shared>>) target_semaphore(%run_scoped3A : memref<!tpu.dma_semaphore, #tpu.memory_space<semaphore_mem>>)
      %dma_wait3A = arith.constant 0 : i32
      %dma_wait3A_14 = tpu.memref_slice %arg11[%mul3A_2, %dma_wait3A] : memref<10112x128xf32, #tpu.memory_space<vmem_shared>> -> memref<632x128xf32, #tpu.memory_space<vmem_shared>>
      %dma_wait3A_15 = arith.constant 0 : i32
      %dma_wait3A_16 = tpu.memref_slice %arg8[%mul3A_2, %dma_wait3A_15] : memref<10112x128xf32, #tpu.memory_space<hbm>> -> memref<632x128xf32, #tpu.memory_space<hbm>>
      tpu.wait_dma2 semaphore(%run_scoped3A : memref<!tpu.dma_semaphore, #tpu.memory_space<semaphore_mem>>) src(%dma_wait3A_16 : memref<632x128xf32, #tpu.memory_space<hbm>>) dst(%dma_wait3A_14 : memref<632x128xf32, #tpu.memory_space<vmem_shared>>)
      tpu.yield
    }) : () -> ()
    %barrier3A = arith.constant 0 : index
    tpu.barrier barrier_id(%barrier3A)
    %mul3A_3 = arith.constant 10000 : i32
    %mul3A_4 = arith.muli %add3A, %mul3A_3 : i32
    %scan3A = arith.constant 0 : i32
    %scan3A_5 = arith.constant 0 : i32
    %scan3A_6 = arith.constant 125 : i32
    %scan3A_7 = arith.addi %scan3A_5, %scan3A_6 : i32
    %scan3A_8 = arith.constant 1 : i32
    scf.for %scan3A_11 = %scan3A_5 to %scan3A_7 step %scan3A_8  : i32 {
      %mul3A_12 = arith.constant 80 : i32
      %mul3A_13 = arith.muli %scan3A_11, %mul3A_12 : i32
      %add3A_14 = arith.addi %mul3A_4, %mul3A_13 : i32
      %dma_start3A = tpu.memref_slice %arg6[%add3A_14] : memref<320000xi32, #tpu.memory_space<hbm>> -> memref<80xi32, #tpu.memory_space<hbm>>
      %dma_start3A_15 = tpu.memref_slice %arg6[%add3A_14] : memref<320000xi32, #tpu.memory_space<hbm>> -> memref<80xi32, #tpu.memory_space<hbm>>
      tpu.enqueue_dma source(%dma_start3A_15 : memref<80xi32, #tpu.memory_space<hbm>>) target(%arg12 : memref<80xi32, #tpu.memory_space<vmem>>) target_semaphore(%arg18 : memref<!tpu.dma_semaphore, #tpu.memory_space<semaphore_mem>>)
      %dma_start3A_16 = tpu.memref_slice %arg7[%add3A_14] : memref<320000xi32, #tpu.memory_space<hbm>> -> memref<80xi32, #tpu.memory_space<hbm>>
      %dma_start3A_17 = tpu.memref_slice %arg7[%add3A_14] : memref<320000xi32, #tpu.memory_space<hbm>> -> memref<80xi32, #tpu.memory_space<hbm>>
      tpu.enqueue_dma source(%dma_start3A_17 : memref<80xi32, #tpu.memory_space<hbm>>) target(%arg13 : memref<80xi32, #tpu.memory_space<vmem>>) target_semaphore(%arg18 : memref<!tpu.dma_semaphore, #tpu.memory_space<semaphore_mem>>)
      %dma_start3A_18 = arith.constant 0 : i32
      %dma_start3A_19 = tpu.memref_slice %arg5[%add3A_14, %dma_start3A_18] : memref<320000x128xf32, #tpu.memory_space<hbm>> -> memref<80x128xf32, #tpu.memory_space<hbm>>
      %dma_start3A_20 = arith.constant 0 : i32
      %dma_start3A_21 = tpu.memref_slice %arg5[%add3A_14, %dma_start3A_20] : memref<320000x128xf32, #tpu.memory_space<hbm>> -> memref<80x128xf32, #tpu.memory_space<hbm>>
      tpu.enqueue_dma source(%dma_start3A_21 : memref<80x128xf32, #tpu.memory_space<hbm>>) target(%arg17 : memref<80x128xf32, #tpu.memory_space<vmem>>) target_semaphore(%arg19 : memref<!tpu.dma_semaphore, #tpu.memory_space<semaphore_mem>>)
      %dma_wait3A = tpu.memref_slice %arg6[%add3A_14] : memref<320000xi32, #tpu.memory_space<hbm>> -> memref<80xi32, #tpu.memory_space<hbm>>
      %dma_wait3A_22 = tpu.memref_slice %arg6[%add3A_14] : memref<320000xi32, #tpu.memory_space<hbm>> -> memref<80xi32, #tpu.memory_space<hbm>>
      tpu.wait_dma2 semaphore(%arg18 : memref<!tpu.dma_semaphore, #tpu.memory_space<semaphore_mem>>) src(%dma_wait3A_22 : memref<80xi32, #tpu.memory_space<hbm>>) dst(%arg12 : memref<80xi32, #tpu.memory_space<vmem>>)
      %dma_wait3A_23 = tpu.memref_slice %arg7[%add3A_14] : memref<320000xi32, #tpu.memory_space<hbm>> -> memref<80xi32, #tpu.memory_space<hbm>>
      %dma_wait3A_24 = tpu.memref_slice %arg7[%add3A_14] : memref<320000xi32, #tpu.memory_space<hbm>> -> memref<80xi32, #tpu.memory_space<hbm>>
      tpu.wait_dma2 semaphore(%arg18 : memref<!tpu.dma_semaphore, #tpu.memory_space<semaphore_mem>>) src(%dma_wait3A_24 : memref<80xi32, #tpu.memory_space<hbm>>) dst(%arg13 : memref<80xi32, #tpu.memory_space<vmem>>)
      %dma_start3A_25 = arith.constant 0 : i32
      %dma_start3A_26 = arith.constant 0 : i32
      %dma_start3A_27 = tpu.memref_slice %arg2[%dma_start3A_25, %dma_start3A_26] : memref<10000x128xf32, #tpu.memory_space<hbm>> -> memref<10000x128xf32, #tpu.memory_space<hbm>>
      tpu.enqueue_indirect_dma source(%dma_start3A_27 : memref<10000x128xf32, #tpu.memory_space<hbm>>) target(%arg14 : memref<80x128xf32, #tpu.memory_space<vmem>>) offsets(%arg12 : memref<80xi32, #tpu.memory_space<vmem>>) semaphore(%arg18 : memref<!tpu.dma_semaphore, #tpu.memory_space<semaphore_mem>>)
      %dma_start3A_28 = arith.constant 0 : i32
      %dma_start3A_29 = arith.constant 0 : i32
      %dma_start3A_30 = tpu.memref_slice %arg3[%dma_start3A_28, %dma_start3A_29] : memref<10000x128xf32, #tpu.memory_space<hbm>> -> memref<10000x128xf32, #tpu.memory_space<hbm>>
      tpu.enqueue_indirect_dma source(%dma_start3A_30 : memref<10000x128xf32, #tpu.memory_space<hbm>>) target(%arg15 : memref<80x128xf32, #tpu.memory_space<vmem>>) offsets(%arg12 : memref<80xi32, #tpu.memory_space<vmem>>) semaphore(%arg18 : memref<!tpu.dma_semaphore, #tpu.memory_space<semaphore_mem>>)
      %dma_start3A_31 = arith.constant 0 : i32
      %dma_start3A_32 = arith.constant 0 : i32
      %dma_start3A_33 = tpu.memref_slice %arg4[%dma_start3A_31, %dma_start3A_32] : memref<10000x128xf32, #tpu.memory_space<hbm>> -> memref<10000x128xf32, #tpu.memory_space<hbm>>
      tpu.enqueue_indirect_dma source(%dma_start3A_33 : memref<10000x128xf32, #tpu.memory_space<hbm>>) target(%arg16 : memref<80x128xf32, #tpu.memory_space<vmem>>) offsets(%arg13 : memref<80xi32, #tpu.memory_space<vmem>>) semaphore(%arg18 : memref<!tpu.dma_semaphore, #tpu.memory_space<semaphore_mem>>)
      %dma_wait3A_34 = arith.constant 0 : i32
      %dma_wait3A_35 = tpu.memref_slice %arg5[%add3A_14, %dma_wait3A_34] : memref<320000x128xf32, #tpu.memory_space<hbm>> -> memref<80x128xf32, #tpu.memory_space<hbm>>
      %dma_wait3A_36 = arith.constant 0 : i32
      %dma_wait3A_37 = tpu.memref_slice %arg5[%add3A_14, %dma_wait3A_36] : memref<320000x128xf32, #tpu.memory_space<hbm>> -> memref<80x128xf32, #tpu.memory_space<hbm>>
      tpu.wait_dma2 semaphore(%arg19 : memref<!tpu.dma_semaphore, #tpu.memory_space<semaphore_mem>>) src(%dma_wait3A_37 : memref<80x128xf32, #tpu.memory_space<hbm>>) dst(%arg17 : memref<80x128xf32, #tpu.memory_space<vmem>>)
      %dma_wait3A_38 = arith.constant 0 : i32
      %dma_wait3A_39 = arith.constant 0 : i32
      %dma_wait3A_40 = tpu.memref_slice %arg2[%dma_wait3A_38, %dma_wait3A_39] : memref<10000x128xf32, #tpu.memory_space<hbm>> -> memref<10000x128xf32, #tpu.memory_space<hbm>>
      tpu.wait_indirect_dma semaphore(%arg18 : memref<!tpu.dma_semaphore, #tpu.memory_space<semaphore_mem>>) src(%dma_wait3A_40 : memref<10000x128xf32, #tpu.memory_space<hbm>>) dst(%arg14 : memref<80x128xf32, #tpu.memory_space<vmem>>)
      %dma_wait3A_41 = arith.constant 0 : i32
      %dma_wait3A_42 = arith.constant 0 : i32
      %dma_wait3A_43 = tpu.memref_slice %arg3[%dma_wait3A_41, %dma_wait3A_42] : memref<10000x128xf32, #tpu.memory_space<hbm>> -> memref<10000x128xf32, #tpu.memory_space<hbm>>
      tpu.wait_indirect_dma semaphore(%arg18 : memref<!tpu.dma_semaphore, #tpu.memory_space<semaphore_mem>>) src(%dma_wait3A_43 : memref<10000x128xf32, #tpu.memory_space<hbm>>) dst(%arg15 : memref<80x128xf32, #tpu.memory_space<vmem>>)
      %dma_wait3A_44 = arith.constant 0 : i32
      %dma_wait3A_45 = arith.constant 0 : i32
      %dma_wait3A_46 = tpu.memref_slice %arg4[%dma_wait3A_44, %dma_wait3A_45] : memref<10000x128xf32, #tpu.memory_space<hbm>> -> memref<10000x128xf32, #tpu.memory_space<hbm>>
      tpu.wait_indirect_dma semaphore(%arg18 : memref<!tpu.dma_semaphore, #tpu.memory_space<semaphore_mem>>) src(%dma_wait3A_46 : memref<10000x128xf32, #tpu.memory_space<hbm>>) dst(%arg16 : memref<80x128xf32, #tpu.memory_space<vmem>>)
      %scan3A_47 = arith.constant 0 : i32
      %scan3A_48 = arith.constant 0 : i32
      %scan3A_49 = arith.constant 80 : i32
      %scan3A_50 = arith.addi %scan3A_48, %scan3A_49 : i32
      %scan3A_51 = arith.constant 1 : i32
      scf.for %scan3A_67 = %scan3A_48 to %scan3A_50 step %scan3A_51  : i32 {
        %get3A = arith.index_cast %scan3A_67 : i32 to index
        %get3A_68 = arith.constant 0 : index
        %get3A_69 = tpu.vector_load %arg14[%get3A, %get3A_68] {strides = array<i32>} : memref<80x128xf32, #tpu.memory_space<vmem>>, vector<1x16xf32>,
        %get3A_70 = vector.shape_cast %get3A_69 : vector<1x16xf32> to vector<16xf32>
        %get3A_71 = arith.index_cast %scan3A_67 : i32 to index
        %get3A_72 = arith.constant 0 : index
        %get3A_73 = tpu.vector_load %arg16[%get3A_71, %get3A_72] {strides = array<i32>} : memref<80x128xf32, #tpu.memory_space<vmem>>, vector<1x16xf32>,
        %get3A_74 = vector.shape_cast %get3A_73 : vector<1x16xf32> to vector<16xf32>
        %add3A_75 = arith.addf %get3A_70, %get3A_74 : vector<16xf32>
        %get3A_76 = arith.index_cast %scan3A_67 : i32 to index
        %get3A_77 = arith.constant 0 : index
        %get3A_78 = tpu.vector_load %arg17[%get3A_76, %get3A_77] {strides = array<i32>} : memref<80x128xf32, #tpu.memory_space<vmem>>, vector<1x16xf32>,
        %get3A_79 = vector.shape_cast %get3A_78 : vector<1x16xf32> to vector<16xf32>
        %add3A_80 = arith.addf %add3A_75, %get3A_79 : vector<16xf32>
        %neg3A = arith.constant 0.000000e+00 : f32
        %neg3A_81 = vector.broadcast %neg3A : f32 to vector<16xf32>
        %neg3A_82 = arith.subf %neg3A_81, %add3A_80 : vector<16xf32>
        %exp3A = math.exp %neg3A_82 : vector<16xf32>
        %add3A_83 = arith.constant 1.000000e+00 : f32
        %add3A_84 = vector.broadcast %add3A_83 : f32 to vector<16xf32>
        %add3A_85 = arith.addf %add3A_84, %exp3A : vector<16xf32>
        %div3A = arith.constant 1.000000e+00 : f32
        %div3A_86 = vector.broadcast %div3A : f32 to vector<16xf32>
        %div3A_87 = arith.divf %div3A_86, %add3A_85 : vector<16xf32>
        %get3A_88 = arith.index_cast %scan3A_67 : i32 to index
        %get3A_89 = arith.constant 0 : index
        %get3A_90 = tpu.vector_load %arg15[%get3A_88, %get3A_89] {strides = array<i32>} : memref<80x128xf32, #tpu.memory_space<vmem>>, vector<1x16xf32>,
        %get3A_91 = vector.shape_cast %get3A_90 : vector<1x16xf32> to vector<16xf32>
        %mul3A_92 = arith.mulf %div3A_87, %get3A_91 : vector<16xf32>
        %swap3A = arith.index_cast %scan3A_67 : i32 to index
        %swap3A_93 = arith.constant 0 : index
        %swap3A_94 = tpu.vector_load %arg14[%swap3A, %swap3A_93] {strides = array<i32>} : memref<80x128xf32, #tpu.memory_space<vmem>>, vector<1x16xf32>,
        %swap3A_95 = vector.shape_cast %swap3A_94 : vector<1x16xf32> to vector<16xf32>
        %swap3A_96 = vector.shape_cast %mul3A_92 : vector<16xf32> to vector<1x16xf32>
        tpu.vector_store %arg14[%swap3A, %swap3A_93], %swap3A_96 {strides = array<i32>} : memref<80x128xf32, #tpu.memory_space<vmem>>, vector<1x16xf32>,
        %swap3A_97 = arith.index_cast %scan3A_67 : i32 to index
        %swap3A_98 = arith.constant 0 : index
        %swap3A_99 = tpu.vector_load %arg17[%swap3A_97, %swap3A_98] {strides = array<i32>} : memref<80x128xf32, #tpu.memory_space<vmem>>, vector<1x16xf32>,
        %swap3A_100 = vector.shape_cast %swap3A_99 : vector<1x16xf32> to vector<16xf32>
        %swap3A_101 = vector.shape_cast %add3A_80 : vector<16xf32> to vector<1x16xf32>
        tpu.vector_store %arg17[%swap3A_97, %swap3A_98], %swap3A_101 {strides = array<i32>} : memref<80x128xf32, #tpu.memory_space<vmem>>, vector<1x16xf32>,
        %get3A_102 = arith.index_cast %scan3A_67 : i32 to index
        %get3A_103 = arith.constant 16 : index
        %get3A_104 = tpu.vector_load %arg14[%get3A_102, %get3A_103] {strides = array<i32>} : memref<80x128xf32, #tpu.memory_space<vmem>>, vector<1x16xf32>,
        %get3A_105 = vector.shape_cast %get3A_104 : vector<1x16xf32> to vector<16xf32>
        %get3A_106 = arith.index_cast %scan3A_67 : i32 to index
        %get3A_107 = arith.constant 16 : index
        %get3A_108 = tpu.vector_load %arg16[%get3A_106, %get3A_107] {strides = array<i32>} : memref<80x128xf32, #tpu.memory_space<vmem>>, vector<1x16xf32>,
        %get3A_109 = vector.shape_cast %get3A_108 : vector<1x16xf32> to vector<16xf32>
        %add3A_110 = arith.addf %get3A_105, %get3A_109 : vector<16xf32>
        %get3A_111 = arith.index_cast %scan3A_67 : i32 to index
        %get3A_112 = arith.constant 16 : index
        %get3A_113 = tpu.vector_load %arg17[%get3A_111, %get3A_112] {strides = array<i32>} : memref<80x128xf32, #tpu.memory_space<vmem>>, vector<1x16xf32>,
        %get3A_114 = vector.shape_cast %get3A_113 : vector<1x16xf32> to vector<16xf32>
        %add3A_115 = arith.addf %add3A_110, %get3A_114 : vector<16xf32>
        %neg3A_116 = arith.constant 0.000000e+00 : f32
        %neg3A_117 = vector.broadcast %neg3A_116 : f32 to vector<16xf32>
        %neg3A_118 = arith.subf %neg3A_117, %add3A_115 : vector<16xf32>
        %exp3A_119 = math.exp %neg3A_118 : vector<16xf32>
        %add3A_120 = arith.constant 1.000000e+00 : f32
        %add3A_121 = vector.broadcast %add3A_120 : f32 to vector<16xf32>
        %add3A_122 = arith.addf %add3A_121, %exp3A_119 : vector<16xf32>
        %div3A_123 = arith.constant 1.000000e+00 : f32
        %div3A_124 = vector.broadcast %div3A_123 : f32 to vector<16xf32>
        %div3A_125 = arith.divf %div3A_124, %add3A_122 : vector<16xf32>
        %get3A_126 = arith.index_cast %scan3A_67 : i32 to index
        %get3A_127 = arith.constant 16 : index
        %get3A_128 = tpu.vector_load %arg15[%get3A_126, %get3A_127] {strides = array<i32>} : memref<80x128xf32, #tpu.memory_space<vmem>>, vector<1x16xf32>,
        %get3A_129 = vector.shape_cast %get3A_128 : vector<1x16xf32> to vector<16xf32>
        %mul3A_130 = arith.mulf %div3A_125, %get3A_129 : vector<16xf32>
        %swap3A_131 = arith.index_cast %scan3A_67 : i32 to index
        %swap3A_132 = arith.constant 16 : index
        %swap3A_133 = tpu.vector_load %arg14[%swap3A_131, %swap3A_132] {strides = array<i32>} : memref<80x128xf32, #tpu.memory_space<vmem>>, vector<1x16xf32>,
        %swap3A_134 = vector.shape_cast %swap3A_133 : vector<1x16xf32> to vector<16xf32>
        %swap3A_135 = vector.shape_cast %mul3A_130 : vector<16xf32> to vector<1x16xf32>
        tpu.vector_store %arg14[%swap3A_131, %swap3A_132], %swap3A_135 {strides = array<i32>} : memref<80x128xf32, #tpu.memory_space<vmem>>, vector<1x16xf32>,
        %swap3A_136 = arith.index_cast %scan3A_67 : i32 to index
        %swap3A_137 = arith.constant 16 : index
        %swap3A_138 = tpu.vector_load %arg17[%swap3A_136, %swap3A_137] {strides = array<i32>} : memref<80x128xf32, #tpu.memory_space<vmem>>, vector<1x16xf32>,
        %swap3A_139 = vector.shape_cast %swap3A_138 : vector<1x16xf32> to vector<16xf32>
        %swap3A_140 = vector.shape_cast %add3A_115 : vector<16xf32> to vector<1x16xf32>
        tpu.vector_store %arg17[%swap3A_136, %swap3A_137], %swap3A_140 {strides = array<i32>} : memref<80x128xf32, #tpu.memory_space<vmem>>, vector<1x16xf32>,
        %get3A_141 = arith.index_cast %scan3A_67 : i32 to index
        %get3A_142 = arith.constant 32 : index
        %get3A_143 = tpu.vector_load %arg14[%get3A_141, %get3A_142] {strides = array<i32>} : memref<80x128xf32, #tpu.memory_space<vmem>>, vector<1x16xf32>,
        %get3A_144 = vector.shape_cast %get3A_143 : vector<1x16xf32> to vector<16xf32>
        %get3A_145 = arith.index_cast %scan3A_67 : i32 to index
        %get3A_146 = arith.constant 32 : index
        %get3A_147 = tpu.vector_load %arg16[%get3A_145, %get3A_146] {strides = array<i32>} : memref<80x128xf32, #tpu.memory_space<vmem>>, vector<1x16xf32>,
        %get3A_148 = vector.shape_cast %get3A_147 : vector<1x16xf32> to vector<16xf32>
        %add3A_149 = arith.addf %get3A_144, %get3A_148 : vector<16xf32>
        %get3A_150 = arith.index_cast %scan3A_67 : i32 to index
        %get3A_151 = arith.constant 32 : index
        %get3A_152 = tpu.vector_load %arg17[%get3A_150, %get3A_151] {strides = array<i32>} : memref<80x128xf32, #tpu.memory_space<vmem>>, vector<1x16xf32>,
        %get3A_153 = vector.shape_cast %get3A_152 : vector<1x16xf32> to vector<16xf32>
        %add3A_154 = arith.addf %add3A_149, %get3A_153 : vector<16xf32>
        %neg3A_155 = arith.constant 0.000000e+00 : f32
        %neg3A_156 = vector.broadcast %neg3A_155 : f32 to vector<16xf32>
        %neg3A_157 = arith.subf %neg3A_156, %add3A_154 : vector<16xf32>
        %exp3A_158 = math.exp %neg3A_157 : vector<16xf32>
        %add3A_159 = arith.constant 1.000000e+00 : f32
        %add3A_160 = vector.broadcast %add3A_159 : f32 to vector<16xf32>
        %add3A_161 = arith.addf %add3A_160, %exp3A_158 : vector<16xf32>
        %div3A_162 = arith.constant 1.000000e+00 : f32
        %div3A_163 = vector.broadcast %div3A_162 : f32 to vector<16xf32>
        %div3A_164 = arith.divf %div3A_163, %add3A_161 : vector<16xf32>
        %get3A_165 = arith.index_cast %scan3A_67 : i32 to index
        %get3A_166 = arith.constant 32 : index
        %get3A_167 = tpu.vector_load %arg15[%get3A_165, %get3A_166] {strides = array<i32>} : memref<80x128xf32, #tpu.memory_space<vmem>>, vector<1x16xf32>,
        %get3A_168 = vector.shape_cast %get3A_167 : vector<1x16xf32> to vector<16xf32>
        %mul3A_169 = arith.mulf %div3A_164, %get3A_168 : vector<16xf32>
        %swap3A_170 = arith.index_cast %scan3A_67 : i32 to index
        %swap3A_171 = arith.constant 32 : index
        %swap3A_172 = tpu.vector_load %arg14[%swap3A_170, %swap3A_171] {strides = array<i32>} : memref<80x128xf32, #tpu.memory_space<vmem>>, vector<1x16xf32>,
        %swap3A_173 = vector.shape_cast %swap3A_172 : vector<1x16xf32> to vector<16xf32>
        %swap3A_174 = vector.shape_cast %mul3A_169 : vector<16xf32> to vector<1x16xf32>
        tpu.vector_store %arg14[%swap3A_170, %swap3A_171], %swap3A_174 {strides = array<i32>} : memref<80x128xf32, #tpu.memory_space<vmem>>, vector<1x16xf32>,
        %swap3A_175 = arith.index_cast %scan3A_67 : i32 to index
        %swap3A_176 = arith.constant 32 : index
        %swap3A_177 = tpu.vector_load %arg17[%swap3A_175, %swap3A_176] {strides = array<i32>} : memref<80x128xf32, #tpu.memory_space<vmem>>, vector<1x16xf32>,
        %swap3A_178 = vector.shape_cast %swap3A_177 : vector<1x16xf32> to vector<16xf32>
        %swap3A_179 = vector.shape_cast %add3A_154 : vector<16xf32> to vector<1x16xf32>
        tpu.vector_store %arg17[%swap3A_175, %swap3A_176], %swap3A_179 {strides = array<i32>} : memref<80x128xf32, #tpu.memory_space<vmem>>, vector<1x16xf32>,
        %get3A_180 = arith.index_cast %scan3A_67 : i32 to index
        %get3A_181 = arith.constant 48 : index
        %get3A_182 = tpu.vector_load %arg14[%get3A_180, %get3A_181] {strides = array<i32>} : memref<80x128xf32, #tpu.memory_space<vmem>>, vector<1x16xf32>,
        %get3A_183 = vector.shape_cast %get3A_182 : vector<1x16xf32> to vector<16xf32>
        %get3A_184 = arith.index_cast %scan3A_67 : i32 to index
        %get3A_185 = arith.constant 48 : index
        %get3A_186 = tpu.vector_load %arg16[%get3A_184, %get3A_185] {strides = array<i32>} : memref<80x128xf32, #tpu.memory_space<vmem>>, vector<1x16xf32>,
        %get3A_187 = vector.shape_cast %get3A_186 : vector<1x16xf32> to vector<16xf32>
        %add3A_188 = arith.addf %get3A_183, %get3A_187 : vector<16xf32>
        %get3A_189 = arith.index_cast %scan3A_67 : i32 to index
        %get3A_190 = arith.constant 48 : index
        %get3A_191 = tpu.vector_load %arg17[%get3A_189, %get3A_190] {strides = array<i32>} : memref<80x128xf32, #tpu.memory_space<vmem>>, vector<1x16xf32>,
        %get3A_192 = vector.shape_cast %get3A_191 : vector<1x16xf32> to vector<16xf32>
        %add3A_193 = arith.addf %add3A_188, %get3A_192 : vector<16xf32>
        %neg3A_194 = arith.constant 0.000000e+00 : f32
        %neg3A_195 = vector.broadcast %neg3A_194 : f32 to vector<16xf32>
        %neg3A_196 = arith.subf %neg3A_195, %add3A_193 : vector<16xf32>
        %exp3A_197 = math.exp %neg3A_196 : vector<16xf32>
        %add3A_198 = arith.constant 1.000000e+00 : f32
        %add3A_199 = vector.broadcast %add3A_198 : f32 to vector<16xf32>
        %add3A_200 = arith.addf %add3A_199, %exp3A_197 : vector<16xf32>
        %div3A_201 = arith.constant 1.000000e+00 : f32
        %div3A_202 = vector.broadcast %div3A_201 : f32 to vector<16xf32>
        %div3A_203 = arith.divf %div3A_202, %add3A_200 : vector<16xf32>
        %get3A_204 = arith.index_cast %scan3A_67 : i32 to index
        %get3A_205 = arith.constant 48 : index
        %get3A_206 = tpu.vector_load %arg15[%get3A_204, %get3A_205] {strides = array<i32>} : memref<80x128xf32, #tpu.memory_space<vmem>>, vector<1x16xf32>,
        %get3A_207 = vector.shape_cast %get3A_206 : vector<1x16xf32> to vector<16xf32>
        %mul3A_208 = arith.mulf %div3A_203, %get3A_207 : vector<16xf32>
        %swap3A_209 = arith.index_cast %scan3A_67 : i32 to index
        %swap3A_210 = arith.constant 48 : index
        %swap3A_211 = tpu.vector_load %arg14[%swap3A_209, %swap3A_210] {strides = array<i32>} : memref<80x128xf32, #tpu.memory_space<vmem>>, vector<1x16xf32>,
        %swap3A_212 = vector.shape_cast %swap3A_211 : vector<1x16xf32> to vector<16xf32>
        %swap3A_213 = vector.shape_cast %mul3A_208 : vector<16xf32> to vector<1x16xf32>
        tpu.vector_store %arg14[%swap3A_209, %swap3A_210], %swap3A_213 {strides = array<i32>} : memref<80x128xf32, #tpu.memory_space<vmem>>, vector<1x16xf32>,
        %swap3A_214 = arith.index_cast %scan3A_67 : i32 to index
        %swap3A_215 = arith.constant 48 : index
        %swap3A_216 = tpu.vector_load %arg17[%swap3A_214, %swap3A_215] {strides = array<i32>} : memref<80x128xf32, #tpu.memory_space<vmem>>, vector<1x16xf32>,
        %swap3A_217 = vector.shape_cast %swap3A_216 : vector<1x16xf32> to vector<16xf32>
        %swap3A_218 = vector.shape_cast %add3A_193 : vector<16xf32> to vector<1x16xf32>
        tpu.vector_store %arg17[%swap3A_214, %swap3A_215], %swap3A_218 {strides = array<i32>} : memref<80x128xf32, #tpu.memory_space<vmem>>, vector<1x16xf32>,
        %get3A_219 = arith.index_cast %scan3A_67 : i32 to index
        %get3A_220 = arith.constant 64 : index
        %get3A_221 = tpu.vector_load %arg14[%get3A_219, %get3A_220] {strides = array<i32>} : memref<80x128xf32, #tpu.memory_space<vmem>>, vector<1x16xf32>,
        %get3A_222 = vector.shape_cast %get3A_221 : vector<1x16xf32> to vector<16xf32>
        %get3A_223 = arith.index_cast %scan3A_67 : i32 to index
        %get3A_224 = arith.constant 64 : index
        %get3A_225 = tpu.vector_load %arg16[%get3A_223, %get3A_224] {strides = array<i32>} : memref<80x128xf32, #tpu.memory_space<vmem>>, vector<1x16xf32>,
        %get3A_226 = vector.shape_cast %get3A_225 : vector<1x16xf32> to vector<16xf32>
        %add3A_227 = arith.addf %get3A_222, %get3A_226 : vector<16xf32>
        %get3A_228 = arith.index_cast %scan3A_67 : i32 to index
        %get3A_229 = arith.constant 64 : index
        %get3A_230 = tpu.vector_load %arg17[%get3A_228, %get3A_229] {strides = array<i32>} : memref<80x128xf32, #tpu.memory_space<vmem>>, vector<1x16xf32>,
        %get3A_231 = vector.shape_cast %get3A_230 : vector<1x16xf32> to vector<16xf32>
        %add3A_232 = arith.addf %add3A_227, %get3A_231 : vector<16xf32>
        %neg3A_233 = arith.constant 0.000000e+00 : f32
        %neg3A_234 = vector.broadcast %neg3A_233 : f32 to vector<16xf32>
        %neg3A_235 = arith.subf %neg3A_234, %add3A_232 : vector<16xf32>
        %exp3A_236 = math.exp %neg3A_235 : vector<16xf32>
        %add3A_237 = arith.constant 1.000000e+00 : f32
        %add3A_238 = vector.broadcast %add3A_237 : f32 to vector<16xf32>
        %add3A_239 = arith.addf %add3A_238, %exp3A_236 : vector<16xf32>
        %div3A_240 = arith.constant 1.000000e+00 : f32
        %div3A_241 = vector.broadcast %div3A_240 : f32 to vector<16xf32>
        %div3A_242 = arith.divf %div3A_241, %add3A_239 : vector<16xf32>
        %get3A_243 = arith.index_cast %scan3A_67 : i32 to index
        %get3A_244 = arith.constant 64 : index
        %get3A_245 = tpu.vector_load %arg15[%get3A_243, %get3A_244] {strides = array<i32>} : memref<80x128xf32, #tpu.memory_space<vmem>>, vector<1x16xf32>,
        %get3A_246 = vector.shape_cast %get3A_245 : vector<1x16xf32> to vector<16xf32>
        %mul3A_247 = arith.mulf %div3A_242, %get3A_246 : vector<16xf32>
        %swap3A_248 = arith.index_cast %scan3A_67 : i32 to index
        %swap3A_249 = arith.constant 64 : index
        %swap3A_250 = tpu.vector_load %arg14[%swap3A_248, %swap3A_249] {strides = array<i32>} : memref<80x128xf32, #tpu.memory_space<vmem>>, vector<1x16xf32>,
        %swap3A_251 = vector.shape_cast %swap3A_250 : vector<1x16xf32> to vector<16xf32>
        %swap3A_252 = vector.shape_cast %mul3A_247 : vector<16xf32> to vector<1x16xf32>
        tpu.vector_store %arg14[%swap3A_248, %swap3A_249], %swap3A_252 {strides = array<i32>} : memref<80x128xf32, #tpu.memory_space<vmem>>, vector<1x16xf32>,
        %swap3A_253 = arith.index_cast %scan3A_67 : i32 to index
        %swap3A_254 = arith.constant 64 : index
        %swap3A_255 = tpu.vector_load %arg17[%swap3A_253, %swap3A_254] {strides = array<i32>} : memref<80x128xf32, #tpu.memory_space<vmem>>, vector<1x16xf32>,
        %swap3A_256 = vector.shape_cast %swap3A_255 : vector<1x16xf32> to vector<16xf32>
        %swap3A_257 = vector.shape_cast %add3A_232 : vector<16xf32> to vector<1x16xf32>
        tpu.vector_store %arg17[%swap3A_253, %swap3A_254], %swap3A_257 {strides = array<i32>} : memref<80x128xf32, #tpu.memory_space<vmem>>, vector<1x16xf32>,
        %get3A_258 = arith.index_cast %scan3A_67 : i32 to index
        %get3A_259 = arith.constant 80 : index
        %get3A_260 = tpu.vector_load %arg14[%get3A_258, %get3A_259] {strides = array<i32>} : memref<80x128xf32, #tpu.memory_space<vmem>>, vector<1x16xf32>,
        %get3A_261 = vector.shape_cast %get3A_260 : vector<1x16xf32> to vector<16xf32>
        %get3A_262 = arith.index_cast %scan3A_67 : i32 to index
        %get3A_263 = arith.constant 80 : index
        %get3A_264 = tpu.vector_load %arg16[%get3A_262, %get3A_263] {strides = array<i32>} : memref<80x128xf32, #tpu.memory_space<vmem>>, vector<1x16xf32>,
        %get3A_265 = vector.shape_cast %get3A_264 : vector<1x16xf32> to vector<16xf32>
        %add3A_266 = arith.addf %get3A_261, %get3A_265 : vector<16xf32>
        %get3A_267 = arith.index_cast %scan3A_67 : i32 to index
        %get3A_268 = arith.constant 80 : index
        %get3A_269 = tpu.vector_load %arg17[%get3A_267, %get3A_268] {strides = array<i32>} : memref<80x128xf32, #tpu.memory_space<vmem>>, vector<1x16xf32>,
        %get3A_270 = vector.shape_cast %get3A_269 : vector<1x16xf32> to vector<16xf32>
        %add3A_271 = arith.addf %add3A_266, %get3A_270 : vector<16xf32>
        %neg3A_272 = arith.constant 0.000000e+00 : f32
        %neg3A_273 = vector.broadcast %neg3A_272 : f32 to vector<16xf32>
        %neg3A_274 = arith.subf %neg3A_273, %add3A_271 : vector<16xf32>
        %exp3A_275 = math.exp %neg3A_274 : vector<16xf32>
        %add3A_276 = arith.constant 1.000000e+00 : f32
        %add3A_277 = vector.broadcast %add3A_276 : f32 to vector<16xf32>
        %add3A_278 = arith.addf %add3A_277, %exp3A_275 : vector<16xf32>
        %div3A_279 = arith.constant 1.000000e+00 : f32
        %div3A_280 = vector.broadcast %div3A_279 : f32 to vector<16xf32>
        %div3A_281 = arith.divf %div3A_280, %add3A_278 : vector<16xf32>
        %get3A_282 = arith.index_cast %scan3A_67 : i32 to index
        %get3A_283 = arith.constant 80 : index
        %get3A_284 = tpu.vector_load %arg15[%get3A_282, %get3A_283] {strides = array<i32>} : memref<80x128xf32, #tpu.memory_space<vmem>>, vector<1x16xf32>,
        %get3A_285 = vector.shape_cast %get3A_284 : vector<1x16xf32> to vector<16xf32>
        %mul3A_286 = arith.mulf %div3A_281, %get3A_285 : vector<16xf32>
        %swap3A_287 = arith.index_cast %scan3A_67 : i32 to index
        %swap3A_288 = arith.constant 80 : index
        %swap3A_289 = tpu.vector_load %arg14[%swap3A_287, %swap3A_288] {strides = array<i32>} : memref<80x128xf32, #tpu.memory_space<vmem>>, vector<1x16xf32>,
        %swap3A_290 = vector.shape_cast %swap3A_289 : vector<1x16xf32> to vector<16xf32>
        %swap3A_291 = vector.shape_cast %mul3A_286 : vector<16xf32> to vector<1x16xf32>
        tpu.vector_store %arg14[%swap3A_287, %swap3A_288], %swap3A_291 {strides = array<i32>} : memref<80x128xf32, #tpu.memory_space<vmem>>, vector<1x16xf32>,
        %swap3A_292 = arith.index_cast %scan3A_67 : i32 to index
        %swap3A_293 = arith.constant 80 : index
        %swap3A_294 = tpu.vector_load %arg17[%swap3A_292, %swap3A_293] {strides = array<i32>} : memref<80x128xf32, #tpu.memory_space<vmem>>, vector<1x16xf32>,
        %swap3A_295 = vector.shape_cast %swap3A_294 : vector<1x16xf32> to vector<16xf32>
        %swap3A_296 = vector.shape_cast %add3A_271 : vector<16xf32> to vector<1x16xf32>
        tpu.vector_store %arg17[%swap3A_292, %swap3A_293], %swap3A_296 {strides = array<i32>} : memref<80x128xf32, #tpu.memory_space<vmem>>, vector<1x16xf32>,
        %get3A_297 = arith.index_cast %scan3A_67 : i32 to index
        %get3A_298 = arith.constant 96 : index
        %get3A_299 = tpu.vector_load %arg14[%get3A_297, %get3A_298] {strides = array<i32>} : memref<80x128xf32, #tpu.memory_space<vmem>>, vector<1x16xf32>,
        %get3A_300 = vector.shape_cast %get3A_299 : vector<1x16xf32> to vector<16xf32>
        %get3A_301 = arith.index_cast %scan3A_67 : i32 to index
        %get3A_302 = arith.constant 96 : index
        %get3A_303 = tpu.vector_load %arg16[%get3A_301, %get3A_302] {strides = array<i32>} : memref<80x128xf32, #tpu.memory_space<vmem>>, vector<1x16xf32>,
        %get3A_304 = vector.shape_cast %get3A_303 : vector<1x16xf32> to vector<16xf32>
        %add3A_305 = arith.addf %get3A_300, %get3A_304 : vector<16xf32>
        %get3A_306 = arith.index_cast %scan3A_67 : i32 to index
        %get3A_307 = arith.constant 96 : index
        %get3A_308 = tpu.vector_load %arg17[%get3A_306, %get3A_307] {strides = array<i32>} : memref<80x128xf32, #tpu.memory_space<vmem>>, vector<1x16xf32>,
        %get3A_309 = vector.shape_cast %get3A_308 : vector<1x16xf32> to vector<16xf32>
        %add3A_310 = arith.addf %add3A_305, %get3A_309 : vector<16xf32>
        %neg3A_311 = arith.constant 0.000000e+00 : f32
        %neg3A_312 = vector.broadcast %neg3A_311 : f32 to vector<16xf32>
        %neg3A_313 = arith.subf %neg3A_312, %add3A_310 : vector<16xf32>
        %exp3A_314 = math.exp %neg3A_313 : vector<16xf32>
        %add3A_315 = arith.constant 1.000000e+00 : f32
        %add3A_316 = vector.broadcast %add3A_315 : f32 to vector<16xf32>
        %add3A_317 = arith.addf %add3A_316, %exp3A_314 : vector<16xf32>
        %div3A_318 = arith.constant 1.000000e+00 : f32
        %div3A_319 = vector.broadcast %div3A_318 : f32 to vector<16xf32>
        %div3A_320 = arith.divf %div3A_319, %add3A_317 : vector<16xf32>
        %get3A_321 = arith.index_cast %scan3A_67 : i32 to index
        %get3A_322 = arith.constant 96 : index
        %get3A_323 = tpu.vector_load %arg15[%get3A_321, %get3A_322] {strides = array<i32>} : memref<80x128xf32, #tpu.memory_space<vmem>>, vector<1x16xf32>,
        %get3A_324 = vector.shape_cast %get3A_323 : vector<1x16xf32> to vector<16xf32>
        %mul3A_325 = arith.mulf %div3A_320, %get3A_324 : vector<16xf32>
        %swap3A_326 = arith.index_cast %scan3A_67 : i32 to index
        %swap3A_327 = arith.constant 96 : index
        %swap3A_328 = tpu.vector_load %arg14[%swap3A_326, %swap3A_327] {strides = array<i32>} : memref<80x128xf32, #tpu.memory_space<vmem>>, vector<1x16xf32>,
        %swap3A_329 = vector.shape_cast %swap3A_328 : vector<1x16xf32> to vector<16xf32>
        %swap3A_330 = vector.shape_cast %mul3A_325 : vector<16xf32> to vector<1x16xf32>
        tpu.vector_store %arg14[%swap3A_326, %swap3A_327], %swap3A_330 {strides = array<i32>} : memref<80x128xf32, #tpu.memory_space<vmem>>, vector<1x16xf32>,
        %swap3A_331 = arith.index_cast %scan3A_67 : i32 to index
        %swap3A_332 = arith.constant 96 : index
        %swap3A_333 = tpu.vector_load %arg17[%swap3A_331, %swap3A_332] {strides = array<i32>} : memref<80x128xf32, #tpu.memory_space<vmem>>, vector<1x16xf32>,
        %swap3A_334 = vector.shape_cast %swap3A_333 : vector<1x16xf32> to vector<16xf32>
        %swap3A_335 = vector.shape_cast %add3A_310 : vector<16xf32> to vector<1x16xf32>
        tpu.vector_store %arg17[%swap3A_331, %swap3A_332], %swap3A_335 {strides = array<i32>} : memref<80x128xf32, #tpu.memory_space<vmem>>, vector<1x16xf32>,
        %get3A_336 = arith.index_cast %scan3A_67 : i32 to index
        %get3A_337 = arith.constant 112 : index
        %get3A_338 = tpu.vector_load %arg14[%get3A_336, %get3A_337] {strides = array<i32>} : memref<80x128xf32, #tpu.memory_space<vmem>>, vector<1x16xf32>,
        %get3A_339 = vector.shape_cast %get3A_338 : vector<1x16xf32> to vector<16xf32>
        %get3A_340 = arith.index_cast %scan3A_67 : i32 to index
        %get3A_341 = arith.constant 112 : index
        %get3A_342 = tpu.vector_load %arg16[%get3A_340, %get3A_341] {strides = array<i32>} : memref<80x128xf32, #tpu.memory_space<vmem>>, vector<1x16xf32>,
        %get3A_343 = vector.shape_cast %get3A_342 : vector<1x16xf32> to vector<16xf32>
        %add3A_344 = arith.addf %get3A_339, %get3A_343 : vector<16xf32>
        %get3A_345 = arith.index_cast %scan3A_67 : i32 to index
        %get3A_346 = arith.constant 112 : index
        %get3A_347 = tpu.vector_load %arg17[%get3A_345, %get3A_346] {strides = array<i32>} : memref<80x128xf32, #tpu.memory_space<vmem>>, vector<1x16xf32>,
        %get3A_348 = vector.shape_cast %get3A_347 : vector<1x16xf32> to vector<16xf32>
        %add3A_349 = arith.addf %add3A_344, %get3A_348 : vector<16xf32>
        %neg3A_350 = arith.constant 0.000000e+00 : f32
        %neg3A_351 = vector.broadcast %neg3A_350 : f32 to vector<16xf32>
        %neg3A_352 = arith.subf %neg3A_351, %add3A_349 : vector<16xf32>
        %exp3A_353 = math.exp %neg3A_352 : vector<16xf32>
        %add3A_354 = arith.constant 1.000000e+00 : f32
        %add3A_355 = vector.broadcast %add3A_354 : f32 to vector<16xf32>
        %add3A_356 = arith.addf %add3A_355, %exp3A_353 : vector<16xf32>
        %div3A_357 = arith.constant 1.000000e+00 : f32
        %div3A_358 = vector.broadcast %div3A_357 : f32 to vector<16xf32>
        %div3A_359 = arith.divf %div3A_358, %add3A_356 : vector<16xf32>
        %get3A_360 = arith.index_cast %scan3A_67 : i32 to index
        %get3A_361 = arith.constant 112 : index
        %get3A_362 = tpu.vector_load %arg15[%get3A_360, %get3A_361] {strides = array<i32>} : memref<80x128xf32, #tpu.memory_space<vmem>>, vector<1x16xf32>,
        %get3A_363 = vector.shape_cast %get3A_362 : vector<1x16xf32> to vector<16xf32>
        %mul3A_364 = arith.mulf %div3A_359, %get3A_363 : vector<16xf32>
        %swap3A_365 = arith.index_cast %scan3A_67 : i32 to index
        %swap3A_366 = arith.constant 112 : index
        %swap3A_367 = tpu.vector_load %arg14[%swap3A_365, %swap3A_366] {strides = array<i32>} : memref<80x128xf32, #tpu.memory_space<vmem>>, vector<1x16xf32>,
        %swap3A_368 = vector.shape_cast %swap3A_367 : vector<1x16xf32> to vector<16xf32>
        %swap3A_369 = vector.shape_cast %mul3A_364 : vector<16xf32> to vector<1x16xf32>
        tpu.vector_store %arg14[%swap3A_365, %swap3A_366], %swap3A_369 {strides = array<i32>} : memref<80x128xf32, #tpu.memory_space<vmem>>, vector<1x16xf32>,
        %swap3A_370 = arith.index_cast %scan3A_67 : i32 to index
        %swap3A_371 = arith.constant 112 : index
        %swap3A_372 = tpu.vector_load %arg17[%swap3A_370, %swap3A_371] {strides = array<i32>} : memref<80x128xf32, #tpu.memory_space<vmem>>, vector<1x16xf32>,
        %swap3A_373 = vector.shape_cast %swap3A_372 : vector<1x16xf32> to vector<16xf32>
        %swap3A_374 = vector.shape_cast %add3A_349 : vector<16xf32> to vector<1x16xf32>
        tpu.vector_store %arg17[%swap3A_370, %swap3A_371], %swap3A_374 {strides = array<i32>} : memref<80x128xf32, #tpu.memory_space<vmem>>, vector<1x16xf32>,
      }
      %scan3A_52 = arith.constant 80 : i32
      %dma_start3A_53 = arith.constant 0 : i32
      %dma_start3A_54 = arith.constant 0 : i32
      %dma_start3A_55 = tpu.memref_slice %arg11[%dma_start3A_53, %dma_start3A_54] : memref<10112x128xf32, #tpu.memory_space<vmem_shared>> -> memref<10112x128xf32, #tpu.memory_space<vmem_shared>>
      tpu.enqueue_indirect_dma source(%arg14 : memref<80x128xf32, #tpu.memory_space<vmem>>) target(%dma_start3A_55 : memref<10112x128xf32, #tpu.memory_space<vmem_shared>>) offsets(%arg13 : memref<80xi32, #tpu.memory_space<vmem>>) semaphore(%arg18 : memref<!tpu.dma_semaphore, #tpu.memory_space<semaphore_mem>>) {add = true}
      %dma_start3A_56 = arith.constant 0 : i32
      %dma_start3A_57 = tpu.memref_slice %arg10[%add3A_14, %dma_start3A_56] : memref<320000x128xf32, #tpu.memory_space<hbm>> -> memref<80x128xf32, #tpu.memory_space<hbm>>
      %dma_start3A_58 = arith.constant 0 : i32
      %dma_start3A_59 = tpu.memref_slice %arg10[%add3A_14, %dma_start3A_58] : memref<320000x128xf32, #tpu.memory_space<hbm>> -> memref<80x128xf32, #tpu.memory_space<hbm>>
      tpu.enqueue_dma source(%arg17 : memref<80x128xf32, #tpu.memory_space<vmem>>) target(%dma_start3A_59 : memref<80x128xf32, #tpu.memory_space<hbm>>) target_semaphore(%arg19 : memref<!tpu.dma_semaphore, #tpu.memory_space<semaphore_mem>>)
      %dma_wait3A_60 = arith.constant 0 : i32
      %dma_wait3A_61 = arith.constant 0 : i32
      %dma_wait3A_62 = tpu.memref_slice %arg11[%dma_wait3A_60, %dma_wait3A_61] : memref<10112x128xf32, #tpu.memory_space<vmem_shared>> -> memref<10112x128xf32, #tpu.memory_space<vmem_shared>>
      tpu.wait_indirect_dma semaphore(%arg18 : memref<!tpu.dma_semaphore, #tpu.memory_space<semaphore_mem>>) src(%arg14 : memref<80x128xf32, #tpu.memory_space<vmem>>) dst(%dma_wait3A_62 : memref<10112x128xf32, #tpu.memory_space<vmem_shared>>)
      %dma_wait3A_63 = arith.constant 0 : i32
      %dma_wait3A_64 = tpu.memref_slice %arg10[%add3A_14, %dma_wait3A_63] : memref<320000x128xf32, #tpu.memory_space<hbm>> -> memref<80x128xf32, #tpu.memory_space<hbm>>
      %dma_wait3A_65 = arith.constant 0 : i32
      %dma_wait3A_66 = tpu.memref_slice %arg10[%add3A_14, %dma_wait3A_65] : memref<320000x128xf32, #tpu.memory_space<hbm>> -> memref<80x128xf32, #tpu.memory_space<hbm>>
      tpu.wait_dma2 semaphore(%arg19 : memref<!tpu.dma_semaphore, #tpu.memory_space<semaphore_mem>>) src(%arg17 : memref<80x128xf32, #tpu.memory_space<vmem>>) dst(%dma_wait3A_66 : memref<80x128xf32, #tpu.memory_space<hbm>>)
    }
    %scan3A_9 = arith.constant 125 : i32
    %barrier3A_10 = arith.constant 0 : index
    tpu.barrier barrier_id(%barrier3A_10)
    "tpu.region"() ({
      %run_scoped3A = tpu.sem_alloc : memref<!tpu.dma_semaphore, #tpu.memory_space<semaphore_mem>>
      %dma_start3A = arith.constant 0 : i32
      %dma_start3A_11 = tpu.memref_slice %arg9[%arg0, %mul3A_2, %dma_start3A] : memref<2x10112x128xf32, #tpu.memory_space<hbm>> -> memref<1x632x128xf32, #tpu.memory_space<hbm>>
      %dma_start3A_12 = tpu.memref_squeeze %dma_start3A_11 : memref<1x632x128xf32, #tpu.memory_space<hbm>> -> memref<632x128xf32, #tpu.memory_space<hbm>>
      %dma_start3A_13 = arith.constant 0 : i32
      %dma_start3A_14 = tpu.memref_slice %arg11[%mul3A_2, %dma_start3A_13] : memref<10112x128xf32, #tpu.memory_space<vmem_shared>> -> memref<632x128xf32, #tpu.memory_space<vmem_shared>>
      tpu.enqueue_dma source(%dma_start3A_14 : memref<632x128xf32, #tpu.memory_space<vmem_shared>>) target(%dma_start3A_12 : memref<632x128xf32, #tpu.memory_space<hbm>>) target_semaphore(%run_scoped3A : memref<!tpu.dma_semaphore, #tpu.memory_space<semaphore_mem>>)
      %dma_wait3A = arith.constant 0 : i32
      %dma_wait3A_15 = tpu.memref_slice %arg9[%arg0, %mul3A_2, %dma_wait3A] : memref<2x10112x128xf32, #tpu.memory_space<hbm>> -> memref<1x632x128xf32, #tpu.memory_space<hbm>>
      %dma_wait3A_16 = tpu.memref_squeeze %dma_wait3A_15 : memref<1x632x128xf32, #tpu.memory_space<hbm>> -> memref<632x128xf32, #tpu.memory_space<hbm>>
      %dma_wait3A_17 = arith.constant 0 : i32
      %dma_wait3A_18 = tpu.memref_slice %arg11[%mul3A_2, %dma_wait3A_17] : memref<10112x128xf32, #tpu.memory_space<vmem_shared>> -> memref<632x128xf32, #tpu.memory_space<vmem_shared>>
      tpu.wait_dma2 semaphore(%run_scoped3A : memref<!tpu.dma_semaphore, #tpu.memory_space<semaphore_mem>>) src(%dma_wait3A_18 : memref<632x128xf32, #tpu.memory_space<vmem_shared>>) dst(%dma_wait3A_16 : memref<632x128xf32, #tpu.memory_space<hbm>>)
      tpu.yield
    }) : () -> ()
    return
  }
}

#map = affine_map<(d0, d1) -> (0, 0)>
#map1 = affine_map<(d0, d1) -> (0)>
#map2 = affine_map<(d0, d1) -> (0, 0, 0)>
module attributes {stable_mosaic.version = 14 : i64} {
  func.func @body(%arg0: i32, %arg1: i32, %arg2: memref<10000x128xf32, #tpu.memory_space<hbm>>, %arg3: memref<10000x128xf32, #tpu.memory_space<hbm>>, %arg4: memref<10000x128xf32, #tpu.memory_space<hbm>>, %arg5: memref<320000x128xf32, #tpu.memory_space<hbm>>, %arg6: memref<320000xi32, #tpu.memory_space<hbm>>, %arg7: memref<320000xi32, #tpu.memory_space<hbm>>, %arg8: memref<10112x128xf32, #tpu.memory_space<hbm>>, %arg9: memref<2x10112x128xf32, #tpu.memory_space<hbm>>, %arg10: memref<320000x128xf32, #tpu.memory_space<hbm>>, %arg11: memref<10112x128xf32, #tpu.memory_space<vmem_shared>>, %arg12: memref<80xi32, #tpu.memory_space<vmem>>, %arg13: memref<80xi32, #tpu.memory_space<vmem>>, %arg14: memref<80x128xf32, #tpu.memory_space<vmem>>, %arg15: memref<80x128xf32, #tpu.memory_space<vmem>>, %arg16: memref<80x128xf32, #tpu.memory_space<vmem>>, %arg17: memref<80x128xf32, #tpu.memory_space<vmem>>, %arg18: memref<!tpu.dma_semaphore, #tpu.memory_space<semaphore_mem>>, %arg19: memref<!tpu.dma_semaphore, #tpu.memory_space<semaphore_mem>>) attributes {dimension_semantics = [#tpu.dimension_semantics<core_parallel>, #tpu.dimension_semantics<subcore_parallel>], iteration_bounds = array<i64: 2, 16>, scalar_prefetch = 0 : i64, scratch_operands = 9 : i64, tpu.core_type = #tpu.core_type<sc_vector_subcore>, window_params = [{transform_indices = #map}, {transform_indices = #map}, {transform_indices = #map}, {transform_indices = #map}, {transform_indices = #map1}, {transform_indices = #map1}, {transform_indices = #map}, {transform_indices = #map2}, {transform_indices = #map}]} {
    %mul3A = arith.constant 16 : i32
    %mul3A_0 = arith.muli %arg0, %mul3A : i32
    %add3A = arith.addi %mul3A_0, %arg1 : i32
    %mul3A_1 = arith.constant 632 : i32
    %mul3A_2 = arith.muli %arg1, %mul3A_1 : i32
    "tpu.region"() ({
      %run_scoped3A = tpu.sem_alloc : memref<!tpu.dma_semaphore, #tpu.memory_space<semaphore_mem>>
      %dma_start3A = arith.constant 0 : i32
      %dma_start3A_11 = tpu.memref_slice %arg11[%mul3A_2, %dma_start3A] : memref<10112x128xf32, #tpu.memory_space<vmem_shared>> -> memref<632x128xf32, #tpu.memory_space<vmem_shared>>
      %dma_start3A_12 = arith.constant 0 : i32
      %dma_start3A_13 = tpu.memref_slice %arg8[%mul3A_2, %dma_start3A_12] : memref<10112x128xf32, #tpu.memory_space<hbm>> -> memref<632x128xf32, #tpu.memory_space<hbm>>
      tpu.enqueue_dma source(%dma_start3A_13 : memref<632x128xf32, #tpu.memory_space<hbm>>) target(%dma_start3A_11 : memref<632x128xf32, #tpu.memory_space<vmem_shared>>) target_semaphore(%run_scoped3A : memref<!tpu.dma_semaphore, #tpu.memory_space<semaphore_mem>>)
      %dma_wait3A = arith.constant 0 : i32
      %dma_wait3A_14 = tpu.memref_slice %arg11[%mul3A_2, %dma_wait3A] : memref<10112x128xf32, #tpu.memory_space<vmem_shared>> -> memref<632x128xf32, #tpu.memory_space<vmem_shared>>
      %dma_wait3A_15 = arith.constant 0 : i32
      %dma_wait3A_16 = tpu.memref_slice %arg8[%mul3A_2, %dma_wait3A_15] : memref<10112x128xf32, #tpu.memory_space<hbm>> -> memref<632x128xf32, #tpu.memory_space<hbm>>
      tpu.wait_dma2 semaphore(%run_scoped3A : memref<!tpu.dma_semaphore, #tpu.memory_space<semaphore_mem>>) src(%dma_wait3A_16 : memref<632x128xf32, #tpu.memory_space<hbm>>) dst(%dma_wait3A_14 : memref<632x128xf32, #tpu.memory_space<vmem_shared>>)
      tpu.yield
    }) : () -> ()
    %barrier3A = arith.constant 0 : index
    tpu.barrier barrier_id(%barrier3A)
    %mul3A_3 = arith.constant 10000 : i32
    %mul3A_4 = arith.muli %add3A, %mul3A_3 : i32
    %scan3A = arith.constant 0 : i32
    %scan3A_5 = arith.constant 0 : i32
    %scan3A_6 = arith.constant 125 : i32
    %scan3A_7 = arith.addi %scan3A_5, %scan3A_6 : i32
    %scan3A_8 = arith.constant 1 : i32
    scf.for %scan3A_11 = %scan3A_5 to %scan3A_7 step %scan3A_8  : i32 {
      %mul3A_12 = arith.constant 80 : i32
      %mul3A_13 = arith.muli %scan3A_11, %mul3A_12 : i32
      %add3A_14 = arith.addi %mul3A_4, %mul3A_13 : i32
      %dma_start3A = tpu.memref_slice %arg6[%add3A_14] : memref<320000xi32, #tpu.memory_space<hbm>> -> memref<80xi32, #tpu.memory_space<hbm>>
      %dma_start3A_15 = tpu.memref_slice %arg6[%add3A_14] : memref<320000xi32, #tpu.memory_space<hbm>> -> memref<80xi32, #tpu.memory_space<hbm>>
      tpu.enqueue_dma source(%dma_start3A_15 : memref<80xi32, #tpu.memory_space<hbm>>) target(%arg12 : memref<80xi32, #tpu.memory_space<vmem>>) target_semaphore(%arg18 : memref<!tpu.dma_semaphore, #tpu.memory_space<semaphore_mem>>)
      %dma_start3A_16 = tpu.memref_slice %arg7[%add3A_14] : memref<320000xi32, #tpu.memory_space<hbm>> -> memref<80xi32, #tpu.memory_space<hbm>>
      %dma_start3A_17 = tpu.memref_slice %arg7[%add3A_14] : memref<320000xi32, #tpu.memory_space<hbm>> -> memref<80xi32, #tpu.memory_space<hbm>>
      tpu.enqueue_dma source(%dma_start3A_17 : memref<80xi32, #tpu.memory_space<hbm>>) target(%arg13 : memref<80xi32, #tpu.memory_space<vmem>>) target_semaphore(%arg18 : memref<!tpu.dma_semaphore, #tpu.memory_space<semaphore_mem>>)
      %dma_start3A_18 = arith.constant 0 : i32
      %dma_start3A_19 = tpu.memref_slice %arg5[%add3A_14, %dma_start3A_18] : memref<320000x128xf32, #tpu.memory_space<hbm>> -> memref<80x128xf32, #tpu.memory_space<hbm>>
      %dma_start3A_20 = arith.constant 0 : i32
      %dma_start3A_21 = tpu.memref_slice %arg5[%add3A_14, %dma_start3A_20] : memref<320000x128xf32, #tpu.memory_space<hbm>> -> memref<80x128xf32, #tpu.memory_space<hbm>>
      tpu.enqueue_dma source(%dma_start3A_21 : memref<80x128xf32, #tpu.memory_space<hbm>>) target(%arg17 : memref<80x128xf32, #tpu.memory_space<vmem>>) target_semaphore(%arg19 : memref<!tpu.dma_semaphore, #tpu.memory_space<semaphore_mem>>)
      %dma_wait3A = tpu.memref_slice %arg6[%add3A_14] : memref<320000xi32, #tpu.memory_space<hbm>> -> memref<80xi32, #tpu.memory_space<hbm>>
      %dma_wait3A_22 = tpu.memref_slice %arg6[%add3A_14] : memref<320000xi32, #tpu.memory_space<hbm>> -> memref<80xi32, #tpu.memory_space<hbm>>
      tpu.wait_dma2 semaphore(%arg18 : memref<!tpu.dma_semaphore, #tpu.memory_space<semaphore_mem>>) src(%dma_wait3A_22 : memref<80xi32, #tpu.memory_space<hbm>>) dst(%arg12 : memref<80xi32, #tpu.memory_space<vmem>>)
      %dma_wait3A_23 = tpu.memref_slice %arg7[%add3A_14] : memref<320000xi32, #tpu.memory_space<hbm>> -> memref<80xi32, #tpu.memory_space<hbm>>
      %dma_wait3A_24 = tpu.memref_slice %arg7[%add3A_14] : memref<320000xi32, #tpu.memory_space<hbm>> -> memref<80xi32, #tpu.memory_space<hbm>>
      tpu.wait_dma2 semaphore(%arg18 : memref<!tpu.dma_semaphore, #tpu.memory_space<semaphore_mem>>) src(%dma_wait3A_24 : memref<80xi32, #tpu.memory_space<hbm>>) dst(%arg13 : memref<80xi32, #tpu.memory_space<vmem>>)
      %dma_start3A_25 = arith.constant 0 : i32
      %dma_start3A_26 = arith.constant 0 : i32
      %dma_start3A_27 = tpu.memref_slice %arg2[%dma_start3A_25, %dma_start3A_26] : memref<10000x128xf32, #tpu.memory_space<hbm>> -> memref<10000x128xf32, #tpu.memory_space<hbm>>
      tpu.enqueue_indirect_dma source(%dma_start3A_27 : memref<10000x128xf32, #tpu.memory_space<hbm>>) target(%arg14 : memref<80x128xf32, #tpu.memory_space<vmem>>) offsets(%arg12 : memref<80xi32, #tpu.memory_space<vmem>>) semaphore(%arg18 : memref<!tpu.dma_semaphore, #tpu.memory_space<semaphore_mem>>)
      %dma_start3A_28 = arith.constant 0 : i32
      %dma_start3A_29 = arith.constant 0 : i32
      %dma_start3A_30 = tpu.memref_slice %arg3[%dma_start3A_28, %dma_start3A_29] : memref<10000x128xf32, #tpu.memory_space<hbm>> -> memref<10000x128xf32, #tpu.memory_space<hbm>>
      tpu.enqueue_indirect_dma source(%dma_start3A_30 : memref<10000x128xf32, #tpu.memory_space<hbm>>) target(%arg15 : memref<80x128xf32, #tpu.memory_space<vmem>>) offsets(%arg12 : memref<80xi32, #tpu.memory_space<vmem>>) semaphore(%arg18 : memref<!tpu.dma_semaphore, #tpu.memory_space<semaphore_mem>>)
      %dma_start3A_31 = arith.constant 0 : i32
      %dma_start3A_32 = arith.constant 0 : i32
      %dma_start3A_33 = tpu.memref_slice %arg4[%dma_start3A_31, %dma_start3A_32] : memref<10000x128xf32, #tpu.memory_space<hbm>> -> memref<10000x128xf32, #tpu.memory_space<hbm>>
      tpu.enqueue_indirect_dma source(%dma_start3A_33 : memref<10000x128xf32, #tpu.memory_space<hbm>>) target(%arg16 : memref<80x128xf32, #tpu.memory_space<vmem>>) offsets(%arg13 : memref<80xi32, #tpu.memory_space<vmem>>) semaphore(%arg18 : memref<!tpu.dma_semaphore, #tpu.memory_space<semaphore_mem>>)
      %dma_wait3A_34 = arith.constant 0 : i32
      %dma_wait3A_35 = tpu.memref_slice %arg5[%add3A_14, %dma_wait3A_34] : memref<320000x128xf32, #tpu.memory_space<hbm>> -> memref<80x128xf32, #tpu.memory_space<hbm>>
      %dma_wait3A_36 = arith.constant 0 : i32
      %dma_wait3A_37 = tpu.memref_slice %arg5[%add3A_14, %dma_wait3A_36] : memref<320000x128xf32, #tpu.memory_space<hbm>> -> memref<80x128xf32, #tpu.memory_space<hbm>>
      tpu.wait_dma2 semaphore(%arg19 : memref<!tpu.dma_semaphore, #tpu.memory_space<semaphore_mem>>) src(%dma_wait3A_37 : memref<80x128xf32, #tpu.memory_space<hbm>>) dst(%arg17 : memref<80x128xf32, #tpu.memory_space<vmem>>)
      %dma_wait3A_38 = arith.constant 0 : i32
      %dma_wait3A_39 = arith.constant 0 : i32
      %dma_wait3A_40 = tpu.memref_slice %arg2[%dma_wait3A_38, %dma_wait3A_39] : memref<10000x128xf32, #tpu.memory_space<hbm>> -> memref<10000x128xf32, #tpu.memory_space<hbm>>
      tpu.wait_indirect_dma semaphore(%arg18 : memref<!tpu.dma_semaphore, #tpu.memory_space<semaphore_mem>>) src(%dma_wait3A_40 : memref<10000x128xf32, #tpu.memory_space<hbm>>) dst(%arg14 : memref<80x128xf32, #tpu.memory_space<vmem>>)
      %dma_wait3A_41 = arith.constant 0 : i32
      %dma_wait3A_42 = arith.constant 0 : i32
      %dma_wait3A_43 = tpu.memref_slice %arg3[%dma_wait3A_41, %dma_wait3A_42] : memref<10000x128xf32, #tpu.memory_space<hbm>> -> memref<10000x128xf32, #tpu.memory_space<hbm>>
      tpu.wait_indirect_dma semaphore(%arg18 : memref<!tpu.dma_semaphore, #tpu.memory_space<semaphore_mem>>) src(%dma_wait3A_43 : memref<10000x128xf32, #tpu.memory_space<hbm>>) dst(%arg15 : memref<80x128xf32, #tpu.memory_space<vmem>>)
      %dma_wait3A_44 = arith.constant 0 : i32
      %dma_wait3A_45 = arith.constant 0 : i32
      %dma_wait3A_46 = tpu.memref_slice %arg4[%dma_wait3A_44, %dma_wait3A_45] : memref<10000x128xf32, #tpu.memory_space<hbm>> -> memref<10000x128xf32, #tpu.memory_space<hbm>>
      tpu.wait_indirect_dma semaphore(%arg18 : memref<!tpu.dma_semaphore, #tpu.memory_space<semaphore_mem>>) src(%dma_wait3A_46 : memref<10000x128xf32, #tpu.memory_space<hbm>>) dst(%arg16 : memref<80x128xf32, #tpu.memory_space<vmem>>)
      %scan3A_47 = arith.constant 0 : i32
      %scan3A_48 = arith.constant 0 : i32
      %scan3A_49 = arith.constant 80 : i32
      %scan3A_50 = arith.addi %scan3A_48, %scan3A_49 : i32
      %scan3A_51 = arith.constant 1 : i32
      scf.for %scan3A_67 = %scan3A_48 to %scan3A_50 step %scan3A_51  : i32 {
        %get3A = arith.index_cast %scan3A_67 : i32 to index
        %get3A_68 = arith.constant 0 : index
        %get3A_69 = tpu.vector_load %arg14[%get3A, %get3A_68] {strides = array<i32>} : memref<80x128xf32, #tpu.memory_space<vmem>>, vector<1x16xf32>,
        %get3A_70 = vector.shape_cast %get3A_69 : vector<1x16xf32> to vector<16xf32>
        %get3A_71 = arith.index_cast %scan3A_67 : i32 to index
        %get3A_72 = arith.constant 0 : index
        %get3A_73 = tpu.vector_load %arg16[%get3A_71, %get3A_72] {strides = array<i32>} : memref<80x128xf32, #tpu.memory_space<vmem>>, vector<1x16xf32>,
        %get3A_74 = vector.shape_cast %get3A_73 : vector<1x16xf32> to vector<16xf32>
        %add3A_75 = arith.addf %get3A_70, %get3A_74 : vector<16xf32>
        %get3A_76 = arith.index_cast %scan3A_67 : i32 to index
        %get3A_77 = arith.constant 0 : index
        %get3A_78 = tpu.vector_load %arg17[%get3A_76, %get3A_77] {strides = array<i32>} : memref<80x128xf32, #tpu.memory_space<vmem>>, vector<1x16xf32>,
        %get3A_79 = vector.shape_cast %get3A_78 : vector<1x16xf32> to vector<16xf32>
        %add3A_80 = arith.addf %add3A_75, %get3A_79 : vector<16xf32>
        %neg3A = arith.constant 0.000000e+00 : f32
        %neg3A_81 = vector.broadcast %neg3A : f32 to vector<16xf32>
        %neg3A_82 = arith.subf %neg3A_81, %add3A_80 : vector<16xf32>
        %exp3A = math.exp %neg3A_82 : vector<16xf32>
        %add3A_83 = arith.constant 1.000000e+00 : f32
        %add3A_84 = vector.broadcast %add3A_83 : f32 to vector<16xf32>
        %add3A_85 = arith.addf %add3A_84, %exp3A : vector<16xf32>
        %div3A = arith.constant 1.000000e+00 : f32
        %div3A_86 = vector.broadcast %div3A : f32 to vector<16xf32>
        %div3A_87 = arith.divf %div3A_86, %add3A_85 : vector<16xf32>
        %get3A_88 = arith.index_cast %scan3A_67 : i32 to index
        %get3A_89 = arith.constant 0 : index
        %get3A_90 = tpu.vector_load %arg15[%get3A_88, %get3A_89] {strides = array<i32>} : memref<80x128xf32, #tpu.memory_space<vmem>>, vector<1x16xf32>,
        %get3A_91 = vector.shape_cast %get3A_90 : vector<1x16xf32> to vector<16xf32>
        %mul3A_92 = arith.mulf %div3A_87, %get3A_91 : vector<16xf32>
        %swap3A = arith.index_cast %scan3A_67 : i32 to index
        %swap3A_93 = arith.constant 0 : index
        %swap3A_94 = tpu.vector_load %arg14[%swap3A, %swap3A_93] {strides = array<i32>} : memref<80x128xf32, #tpu.memory_space<vmem>>, vector<1x16xf32>,
        %swap3A_95 = vector.shape_cast %swap3A_94 : vector<1x16xf32> to vector<16xf32>
        %swap3A_96 = vector.shape_cast %mul3A_92 : vector<16xf32> to vector<1x16xf32>
        tpu.vector_store %arg14[%swap3A, %swap3A_93], %swap3A_96 {strides = array<i32>} : memref<80x128xf32, #tpu.memory_space<vmem>>, vector<1x16xf32>,
        %swap3A_97 = arith.index_cast %scan3A_67 : i32 to index
        %swap3A_98 = arith.constant 0 : index
        %swap3A_99 = tpu.vector_load %arg17[%swap3A_97, %swap3A_98] {strides = array<i32>} : memref<80x128xf32, #tpu.memory_space<vmem>>, vector<1x16xf32>,
        %swap3A_100 = vector.shape_cast %swap3A_99 : vector<1x16xf32> to vector<16xf32>
        %swap3A_101 = vector.shape_cast %add3A_80 : vector<16xf32> to vector<1x16xf32>
        tpu.vector_store %arg17[%swap3A_97, %swap3A_98], %swap3A_101 {strides = array<i32>} : memref<80x128xf32, #tpu.memory_space<vmem>>, vector<1x16xf32>,
        %get3A_102 = arith.index_cast %scan3A_67 : i32 to index
        %get3A_103 = arith.constant 16 : index
        %get3A_104 = tpu.vector_load %arg14[%get3A_102, %get3A_103] {strides = array<i32>} : memref<80x128xf32, #tpu.memory_space<vmem>>, vector<1x16xf32>,
        %get3A_105 = vector.shape_cast %get3A_104 : vector<1x16xf32> to vector<16xf32>
        %get3A_106 = arith.index_cast %scan3A_67 : i32 to index
        %get3A_107 = arith.constant 16 : index
        %get3A_108 = tpu.vector_load %arg16[%get3A_106, %get3A_107] {strides = array<i32>} : memref<80x128xf32, #tpu.memory_space<vmem>>, vector<1x16xf32>,
        %get3A_109 = vector.shape_cast %get3A_108 : vector<1x16xf32> to vector<16xf32>
        %add3A_110 = arith.addf %get3A_105, %get3A_109 : vector<16xf32>
        %get3A_111 = arith.index_cast %scan3A_67 : i32 to index
        %get3A_112 = arith.constant 16 : index
        %get3A_113 = tpu.vector_load %arg17[%get3A_111, %get3A_112] {strides = array<i32>} : memref<80x128xf32, #tpu.memory_space<vmem>>, vector<1x16xf32>,
        %get3A_114 = vector.shape_cast %get3A_113 : vector<1x16xf32> to vector<16xf32>
        %add3A_115 = arith.addf %add3A_110, %get3A_114 : vector<16xf32>
        %neg3A_116 = arith.constant 0.000000e+00 : f32
        %neg3A_117 = vector.broadcast %neg3A_116 : f32 to vector<16xf32>
        %neg3A_118 = arith.subf %neg3A_117, %add3A_115 : vector<16xf32>
        %exp3A_119 = math.exp %neg3A_118 : vector<16xf32>
        %add3A_120 = arith.constant 1.000000e+00 : f32
        %add3A_121 = vector.broadcast %add3A_120 : f32 to vector<16xf32>
        %add3A_122 = arith.addf %add3A_121, %exp3A_119 : vector<16xf32>
        %div3A_123 = arith.constant 1.000000e+00 : f32
        %div3A_124 = vector.broadcast %div3A_123 : f32 to vector<16xf32>
        %div3A_125 = arith.divf %div3A_124, %add3A_122 : vector<16xf32>
        %get3A_126 = arith.index_cast %scan3A_67 : i32 to index
        %get3A_127 = arith.constant 16 : index
        %get3A_128 = tpu.vector_load %arg15[%get3A_126, %get3A_127] {strides = array<i32>} : memref<80x128xf32, #tpu.memory_space<vmem>>, vector<1x16xf32>,
        %get3A_129 = vector.shape_cast %get3A_128 : vector<1x16xf32> to vector<16xf32>
        %mul3A_130 = arith.mulf %div3A_125, %get3A_129 : vector<16xf32>
        %swap3A_131 = arith.index_cast %scan3A_67 : i32 to index
        %swap3A_132 = arith.constant 16 : index
        %swap3A_133 = tpu.vector_load %arg14[%swap3A_131, %swap3A_132] {strides = array<i32>} : memref<80x128xf32, #tpu.memory_space<vmem>>, vector<1x16xf32>,
        %swap3A_134 = vector.shape_cast %swap3A_133 : vector<1x16xf32> to vector<16xf32>
        %swap3A_135 = vector.shape_cast %mul3A_130 : vector<16xf32> to vector<1x16xf32>
        tpu.vector_store %arg14[%swap3A_131, %swap3A_132], %swap3A_135 {strides = array<i32>} : memref<80x128xf32, #tpu.memory_space<vmem>>, vector<1x16xf32>,
        %swap3A_136 = arith.index_cast %scan3A_67 : i32 to index
        %swap3A_137 = arith.constant 16 : index
        %swap3A_138 = tpu.vector_load %arg17[%swap3A_136, %swap3A_137] {strides = array<i32>} : memref<80x128xf32, #tpu.memory_space<vmem>>, vector<1x16xf32>,
        %swap3A_139 = vector.shape_cast %swap3A_138 : vector<1x16xf32> to vector<16xf32>
        %swap3A_140 = vector.shape_cast %add3A_115 : vector<16xf32> to vector<1x16xf32>
        tpu.vector_store %arg17[%swap3A_136, %swap3A_137], %swap3A_140 {strides = array<i32>} : memref<80x128xf32, #tpu.memory_space<vmem>>, vector<1x16xf32>,
        %get3A_141 = arith.index_cast %scan3A_67 : i32 to index
        %get3A_142 = arith.constant 32 : index
        %get3A_143 = tpu.vector_load %arg14[%get3A_141, %get3A_142] {strides = array<i32>} : memref<80x128xf32, #tpu.memory_space<vmem>>, vector<1x16xf32>,
        %get3A_144 = vector.shape_cast %get3A_143 : vector<1x16xf32> to vector<16xf32>
        %get3A_145 = arith.index_cast %scan3A_67 : i32 to index
        %get3A_146 = arith.constant 32 : index
        %get3A_147 = tpu.vector_load %arg16[%get3A_145, %get3A_146] {strides = array<i32>} : memref<80x128xf32, #tpu.memory_space<vmem>>, vector<1x16xf32>,
        %get3A_148 = vector.shape_cast %get3A_147 : vector<1x16xf32> to vector<16xf32>
        %add3A_149 = arith.addf %get3A_144, %get3A_148 : vector<16xf32>
        %get3A_150 = arith.index_cast %scan3A_67 : i32 to index
        %get3A_151 = arith.constant 32 : index
        %get3A_152 = tpu.vector_load %arg17[%get3A_150, %get3A_151] {strides = array<i32>} : memref<80x128xf32, #tpu.memory_space<vmem>>, vector<1x16xf32>,
        %get3A_153 = vector.shape_cast %get3A_152 : vector<1x16xf32> to vector<16xf32>
        %add3A_154 = arith.addf %add3A_149, %get3A_153 : vector<16xf32>
        %neg3A_155 = arith.constant 0.000000e+00 : f32
        %neg3A_156 = vector.broadcast %neg3A_155 : f32 to vector<16xf32>
        %neg3A_157 = arith.subf %neg3A_156, %add3A_154 : vector<16xf32>
        %exp3A_158 = math.exp %neg3A_157 : vector<16xf32>
        %add3A_159 = arith.constant 1.000000e+00 : f32
        %add3A_160 = vector.broadcast %add3A_159 : f32 to vector<16xf32>
        %add3A_161 = arith.addf %add3A_160, %exp3A_158 : vector<16xf32>
        %div3A_162 = arith.constant 1.000000e+00 : f32
        %div3A_163 = vector.broadcast %div3A_162 : f32 to vector<16xf32>
        %div3A_164 = arith.divf %div3A_163, %add3A_161 : vector<16xf32>
        %get3A_165 = arith.index_cast %scan3A_67 : i32 to index
        %get3A_166 = arith.constant 32 : index
        %get3A_167 = tpu.vector_load %arg15[%get3A_165, %get3A_166] {strides = array<i32>} : memref<80x128xf32, #tpu.memory_space<vmem>>, vector<1x16xf32>,
        %get3A_168 = vector.shape_cast %get3A_167 : vector<1x16xf32> to vector<16xf32>
        %mul3A_169 = arith.mulf %div3A_164, %get3A_168 : vector<16xf32>
        %swap3A_170 = arith.index_cast %scan3A_67 : i32 to index
        %swap3A_171 = arith.constant 32 : index
        %swap3A_172 = tpu.vector_load %arg14[%swap3A_170, %swap3A_171] {strides = array<i32>} : memref<80x128xf32, #tpu.memory_space<vmem>>, vector<1x16xf32>,
        %swap3A_173 = vector.shape_cast %swap3A_172 : vector<1x16xf32> to vector<16xf32>
        %swap3A_174 = vector.shape_cast %mul3A_169 : vector<16xf32> to vector<1x16xf32>
        tpu.vector_store %arg14[%swap3A_170, %swap3A_171], %swap3A_174 {strides = array<i32>} : memref<80x128xf32, #tpu.memory_space<vmem>>, vector<1x16xf32>,
        %swap3A_175 = arith.index_cast %scan3A_67 : i32 to index
        %swap3A_176 = arith.constant 32 : index
        %swap3A_177 = tpu.vector_load %arg17[%swap3A_175, %swap3A_176] {strides = array<i32>} : memref<80x128xf32, #tpu.memory_space<vmem>>, vector<1x16xf32>,
        %swap3A_178 = vector.shape_cast %swap3A_177 : vector<1x16xf32> to vector<16xf32>
        %swap3A_179 = vector.shape_cast %add3A_154 : vector<16xf32> to vector<1x16xf32>
        tpu.vector_store %arg17[%swap3A_175, %swap3A_176], %swap3A_179 {strides = array<i32>} : memref<80x128xf32, #tpu.memory_space<vmem>>, vector<1x16xf32>,
        %get3A_180 = arith.index_cast %scan3A_67 : i32 to index
        %get3A_181 = arith.constant 48 : index
        %get3A_182 = tpu.vector_load %arg14[%get3A_180, %get3A_181] {strides = array<i32>} : memref<80x128xf32, #tpu.memory_space<vmem>>, vector<1x16xf32>,
        %get3A_183 = vector.shape_cast %get3A_182 : vector<1x16xf32> to vector<16xf32>
        %get3A_184 = arith.index_cast %scan3A_67 : i32 to index
        %get3A_185 = arith.constant 48 : index
        %get3A_186 = tpu.vector_load %arg16[%get3A_184, %get3A_185] {strides = array<i32>} : memref<80x128xf32, #tpu.memory_space<vmem>>, vector<1x16xf32>,
        %get3A_187 = vector.shape_cast %get3A_186 : vector<1x16xf32> to vector<16xf32>
        %add3A_188 = arith.addf %get3A_183, %get3A_187 : vector<16xf32>
        %get3A_189 = arith.index_cast %scan3A_67 : i32 to index
        %get3A_190 = arith.constant 48 : index
        %get3A_191 = tpu.vector_load %arg17[%get3A_189, %get3A_190] {strides = array<i32>} : memref<80x128xf32, #tpu.memory_space<vmem>>, vector<1x16xf32>,
        %get3A_192 = vector.shape_cast %get3A_191 : vector<1x16xf32> to vector<16xf32>
        %add3A_193 = arith.addf %add3A_188, %get3A_192 : vector<16xf32>
        %neg3A_194 = arith.constant 0.000000e+00 : f32
        %neg3A_195 = vector.broadcast %neg3A_194 : f32 to vector<16xf32>
        %neg3A_196 = arith.subf %neg3A_195, %add3A_193 : vector<16xf32>
        %exp3A_197 = math.exp %neg3A_196 : vector<16xf32>
        %add3A_198 = arith.constant 1.000000e+00 : f32
        %add3A_199 = vector.broadcast %add3A_198 : f32 to vector<16xf32>
        %add3A_200 = arith.addf %add3A_199, %exp3A_197 : vector<16xf32>
        %div3A_201 = arith.constant 1.000000e+00 : f32
        %div3A_202 = vector.broadcast %div3A_201 : f32 to vector<16xf32>
        %div3A_203 = arith.divf %div3A_202, %add3A_200 : vector<16xf32>
        %get3A_204 = arith.index_cast %scan3A_67 : i32 to index
        %get3A_205 = arith.constant 48 : index
        %get3A_206 = tpu.vector_load %arg15[%get3A_204, %get3A_205] {strides = array<i32>} : memref<80x128xf32, #tpu.memory_space<vmem>>, vector<1x16xf32>,
        %get3A_207 = vector.shape_cast %get3A_206 : vector<1x16xf32> to vector<16xf32>
        %mul3A_208 = arith.mulf %div3A_203, %get3A_207 : vector<16xf32>
        %swap3A_209 = arith.index_cast %scan3A_67 : i32 to index
        %swap3A_210 = arith.constant 48 : index
        %swap3A_211 = tpu.vector_load %arg14[%swap3A_209, %swap3A_210] {strides = array<i32>} : memref<80x128xf32, #tpu.memory_space<vmem>>, vector<1x16xf32>,
        %swap3A_212 = vector.shape_cast %swap3A_211 : vector<1x16xf32> to vector<16xf32>
        %swap3A_213 = vector.shape_cast %mul3A_208 : vector<16xf32> to vector<1x16xf32>
        tpu.vector_store %arg14[%swap3A_209, %swap3A_210], %swap3A_213 {strides = array<i32>} : memref<80x128xf32, #tpu.memory_space<vmem>>, vector<1x16xf32>,
        %swap3A_214 = arith.index_cast %scan3A_67 : i32 to index
        %swap3A_215 = arith.constant 48 : index
        %swap3A_216 = tpu.vector_load %arg17[%swap3A_214, %swap3A_215] {strides = array<i32>} : memref<80x128xf32, #tpu.memory_space<vmem>>, vector<1x16xf32>,
        %swap3A_217 = vector.shape_cast %swap3A_216 : vector<1x16xf32> to vector<16xf32>
        %swap3A_218 = vector.shape_cast %add3A_193 : vector<16xf32> to vector<1x16xf32>
        tpu.vector_store %arg17[%swap3A_214, %swap3A_215], %swap3A_218 {strides = array<i32>} : memref<80x128xf32, #tpu.memory_space<vmem>>, vector<1x16xf32>,
        %get3A_219 = arith.index_cast %scan3A_67 : i32 to index
        %get3A_220 = arith.constant 64 : index
        %get3A_221 = tpu.vector_load %arg14[%get3A_219, %get3A_220] {strides = array<i32>} : memref<80x128xf32, #tpu.memory_space<vmem>>, vector<1x16xf32>,
        %get3A_222 = vector.shape_cast %get3A_221 : vector<1x16xf32> to vector<16xf32>
        %get3A_223 = arith.index_cast %scan3A_67 : i32 to index
        %get3A_224 = arith.constant 64 : index
        %get3A_225 = tpu.vector_load %arg16[%get3A_223, %get3A_224] {strides = array<i32>} : memref<80x128xf32, #tpu.memory_space<vmem>>, vector<1x16xf32>,
        %get3A_226 = vector.shape_cast %get3A_225 : vector<1x16xf32> to vector<16xf32>
        %add3A_227 = arith.addf %get3A_222, %get3A_226 : vector<16xf32>
        %get3A_228 = arith.index_cast %scan3A_67 : i32 to index
        %get3A_229 = arith.constant 64 : index
        %get3A_230 = tpu.vector_load %arg17[%get3A_228, %get3A_229] {strides = array<i32>} : memref<80x128xf32, #tpu.memory_space<vmem>>, vector<1x16xf32>,
        %get3A_231 = vector.shape_cast %get3A_230 : vector<1x16xf32> to vector<16xf32>
        %add3A_232 = arith.addf %add3A_227, %get3A_231 : vector<16xf32>
        %neg3A_233 = arith.constant 0.000000e+00 : f32
        %neg3A_234 = vector.broadcast %neg3A_233 : f32 to vector<16xf32>
        %neg3A_235 = arith.subf %neg3A_234, %add3A_232 : vector<16xf32>
        %exp3A_236 = math.exp %neg3A_235 : vector<16xf32>
        %add3A_237 = arith.constant 1.000000e+00 : f32
        %add3A_238 = vector.broadcast %add3A_237 : f32 to vector<16xf32>
        %add3A_239 = arith.addf %add3A_238, %exp3A_236 : vector<16xf32>
        %div3A_240 = arith.constant 1.000000e+00 : f32
        %div3A_241 = vector.broadcast %div3A_240 : f32 to vector<16xf32>
        %div3A_242 = arith.divf %div3A_241, %add3A_239 : vector<16xf32>
        %get3A_243 = arith.index_cast %scan3A_67 : i32 to index
        %get3A_244 = arith.constant 64 : index
        %get3A_245 = tpu.vector_load %arg15[%get3A_243, %get3A_244] {strides = array<i32>} : memref<80x128xf32, #tpu.memory_space<vmem>>, vector<1x16xf32>,
        %get3A_246 = vector.shape_cast %get3A_245 : vector<1x16xf32> to vector<16xf32>
        %mul3A_247 = arith.mulf %div3A_242, %get3A_246 : vector<16xf32>
        %swap3A_248 = arith.index_cast %scan3A_67 : i32 to index
        %swap3A_249 = arith.constant 64 : index
        %swap3A_250 = tpu.vector_load %arg14[%swap3A_248, %swap3A_249] {strides = array<i32>} : memref<80x128xf32, #tpu.memory_space<vmem>>, vector<1x16xf32>,
        %swap3A_251 = vector.shape_cast %swap3A_250 : vector<1x16xf32> to vector<16xf32>
        %swap3A_252 = vector.shape_cast %mul3A_247 : vector<16xf32> to vector<1x16xf32>
        tpu.vector_store %arg14[%swap3A_248, %swap3A_249], %swap3A_252 {strides = array<i32>} : memref<80x128xf32, #tpu.memory_space<vmem>>, vector<1x16xf32>,
        %swap3A_253 = arith.index_cast %scan3A_67 : i32 to index
        %swap3A_254 = arith.constant 64 : index
        %swap3A_255 = tpu.vector_load %arg17[%swap3A_253, %swap3A_254] {strides = array<i32>} : memref<80x128xf32, #tpu.memory_space<vmem>>, vector<1x16xf32>,
        %swap3A_256 = vector.shape_cast %swap3A_255 : vector<1x16xf32> to vector<16xf32>
        %swap3A_257 = vector.shape_cast %add3A_232 : vector<16xf32> to vector<1x16xf32>
        tpu.vector_store %arg17[%swap3A_253, %swap3A_254], %swap3A_257 {strides = array<i32>} : memref<80x128xf32, #tpu.memory_space<vmem>>, vector<1x16xf32>,
        %get3A_258 = arith.index_cast %scan3A_67 : i32 to index
        %get3A_259 = arith.constant 80 : index
        %get3A_260 = tpu.vector_load %arg14[%get3A_258, %get3A_259] {strides = array<i32>} : memref<80x128xf32, #tpu.memory_space<vmem>>, vector<1x16xf32>,
        %get3A_261 = vector.shape_cast %get3A_260 : vector<1x16xf32> to vector<16xf32>
        %get3A_262 = arith.index_cast %scan3A_67 : i32 to index
        %get3A_263 = arith.constant 80 : index
        %get3A_264 = tpu.vector_load %arg16[%get3A_262, %get3A_263] {strides = array<i32>} : memref<80x128xf32, #tpu.memory_space<vmem>>, vector<1x16xf32>,
        %get3A_265 = vector.shape_cast %get3A_264 : vector<1x16xf32> to vector<16xf32>
        %add3A_266 = arith.addf %get3A_261, %get3A_265 : vector<16xf32>
        %get3A_267 = arith.index_cast %scan3A_67 : i32 to index
        %get3A_268 = arith.constant 80 : index
        %get3A_269 = tpu.vector_load %arg17[%get3A_267, %get3A_268] {strides = array<i32>} : memref<80x128xf32, #tpu.memory_space<vmem>>, vector<1x16xf32>,
        %get3A_270 = vector.shape_cast %get3A_269 : vector<1x16xf32> to vector<16xf32>
        %add3A_271 = arith.addf %add3A_266, %get3A_270 : vector<16xf32>
        %neg3A_272 = arith.constant 0.000000e+00 : f32
        %neg3A_273 = vector.broadcast %neg3A_272 : f32 to vector<16xf32>
        %neg3A_274 = arith.subf %neg3A_273, %add3A_271 : vector<16xf32>
        %exp3A_275 = math.exp %neg3A_274 : vector<16xf32>
        %add3A_276 = arith.constant 1.000000e+00 : f32
        %add3A_277 = vector.broadcast %add3A_276 : f32 to vector<16xf32>
        %add3A_278 = arith.addf %add3A_277, %exp3A_275 : vector<16xf32>
        %div3A_279 = arith.constant 1.000000e+00 : f32
        %div3A_280 = vector.broadcast %div3A_279 : f32 to vector<16xf32>
        %div3A_281 = arith.divf %div3A_280, %add3A_278 : vector<16xf32>
        %get3A_282 = arith.index_cast %scan3A_67 : i32 to index
        %get3A_283 = arith.constant 80 : index
        %get3A_284 = tpu.vector_load %arg15[%get3A_282, %get3A_283] {strides = array<i32>} : memref<80x128xf32, #tpu.memory_space<vmem>>, vector<1x16xf32>,
        %get3A_285 = vector.shape_cast %get3A_284 : vector<1x16xf32> to vector<16xf32>
        %mul3A_286 = arith.mulf %div3A_281, %get3A_285 : vector<16xf32>
        %swap3A_287 = arith.index_cast %scan3A_67 : i32 to index
        %swap3A_288 = arith.constant 80 : index
        %swap3A_289 = tpu.vector_load %arg14[%swap3A_287, %swap3A_288] {strides = array<i32>} : memref<80x128xf32, #tpu.memory_space<vmem>>, vector<1x16xf32>,
        %swap3A_290 = vector.shape_cast %swap3A_289 : vector<1x16xf32> to vector<16xf32>
        %swap3A_291 = vector.shape_cast %mul3A_286 : vector<16xf32> to vector<1x16xf32>
        tpu.vector_store %arg14[%swap3A_287, %swap3A_288], %swap3A_291 {strides = array<i32>} : memref<80x128xf32, #tpu.memory_space<vmem>>, vector<1x16xf32>,
        %swap3A_292 = arith.index_cast %scan3A_67 : i32 to index
        %swap3A_293 = arith.constant 80 : index
        %swap3A_294 = tpu.vector_load %arg17[%swap3A_292, %swap3A_293] {strides = array<i32>} : memref<80x128xf32, #tpu.memory_space<vmem>>, vector<1x16xf32>,
        %swap3A_295 = vector.shape_cast %swap3A_294 : vector<1x16xf32> to vector<16xf32>
        %swap3A_296 = vector.shape_cast %add3A_271 : vector<16xf32> to vector<1x16xf32>
        tpu.vector_store %arg17[%swap3A_292, %swap3A_293], %swap3A_296 {strides = array<i32>} : memref<80x128xf32, #tpu.memory_space<vmem>>, vector<1x16xf32>,
        %get3A_297 = arith.index_cast %scan3A_67 : i32 to index
        %get3A_298 = arith.constant 96 : index
        %get3A_299 = tpu.vector_load %arg14[%get3A_297, %get3A_298] {strides = array<i32>} : memref<80x128xf32, #tpu.memory_space<vmem>>, vector<1x16xf32>,
        %get3A_300 = vector.shape_cast %get3A_299 : vector<1x16xf32> to vector<16xf32>
        %get3A_301 = arith.index_cast %scan3A_67 : i32 to index
        %get3A_302 = arith.constant 96 : index
        %get3A_303 = tpu.vector_load %arg16[%get3A_301, %get3A_302] {strides = array<i32>} : memref<80x128xf32, #tpu.memory_space<vmem>>, vector<1x16xf32>,
        %get3A_304 = vector.shape_cast %get3A_303 : vector<1x16xf32> to vector<16xf32>
        %add3A_305 = arith.addf %get3A_300, %get3A_304 : vector<16xf32>
        %get3A_306 = arith.index_cast %scan3A_67 : i32 to index
        %get3A_307 = arith.constant 96 : index
        %get3A_308 = tpu.vector_load %arg17[%get3A_306, %get3A_307] {strides = array<i32>} : memref<80x128xf32, #tpu.memory_space<vmem>>, vector<1x16xf32>,
        %get3A_309 = vector.shape_cast %get3A_308 : vector<1x16xf32> to vector<16xf32>
        %add3A_310 = arith.addf %add3A_305, %get3A_309 : vector<16xf32>
        %neg3A_311 = arith.constant 0.000000e+00 : f32
        %neg3A_312 = vector.broadcast %neg3A_311 : f32 to vector<16xf32>
        %neg3A_313 = arith.subf %neg3A_312, %add3A_310 : vector<16xf32>
        %exp3A_314 = math.exp %neg3A_313 : vector<16xf32>
        %add3A_315 = arith.constant 1.000000e+00 : f32
        %add3A_316 = vector.broadcast %add3A_315 : f32 to vector<16xf32>
        %add3A_317 = arith.addf %add3A_316, %exp3A_314 : vector<16xf32>
        %div3A_318 = arith.constant 1.000000e+00 : f32
        %div3A_319 = vector.broadcast %div3A_318 : f32 to vector<16xf32>
        %div3A_320 = arith.divf %div3A_319, %add3A_317 : vector<16xf32>
        %get3A_321 = arith.index_cast %scan3A_67 : i32 to index
        %get3A_322 = arith.constant 96 : index
        %get3A_323 = tpu.vector_load %arg15[%get3A_321, %get3A_322] {strides = array<i32>} : memref<80x128xf32, #tpu.memory_space<vmem>>, vector<1x16xf32>,
        %get3A_324 = vector.shape_cast %get3A_323 : vector<1x16xf32> to vector<16xf32>
        %mul3A_325 = arith.mulf %div3A_320, %get3A_324 : vector<16xf32>
        %swap3A_326 = arith.index_cast %scan3A_67 : i32 to index
        %swap3A_327 = arith.constant 96 : index
        %swap3A_328 = tpu.vector_load %arg14[%swap3A_326, %swap3A_327] {strides = array<i32>} : memref<80x128xf32, #tpu.memory_space<vmem>>, vector<1x16xf32>,
        %swap3A_329 = vector.shape_cast %swap3A_328 : vector<1x16xf32> to vector<16xf32>
        %swap3A_330 = vector.shape_cast %mul3A_325 : vector<16xf32> to vector<1x16xf32>
        tpu.vector_store %arg14[%swap3A_326, %swap3A_327], %swap3A_330 {strides = array<i32>} : memref<80x128xf32, #tpu.memory_space<vmem>>, vector<1x16xf32>,
        %swap3A_331 = arith.index_cast %scan3A_67 : i32 to index
        %swap3A_332 = arith.constant 96 : index
        %swap3A_333 = tpu.vector_load %arg17[%swap3A_331, %swap3A_332] {strides = array<i32>} : memref<80x128xf32, #tpu.memory_space<vmem>>, vector<1x16xf32>,
        %swap3A_334 = vector.shape_cast %swap3A_333 : vector<1x16xf32> to vector<16xf32>
        %swap3A_335 = vector.shape_cast %add3A_310 : vector<16xf32> to vector<1x16xf32>
        tpu.vector_store %arg17[%swap3A_331, %swap3A_332], %swap3A_335 {strides = array<i32>} : memref<80x128xf32, #tpu.memory_space<vmem>>, vector<1x16xf32>,
        %get3A_336 = arith.index_cast %scan3A_67 : i32 to index
        %get3A_337 = arith.constant 112 : index
        %get3A_338 = tpu.vector_load %arg14[%get3A_336, %get3A_337] {strides = array<i32>} : memref<80x128xf32, #tpu.memory_space<vmem>>, vector<1x16xf32>,
        %get3A_339 = vector.shape_cast %get3A_338 : vector<1x16xf32> to vector<16xf32>
        %get3A_340 = arith.index_cast %scan3A_67 : i32 to index
        %get3A_341 = arith.constant 112 : index
        %get3A_342 = tpu.vector_load %arg16[%get3A_340, %get3A_341] {strides = array<i32>} : memref<80x128xf32, #tpu.memory_space<vmem>>, vector<1x16xf32>,
        %get3A_343 = vector.shape_cast %get3A_342 : vector<1x16xf32> to vector<16xf32>
        %add3A_344 = arith.addf %get3A_339, %get3A_343 : vector<16xf32>
        %get3A_345 = arith.index_cast %scan3A_67 : i32 to index
        %get3A_346 = arith.constant 112 : index
        %get3A_347 = tpu.vector_load %arg17[%get3A_345, %get3A_346] {strides = array<i32>} : memref<80x128xf32, #tpu.memory_space<vmem>>, vector<1x16xf32>,
        %get3A_348 = vector.shape_cast %get3A_347 : vector<1x16xf32> to vector<16xf32>
        %add3A_349 = arith.addf %add3A_344, %get3A_348 : vector<16xf32>
        %neg3A_350 = arith.constant 0.000000e+00 : f32
        %neg3A_351 = vector.broadcast %neg3A_350 : f32 to vector<16xf32>
        %neg3A_352 = arith.subf %neg3A_351, %add3A_349 : vector<16xf32>
        %exp3A_353 = math.exp %neg3A_352 : vector<16xf32>
        %add3A_354 = arith.constant 1.000000e+00 : f32
        %add3A_355 = vector.broadcast %add3A_354 : f32 to vector<16xf32>
        %add3A_356 = arith.addf %add3A_355, %exp3A_353 : vector<16xf32>
        %div3A_357 = arith.constant 1.000000e+00 : f32
        %div3A_358 = vector.broadcast %div3A_357 : f32 to vector<16xf32>
        %div3A_359 = arith.divf %div3A_358, %add3A_356 : vector<16xf32>
        %get3A_360 = arith.index_cast %scan3A_67 : i32 to index
        %get3A_361 = arith.constant 112 : index
        %get3A_362 = tpu.vector_load %arg15[%get3A_360, %get3A_361] {strides = array<i32>} : memref<80x128xf32, #tpu.memory_space<vmem>>, vector<1x16xf32>,
        %get3A_363 = vector.shape_cast %get3A_362 : vector<1x16xf32> to vector<16xf32>
        %mul3A_364 = arith.mulf %div3A_359, %get3A_363 : vector<16xf32>
        %swap3A_365 = arith.index_cast %scan3A_67 : i32 to index
        %swap3A_366 = arith.constant 112 : index
        %swap3A_367 = tpu.vector_load %arg14[%swap3A_365, %swap3A_366] {strides = array<i32>} : memref<80x128xf32, #tpu.memory_space<vmem>>, vector<1x16xf32>,
        %swap3A_368 = vector.shape_cast %swap3A_367 : vector<1x16xf32> to vector<16xf32>
        %swap3A_369 = vector.shape_cast %mul3A_364 : vector<16xf32> to vector<1x16xf32>
        tpu.vector_store %arg14[%swap3A_365, %swap3A_366], %swap3A_369 {strides = array<i32>} : memref<80x128xf32, #tpu.memory_space<vmem>>, vector<1x16xf32>,
        %swap3A_370 = arith.index_cast %scan3A_67 : i32 to index
        %swap3A_371 = arith.constant 112 : index
        %swap3A_372 = tpu.vector_load %arg17[%swap3A_370, %swap3A_371] {strides = array<i32>} : memref<80x128xf32, #tpu.memory_space<vmem>>, vector<1x16xf32>,
        %swap3A_373 = vector.shape_cast %swap3A_372 : vector<1x16xf32> to vector<16xf32>
        %swap3A_374 = vector.shape_cast %add3A_349 : vector<16xf32> to vector<1x16xf32>
        tpu.vector_store %arg17[%swap3A_370, %swap3A_371], %swap3A_374 {strides = array<i32>} : memref<80x128xf32, #tpu.memory_space<vmem>>, vector<1x16xf32>,
      }
      %scan3A_52 = arith.constant 80 : i32
      %dma_start3A_53 = arith.constant 0 : i32
      %dma_start3A_54 = arith.constant 0 : i32
      %dma_start3A_55 = tpu.memref_slice %arg11[%dma_start3A_53, %dma_start3A_54] : memref<10112x128xf32, #tpu.memory_space<vmem_shared>> -> memref<10112x128xf32, #tpu.memory_space<vmem_shared>>
      tpu.enqueue_indirect_dma source(%arg14 : memref<80x128xf32, #tpu.memory_space<vmem>>) target(%dma_start3A_55 : memref<10112x128xf32, #tpu.memory_space<vmem_shared>>) offsets(%arg13 : memref<80xi32, #tpu.memory_space<vmem>>) semaphore(%arg18 : memref<!tpu.dma_semaphore, #tpu.memory_space<semaphore_mem>>) {add = true}
      %dma_start3A_56 = arith.constant 0 : i32
      %dma_start3A_57 = tpu.memref_slice %arg10[%add3A_14, %dma_start3A_56] : memref<320000x128xf32, #tpu.memory_space<hbm>> -> memref<80x128xf32, #tpu.memory_space<hbm>>
      %dma_start3A_58 = arith.constant 0 : i32
      %dma_start3A_59 = tpu.memref_slice %arg10[%add3A_14, %dma_start3A_58] : memref<320000x128xf32, #tpu.memory_space<hbm>> -> memref<80x128xf32, #tpu.memory_space<hbm>>
      tpu.enqueue_dma source(%arg17 : memref<80x128xf32, #tpu.memory_space<vmem>>) target(%dma_start3A_59 : memref<80x128xf32, #tpu.memory_space<hbm>>) target_semaphore(%arg19 : memref<!tpu.dma_semaphore, #tpu.memory_space<semaphore_mem>>)
      %dma_wait3A_60 = arith.constant 0 : i32
      %dma_wait3A_61 = arith.constant 0 : i32
      %dma_wait3A_62 = tpu.memref_slice %arg11[%dma_wait3A_60, %dma_wait3A_61] : memref<10112x128xf32, #tpu.memory_space<vmem_shared>> -> memref<10112x128xf32, #tpu.memory_space<vmem_shared>>
      tpu.wait_indirect_dma semaphore(%arg18 : memref<!tpu.dma_semaphore, #tpu.memory_space<semaphore_mem>>) src(%arg14 : memref<80x128xf32, #tpu.memory_space<vmem>>) dst(%dma_wait3A_62 : memref<10112x128xf32, #tpu.memory_space<vmem_shared>>)
      %dma_wait3A_63 = arith.constant 0 : i32
      %dma_wait3A_64 = tpu.memref_slice %arg10[%add3A_14, %dma_wait3A_63] : memref<320000x128xf32, #tpu.memory_space<hbm>> -> memref<80x128xf32, #tpu.memory_space<hbm>>
      %dma_wait3A_65 = arith.constant 0 : i32
      %dma_wait3A_66 = tpu.memref_slice %arg10[%add3A_14, %dma_wait3A_65] : memref<320000x128xf32, #tpu.memory_space<hbm>> -> memref<80x128xf32, #tpu.memory_space<hbm>>
      tpu.wait_dma2 semaphore(%arg19 : memref<!tpu.dma_semaphore, #tpu.memory_space<semaphore_mem>>) src(%arg17 : memref<80x128xf32, #tpu.memory_space<vmem>>) dst(%dma_wait3A_66 : memref<80x128xf32, #tpu.memory_space<hbm>>)
    }
    %scan3A_9 = arith.constant 125 : i32
    %barrier3A_10 = arith.constant 0 : index
    tpu.barrier barrier_id(%barrier3A_10)
    "tpu.region"() ({
      %run_scoped3A = tpu.sem_alloc : memref<!tpu.dma_semaphore, #tpu.memory_space<semaphore_mem>>
      %dma_start3A = arith.constant 0 : i32
      %dma_start3A_11 = tpu.memref_slice %arg9[%arg0, %mul3A_2, %dma_start3A] : memref<2x10112x128xf32, #tpu.memory_space<hbm>> -> memref<1x632x128xf32, #tpu.memory_space<hbm>>
      %dma_start3A_12 = tpu.memref_squeeze %dma_start3A_11 : memref<1x632x128xf32, #tpu.memory_space<hbm>> -> memref<632x128xf32, #tpu.memory_space<hbm>>
      %dma_start3A_13 = arith.constant 0 : i32
      %dma_start3A_14 = tpu.memref_slice %arg11[%mul3A_2, %dma_start3A_13] : memref<10112x128xf32, #tpu.memory_space<vmem_shared>> -> memref<632x128xf32, #tpu.memory_space<vmem_shared>>
      tpu.enqueue_dma source(%dma_start3A_14 : memref<632x128xf32, #tpu.memory_space<vmem_shared>>) target(%dma_start3A_12 : memref<632x128xf32, #tpu.memory_space<hbm>>) target_semaphore(%run_scoped3A : memref<!tpu.dma_semaphore, #tpu.memory_space<semaphore_mem>>)
      %dma_wait3A = arith.constant 0 : i32
      %dma_wait3A_15 = tpu.memref_slice %arg9[%arg0, %mul3A_2, %dma_wait3A] : memref<2x10112x128xf32, #tpu.memory_space<hbm>> -> memref<1x632x128xf32, #tpu.memory_space<hbm>>
      %dma_wait3A_16 = tpu.memref_squeeze %dma_wait3A_15 : memref<1x632x128xf32, #tpu.memory_space<hbm>> -> memref<632x128xf32, #tpu.memory_space<hbm>>
      %dma_wait3A_17 = arith.constant 0 : i32
      %dma_wait3A_18 = tpu.memref_slice %arg11[%mul3A_2, %dma_wait3A_17] : memref<10112x128xf32, #tpu.memory_space<vmem_shared>> -> memref<632x128xf32, #tpu.memory_space<vmem_shared>>
      tpu.wait_dma2 semaphore(%run_scoped3A : memref<!tpu.dma_semaphore, #tpu.memory_space<semaphore_mem>>) src(%dma_wait3A_18 : memref<632x128xf32, #tpu.memory_space<vmem_shared>>) dst(%dma_wait3A_16 : memref<632x128xf32, #tpu.memory_space<hbm>>)
      tpu.yield
    }) : () -> ()
    return
  }
}

#map = affine_map<(d0, d1) -> (0, 0)>
#map1 = affine_map<(d0, d1) -> (0)>
#map2 = affine_map<(d0, d1) -> (0, 0, 0)>
module attributes {stable_mosaic.version = 14 : i64} {
  func.func @body(%arg0: i32, %arg1: i32, %arg2: memref<320000x128xf32, #tpu.memory_space<hbm>>, %arg3: memref<320000xi32, #tpu.memory_space<hbm>>, %arg4: memref<10112x128xf32, #tpu.memory_space<hbm>>, %arg5: memref<2x10112x128xf32, #tpu.memory_space<hbm>>, %arg6: memref<10112x128xf32, #tpu.memory_space<vmem_shared>>, %arg7: memref<200xi32, #tpu.memory_space<vmem>>, %arg8: memref<200x128xf32, #tpu.memory_space<vmem>>, %arg9: memref<!tpu.dma_semaphore, #tpu.memory_space<semaphore_mem>>) attributes {dimension_semantics = [#tpu.dimension_semantics<core_parallel>, #tpu.dimension_semantics<subcore_parallel>], iteration_bounds = array<i64: 2, 16>, scalar_prefetch = 0 : i64, scratch_operands = 4 : i64, tpu.core_type = #tpu.core_type<sc_vector_subcore>, window_params = [{transform_indices = #map}, {transform_indices = #map1}, {transform_indices = #map}, {transform_indices = #map2}]} {
    %mul3A = arith.constant 16 : i32
    %mul3A_0 = arith.muli %arg0, %mul3A : i32
    %add3A = arith.addi %mul3A_0, %arg1 : i32
    %mul3A_1 = arith.constant 632 : i32
    %mul3A_2 = arith.muli %arg1, %mul3A_1 : i32
    "tpu.region"() ({
      %run_scoped3A = tpu.sem_alloc : memref<!tpu.dma_semaphore, #tpu.memory_space<semaphore_mem>>
      %dma_start3A = arith.constant 0 : i32
      %dma_start3A_11 = tpu.memref_slice %arg6[%mul3A_2, %dma_start3A] : memref<10112x128xf32, #tpu.memory_space<vmem_shared>> -> memref<632x128xf32, #tpu.memory_space<vmem_shared>>
      %dma_start3A_12 = arith.constant 0 : i32
      %dma_start3A_13 = tpu.memref_slice %arg4[%mul3A_2, %dma_start3A_12] : memref<10112x128xf32, #tpu.memory_space<hbm>> -> memref<632x128xf32, #tpu.memory_space<hbm>>
      tpu.enqueue_dma source(%dma_start3A_13 : memref<632x128xf32, #tpu.memory_space<hbm>>) target(%dma_start3A_11 : memref<632x128xf32, #tpu.memory_space<vmem_shared>>) target_semaphore(%run_scoped3A : memref<!tpu.dma_semaphore, #tpu.memory_space<semaphore_mem>>)
      %dma_wait3A = arith.constant 0 : i32
      %dma_wait3A_14 = tpu.memref_slice %arg6[%mul3A_2, %dma_wait3A] : memref<10112x128xf32, #tpu.memory_space<vmem_shared>> -> memref<632x128xf32, #tpu.memory_space<vmem_shared>>
      %dma_wait3A_15 = arith.constant 0 : i32
      %dma_wait3A_16 = tpu.memref_slice %arg4[%mul3A_2, %dma_wait3A_15] : memref<10112x128xf32, #tpu.memory_space<hbm>> -> memref<632x128xf32, #tpu.memory_space<hbm>>
      tpu.wait_dma2 semaphore(%run_scoped3A : memref<!tpu.dma_semaphore, #tpu.memory_space<semaphore_mem>>) src(%dma_wait3A_16 : memref<632x128xf32, #tpu.memory_space<hbm>>) dst(%dma_wait3A_14 : memref<632x128xf32, #tpu.memory_space<vmem_shared>>)
      tpu.yield
    }) : () -> ()
    %barrier3A = arith.constant 0 : index
    tpu.barrier barrier_id(%barrier3A)
    %mul3A_3 = arith.constant 10000 : i32
    %mul3A_4 = arith.muli %add3A, %mul3A_3 : i32
    %scan3A = arith.constant 0 : i32
    %scan3A_5 = arith.constant 0 : i32
    %scan3A_6 = arith.constant 50 : i32
    %scan3A_7 = arith.addi %scan3A_5, %scan3A_6 : i32
    %scan3A_8 = arith.constant 1 : i32
    scf.for %scan3A_11 = %scan3A_5 to %scan3A_7 step %scan3A_8  : i32 {
      %mul3A_12 = arith.constant 200 : i32
      %mul3A_13 = arith.muli %scan3A_11, %mul3A_12 : i32
      %add3A_14 = arith.addi %mul3A_4, %mul3A_13 : i32
      %dma_start3A = arith.constant 0 : i32
      %dma_start3A_15 = tpu.memref_slice %arg2[%add3A_14, %dma_start3A] : memref<320000x128xf32, #tpu.memory_space<hbm>> -> memref<200x128xf32, #tpu.memory_space<hbm>>
      %dma_start3A_16 = arith.constant 0 : i32
      %dma_start3A_17 = tpu.memref_slice %arg2[%add3A_14, %dma_start3A_16] : memref<320000x128xf32, #tpu.memory_space<hbm>> -> memref<200x128xf32, #tpu.memory_space<hbm>>
      tpu.enqueue_dma source(%dma_start3A_17 : memref<200x128xf32, #tpu.memory_space<hbm>>) target(%arg8 : memref<200x128xf32, #tpu.memory_space<vmem>>) target_semaphore(%arg9 : memref<!tpu.dma_semaphore, #tpu.memory_space<semaphore_mem>>)
      %dma_start3A_18 = tpu.memref_slice %arg3[%add3A_14] : memref<320000xi32, #tpu.memory_space<hbm>> -> memref<200xi32, #tpu.memory_space<hbm>>
      %dma_start3A_19 = tpu.memref_slice %arg3[%add3A_14] : memref<320000xi32, #tpu.memory_space<hbm>> -> memref<200xi32, #tpu.memory_space<hbm>>
      tpu.enqueue_dma source(%dma_start3A_19 : memref<200xi32, #tpu.memory_space<hbm>>) target(%arg7 : memref<200xi32, #tpu.memory_space<vmem>>) target_semaphore(%arg9 : memref<!tpu.dma_semaphore, #tpu.memory_space<semaphore_mem>>)
      %dma_wait3A = arith.constant 0 : i32
      %dma_wait3A_20 = tpu.memref_slice %arg2[%add3A_14, %dma_wait3A] : memref<320000x128xf32, #tpu.memory_space<hbm>> -> memref<200x128xf32, #tpu.memory_space<hbm>>
      %dma_wait3A_21 = arith.constant 0 : i32
      %dma_wait3A_22 = tpu.memref_slice %arg2[%add3A_14, %dma_wait3A_21] : memref<320000x128xf32, #tpu.memory_space<hbm>> -> memref<200x128xf32, #tpu.memory_space<hbm>>
      tpu.wait_dma2 semaphore(%arg9 : memref<!tpu.dma_semaphore, #tpu.memory_space<semaphore_mem>>) src(%dma_wait3A_22 : memref<200x128xf32, #tpu.memory_space<hbm>>) dst(%arg8 : memref<200x128xf32, #tpu.memory_space<vmem>>)
      %dma_wait3A_23 = tpu.memref_slice %arg3[%add3A_14] : memref<320000xi32, #tpu.memory_space<hbm>> -> memref<200xi32, #tpu.memory_space<hbm>>
      %dma_wait3A_24 = tpu.memref_slice %arg3[%add3A_14] : memref<320000xi32, #tpu.memory_space<hbm>> -> memref<200xi32, #tpu.memory_space<hbm>>
      tpu.wait_dma2 semaphore(%arg9 : memref<!tpu.dma_semaphore, #tpu.memory_space<semaphore_mem>>) src(%dma_wait3A_24 : memref<200xi32, #tpu.memory_space<hbm>>) dst(%arg7 : memref<200xi32, #tpu.memory_space<vmem>>)
      %scan3A_25 = arith.constant 0 : i32
      %scan3A_26 = arith.constant 0 : i32
      %scan3A_27 = arith.constant 200 : i32
      %scan3A_28 = arith.addi %scan3A_26, %scan3A_27 : i32
      %scan3A_29 = arith.constant 1 : i32
      scf.for %scan3A_37 = %scan3A_26 to %scan3A_28 step %scan3A_29  : i32 {
        %get3A = arith.index_cast %scan3A_37 : i32 to index
        %get3A_38 = arith.constant 0 : index
        %get3A_39 = tpu.vector_load %arg8[%get3A, %get3A_38] {strides = array<i32>} : memref<200x128xf32, #tpu.memory_space<vmem>>, vector<1x16xf32>,
        %get3A_40 = vector.shape_cast %get3A_39 : vector<1x16xf32> to vector<16xf32>
        %neg3A = arith.constant 0.000000e+00 : f32
        %neg3A_41 = vector.broadcast %neg3A : f32 to vector<16xf32>
        %neg3A_42 = arith.subf %neg3A_41, %get3A_40 : vector<16xf32>
        %exp3A = math.exp %neg3A_42 : vector<16xf32>
        %add3A_43 = arith.constant 1.000000e+00 : f32
        %add3A_44 = vector.broadcast %add3A_43 : f32 to vector<16xf32>
        %add3A_45 = arith.addf %add3A_44, %exp3A : vector<16xf32>
        %div3A = arith.constant 1.000000e+00 : f32
        %div3A_46 = vector.broadcast %div3A : f32 to vector<16xf32>
        %div3A_47 = arith.divf %div3A_46, %add3A_45 : vector<16xf32>
        %swap3A = arith.index_cast %scan3A_37 : i32 to index
        %swap3A_48 = arith.constant 0 : index
        %swap3A_49 = tpu.vector_load %arg8[%swap3A, %swap3A_48] {strides = array<i32>} : memref<200x128xf32, #tpu.memory_space<vmem>>, vector<1x16xf32>,
        %swap3A_50 = vector.shape_cast %swap3A_49 : vector<1x16xf32> to vector<16xf32>
        %swap3A_51 = vector.shape_cast %div3A_47 : vector<16xf32> to vector<1x16xf32>
        tpu.vector_store %arg8[%swap3A, %swap3A_48], %swap3A_51 {strides = array<i32>} : memref<200x128xf32, #tpu.memory_space<vmem>>, vector<1x16xf32>,
        %get3A_52 = arith.index_cast %scan3A_37 : i32 to index
        %get3A_53 = arith.constant 16 : index
        %get3A_54 = tpu.vector_load %arg8[%get3A_52, %get3A_53] {strides = array<i32>} : memref<200x128xf32, #tpu.memory_space<vmem>>, vector<1x16xf32>,
        %get3A_55 = vector.shape_cast %get3A_54 : vector<1x16xf32> to vector<16xf32>
        %neg3A_56 = arith.constant 0.000000e+00 : f32
        %neg3A_57 = vector.broadcast %neg3A_56 : f32 to vector<16xf32>
        %neg3A_58 = arith.subf %neg3A_57, %get3A_55 : vector<16xf32>
        %exp3A_59 = math.exp %neg3A_58 : vector<16xf32>
        %add3A_60 = arith.constant 1.000000e+00 : f32
        %add3A_61 = vector.broadcast %add3A_60 : f32 to vector<16xf32>
        %add3A_62 = arith.addf %add3A_61, %exp3A_59 : vector<16xf32>
        %div3A_63 = arith.constant 1.000000e+00 : f32
        %div3A_64 = vector.broadcast %div3A_63 : f32 to vector<16xf32>
        %div3A_65 = arith.divf %div3A_64, %add3A_62 : vector<16xf32>
        %swap3A_66 = arith.index_cast %scan3A_37 : i32 to index
        %swap3A_67 = arith.constant 16 : index
        %swap3A_68 = tpu.vector_load %arg8[%swap3A_66, %swap3A_67] {strides = array<i32>} : memref<200x128xf32, #tpu.memory_space<vmem>>, vector<1x16xf32>,
        %swap3A_69 = vector.shape_cast %swap3A_68 : vector<1x16xf32> to vector<16xf32>
        %swap3A_70 = vector.shape_cast %div3A_65 : vector<16xf32> to vector<1x16xf32>
        tpu.vector_store %arg8[%swap3A_66, %swap3A_67], %swap3A_70 {strides = array<i32>} : memref<200x128xf32, #tpu.memory_space<vmem>>, vector<1x16xf32>,
        %get3A_71 = arith.index_cast %scan3A_37 : i32 to index
        %get3A_72 = arith.constant 32 : index
        %get3A_73 = tpu.vector_load %arg8[%get3A_71, %get3A_72] {strides = array<i32>} : memref<200x128xf32, #tpu.memory_space<vmem>>, vector<1x16xf32>,
        %get3A_74 = vector.shape_cast %get3A_73 : vector<1x16xf32> to vector<16xf32>
        %neg3A_75 = arith.constant 0.000000e+00 : f32
        %neg3A_76 = vector.broadcast %neg3A_75 : f32 to vector<16xf32>
        %neg3A_77 = arith.subf %neg3A_76, %get3A_74 : vector<16xf32>
        %exp3A_78 = math.exp %neg3A_77 : vector<16xf32>
        %add3A_79 = arith.constant 1.000000e+00 : f32
        %add3A_80 = vector.broadcast %add3A_79 : f32 to vector<16xf32>
        %add3A_81 = arith.addf %add3A_80, %exp3A_78 : vector<16xf32>
        %div3A_82 = arith.constant 1.000000e+00 : f32
        %div3A_83 = vector.broadcast %div3A_82 : f32 to vector<16xf32>
        %div3A_84 = arith.divf %div3A_83, %add3A_81 : vector<16xf32>
        %swap3A_85 = arith.index_cast %scan3A_37 : i32 to index
        %swap3A_86 = arith.constant 32 : index
        %swap3A_87 = tpu.vector_load %arg8[%swap3A_85, %swap3A_86] {strides = array<i32>} : memref<200x128xf32, #tpu.memory_space<vmem>>, vector<1x16xf32>,
        %swap3A_88 = vector.shape_cast %swap3A_87 : vector<1x16xf32> to vector<16xf32>
        %swap3A_89 = vector.shape_cast %div3A_84 : vector<16xf32> to vector<1x16xf32>
        tpu.vector_store %arg8[%swap3A_85, %swap3A_86], %swap3A_89 {strides = array<i32>} : memref<200x128xf32, #tpu.memory_space<vmem>>, vector<1x16xf32>,
        %get3A_90 = arith.index_cast %scan3A_37 : i32 to index
        %get3A_91 = arith.constant 48 : index
        %get3A_92 = tpu.vector_load %arg8[%get3A_90, %get3A_91] {strides = array<i32>} : memref<200x128xf32, #tpu.memory_space<vmem>>, vector<1x16xf32>,
        %get3A_93 = vector.shape_cast %get3A_92 : vector<1x16xf32> to vector<16xf32>
        %neg3A_94 = arith.constant 0.000000e+00 : f32
        %neg3A_95 = vector.broadcast %neg3A_94 : f32 to vector<16xf32>
        %neg3A_96 = arith.subf %neg3A_95, %get3A_93 : vector<16xf32>
        %exp3A_97 = math.exp %neg3A_96 : vector<16xf32>
        %add3A_98 = arith.constant 1.000000e+00 : f32
        %add3A_99 = vector.broadcast %add3A_98 : f32 to vector<16xf32>
        %add3A_100 = arith.addf %add3A_99, %exp3A_97 : vector<16xf32>
        %div3A_101 = arith.constant 1.000000e+00 : f32
        %div3A_102 = vector.broadcast %div3A_101 : f32 to vector<16xf32>
        %div3A_103 = arith.divf %div3A_102, %add3A_100 : vector<16xf32>
        %swap3A_104 = arith.index_cast %scan3A_37 : i32 to index
        %swap3A_105 = arith.constant 48 : index
        %swap3A_106 = tpu.vector_load %arg8[%swap3A_104, %swap3A_105] {strides = array<i32>} : memref<200x128xf32, #tpu.memory_space<vmem>>, vector<1x16xf32>,
        %swap3A_107 = vector.shape_cast %swap3A_106 : vector<1x16xf32> to vector<16xf32>
        %swap3A_108 = vector.shape_cast %div3A_103 : vector<16xf32> to vector<1x16xf32>
        tpu.vector_store %arg8[%swap3A_104, %swap3A_105], %swap3A_108 {strides = array<i32>} : memref<200x128xf32, #tpu.memory_space<vmem>>, vector<1x16xf32>,
        %get3A_109 = arith.index_cast %scan3A_37 : i32 to index
        %get3A_110 = arith.constant 64 : index
        %get3A_111 = tpu.vector_load %arg8[%get3A_109, %get3A_110] {strides = array<i32>} : memref<200x128xf32, #tpu.memory_space<vmem>>, vector<1x16xf32>,
        %get3A_112 = vector.shape_cast %get3A_111 : vector<1x16xf32> to vector<16xf32>
        %neg3A_113 = arith.constant 0.000000e+00 : f32
        %neg3A_114 = vector.broadcast %neg3A_113 : f32 to vector<16xf32>
        %neg3A_115 = arith.subf %neg3A_114, %get3A_112 : vector<16xf32>
        %exp3A_116 = math.exp %neg3A_115 : vector<16xf32>
        %add3A_117 = arith.constant 1.000000e+00 : f32
        %add3A_118 = vector.broadcast %add3A_117 : f32 to vector<16xf32>
        %add3A_119 = arith.addf %add3A_118, %exp3A_116 : vector<16xf32>
        %div3A_120 = arith.constant 1.000000e+00 : f32
        %div3A_121 = vector.broadcast %div3A_120 : f32 to vector<16xf32>
        %div3A_122 = arith.divf %div3A_121, %add3A_119 : vector<16xf32>
        %swap3A_123 = arith.index_cast %scan3A_37 : i32 to index
        %swap3A_124 = arith.constant 64 : index
        %swap3A_125 = tpu.vector_load %arg8[%swap3A_123, %swap3A_124] {strides = array<i32>} : memref<200x128xf32, #tpu.memory_space<vmem>>, vector<1x16xf32>,
        %swap3A_126 = vector.shape_cast %swap3A_125 : vector<1x16xf32> to vector<16xf32>
        %swap3A_127 = vector.shape_cast %div3A_122 : vector<16xf32> to vector<1x16xf32>
        tpu.vector_store %arg8[%swap3A_123, %swap3A_124], %swap3A_127 {strides = array<i32>} : memref<200x128xf32, #tpu.memory_space<vmem>>, vector<1x16xf32>,
        %get3A_128 = arith.index_cast %scan3A_37 : i32 to index
        %get3A_129 = arith.constant 80 : index
        %get3A_130 = tpu.vector_load %arg8[%get3A_128, %get3A_129] {strides = array<i32>} : memref<200x128xf32, #tpu.memory_space<vmem>>, vector<1x16xf32>,
        %get3A_131 = vector.shape_cast %get3A_130 : vector<1x16xf32> to vector<16xf32>
        %neg3A_132 = arith.constant 0.000000e+00 : f32
        %neg3A_133 = vector.broadcast %neg3A_132 : f32 to vector<16xf32>
        %neg3A_134 = arith.subf %neg3A_133, %get3A_131 : vector<16xf32>
        %exp3A_135 = math.exp %neg3A_134 : vector<16xf32>
        %add3A_136 = arith.constant 1.000000e+00 : f32
        %add3A_137 = vector.broadcast %add3A_136 : f32 to vector<16xf32>
        %add3A_138 = arith.addf %add3A_137, %exp3A_135 : vector<16xf32>
        %div3A_139 = arith.constant 1.000000e+00 : f32
        %div3A_140 = vector.broadcast %div3A_139 : f32 to vector<16xf32>
        %div3A_141 = arith.divf %div3A_140, %add3A_138 : vector<16xf32>
        %swap3A_142 = arith.index_cast %scan3A_37 : i32 to index
        %swap3A_143 = arith.constant 80 : index
        %swap3A_144 = tpu.vector_load %arg8[%swap3A_142, %swap3A_143] {strides = array<i32>} : memref<200x128xf32, #tpu.memory_space<vmem>>, vector<1x16xf32>,
        %swap3A_145 = vector.shape_cast %swap3A_144 : vector<1x16xf32> to vector<16xf32>
        %swap3A_146 = vector.shape_cast %div3A_141 : vector<16xf32> to vector<1x16xf32>
        tpu.vector_store %arg8[%swap3A_142, %swap3A_143], %swap3A_146 {strides = array<i32>} : memref<200x128xf32, #tpu.memory_space<vmem>>, vector<1x16xf32>,
        %get3A_147 = arith.index_cast %scan3A_37 : i32 to index
        %get3A_148 = arith.constant 96 : index
        %get3A_149 = tpu.vector_load %arg8[%get3A_147, %get3A_148] {strides = array<i32>} : memref<200x128xf32, #tpu.memory_space<vmem>>, vector<1x16xf32>,
        %get3A_150 = vector.shape_cast %get3A_149 : vector<1x16xf32> to vector<16xf32>
        %neg3A_151 = arith.constant 0.000000e+00 : f32
        %neg3A_152 = vector.broadcast %neg3A_151 : f32 to vector<16xf32>
        %neg3A_153 = arith.subf %neg3A_152, %get3A_150 : vector<16xf32>
        %exp3A_154 = math.exp %neg3A_153 : vector<16xf32>
        %add3A_155 = arith.constant 1.000000e+00 : f32
        %add3A_156 = vector.broadcast %add3A_155 : f32 to vector<16xf32>
        %add3A_157 = arith.addf %add3A_156, %exp3A_154 : vector<16xf32>
        %div3A_158 = arith.constant 1.000000e+00 : f32
        %div3A_159 = vector.broadcast %div3A_158 : f32 to vector<16xf32>
        %div3A_160 = arith.divf %div3A_159, %add3A_157 : vector<16xf32>
        %swap3A_161 = arith.index_cast %scan3A_37 : i32 to index
        %swap3A_162 = arith.constant 96 : index
        %swap3A_163 = tpu.vector_load %arg8[%swap3A_161, %swap3A_162] {strides = array<i32>} : memref<200x128xf32, #tpu.memory_space<vmem>>, vector<1x16xf32>,
        %swap3A_164 = vector.shape_cast %swap3A_163 : vector<1x16xf32> to vector<16xf32>
        %swap3A_165 = vector.shape_cast %div3A_160 : vector<16xf32> to vector<1x16xf32>
        tpu.vector_store %arg8[%swap3A_161, %swap3A_162], %swap3A_165 {strides = array<i32>} : memref<200x128xf32, #tpu.memory_space<vmem>>, vector<1x16xf32>,
        %get3A_166 = arith.index_cast %scan3A_37 : i32 to index
        %get3A_167 = arith.constant 112 : index
        %get3A_168 = tpu.vector_load %arg8[%get3A_166, %get3A_167] {strides = array<i32>} : memref<200x128xf32, #tpu.memory_space<vmem>>, vector<1x16xf32>,
        %get3A_169 = vector.shape_cast %get3A_168 : vector<1x16xf32> to vector<16xf32>
        %neg3A_170 = arith.constant 0.000000e+00 : f32
        %neg3A_171 = vector.broadcast %neg3A_170 : f32 to vector<16xf32>
        %neg3A_172 = arith.subf %neg3A_171, %get3A_169 : vector<16xf32>
        %exp3A_173 = math.exp %neg3A_172 : vector<16xf32>
        %add3A_174 = arith.constant 1.000000e+00 : f32
        %add3A_175 = vector.broadcast %add3A_174 : f32 to vector<16xf32>
        %add3A_176 = arith.addf %add3A_175, %exp3A_173 : vector<16xf32>
        %div3A_177 = arith.constant 1.000000e+00 : f32
        %div3A_178 = vector.broadcast %div3A_177 : f32 to vector<16xf32>
        %div3A_179 = arith.divf %div3A_178, %add3A_176 : vector<16xf32>
        %swap3A_180 = arith.index_cast %scan3A_37 : i32 to index
        %swap3A_181 = arith.constant 112 : index
        %swap3A_182 = tpu.vector_load %arg8[%swap3A_180, %swap3A_181] {strides = array<i32>} : memref<200x128xf32, #tpu.memory_space<vmem>>, vector<1x16xf32>,
        %swap3A_183 = vector.shape_cast %swap3A_182 : vector<1x16xf32> to vector<16xf32>
        %swap3A_184 = vector.shape_cast %div3A_179 : vector<16xf32> to vector<1x16xf32>
        tpu.vector_store %arg8[%swap3A_180, %swap3A_181], %swap3A_184 {strides = array<i32>} : memref<200x128xf32, #tpu.memory_space<vmem>>, vector<1x16xf32>,
      }
      %scan3A_30 = arith.constant 200 : i32
      %dma_start3A_31 = arith.constant 0 : i32
      %dma_start3A_32 = arith.constant 0 : i32
      %dma_start3A_33 = tpu.memref_slice %arg6[%dma_start3A_31, %dma_start3A_32] : memref<10112x128xf32, #tpu.memory_space<vmem_shared>> -> memref<10112x128xf32, #tpu.memory_space<vmem_shared>>
      tpu.enqueue_indirect_dma source(%arg8 : memref<200x128xf32, #tpu.memory_space<vmem>>) target(%dma_start3A_33 : memref<10112x128xf32, #tpu.memory_space<vmem_shared>>) offsets(%arg7 : memref<200xi32, #tpu.memory_space<vmem>>) semaphore(%arg9 : memref<!tpu.dma_semaphore, #tpu.memory_space<semaphore_mem>>) {add = true}
      %dma_wait3A_34 = arith.constant 0 : i32
      %dma_wait3A_35 = arith.constant 0 : i32
      %dma_wait3A_36 = tpu.memref_slice %arg6[%dma_wait3A_34, %dma_wait3A_35] : memref<10112x128xf32, #tpu.memory_space<vmem_shared>> -> memref<10112x128xf32, #tpu.memory_space<vmem_shared>>
      tpu.wait_indirect_dma semaphore(%arg9 : memref<!tpu.dma_semaphore, #tpu.memory_space<semaphore_mem>>) src(%arg8 : memref<200x128xf32, #tpu.memory_space<vmem>>) dst(%dma_wait3A_36 : memref<10112x128xf32, #tpu.memory_space<vmem_shared>>)
    }
    %scan3A_9 = arith.constant 50 : i32
    %barrier3A_10 = arith.constant 0 : index
    tpu.barrier barrier_id(%barrier3A_10)
    "tpu.region"() ({
      %run_scoped3A = tpu.sem_alloc : memref<!tpu.dma_semaphore, #tpu.memory_space<semaphore_mem>>
      %dma_start3A = arith.constant 0 : i32
      %dma_start3A_11 = tpu.memref_slice %arg5[%arg0, %mul3A_2, %dma_start3A] : memref<2x10112x128xf32, #tpu.memory_space<hbm>> -> memref<1x632x128xf32, #tpu.memory_space<hbm>>
      %dma_start3A_12 = tpu.memref_squeeze %dma_start3A_11 : memref<1x632x128xf32, #tpu.memory_space<hbm>> -> memref<632x128xf32, #tpu.memory_space<hbm>>
      %dma_start3A_13 = arith.constant 0 : i32
      %dma_start3A_14 = tpu.memref_slice %arg6[%mul3A_2, %dma_start3A_13] : memref<10112x128xf32, #tpu.memory_space<vmem_shared>> -> memref<632x128xf32, #tpu.memory_space<vmem_shared>>
      tpu.enqueue_dma source(%dma_start3A_14 : memref<632x128xf32, #tpu.memory_space<vmem_shared>>) target(%dma_start3A_12 : memref<632x128xf32, #tpu.memory_space<hbm>>) target_semaphore(%run_scoped3A : memref<!tpu.dma_semaphore, #tpu.memory_space<semaphore_mem>>)
      %dma_wait3A = arith.constant 0 : i32
      %dma_wait3A_15 = tpu.memref_slice %arg5[%arg0, %mul3A_2, %dma_wait3A] : memref<2x10112x128xf32, #tpu.memory_space<hbm>> -> memref<1x632x128xf32, #tpu.memory_space<hbm>>
      %dma_wait3A_16 = tpu.memref_squeeze %dma_wait3A_15 : memref<1x632x128xf32, #tpu.memory_space<hbm>> -> memref<632x128xf32, #tpu.memory_space<hbm>>
      %dma_wait3A_17 = arith.constant 0 : i32
      %dma_wait3A_18 = tpu.memref_slice %arg6[%mul3A_2, %dma_wait3A_17] : memref<10112x128xf32, #tpu.memory_space<vmem_shared>> -> memref<632x128xf32, #tpu.memory_space<vmem_shared>>
      tpu.wait_dma2 semaphore(%run_scoped3A : memref<!tpu.dma_semaphore, #tpu.memory_space<semaphore_mem>>) src(%dma_wait3A_18 : memref<632x128xf32, #tpu.memory_space<vmem_shared>>) dst(%dma_wait3A_16 : memref<632x128xf32, #tpu.memory_space<hbm>>)
      tpu.yield
    }) : () -> ()
    return
  }
}

#map = affine_map<(d0, d1) -> (0, 0)>
#map1 = affine_map<(d0, d1) -> (0)>
#map2 = affine_map<(d0, d1) -> (0, 0, 0)>
module attributes {stable_mosaic.version = 14 : i64} {
  func.func @body(%arg0: i32, %arg1: i32, %arg2: memref<10000x128xf32, #tpu.memory_space<hbm>>, %arg3: memref<10000x128xf32, #tpu.memory_space<hbm>>, %arg4: memref<10000x128xf32, #tpu.memory_space<hbm>>, %arg5: memref<320000x128xf32, #tpu.memory_space<hbm>>, %arg6: memref<320000xi32, #tpu.memory_space<hbm>>, %arg7: memref<320000xi32, #tpu.memory_space<hbm>>, %arg8: memref<10112x128xf32, #tpu.memory_space<hbm>>, %arg9: memref<2x10112x128xf32, #tpu.memory_space<hbm>>, %arg10: memref<320000x128xf32, #tpu.memory_space<hbm>>, %arg11: memref<10112x128xf32, #tpu.memory_space<vmem_shared>>, %arg12: memref<80xi32, #tpu.memory_space<vmem>>, %arg13: memref<80xi32, #tpu.memory_space<vmem>>, %arg14: memref<80x128xf32, #tpu.memory_space<vmem>>, %arg15: memref<80x128xf32, #tpu.memory_space<vmem>>, %arg16: memref<80x128xf32, #tpu.memory_space<vmem>>, %arg17: memref<80x128xf32, #tpu.memory_space<vmem>>, %arg18: memref<!tpu.dma_semaphore, #tpu.memory_space<semaphore_mem>>, %arg19: memref<!tpu.dma_semaphore, #tpu.memory_space<semaphore_mem>>) attributes {dimension_semantics = [#tpu.dimension_semantics<core_parallel>, #tpu.dimension_semantics<subcore_parallel>], iteration_bounds = array<i64: 2, 16>, scalar_prefetch = 0 : i64, scratch_operands = 9 : i64, tpu.core_type = #tpu.core_type<sc_vector_subcore>, window_params = [{transform_indices = #map}, {transform_indices = #map}, {transform_indices = #map}, {transform_indices = #map}, {transform_indices = #map1}, {transform_indices = #map1}, {transform_indices = #map}, {transform_indices = #map2}, {transform_indices = #map}]} {
    %mul3A = arith.constant 16 : i32
    %mul3A_0 = arith.muli %arg0, %mul3A : i32
    %add3A = arith.addi %mul3A_0, %arg1 : i32
    %mul3A_1 = arith.constant 632 : i32
    %mul3A_2 = arith.muli %arg1, %mul3A_1 : i32
    "tpu.region"() ({
      %run_scoped3A = tpu.sem_alloc : memref<!tpu.dma_semaphore, #tpu.memory_space<semaphore_mem>>
      %dma_start3A = arith.constant 0 : i32
      %dma_start3A_11 = tpu.memref_slice %arg11[%mul3A_2, %dma_start3A] : memref<10112x128xf32, #tpu.memory_space<vmem_shared>> -> memref<632x128xf32, #tpu.memory_space<vmem_shared>>
      %dma_start3A_12 = arith.constant 0 : i32
      %dma_start3A_13 = tpu.memref_slice %arg8[%mul3A_2, %dma_start3A_12] : memref<10112x128xf32, #tpu.memory_space<hbm>> -> memref<632x128xf32, #tpu.memory_space<hbm>>
      tpu.enqueue_dma source(%dma_start3A_13 : memref<632x128xf32, #tpu.memory_space<hbm>>) target(%dma_start3A_11 : memref<632x128xf32, #tpu.memory_space<vmem_shared>>) target_semaphore(%run_scoped3A : memref<!tpu.dma_semaphore, #tpu.memory_space<semaphore_mem>>)
      %dma_wait3A = arith.constant 0 : i32
      %dma_wait3A_14 = tpu.memref_slice %arg11[%mul3A_2, %dma_wait3A] : memref<10112x128xf32, #tpu.memory_space<vmem_shared>> -> memref<632x128xf32, #tpu.memory_space<vmem_shared>>
      %dma_wait3A_15 = arith.constant 0 : i32
      %dma_wait3A_16 = tpu.memref_slice %arg8[%mul3A_2, %dma_wait3A_15] : memref<10112x128xf32, #tpu.memory_space<hbm>> -> memref<632x128xf32, #tpu.memory_space<hbm>>
      tpu.wait_dma2 semaphore(%run_scoped3A : memref<!tpu.dma_semaphore, #tpu.memory_space<semaphore_mem>>) src(%dma_wait3A_16 : memref<632x128xf32, #tpu.memory_space<hbm>>) dst(%dma_wait3A_14 : memref<632x128xf32, #tpu.memory_space<vmem_shared>>)
      tpu.yield
    }) : () -> ()
    %barrier3A = arith.constant 0 : index
    tpu.barrier barrier_id(%barrier3A)
    %mul3A_3 = arith.constant 10000 : i32
    %mul3A_4 = arith.muli %add3A, %mul3A_3 : i32
    %scan3A = arith.constant 0 : i32
    %scan3A_5 = arith.constant 0 : i32
    %scan3A_6 = arith.constant 125 : i32
    %scan3A_7 = arith.addi %scan3A_5, %scan3A_6 : i32
    %scan3A_8 = arith.constant 1 : i32
    scf.for %scan3A_11 = %scan3A_5 to %scan3A_7 step %scan3A_8  : i32 {
      %mul3A_12 = arith.constant 80 : i32
      %mul3A_13 = arith.muli %scan3A_11, %mul3A_12 : i32
      %add3A_14 = arith.addi %mul3A_4, %mul3A_13 : i32
      %dma_start3A = tpu.memref_slice %arg6[%add3A_14] : memref<320000xi32, #tpu.memory_space<hbm>> -> memref<80xi32, #tpu.memory_space<hbm>>
      %dma_start3A_15 = tpu.memref_slice %arg6[%add3A_14] : memref<320000xi32, #tpu.memory_space<hbm>> -> memref<80xi32, #tpu.memory_space<hbm>>
      tpu.enqueue_dma source(%dma_start3A_15 : memref<80xi32, #tpu.memory_space<hbm>>) target(%arg12 : memref<80xi32, #tpu.memory_space<vmem>>) target_semaphore(%arg18 : memref<!tpu.dma_semaphore, #tpu.memory_space<semaphore_mem>>)
      %dma_start3A_16 = tpu.memref_slice %arg7[%add3A_14] : memref<320000xi32, #tpu.memory_space<hbm>> -> memref<80xi32, #tpu.memory_space<hbm>>
      %dma_start3A_17 = tpu.memref_slice %arg7[%add3A_14] : memref<320000xi32, #tpu.memory_space<hbm>> -> memref<80xi32, #tpu.memory_space<hbm>>
      tpu.enqueue_dma source(%dma_start3A_17 : memref<80xi32, #tpu.memory_space<hbm>>) target(%arg13 : memref<80xi32, #tpu.memory_space<vmem>>) target_semaphore(%arg18 : memref<!tpu.dma_semaphore, #tpu.memory_space<semaphore_mem>>)
      %dma_start3A_18 = arith.constant 0 : i32
      %dma_start3A_19 = tpu.memref_slice %arg5[%add3A_14, %dma_start3A_18] : memref<320000x128xf32, #tpu.memory_space<hbm>> -> memref<80x128xf32, #tpu.memory_space<hbm>>
      %dma_start3A_20 = arith.constant 0 : i32
      %dma_start3A_21 = tpu.memref_slice %arg5[%add3A_14, %dma_start3A_20] : memref<320000x128xf32, #tpu.memory_space<hbm>> -> memref<80x128xf32, #tpu.memory_space<hbm>>
      tpu.enqueue_dma source(%dma_start3A_21 : memref<80x128xf32, #tpu.memory_space<hbm>>) target(%arg17 : memref<80x128xf32, #tpu.memory_space<vmem>>) target_semaphore(%arg19 : memref<!tpu.dma_semaphore, #tpu.memory_space<semaphore_mem>>)
      %dma_wait3A = tpu.memref_slice %arg6[%add3A_14] : memref<320000xi32, #tpu.memory_space<hbm>> -> memref<80xi32, #tpu.memory_space<hbm>>
      %dma_wait3A_22 = tpu.memref_slice %arg6[%add3A_14] : memref<320000xi32, #tpu.memory_space<hbm>> -> memref<80xi32, #tpu.memory_space<hbm>>
      tpu.wait_dma2 semaphore(%arg18 : memref<!tpu.dma_semaphore, #tpu.memory_space<semaphore_mem>>) src(%dma_wait3A_22 : memref<80xi32, #tpu.memory_space<hbm>>) dst(%arg12 : memref<80xi32, #tpu.memory_space<vmem>>)
      %dma_wait3A_23 = tpu.memref_slice %arg7[%add3A_14] : memref<320000xi32, #tpu.memory_space<hbm>> -> memref<80xi32, #tpu.memory_space<hbm>>
      %dma_wait3A_24 = tpu.memref_slice %arg7[%add3A_14] : memref<320000xi32, #tpu.memory_space<hbm>> -> memref<80xi32, #tpu.memory_space<hbm>>
      tpu.wait_dma2 semaphore(%arg18 : memref<!tpu.dma_semaphore, #tpu.memory_space<semaphore_mem>>) src(%dma_wait3A_24 : memref<80xi32, #tpu.memory_space<hbm>>) dst(%arg13 : memref<80xi32, #tpu.memory_space<vmem>>)
      %dma_start3A_25 = arith.constant 0 : i32
      %dma_start3A_26 = arith.constant 0 : i32
      %dma_start3A_27 = tpu.memref_slice %arg2[%dma_start3A_25, %dma_start3A_26] : memref<10000x128xf32, #tpu.memory_space<hbm>> -> memref<10000x128xf32, #tpu.memory_space<hbm>>
      tpu.enqueue_indirect_dma source(%dma_start3A_27 : memref<10000x128xf32, #tpu.memory_space<hbm>>) target(%arg14 : memref<80x128xf32, #tpu.memory_space<vmem>>) offsets(%arg12 : memref<80xi32, #tpu.memory_space<vmem>>) semaphore(%arg18 : memref<!tpu.dma_semaphore, #tpu.memory_space<semaphore_mem>>)
      %dma_start3A_28 = arith.constant 0 : i32
      %dma_start3A_29 = arith.constant 0 : i32
      %dma_start3A_30 = tpu.memref_slice %arg3[%dma_start3A_28, %dma_start3A_29] : memref<10000x128xf32, #tpu.memory_space<hbm>> -> memref<10000x128xf32, #tpu.memory_space<hbm>>
      tpu.enqueue_indirect_dma source(%dma_start3A_30 : memref<10000x128xf32, #tpu.memory_space<hbm>>) target(%arg15 : memref<80x128xf32, #tpu.memory_space<vmem>>) offsets(%arg12 : memref<80xi32, #tpu.memory_space<vmem>>) semaphore(%arg18 : memref<!tpu.dma_semaphore, #tpu.memory_space<semaphore_mem>>)
      %dma_start3A_31 = arith.constant 0 : i32
      %dma_start3A_32 = arith.constant 0 : i32
      %dma_start3A_33 = tpu.memref_slice %arg4[%dma_start3A_31, %dma_start3A_32] : memref<10000x128xf32, #tpu.memory_space<hbm>> -> memref<10000x128xf32, #tpu.memory_space<hbm>>
      tpu.enqueue_indirect_dma source(%dma_start3A_33 : memref<10000x128xf32, #tpu.memory_space<hbm>>) target(%arg16 : memref<80x128xf32, #tpu.memory_space<vmem>>) offsets(%arg13 : memref<80xi32, #tpu.memory_space<vmem>>) semaphore(%arg18 : memref<!tpu.dma_semaphore, #tpu.memory_space<semaphore_mem>>)
      %dma_wait3A_34 = arith.constant 0 : i32
      %dma_wait3A_35 = tpu.memref_slice %arg5[%add3A_14, %dma_wait3A_34] : memref<320000x128xf32, #tpu.memory_space<hbm>> -> memref<80x128xf32, #tpu.memory_space<hbm>>
      %dma_wait3A_36 = arith.constant 0 : i32
      %dma_wait3A_37 = tpu.memref_slice %arg5[%add3A_14, %dma_wait3A_36] : memref<320000x128xf32, #tpu.memory_space<hbm>> -> memref<80x128xf32, #tpu.memory_space<hbm>>
      tpu.wait_dma2 semaphore(%arg19 : memref<!tpu.dma_semaphore, #tpu.memory_space<semaphore_mem>>) src(%dma_wait3A_37 : memref<80x128xf32, #tpu.memory_space<hbm>>) dst(%arg17 : memref<80x128xf32, #tpu.memory_space<vmem>>)
      %dma_wait3A_38 = arith.constant 0 : i32
      %dma_wait3A_39 = arith.constant 0 : i32
      %dma_wait3A_40 = tpu.memref_slice %arg2[%dma_wait3A_38, %dma_wait3A_39] : memref<10000x128xf32, #tpu.memory_space<hbm>> -> memref<10000x128xf32, #tpu.memory_space<hbm>>
      tpu.wait_indirect_dma semaphore(%arg18 : memref<!tpu.dma_semaphore, #tpu.memory_space<semaphore_mem>>) src(%dma_wait3A_40 : memref<10000x128xf32, #tpu.memory_space<hbm>>) dst(%arg14 : memref<80x128xf32, #tpu.memory_space<vmem>>)
      %dma_wait3A_41 = arith.constant 0 : i32
      %dma_wait3A_42 = arith.constant 0 : i32
      %dma_wait3A_43 = tpu.memref_slice %arg3[%dma_wait3A_41, %dma_wait3A_42] : memref<10000x128xf32, #tpu.memory_space<hbm>> -> memref<10000x128xf32, #tpu.memory_space<hbm>>
      tpu.wait_indirect_dma semaphore(%arg18 : memref<!tpu.dma_semaphore, #tpu.memory_space<semaphore_mem>>) src(%dma_wait3A_43 : memref<10000x128xf32, #tpu.memory_space<hbm>>) dst(%arg15 : memref<80x128xf32, #tpu.memory_space<vmem>>)
      %dma_wait3A_44 = arith.constant 0 : i32
      %dma_wait3A_45 = arith.constant 0 : i32
      %dma_wait3A_46 = tpu.memref_slice %arg4[%dma_wait3A_44, %dma_wait3A_45] : memref<10000x128xf32, #tpu.memory_space<hbm>> -> memref<10000x128xf32, #tpu.memory_space<hbm>>
      tpu.wait_indirect_dma semaphore(%arg18 : memref<!tpu.dma_semaphore, #tpu.memory_space<semaphore_mem>>) src(%dma_wait3A_46 : memref<10000x128xf32, #tpu.memory_space<hbm>>) dst(%arg16 : memref<80x128xf32, #tpu.memory_space<vmem>>)
      %scan3A_47 = arith.constant 0 : i32
      %scan3A_48 = arith.constant 0 : i32
      %scan3A_49 = arith.constant 80 : i32
      %scan3A_50 = arith.addi %scan3A_48, %scan3A_49 : i32
      %scan3A_51 = arith.constant 1 : i32
      scf.for %scan3A_67 = %scan3A_48 to %scan3A_50 step %scan3A_51  : i32 {
        %get3A = arith.index_cast %scan3A_67 : i32 to index
        %get3A_68 = arith.constant 0 : index
        %get3A_69 = tpu.vector_load %arg14[%get3A, %get3A_68] {strides = array<i32>} : memref<80x128xf32, #tpu.memory_space<vmem>>, vector<1x16xf32>,
        %get3A_70 = vector.shape_cast %get3A_69 : vector<1x16xf32> to vector<16xf32>
        %get3A_71 = arith.index_cast %scan3A_67 : i32 to index
        %get3A_72 = arith.constant 0 : index
        %get3A_73 = tpu.vector_load %arg16[%get3A_71, %get3A_72] {strides = array<i32>} : memref<80x128xf32, #tpu.memory_space<vmem>>, vector<1x16xf32>,
        %get3A_74 = vector.shape_cast %get3A_73 : vector<1x16xf32> to vector<16xf32>
        %add3A_75 = arith.addf %get3A_70, %get3A_74 : vector<16xf32>
        %get3A_76 = arith.index_cast %scan3A_67 : i32 to index
        %get3A_77 = arith.constant 0 : index
        %get3A_78 = tpu.vector_load %arg17[%get3A_76, %get3A_77] {strides = array<i32>} : memref<80x128xf32, #tpu.memory_space<vmem>>, vector<1x16xf32>,
        %get3A_79 = vector.shape_cast %get3A_78 : vector<1x16xf32> to vector<16xf32>
        %add3A_80 = arith.addf %add3A_75, %get3A_79 : vector<16xf32>
        %neg3A = arith.constant 0.000000e+00 : f32
        %neg3A_81 = vector.broadcast %neg3A : f32 to vector<16xf32>
        %neg3A_82 = arith.subf %neg3A_81, %add3A_80 : vector<16xf32>
        %exp3A = math.exp %neg3A_82 : vector<16xf32>
        %add3A_83 = arith.constant 1.000000e+00 : f32
        %add3A_84 = vector.broadcast %add3A_83 : f32 to vector<16xf32>
        %add3A_85 = arith.addf %add3A_84, %exp3A : vector<16xf32>
        %div3A = arith.constant 1.000000e+00 : f32
        %div3A_86 = vector.broadcast %div3A : f32 to vector<16xf32>
        %div3A_87 = arith.divf %div3A_86, %add3A_85 : vector<16xf32>
        %get3A_88 = arith.index_cast %scan3A_67 : i32 to index
        %get3A_89 = arith.constant 0 : index
        %get3A_90 = tpu.vector_load %arg15[%get3A_88, %get3A_89] {strides = array<i32>} : memref<80x128xf32, #tpu.memory_space<vmem>>, vector<1x16xf32>,
        %get3A_91 = vector.shape_cast %get3A_90 : vector<1x16xf32> to vector<16xf32>
        %mul3A_92 = arith.mulf %div3A_87, %get3A_91 : vector<16xf32>
        %swap3A = arith.index_cast %scan3A_67 : i32 to index
        %swap3A_93 = arith.constant 0 : index
        %swap3A_94 = tpu.vector_load %arg14[%swap3A, %swap3A_93] {strides = array<i32>} : memref<80x128xf32, #tpu.memory_space<vmem>>, vector<1x16xf32>,
        %swap3A_95 = vector.shape_cast %swap3A_94 : vector<1x16xf32> to vector<16xf32>
        %swap3A_96 = vector.shape_cast %mul3A_92 : vector<16xf32> to vector<1x16xf32>
        tpu.vector_store %arg14[%swap3A, %swap3A_93], %swap3A_96 {strides = array<i32>} : memref<80x128xf32, #tpu.memory_space<vmem>>, vector<1x16xf32>,
        %swap3A_97 = arith.index_cast %scan3A_67 : i32 to index
        %swap3A_98 = arith.constant 0 : index
        %swap3A_99 = tpu.vector_load %arg17[%swap3A_97, %swap3A_98] {strides = array<i32>} : memref<80x128xf32, #tpu.memory_space<vmem>>, vector<1x16xf32>,
        %swap3A_100 = vector.shape_cast %swap3A_99 : vector<1x16xf32> to vector<16xf32>
        %swap3A_101 = vector.shape_cast %add3A_80 : vector<16xf32> to vector<1x16xf32>
        tpu.vector_store %arg17[%swap3A_97, %swap3A_98], %swap3A_101 {strides = array<i32>} : memref<80x128xf32, #tpu.memory_space<vmem>>, vector<1x16xf32>,
        %get3A_102 = arith.index_cast %scan3A_67 : i32 to index
        %get3A_103 = arith.constant 16 : index
        %get3A_104 = tpu.vector_load %arg14[%get3A_102, %get3A_103] {strides = array<i32>} : memref<80x128xf32, #tpu.memory_space<vmem>>, vector<1x16xf32>,
        %get3A_105 = vector.shape_cast %get3A_104 : vector<1x16xf32> to vector<16xf32>
        %get3A_106 = arith.index_cast %scan3A_67 : i32 to index
        %get3A_107 = arith.constant 16 : index
        %get3A_108 = tpu.vector_load %arg16[%get3A_106, %get3A_107] {strides = array<i32>} : memref<80x128xf32, #tpu.memory_space<vmem>>, vector<1x16xf32>,
        %get3A_109 = vector.shape_cast %get3A_108 : vector<1x16xf32> to vector<16xf32>
        %add3A_110 = arith.addf %get3A_105, %get3A_109 : vector<16xf32>
        %get3A_111 = arith.index_cast %scan3A_67 : i32 to index
        %get3A_112 = arith.constant 16 : index
        %get3A_113 = tpu.vector_load %arg17[%get3A_111, %get3A_112] {strides = array<i32>} : memref<80x128xf32, #tpu.memory_space<vmem>>, vector<1x16xf32>,
        %get3A_114 = vector.shape_cast %get3A_113 : vector<1x16xf32> to vector<16xf32>
        %add3A_115 = arith.addf %add3A_110, %get3A_114 : vector<16xf32>
        %neg3A_116 = arith.constant 0.000000e+00 : f32
        %neg3A_117 = vector.broadcast %neg3A_116 : f32 to vector<16xf32>
        %neg3A_118 = arith.subf %neg3A_117, %add3A_115 : vector<16xf32>
        %exp3A_119 = math.exp %neg3A_118 : vector<16xf32>
        %add3A_120 = arith.constant 1.000000e+00 : f32
        %add3A_121 = vector.broadcast %add3A_120 : f32 to vector<16xf32>
        %add3A_122 = arith.addf %add3A_121, %exp3A_119 : vector<16xf32>
        %div3A_123 = arith.constant 1.000000e+00 : f32
        %div3A_124 = vector.broadcast %div3A_123 : f32 to vector<16xf32>
        %div3A_125 = arith.divf %div3A_124, %add3A_122 : vector<16xf32>
        %get3A_126 = arith.index_cast %scan3A_67 : i32 to index
        %get3A_127 = arith.constant 16 : index
        %get3A_128 = tpu.vector_load %arg15[%get3A_126, %get3A_127] {strides = array<i32>} : memref<80x128xf32, #tpu.memory_space<vmem>>, vector<1x16xf32>,
        %get3A_129 = vector.shape_cast %get3A_128 : vector<1x16xf32> to vector<16xf32>
        %mul3A_130 = arith.mulf %div3A_125, %get3A_129 : vector<16xf32>
        %swap3A_131 = arith.index_cast %scan3A_67 : i32 to index
        %swap3A_132 = arith.constant 16 : index
        %swap3A_133 = tpu.vector_load %arg14[%swap3A_131, %swap3A_132] {strides = array<i32>} : memref<80x128xf32, #tpu.memory_space<vmem>>, vector<1x16xf32>,
        %swap3A_134 = vector.shape_cast %swap3A_133 : vector<1x16xf32> to vector<16xf32>
        %swap3A_135 = vector.shape_cast %mul3A_130 : vector<16xf32> to vector<1x16xf32>
        tpu.vector_store %arg14[%swap3A_131, %swap3A_132], %swap3A_135 {strides = array<i32>} : memref<80x128xf32, #tpu.memory_space<vmem>>, vector<1x16xf32>,
        %swap3A_136 = arith.index_cast %scan3A_67 : i32 to index
        %swap3A_137 = arith.constant 16 : index
        %swap3A_138 = tpu.vector_load %arg17[%swap3A_136, %swap3A_137] {strides = array<i32>} : memref<80x128xf32, #tpu.memory_space<vmem>>, vector<1x16xf32>,
        %swap3A_139 = vector.shape_cast %swap3A_138 : vector<1x16xf32> to vector<16xf32>
        %swap3A_140 = vector.shape_cast %add3A_115 : vector<16xf32> to vector<1x16xf32>
        tpu.vector_store %arg17[%swap3A_136, %swap3A_137], %swap3A_140 {strides = array<i32>} : memref<80x128xf32, #tpu.memory_space<vmem>>, vector<1x16xf32>,
        %get3A_141 = arith.index_cast %scan3A_67 : i32 to index
        %get3A_142 = arith.constant 32 : index
        %get3A_143 = tpu.vector_load %arg14[%get3A_141, %get3A_142] {strides = array<i32>} : memref<80x128xf32, #tpu.memory_space<vmem>>, vector<1x16xf32>,
        %get3A_144 = vector.shape_cast %get3A_143 : vector<1x16xf32> to vector<16xf32>
        %get3A_145 = arith.index_cast %scan3A_67 : i32 to index
        %get3A_146 = arith.constant 32 : index
        %get3A_147 = tpu.vector_load %arg16[%get3A_145, %get3A_146] {strides = array<i32>} : memref<80x128xf32, #tpu.memory_space<vmem>>, vector<1x16xf32>,
        %get3A_148 = vector.shape_cast %get3A_147 : vector<1x16xf32> to vector<16xf32>
        %add3A_149 = arith.addf %get3A_144, %get3A_148 : vector<16xf32>
        %get3A_150 = arith.index_cast %scan3A_67 : i32 to index
        %get3A_151 = arith.constant 32 : index
        %get3A_152 = tpu.vector_load %arg17[%get3A_150, %get3A_151] {strides = array<i32>} : memref<80x128xf32, #tpu.memory_space<vmem>>, vector<1x16xf32>,
        %get3A_153 = vector.shape_cast %get3A_152 : vector<1x16xf32> to vector<16xf32>
        %add3A_154 = arith.addf %add3A_149, %get3A_153 : vector<16xf32>
        %neg3A_155 = arith.constant 0.000000e+00 : f32
        %neg3A_156 = vector.broadcast %neg3A_155 : f32 to vector<16xf32>
        %neg3A_157 = arith.subf %neg3A_156, %add3A_154 : vector<16xf32>
        %exp3A_158 = math.exp %neg3A_157 : vector<16xf32>
        %add3A_159 = arith.constant 1.000000e+00 : f32
        %add3A_160 = vector.broadcast %add3A_159 : f32 to vector<16xf32>
        %add3A_161 = arith.addf %add3A_160, %exp3A_158 : vector<16xf32>
        %div3A_162 = arith.constant 1.000000e+00 : f32
        %div3A_163 = vector.broadcast %div3A_162 : f32 to vector<16xf32>
        %div3A_164 = arith.divf %div3A_163, %add3A_161 : vector<16xf32>
        %get3A_165 = arith.index_cast %scan3A_67 : i32 to index
        %get3A_166 = arith.constant 32 : index
        %get3A_167 = tpu.vector_load %arg15[%get3A_165, %get3A_166] {strides = array<i32>} : memref<80x128xf32, #tpu.memory_space<vmem>>, vector<1x16xf32>,
        %get3A_168 = vector.shape_cast %get3A_167 : vector<1x16xf32> to vector<16xf32>
        %mul3A_169 = arith.mulf %div3A_164, %get3A_168 : vector<16xf32>
        %swap3A_170 = arith.index_cast %scan3A_67 : i32 to index
        %swap3A_171 = arith.constant 32 : index
        %swap3A_172 = tpu.vector_load %arg14[%swap3A_170, %swap3A_171] {strides = array<i32>} : memref<80x128xf32, #tpu.memory_space<vmem>>, vector<1x16xf32>,
        %swap3A_173 = vector.shape_cast %swap3A_172 : vector<1x16xf32> to vector<16xf32>
        %swap3A_174 = vector.shape_cast %mul3A_169 : vector<16xf32> to vector<1x16xf32>
        tpu.vector_store %arg14[%swap3A_170, %swap3A_171], %swap3A_174 {strides = array<i32>} : memref<80x128xf32, #tpu.memory_space<vmem>>, vector<1x16xf32>,
        %swap3A_175 = arith.index_cast %scan3A_67 : i32 to index
        %swap3A_176 = arith.constant 32 : index
        %swap3A_177 = tpu.vector_load %arg17[%swap3A_175, %swap3A_176] {strides = array<i32>} : memref<80x128xf32, #tpu.memory_space<vmem>>, vector<1x16xf32>,
        %swap3A_178 = vector.shape_cast %swap3A_177 : vector<1x16xf32> to vector<16xf32>
        %swap3A_179 = vector.shape_cast %add3A_154 : vector<16xf32> to vector<1x16xf32>
        tpu.vector_store %arg17[%swap3A_175, %swap3A_176], %swap3A_179 {strides = array<i32>} : memref<80x128xf32, #tpu.memory_space<vmem>>, vector<1x16xf32>,
        %get3A_180 = arith.index_cast %scan3A_67 : i32 to index
        %get3A_181 = arith.constant 48 : index
        %get3A_182 = tpu.vector_load %arg14[%get3A_180, %get3A_181] {strides = array<i32>} : memref<80x128xf32, #tpu.memory_space<vmem>>, vector<1x16xf32>,
        %get3A_183 = vector.shape_cast %get3A_182 : vector<1x16xf32> to vector<16xf32>
        %get3A_184 = arith.index_cast %scan3A_67 : i32 to index
        %get3A_185 = arith.constant 48 : index
        %get3A_186 = tpu.vector_load %arg16[%get3A_184, %get3A_185] {strides = array<i32>} : memref<80x128xf32, #tpu.memory_space<vmem>>, vector<1x16xf32>,
        %get3A_187 = vector.shape_cast %get3A_186 : vector<1x16xf32> to vector<16xf32>
        %add3A_188 = arith.addf %get3A_183, %get3A_187 : vector<16xf32>
        %get3A_189 = arith.index_cast %scan3A_67 : i32 to index
        %get3A_190 = arith.constant 48 : index
        %get3A_191 = tpu.vector_load %arg17[%get3A_189, %get3A_190] {strides = array<i32>} : memref<80x128xf32, #tpu.memory_space<vmem>>, vector<1x16xf32>,
        %get3A_192 = vector.shape_cast %get3A_191 : vector<1x16xf32> to vector<16xf32>
        %add3A_193 = arith.addf %add3A_188, %get3A_192 : vector<16xf32>
        %neg3A_194 = arith.constant 0.000000e+00 : f32
        %neg3A_195 = vector.broadcast %neg3A_194 : f32 to vector<16xf32>
        %neg3A_196 = arith.subf %neg3A_195, %add3A_193 : vector<16xf32>
        %exp3A_197 = math.exp %neg3A_196 : vector<16xf32>
        %add3A_198 = arith.constant 1.000000e+00 : f32
        %add3A_199 = vector.broadcast %add3A_198 : f32 to vector<16xf32>
        %add3A_200 = arith.addf %add3A_199, %exp3A_197 : vector<16xf32>
        %div3A_201 = arith.constant 1.000000e+00 : f32
        %div3A_202 = vector.broadcast %div3A_201 : f32 to vector<16xf32>
        %div3A_203 = arith.divf %div3A_202, %add3A_200 : vector<16xf32>
        %get3A_204 = arith.index_cast %scan3A_67 : i32 to index
        %get3A_205 = arith.constant 48 : index
        %get3A_206 = tpu.vector_load %arg15[%get3A_204, %get3A_205] {strides = array<i32>} : memref<80x128xf32, #tpu.memory_space<vmem>>, vector<1x16xf32>,
        %get3A_207 = vector.shape_cast %get3A_206 : vector<1x16xf32> to vector<16xf32>
        %mul3A_208 = arith.mulf %div3A_203, %get3A_207 : vector<16xf32>
        %swap3A_209 = arith.index_cast %scan3A_67 : i32 to index
        %swap3A_210 = arith.constant 48 : index
        %swap3A_211 = tpu.vector_load %arg14[%swap3A_209, %swap3A_210] {strides = array<i32>} : memref<80x128xf32, #tpu.memory_space<vmem>>, vector<1x16xf32>,
        %swap3A_212 = vector.shape_cast %swap3A_211 : vector<1x16xf32> to vector<16xf32>
        %swap3A_213 = vector.shape_cast %mul3A_208 : vector<16xf32> to vector<1x16xf32>
        tpu.vector_store %arg14[%swap3A_209, %swap3A_210], %swap3A_213 {strides = array<i32>} : memref<80x128xf32, #tpu.memory_space<vmem>>, vector<1x16xf32>,
        %swap3A_214 = arith.index_cast %scan3A_67 : i32 to index
        %swap3A_215 = arith.constant 48 : index
        %swap3A_216 = tpu.vector_load %arg17[%swap3A_214, %swap3A_215] {strides = array<i32>} : memref<80x128xf32, #tpu.memory_space<vmem>>, vector<1x16xf32>,
        %swap3A_217 = vector.shape_cast %swap3A_216 : vector<1x16xf32> to vector<16xf32>
        %swap3A_218 = vector.shape_cast %add3A_193 : vector<16xf32> to vector<1x16xf32>
        tpu.vector_store %arg17[%swap3A_214, %swap3A_215], %swap3A_218 {strides = array<i32>} : memref<80x128xf32, #tpu.memory_space<vmem>>, vector<1x16xf32>,
        %get3A_219 = arith.index_cast %scan3A_67 : i32 to index
        %get3A_220 = arith.constant 64 : index
        %get3A_221 = tpu.vector_load %arg14[%get3A_219, %get3A_220] {strides = array<i32>} : memref<80x128xf32, #tpu.memory_space<vmem>>, vector<1x16xf32>,
        %get3A_222 = vector.shape_cast %get3A_221 : vector<1x16xf32> to vector<16xf32>
        %get3A_223 = arith.index_cast %scan3A_67 : i32 to index
        %get3A_224 = arith.constant 64 : index
        %get3A_225 = tpu.vector_load %arg16[%get3A_223, %get3A_224] {strides = array<i32>} : memref<80x128xf32, #tpu.memory_space<vmem>>, vector<1x16xf32>,
        %get3A_226 = vector.shape_cast %get3A_225 : vector<1x16xf32> to vector<16xf32>
        %add3A_227 = arith.addf %get3A_222, %get3A_226 : vector<16xf32>
        %get3A_228 = arith.index_cast %scan3A_67 : i32 to index
        %get3A_229 = arith.constant 64 : index
        %get3A_230 = tpu.vector_load %arg17[%get3A_228, %get3A_229] {strides = array<i32>} : memref<80x128xf32, #tpu.memory_space<vmem>>, vector<1x16xf32>,
        %get3A_231 = vector.shape_cast %get3A_230 : vector<1x16xf32> to vector<16xf32>
        %add3A_232 = arith.addf %add3A_227, %get3A_231 : vector<16xf32>
        %neg3A_233 = arith.constant 0.000000e+00 : f32
        %neg3A_234 = vector.broadcast %neg3A_233 : f32 to vector<16xf32>
        %neg3A_235 = arith.subf %neg3A_234, %add3A_232 : vector<16xf32>
        %exp3A_236 = math.exp %neg3A_235 : vector<16xf32>
        %add3A_237 = arith.constant 1.000000e+00 : f32
        %add3A_238 = vector.broadcast %add3A_237 : f32 to vector<16xf32>
        %add3A_239 = arith.addf %add3A_238, %exp3A_236 : vector<16xf32>
        %div3A_240 = arith.constant 1.000000e+00 : f32
        %div3A_241 = vector.broadcast %div3A_240 : f32 to vector<16xf32>
        %div3A_242 = arith.divf %div3A_241, %add3A_239 : vector<16xf32>
        %get3A_243 = arith.index_cast %scan3A_67 : i32 to index
        %get3A_244 = arith.constant 64 : index
        %get3A_245 = tpu.vector_load %arg15[%get3A_243, %get3A_244] {strides = array<i32>} : memref<80x128xf32, #tpu.memory_space<vmem>>, vector<1x16xf32>,
        %get3A_246 = vector.shape_cast %get3A_245 : vector<1x16xf32> to vector<16xf32>
        %mul3A_247 = arith.mulf %div3A_242, %get3A_246 : vector<16xf32>
        %swap3A_248 = arith.index_cast %scan3A_67 : i32 to index
        %swap3A_249 = arith.constant 64 : index
        %swap3A_250 = tpu.vector_load %arg14[%swap3A_248, %swap3A_249] {strides = array<i32>} : memref<80x128xf32, #tpu.memory_space<vmem>>, vector<1x16xf32>,
        %swap3A_251 = vector.shape_cast %swap3A_250 : vector<1x16xf32> to vector<16xf32>
        %swap3A_252 = vector.shape_cast %mul3A_247 : vector<16xf32> to vector<1x16xf32>
        tpu.vector_store %arg14[%swap3A_248, %swap3A_249], %swap3A_252 {strides = array<i32>} : memref<80x128xf32, #tpu.memory_space<vmem>>, vector<1x16xf32>,
        %swap3A_253 = arith.index_cast %scan3A_67 : i32 to index
        %swap3A_254 = arith.constant 64 : index
        %swap3A_255 = tpu.vector_load %arg17[%swap3A_253, %swap3A_254] {strides = array<i32>} : memref<80x128xf32, #tpu.memory_space<vmem>>, vector<1x16xf32>,
        %swap3A_256 = vector.shape_cast %swap3A_255 : vector<1x16xf32> to vector<16xf32>
        %swap3A_257 = vector.shape_cast %add3A_232 : vector<16xf32> to vector<1x16xf32>
        tpu.vector_store %arg17[%swap3A_253, %swap3A_254], %swap3A_257 {strides = array<i32>} : memref<80x128xf32, #tpu.memory_space<vmem>>, vector<1x16xf32>,
        %get3A_258 = arith.index_cast %scan3A_67 : i32 to index
        %get3A_259 = arith.constant 80 : index
        %get3A_260 = tpu.vector_load %arg14[%get3A_258, %get3A_259] {strides = array<i32>} : memref<80x128xf32, #tpu.memory_space<vmem>>, vector<1x16xf32>,
        %get3A_261 = vector.shape_cast %get3A_260 : vector<1x16xf32> to vector<16xf32>
        %get3A_262 = arith.index_cast %scan3A_67 : i32 to index
        %get3A_263 = arith.constant 80 : index
        %get3A_264 = tpu.vector_load %arg16[%get3A_262, %get3A_263] {strides = array<i32>} : memref<80x128xf32, #tpu.memory_space<vmem>>, vector<1x16xf32>,
        %get3A_265 = vector.shape_cast %get3A_264 : vector<1x16xf32> to vector<16xf32>
        %add3A_266 = arith.addf %get3A_261, %get3A_265 : vector<16xf32>
        %get3A_267 = arith.index_cast %scan3A_67 : i32 to index
        %get3A_268 = arith.constant 80 : index
        %get3A_269 = tpu.vector_load %arg17[%get3A_267, %get3A_268] {strides = array<i32>} : memref<80x128xf32, #tpu.memory_space<vmem>>, vector<1x16xf32>,
        %get3A_270 = vector.shape_cast %get3A_269 : vector<1x16xf32> to vector<16xf32>
        %add3A_271 = arith.addf %add3A_266, %get3A_270 : vector<16xf32>
        %neg3A_272 = arith.constant 0.000000e+00 : f32
        %neg3A_273 = vector.broadcast %neg3A_272 : f32 to vector<16xf32>
        %neg3A_274 = arith.subf %neg3A_273, %add3A_271 : vector<16xf32>
        %exp3A_275 = math.exp %neg3A_274 : vector<16xf32>
        %add3A_276 = arith.constant 1.000000e+00 : f32
        %add3A_277 = vector.broadcast %add3A_276 : f32 to vector<16xf32>
        %add3A_278 = arith.addf %add3A_277, %exp3A_275 : vector<16xf32>
        %div3A_279 = arith.constant 1.000000e+00 : f32
        %div3A_280 = vector.broadcast %div3A_279 : f32 to vector<16xf32>
        %div3A_281 = arith.divf %div3A_280, %add3A_278 : vector<16xf32>
        %get3A_282 = arith.index_cast %scan3A_67 : i32 to index
        %get3A_283 = arith.constant 80 : index
        %get3A_284 = tpu.vector_load %arg15[%get3A_282, %get3A_283] {strides = array<i32>} : memref<80x128xf32, #tpu.memory_space<vmem>>, vector<1x16xf32>,
        %get3A_285 = vector.shape_cast %get3A_284 : vector<1x16xf32> to vector<16xf32>
        %mul3A_286 = arith.mulf %div3A_281, %get3A_285 : vector<16xf32>
        %swap3A_287 = arith.index_cast %scan3A_67 : i32 to index
        %swap3A_288 = arith.constant 80 : index
        %swap3A_289 = tpu.vector_load %arg14[%swap3A_287, %swap3A_288] {strides = array<i32>} : memref<80x128xf32, #tpu.memory_space<vmem>>, vector<1x16xf32>,
        %swap3A_290 = vector.shape_cast %swap3A_289 : vector<1x16xf32> to vector<16xf32>
        %swap3A_291 = vector.shape_cast %mul3A_286 : vector<16xf32> to vector<1x16xf32>
        tpu.vector_store %arg14[%swap3A_287, %swap3A_288], %swap3A_291 {strides = array<i32>} : memref<80x128xf32, #tpu.memory_space<vmem>>, vector<1x16xf32>,
        %swap3A_292 = arith.index_cast %scan3A_67 : i32 to index
        %swap3A_293 = arith.constant 80 : index
        %swap3A_294 = tpu.vector_load %arg17[%swap3A_292, %swap3A_293] {strides = array<i32>} : memref<80x128xf32, #tpu.memory_space<vmem>>, vector<1x16xf32>,
        %swap3A_295 = vector.shape_cast %swap3A_294 : vector<1x16xf32> to vector<16xf32>
        %swap3A_296 = vector.shape_cast %add3A_271 : vector<16xf32> to vector<1x16xf32>
        tpu.vector_store %arg17[%swap3A_292, %swap3A_293], %swap3A_296 {strides = array<i32>} : memref<80x128xf32, #tpu.memory_space<vmem>>, vector<1x16xf32>,
        %get3A_297 = arith.index_cast %scan3A_67 : i32 to index
        %get3A_298 = arith.constant 96 : index
        %get3A_299 = tpu.vector_load %arg14[%get3A_297, %get3A_298] {strides = array<i32>} : memref<80x128xf32, #tpu.memory_space<vmem>>, vector<1x16xf32>,
        %get3A_300 = vector.shape_cast %get3A_299 : vector<1x16xf32> to vector<16xf32>
        %get3A_301 = arith.index_cast %scan3A_67 : i32 to index
        %get3A_302 = arith.constant 96 : index
        %get3A_303 = tpu.vector_load %arg16[%get3A_301, %get3A_302] {strides = array<i32>} : memref<80x128xf32, #tpu.memory_space<vmem>>, vector<1x16xf32>,
        %get3A_304 = vector.shape_cast %get3A_303 : vector<1x16xf32> to vector<16xf32>
        %add3A_305 = arith.addf %get3A_300, %get3A_304 : vector<16xf32>
        %get3A_306 = arith.index_cast %scan3A_67 : i32 to index
        %get3A_307 = arith.constant 96 : index
        %get3A_308 = tpu.vector_load %arg17[%get3A_306, %get3A_307] {strides = array<i32>} : memref<80x128xf32, #tpu.memory_space<vmem>>, vector<1x16xf32>,
        %get3A_309 = vector.shape_cast %get3A_308 : vector<1x16xf32> to vector<16xf32>
        %add3A_310 = arith.addf %add3A_305, %get3A_309 : vector<16xf32>
        %neg3A_311 = arith.constant 0.000000e+00 : f32
        %neg3A_312 = vector.broadcast %neg3A_311 : f32 to vector<16xf32>
        %neg3A_313 = arith.subf %neg3A_312, %add3A_310 : vector<16xf32>
        %exp3A_314 = math.exp %neg3A_313 : vector<16xf32>
        %add3A_315 = arith.constant 1.000000e+00 : f32
        %add3A_316 = vector.broadcast %add3A_315 : f32 to vector<16xf32>
        %add3A_317 = arith.addf %add3A_316, %exp3A_314 : vector<16xf32>
        %div3A_318 = arith.constant 1.000000e+00 : f32
        %div3A_319 = vector.broadcast %div3A_318 : f32 to vector<16xf32>
        %div3A_320 = arith.divf %div3A_319, %add3A_317 : vector<16xf32>
        %get3A_321 = arith.index_cast %scan3A_67 : i32 to index
        %get3A_322 = arith.constant 96 : index
        %get3A_323 = tpu.vector_load %arg15[%get3A_321, %get3A_322] {strides = array<i32>} : memref<80x128xf32, #tpu.memory_space<vmem>>, vector<1x16xf32>,
        %get3A_324 = vector.shape_cast %get3A_323 : vector<1x16xf32> to vector<16xf32>
        %mul3A_325 = arith.mulf %div3A_320, %get3A_324 : vector<16xf32>
        %swap3A_326 = arith.index_cast %scan3A_67 : i32 to index
        %swap3A_327 = arith.constant 96 : index
        %swap3A_328 = tpu.vector_load %arg14[%swap3A_326, %swap3A_327] {strides = array<i32>} : memref<80x128xf32, #tpu.memory_space<vmem>>, vector<1x16xf32>,
        %swap3A_329 = vector.shape_cast %swap3A_328 : vector<1x16xf32> to vector<16xf32>
        %swap3A_330 = vector.shape_cast %mul3A_325 : vector<16xf32> to vector<1x16xf32>
        tpu.vector_store %arg14[%swap3A_326, %swap3A_327], %swap3A_330 {strides = array<i32>} : memref<80x128xf32, #tpu.memory_space<vmem>>, vector<1x16xf32>,
        %swap3A_331 = arith.index_cast %scan3A_67 : i32 to index
        %swap3A_332 = arith.constant 96 : index
        %swap3A_333 = tpu.vector_load %arg17[%swap3A_331, %swap3A_332] {strides = array<i32>} : memref<80x128xf32, #tpu.memory_space<vmem>>, vector<1x16xf32>,
        %swap3A_334 = vector.shape_cast %swap3A_333 : vector<1x16xf32> to vector<16xf32>
        %swap3A_335 = vector.shape_cast %add3A_310 : vector<16xf32> to vector<1x16xf32>
        tpu.vector_store %arg17[%swap3A_331, %swap3A_332], %swap3A_335 {strides = array<i32>} : memref<80x128xf32, #tpu.memory_space<vmem>>, vector<1x16xf32>,
        %get3A_336 = arith.index_cast %scan3A_67 : i32 to index
        %get3A_337 = arith.constant 112 : index
        %get3A_338 = tpu.vector_load %arg14[%get3A_336, %get3A_337] {strides = array<i32>} : memref<80x128xf32, #tpu.memory_space<vmem>>, vector<1x16xf32>,
        %get3A_339 = vector.shape_cast %get3A_338 : vector<1x16xf32> to vector<16xf32>
        %get3A_340 = arith.index_cast %scan3A_67 : i32 to index
        %get3A_341 = arith.constant 112 : index
        %get3A_342 = tpu.vector_load %arg16[%get3A_340, %get3A_341] {strides = array<i32>} : memref<80x128xf32, #tpu.memory_space<vmem>>, vector<1x16xf32>,
        %get3A_343 = vector.shape_cast %get3A_342 : vector<1x16xf32> to vector<16xf32>
        %add3A_344 = arith.addf %get3A_339, %get3A_343 : vector<16xf32>
        %get3A_345 = arith.index_cast %scan3A_67 : i32 to index
        %get3A_346 = arith.constant 112 : index
        %get3A_347 = tpu.vector_load %arg17[%get3A_345, %get3A_346] {strides = array<i32>} : memref<80x128xf32, #tpu.memory_space<vmem>>, vector<1x16xf32>,
        %get3A_348 = vector.shape_cast %get3A_347 : vector<1x16xf32> to vector<16xf32>
        %add3A_349 = arith.addf %add3A_344, %get3A_348 : vector<16xf32>
        %neg3A_350 = arith.constant 0.000000e+00 : f32
        %neg3A_351 = vector.broadcast %neg3A_350 : f32 to vector<16xf32>
        %neg3A_352 = arith.subf %neg3A_351, %add3A_349 : vector<16xf32>
        %exp3A_353 = math.exp %neg3A_352 : vector<16xf32>
        %add3A_354 = arith.constant 1.000000e+00 : f32
        %add3A_355 = vector.broadcast %add3A_354 : f32 to vector<16xf32>
        %add3A_356 = arith.addf %add3A_355, %exp3A_353 : vector<16xf32>
        %div3A_357 = arith.constant 1.000000e+00 : f32
        %div3A_358 = vector.broadcast %div3A_357 : f32 to vector<16xf32>
        %div3A_359 = arith.divf %div3A_358, %add3A_356 : vector<16xf32>
        %get3A_360 = arith.index_cast %scan3A_67 : i32 to index
        %get3A_361 = arith.constant 112 : index
        %get3A_362 = tpu.vector_load %arg15[%get3A_360, %get3A_361] {strides = array<i32>} : memref<80x128xf32, #tpu.memory_space<vmem>>, vector<1x16xf32>,
        %get3A_363 = vector.shape_cast %get3A_362 : vector<1x16xf32> to vector<16xf32>
        %mul3A_364 = arith.mulf %div3A_359, %get3A_363 : vector<16xf32>
        %swap3A_365 = arith.index_cast %scan3A_67 : i32 to index
        %swap3A_366 = arith.constant 112 : index
        %swap3A_367 = tpu.vector_load %arg14[%swap3A_365, %swap3A_366] {strides = array<i32>} : memref<80x128xf32, #tpu.memory_space<vmem>>, vector<1x16xf32>,
        %swap3A_368 = vector.shape_cast %swap3A_367 : vector<1x16xf32> to vector<16xf32>
        %swap3A_369 = vector.shape_cast %mul3A_364 : vector<16xf32> to vector<1x16xf32>
        tpu.vector_store %arg14[%swap3A_365, %swap3A_366], %swap3A_369 {strides = array<i32>} : memref<80x128xf32, #tpu.memory_space<vmem>>, vector<1x16xf32>,
        %swap3A_370 = arith.index_cast %scan3A_67 : i32 to index
        %swap3A_371 = arith.constant 112 : index
        %swap3A_372 = tpu.vector_load %arg17[%swap3A_370, %swap3A_371] {strides = array<i32>} : memref<80x128xf32, #tpu.memory_space<vmem>>, vector<1x16xf32>,
        %swap3A_373 = vector.shape_cast %swap3A_372 : vector<1x16xf32> to vector<16xf32>
        %swap3A_374 = vector.shape_cast %add3A_349 : vector<16xf32> to vector<1x16xf32>
        tpu.vector_store %arg17[%swap3A_370, %swap3A_371], %swap3A_374 {strides = array<i32>} : memref<80x128xf32, #tpu.memory_space<vmem>>, vector<1x16xf32>,
      }
      %scan3A_52 = arith.constant 80 : i32
      %dma_start3A_53 = arith.constant 0 : i32
      %dma_start3A_54 = arith.constant 0 : i32
      %dma_start3A_55 = tpu.memref_slice %arg11[%dma_start3A_53, %dma_start3A_54] : memref<10112x128xf32, #tpu.memory_space<vmem_shared>> -> memref<10112x128xf32, #tpu.memory_space<vmem_shared>>
      tpu.enqueue_indirect_dma source(%arg14 : memref<80x128xf32, #tpu.memory_space<vmem>>) target(%dma_start3A_55 : memref<10112x128xf32, #tpu.memory_space<vmem_shared>>) offsets(%arg13 : memref<80xi32, #tpu.memory_space<vmem>>) semaphore(%arg18 : memref<!tpu.dma_semaphore, #tpu.memory_space<semaphore_mem>>) {add = true}
      %dma_start3A_56 = arith.constant 0 : i32
      %dma_start3A_57 = tpu.memref_slice %arg10[%add3A_14, %dma_start3A_56] : memref<320000x128xf32, #tpu.memory_space<hbm>> -> memref<80x128xf32, #tpu.memory_space<hbm>>
      %dma_start3A_58 = arith.constant 0 : i32
      %dma_start3A_59 = tpu.memref_slice %arg10[%add3A_14, %dma_start3A_58] : memref<320000x128xf32, #tpu.memory_space<hbm>> -> memref<80x128xf32, #tpu.memory_space<hbm>>
      tpu.enqueue_dma source(%arg17 : memref<80x128xf32, #tpu.memory_space<vmem>>) target(%dma_start3A_59 : memref<80x128xf32, #tpu.memory_space<hbm>>) target_semaphore(%arg19 : memref<!tpu.dma_semaphore, #tpu.memory_space<semaphore_mem>>)
      %dma_wait3A_60 = arith.constant 0 : i32
      %dma_wait3A_61 = arith.constant 0 : i32
      %dma_wait3A_62 = tpu.memref_slice %arg11[%dma_wait3A_60, %dma_wait3A_61] : memref<10112x128xf32, #tpu.memory_space<vmem_shared>> -> memref<10112x128xf32, #tpu.memory_space<vmem_shared>>
      tpu.wait_indirect_dma semaphore(%arg18 : memref<!tpu.dma_semaphore, #tpu.memory_space<semaphore_mem>>) src(%arg14 : memref<80x128xf32, #tpu.memory_space<vmem>>) dst(%dma_wait3A_62 : memref<10112x128xf32, #tpu.memory_space<vmem_shared>>)
      %dma_wait3A_63 = arith.constant 0 : i32
      %dma_wait3A_64 = tpu.memref_slice %arg10[%add3A_14, %dma_wait3A_63] : memref<320000x128xf32, #tpu.memory_space<hbm>> -> memref<80x128xf32, #tpu.memory_space<hbm>>
      %dma_wait3A_65 = arith.constant 0 : i32
      %dma_wait3A_66 = tpu.memref_slice %arg10[%add3A_14, %dma_wait3A_65] : memref<320000x128xf32, #tpu.memory_space<hbm>> -> memref<80x128xf32, #tpu.memory_space<hbm>>
      tpu.wait_dma2 semaphore(%arg19 : memref<!tpu.dma_semaphore, #tpu.memory_space<semaphore_mem>>) src(%arg17 : memref<80x128xf32, #tpu.memory_space<vmem>>) dst(%dma_wait3A_66 : memref<80x128xf32, #tpu.memory_space<hbm>>)
    }
    %scan3A_9 = arith.constant 125 : i32
    %barrier3A_10 = arith.constant 0 : index
    tpu.barrier barrier_id(%barrier3A_10)
    "tpu.region"() ({
      %run_scoped3A = tpu.sem_alloc : memref<!tpu.dma_semaphore, #tpu.memory_space<semaphore_mem>>
      %dma_start3A = arith.constant 0 : i32
      %dma_start3A_11 = tpu.memref_slice %arg9[%arg0, %mul3A_2, %dma_start3A] : memref<2x10112x128xf32, #tpu.memory_space<hbm>> -> memref<1x632x128xf32, #tpu.memory_space<hbm>>
      %dma_start3A_12 = tpu.memref_squeeze %dma_start3A_11 : memref<1x632x128xf32, #tpu.memory_space<hbm>> -> memref<632x128xf32, #tpu.memory_space<hbm>>
      %dma_start3A_13 = arith.constant 0 : i32
      %dma_start3A_14 = tpu.memref_slice %arg11[%mul3A_2, %dma_start3A_13] : memref<10112x128xf32, #tpu.memory_space<vmem_shared>> -> memref<632x128xf32, #tpu.memory_space<vmem_shared>>
      tpu.enqueue_dma source(%dma_start3A_14 : memref<632x128xf32, #tpu.memory_space<vmem_shared>>) target(%dma_start3A_12 : memref<632x128xf32, #tpu.memory_space<hbm>>) target_semaphore(%run_scoped3A : memref<!tpu.dma_semaphore, #tpu.memory_space<semaphore_mem>>)
      %dma_wait3A = arith.constant 0 : i32
      %dma_wait3A_15 = tpu.memref_slice %arg9[%arg0, %mul3A_2, %dma_wait3A] : memref<2x10112x128xf32, #tpu.memory_space<hbm>> -> memref<1x632x128xf32, #tpu.memory_space<hbm>>
      %dma_wait3A_16 = tpu.memref_squeeze %dma_wait3A_15 : memref<1x632x128xf32, #tpu.memory_space<hbm>> -> memref<632x128xf32, #tpu.memory_space<hbm>>
      %dma_wait3A_17 = arith.constant 0 : i32
      %dma_wait3A_18 = tpu.memref_slice %arg11[%mul3A_2, %dma_wait3A_17] : memref<10112x128xf32, #tpu.memory_space<vmem_shared>> -> memref<632x128xf32, #tpu.memory_space<vmem_shared>>
      tpu.wait_dma2 semaphore(%run_scoped3A : memref<!tpu.dma_semaphore, #tpu.memory_space<semaphore_mem>>) src(%dma_wait3A_18 : memref<632x128xf32, #tpu.memory_space<vmem_shared>>) dst(%dma_wait3A_16 : memref<632x128xf32, #tpu.memory_space<hbm>>)
      tpu.yield
    }) : () -> ()
    return
  }
}

#map = affine_map<(d0, d1) -> (0, 0)>
#map1 = affine_map<(d0, d1) -> (0)>
#map2 = affine_map<(d0, d1) -> (0, 0, 0)>
module attributes {stable_mosaic.version = 14 : i64} {
  func.func @body(%arg0: i32, %arg1: i32, %arg2: memref<320000x128xf32, #tpu.memory_space<hbm>>, %arg3: memref<320000xi32, #tpu.memory_space<hbm>>, %arg4: memref<10112x128xf32, #tpu.memory_space<hbm>>, %arg5: memref<2x10112x128xf32, #tpu.memory_space<hbm>>, %arg6: memref<10112x128xf32, #tpu.memory_space<vmem_shared>>, %arg7: memref<200xi32, #tpu.memory_space<vmem>>, %arg8: memref<200x128xf32, #tpu.memory_space<vmem>>, %arg9: memref<!tpu.dma_semaphore, #tpu.memory_space<semaphore_mem>>) attributes {dimension_semantics = [#tpu.dimension_semantics<core_parallel>, #tpu.dimension_semantics<subcore_parallel>], iteration_bounds = array<i64: 2, 16>, scalar_prefetch = 0 : i64, scratch_operands = 4 : i64, tpu.core_type = #tpu.core_type<sc_vector_subcore>, window_params = [{transform_indices = #map}, {transform_indices = #map1}, {transform_indices = #map}, {transform_indices = #map2}]} {
    %mul3A = arith.constant 16 : i32
    %mul3A_0 = arith.muli %arg0, %mul3A : i32
    %add3A = arith.addi %mul3A_0, %arg1 : i32
    %mul3A_1 = arith.constant 632 : i32
    %mul3A_2 = arith.muli %arg1, %mul3A_1 : i32
    "tpu.region"() ({
      %run_scoped3A = tpu.sem_alloc : memref<!tpu.dma_semaphore, #tpu.memory_space<semaphore_mem>>
      %dma_start3A = arith.constant 0 : i32
      %dma_start3A_11 = tpu.memref_slice %arg6[%mul3A_2, %dma_start3A] : memref<10112x128xf32, #tpu.memory_space<vmem_shared>> -> memref<632x128xf32, #tpu.memory_space<vmem_shared>>
      %dma_start3A_12 = arith.constant 0 : i32
      %dma_start3A_13 = tpu.memref_slice %arg4[%mul3A_2, %dma_start3A_12] : memref<10112x128xf32, #tpu.memory_space<hbm>> -> memref<632x128xf32, #tpu.memory_space<hbm>>
      tpu.enqueue_dma source(%dma_start3A_13 : memref<632x128xf32, #tpu.memory_space<hbm>>) target(%dma_start3A_11 : memref<632x128xf32, #tpu.memory_space<vmem_shared>>) target_semaphore(%run_scoped3A : memref<!tpu.dma_semaphore, #tpu.memory_space<semaphore_mem>>)
      %dma_wait3A = arith.constant 0 : i32
      %dma_wait3A_14 = tpu.memref_slice %arg6[%mul3A_2, %dma_wait3A] : memref<10112x128xf32, #tpu.memory_space<vmem_shared>> -> memref<632x128xf32, #tpu.memory_space<vmem_shared>>
      %dma_wait3A_15 = arith.constant 0 : i32
      %dma_wait3A_16 = tpu.memref_slice %arg4[%mul3A_2, %dma_wait3A_15] : memref<10112x128xf32, #tpu.memory_space<hbm>> -> memref<632x128xf32, #tpu.memory_space<hbm>>
      tpu.wait_dma2 semaphore(%run_scoped3A : memref<!tpu.dma_semaphore, #tpu.memory_space<semaphore_mem>>) src(%dma_wait3A_16 : memref<632x128xf32, #tpu.memory_space<hbm>>) dst(%dma_wait3A_14 : memref<632x128xf32, #tpu.memory_space<vmem_shared>>)
      tpu.yield
    }) : () -> ()
    %barrier3A = arith.constant 0 : index
    tpu.barrier barrier_id(%barrier3A)
    %mul3A_3 = arith.constant 10000 : i32
    %mul3A_4 = arith.muli %add3A, %mul3A_3 : i32
    %scan3A = arith.constant 0 : i32
    %scan3A_5 = arith.constant 0 : i32
    %scan3A_6 = arith.constant 50 : i32
    %scan3A_7 = arith.addi %scan3A_5, %scan3A_6 : i32
    %scan3A_8 = arith.constant 1 : i32
    scf.for %scan3A_11 = %scan3A_5 to %scan3A_7 step %scan3A_8  : i32 {
      %mul3A_12 = arith.constant 200 : i32
      %mul3A_13 = arith.muli %scan3A_11, %mul3A_12 : i32
      %add3A_14 = arith.addi %mul3A_4, %mul3A_13 : i32
      %dma_start3A = arith.constant 0 : i32
      %dma_start3A_15 = tpu.memref_slice %arg2[%add3A_14, %dma_start3A] : memref<320000x128xf32, #tpu.memory_space<hbm>> -> memref<200x128xf32, #tpu.memory_space<hbm>>
      %dma_start3A_16 = arith.constant 0 : i32
      %dma_start3A_17 = tpu.memref_slice %arg2[%add3A_14, %dma_start3A_16] : memref<320000x128xf32, #tpu.memory_space<hbm>> -> memref<200x128xf32, #tpu.memory_space<hbm>>
      tpu.enqueue_dma source(%dma_start3A_17 : memref<200x128xf32, #tpu.memory_space<hbm>>) target(%arg8 : memref<200x128xf32, #tpu.memory_space<vmem>>) target_semaphore(%arg9 : memref<!tpu.dma_semaphore, #tpu.memory_space<semaphore_mem>>)
      %dma_start3A_18 = tpu.memref_slice %arg3[%add3A_14] : memref<320000xi32, #tpu.memory_space<hbm>> -> memref<200xi32, #tpu.memory_space<hbm>>
      %dma_start3A_19 = tpu.memref_slice %arg3[%add3A_14] : memref<320000xi32, #tpu.memory_space<hbm>> -> memref<200xi32, #tpu.memory_space<hbm>>
      tpu.enqueue_dma source(%dma_start3A_19 : memref<200xi32, #tpu.memory_space<hbm>>) target(%arg7 : memref<200xi32, #tpu.memory_space<vmem>>) target_semaphore(%arg9 : memref<!tpu.dma_semaphore, #tpu.memory_space<semaphore_mem>>)
      %dma_wait3A = arith.constant 0 : i32
      %dma_wait3A_20 = tpu.memref_slice %arg2[%add3A_14, %dma_wait3A] : memref<320000x128xf32, #tpu.memory_space<hbm>> -> memref<200x128xf32, #tpu.memory_space<hbm>>
      %dma_wait3A_21 = arith.constant 0 : i32
      %dma_wait3A_22 = tpu.memref_slice %arg2[%add3A_14, %dma_wait3A_21] : memref<320000x128xf32, #tpu.memory_space<hbm>> -> memref<200x128xf32, #tpu.memory_space<hbm>>
      tpu.wait_dma2 semaphore(%arg9 : memref<!tpu.dma_semaphore, #tpu.memory_space<semaphore_mem>>) src(%dma_wait3A_22 : memref<200x128xf32, #tpu.memory_space<hbm>>) dst(%arg8 : memref<200x128xf32, #tpu.memory_space<vmem>>)
      %dma_wait3A_23 = tpu.memref_slice %arg3[%add3A_14] : memref<320000xi32, #tpu.memory_space<hbm>> -> memref<200xi32, #tpu.memory_space<hbm>>
      %dma_wait3A_24 = tpu.memref_slice %arg3[%add3A_14] : memref<320000xi32, #tpu.memory_space<hbm>> -> memref<200xi32, #tpu.memory_space<hbm>>
      tpu.wait_dma2 semaphore(%arg9 : memref<!tpu.dma_semaphore, #tpu.memory_space<semaphore_mem>>) src(%dma_wait3A_24 : memref<200xi32, #tpu.memory_space<hbm>>) dst(%arg7 : memref<200xi32, #tpu.memory_space<vmem>>)
      %scan3A_25 = arith.constant 0 : i32
      %scan3A_26 = arith.constant 0 : i32
      %scan3A_27 = arith.constant 200 : i32
      %scan3A_28 = arith.addi %scan3A_26, %scan3A_27 : i32
      %scan3A_29 = arith.constant 1 : i32
      scf.for %scan3A_37 = %scan3A_26 to %scan3A_28 step %scan3A_29  : i32 {
        %get3A = arith.index_cast %scan3A_37 : i32 to index
        %get3A_38 = arith.constant 0 : index
        %get3A_39 = tpu.vector_load %arg8[%get3A, %get3A_38] {strides = array<i32>} : memref<200x128xf32, #tpu.memory_space<vmem>>, vector<1x16xf32>,
        %get3A_40 = vector.shape_cast %get3A_39 : vector<1x16xf32> to vector<16xf32>
        %neg3A = arith.constant 0.000000e+00 : f32
        %neg3A_41 = vector.broadcast %neg3A : f32 to vector<16xf32>
        %neg3A_42 = arith.subf %neg3A_41, %get3A_40 : vector<16xf32>
        %exp3A = math.exp %neg3A_42 : vector<16xf32>
        %add3A_43 = arith.constant 1.000000e+00 : f32
        %add3A_44 = vector.broadcast %add3A_43 : f32 to vector<16xf32>
        %add3A_45 = arith.addf %add3A_44, %exp3A : vector<16xf32>
        %div3A = arith.constant 1.000000e+00 : f32
        %div3A_46 = vector.broadcast %div3A : f32 to vector<16xf32>
        %div3A_47 = arith.divf %div3A_46, %add3A_45 : vector<16xf32>
        %swap3A = arith.index_cast %scan3A_37 : i32 to index
        %swap3A_48 = arith.constant 0 : index
        %swap3A_49 = tpu.vector_load %arg8[%swap3A, %swap3A_48] {strides = array<i32>} : memref<200x128xf32, #tpu.memory_space<vmem>>, vector<1x16xf32>,
        %swap3A_50 = vector.shape_cast %swap3A_49 : vector<1x16xf32> to vector<16xf32>
        %swap3A_51 = vector.shape_cast %div3A_47 : vector<16xf32> to vector<1x16xf32>
        tpu.vector_store %arg8[%swap3A, %swap3A_48], %swap3A_51 {strides = array<i32>} : memref<200x128xf32, #tpu.memory_space<vmem>>, vector<1x16xf32>,
        %get3A_52 = arith.index_cast %scan3A_37 : i32 to index
        %get3A_53 = arith.constant 16 : index
        %get3A_54 = tpu.vector_load %arg8[%get3A_52, %get3A_53] {strides = array<i32>} : memref<200x128xf32, #tpu.memory_space<vmem>>, vector<1x16xf32>,
        %get3A_55 = vector.shape_cast %get3A_54 : vector<1x16xf32> to vector<16xf32>
        %neg3A_56 = arith.constant 0.000000e+00 : f32
        %neg3A_57 = vector.broadcast %neg3A_56 : f32 to vector<16xf32>
        %neg3A_58 = arith.subf %neg3A_57, %get3A_55 : vector<16xf32>
        %exp3A_59 = math.exp %neg3A_58 : vector<16xf32>
        %add3A_60 = arith.constant 1.000000e+00 : f32
        %add3A_61 = vector.broadcast %add3A_60 : f32 to vector<16xf32>
        %add3A_62 = arith.addf %add3A_61, %exp3A_59 : vector<16xf32>
        %div3A_63 = arith.constant 1.000000e+00 : f32
        %div3A_64 = vector.broadcast %div3A_63 : f32 to vector<16xf32>
        %div3A_65 = arith.divf %div3A_64, %add3A_62 : vector<16xf32>
        %swap3A_66 = arith.index_cast %scan3A_37 : i32 to index
        %swap3A_67 = arith.constant 16 : index
        %swap3A_68 = tpu.vector_load %arg8[%swap3A_66, %swap3A_67] {strides = array<i32>} : memref<200x128xf32, #tpu.memory_space<vmem>>, vector<1x16xf32>,
        %swap3A_69 = vector.shape_cast %swap3A_68 : vector<1x16xf32> to vector<16xf32>
        %swap3A_70 = vector.shape_cast %div3A_65 : vector<16xf32> to vector<1x16xf32>
        tpu.vector_store %arg8[%swap3A_66, %swap3A_67], %swap3A_70 {strides = array<i32>} : memref<200x128xf32, #tpu.memory_space<vmem>>, vector<1x16xf32>,
        %get3A_71 = arith.index_cast %scan3A_37 : i32 to index
        %get3A_72 = arith.constant 32 : index
        %get3A_73 = tpu.vector_load %arg8[%get3A_71, %get3A_72] {strides = array<i32>} : memref<200x128xf32, #tpu.memory_space<vmem>>, vector<1x16xf32>,
        %get3A_74 = vector.shape_cast %get3A_73 : vector<1x16xf32> to vector<16xf32>
        %neg3A_75 = arith.constant 0.000000e+00 : f32
        %neg3A_76 = vector.broadcast %neg3A_75 : f32 to vector<16xf32>
        %neg3A_77 = arith.subf %neg3A_76, %get3A_74 : vector<16xf32>
        %exp3A_78 = math.exp %neg3A_77 : vector<16xf32>
        %add3A_79 = arith.constant 1.000000e+00 : f32
        %add3A_80 = vector.broadcast %add3A_79 : f32 to vector<16xf32>
        %add3A_81 = arith.addf %add3A_80, %exp3A_78 : vector<16xf32>
        %div3A_82 = arith.constant 1.000000e+00 : f32
        %div3A_83 = vector.broadcast %div3A_82 : f32 to vector<16xf32>
        %div3A_84 = arith.divf %div3A_83, %add3A_81 : vector<16xf32>
        %swap3A_85 = arith.index_cast %scan3A_37 : i32 to index
        %swap3A_86 = arith.constant 32 : index
        %swap3A_87 = tpu.vector_load %arg8[%swap3A_85, %swap3A_86] {strides = array<i32>} : memref<200x128xf32, #tpu.memory_space<vmem>>, vector<1x16xf32>,
        %swap3A_88 = vector.shape_cast %swap3A_87 : vector<1x16xf32> to vector<16xf32>
        %swap3A_89 = vector.shape_cast %div3A_84 : vector<16xf32> to vector<1x16xf32>
        tpu.vector_store %arg8[%swap3A_85, %swap3A_86], %swap3A_89 {strides = array<i32>} : memref<200x128xf32, #tpu.memory_space<vmem>>, vector<1x16xf32>,
        %get3A_90 = arith.index_cast %scan3A_37 : i32 to index
        %get3A_91 = arith.constant 48 : index
        %get3A_92 = tpu.vector_load %arg8[%get3A_90, %get3A_91] {strides = array<i32>} : memref<200x128xf32, #tpu.memory_space<vmem>>, vector<1x16xf32>,
        %get3A_93 = vector.shape_cast %get3A_92 : vector<1x16xf32> to vector<16xf32>
        %neg3A_94 = arith.constant 0.000000e+00 : f32
        %neg3A_95 = vector.broadcast %neg3A_94 : f32 to vector<16xf32>
        %neg3A_96 = arith.subf %neg3A_95, %get3A_93 : vector<16xf32>
        %exp3A_97 = math.exp %neg3A_96 : vector<16xf32>
        %add3A_98 = arith.constant 1.000000e+00 : f32
        %add3A_99 = vector.broadcast %add3A_98 : f32 to vector<16xf32>
        %add3A_100 = arith.addf %add3A_99, %exp3A_97 : vector<16xf32>
        %div3A_101 = arith.constant 1.000000e+00 : f32
        %div3A_102 = vector.broadcast %div3A_101 : f32 to vector<16xf32>
        %div3A_103 = arith.divf %div3A_102, %add3A_100 : vector<16xf32>
        %swap3A_104 = arith.index_cast %scan3A_37 : i32 to index
        %swap3A_105 = arith.constant 48 : index
        %swap3A_106 = tpu.vector_load %arg8[%swap3A_104, %swap3A_105] {strides = array<i32>} : memref<200x128xf32, #tpu.memory_space<vmem>>, vector<1x16xf32>,
        %swap3A_107 = vector.shape_cast %swap3A_106 : vector<1x16xf32> to vector<16xf32>
        %swap3A_108 = vector.shape_cast %div3A_103 : vector<16xf32> to vector<1x16xf32>
        tpu.vector_store %arg8[%swap3A_104, %swap3A_105], %swap3A_108 {strides = array<i32>} : memref<200x128xf32, #tpu.memory_space<vmem>>, vector<1x16xf32>,
        %get3A_109 = arith.index_cast %scan3A_37 : i32 to index
        %get3A_110 = arith.constant 64 : index
        %get3A_111 = tpu.vector_load %arg8[%get3A_109, %get3A_110] {strides = array<i32>} : memref<200x128xf32, #tpu.memory_space<vmem>>, vector<1x16xf32>,
        %get3A_112 = vector.shape_cast %get3A_111 : vector<1x16xf32> to vector<16xf32>
        %neg3A_113 = arith.constant 0.000000e+00 : f32
        %neg3A_114 = vector.broadcast %neg3A_113 : f32 to vector<16xf32>
        %neg3A_115 = arith.subf %neg3A_114, %get3A_112 : vector<16xf32>
        %exp3A_116 = math.exp %neg3A_115 : vector<16xf32>
        %add3A_117 = arith.constant 1.000000e+00 : f32
        %add3A_118 = vector.broadcast %add3A_117 : f32 to vector<16xf32>
        %add3A_119 = arith.addf %add3A_118, %exp3A_116 : vector<16xf32>
        %div3A_120 = arith.constant 1.000000e+00 : f32
        %div3A_121 = vector.broadcast %div3A_120 : f32 to vector<16xf32>
        %div3A_122 = arith.divf %div3A_121, %add3A_119 : vector<16xf32>
        %swap3A_123 = arith.index_cast %scan3A_37 : i32 to index
        %swap3A_124 = arith.constant 64 : index
        %swap3A_125 = tpu.vector_load %arg8[%swap3A_123, %swap3A_124] {strides = array<i32>} : memref<200x128xf32, #tpu.memory_space<vmem>>, vector<1x16xf32>,
        %swap3A_126 = vector.shape_cast %swap3A_125 : vector<1x16xf32> to vector<16xf32>
        %swap3A_127 = vector.shape_cast %div3A_122 : vector<16xf32> to vector<1x16xf32>
        tpu.vector_store %arg8[%swap3A_123, %swap3A_124], %swap3A_127 {strides = array<i32>} : memref<200x128xf32, #tpu.memory_space<vmem>>, vector<1x16xf32>,
        %get3A_128 = arith.index_cast %scan3A_37 : i32 to index
        %get3A_129 = arith.constant 80 : index
        %get3A_130 = tpu.vector_load %arg8[%get3A_128, %get3A_129] {strides = array<i32>} : memref<200x128xf32, #tpu.memory_space<vmem>>, vector<1x16xf32>,
        %get3A_131 = vector.shape_cast %get3A_130 : vector<1x16xf32> to vector<16xf32>
        %neg3A_132 = arith.constant 0.000000e+00 : f32
        %neg3A_133 = vector.broadcast %neg3A_132 : f32 to vector<16xf32>
        %neg3A_134 = arith.subf %neg3A_133, %get3A_131 : vector<16xf32>
        %exp3A_135 = math.exp %neg3A_134 : vector<16xf32>
        %add3A_136 = arith.constant 1.000000e+00 : f32
        %add3A_137 = vector.broadcast %add3A_136 : f32 to vector<16xf32>
        %add3A_138 = arith.addf %add3A_137, %exp3A_135 : vector<16xf32>
        %div3A_139 = arith.constant 1.000000e+00 : f32
        %div3A_140 = vector.broadcast %div3A_139 : f32 to vector<16xf32>
        %div3A_141 = arith.divf %div3A_140, %add3A_138 : vector<16xf32>
        %swap3A_142 = arith.index_cast %scan3A_37 : i32 to index
        %swap3A_143 = arith.constant 80 : index
        %swap3A_144 = tpu.vector_load %arg8[%swap3A_142, %swap3A_143] {strides = array<i32>} : memref<200x128xf32, #tpu.memory_space<vmem>>, vector<1x16xf32>,
        %swap3A_145 = vector.shape_cast %swap3A_144 : vector<1x16xf32> to vector<16xf32>
        %swap3A_146 = vector.shape_cast %div3A_141 : vector<16xf32> to vector<1x16xf32>
        tpu.vector_store %arg8[%swap3A_142, %swap3A_143], %swap3A_146 {strides = array<i32>} : memref<200x128xf32, #tpu.memory_space<vmem>>, vector<1x16xf32>,
        %get3A_147 = arith.index_cast %scan3A_37 : i32 to index
        %get3A_148 = arith.constant 96 : index
        %get3A_149 = tpu.vector_load %arg8[%get3A_147, %get3A_148] {strides = array<i32>} : memref<200x128xf32, #tpu.memory_space<vmem>>, vector<1x16xf32>,
        %get3A_150 = vector.shape_cast %get3A_149 : vector<1x16xf32> to vector<16xf32>
        %neg3A_151 = arith.constant 0.000000e+00 : f32
        %neg3A_152 = vector.broadcast %neg3A_151 : f32 to vector<16xf32>
        %neg3A_153 = arith.subf %neg3A_152, %get3A_150 : vector<16xf32>
        %exp3A_154 = math.exp %neg3A_153 : vector<16xf32>
        %add3A_155 = arith.constant 1.000000e+00 : f32
        %add3A_156 = vector.broadcast %add3A_155 : f32 to vector<16xf32>
        %add3A_157 = arith.addf %add3A_156, %exp3A_154 : vector<16xf32>
        %div3A_158 = arith.constant 1.000000e+00 : f32
        %div3A_159 = vector.broadcast %div3A_158 : f32 to vector<16xf32>
        %div3A_160 = arith.divf %div3A_159, %add3A_157 : vector<16xf32>
        %swap3A_161 = arith.index_cast %scan3A_37 : i32 to index
        %swap3A_162 = arith.constant 96 : index
        %swap3A_163 = tpu.vector_load %arg8[%swap3A_161, %swap3A_162] {strides = array<i32>} : memref<200x128xf32, #tpu.memory_space<vmem>>, vector<1x16xf32>,
        %swap3A_164 = vector.shape_cast %swap3A_163 : vector<1x16xf32> to vector<16xf32>
        %swap3A_165 = vector.shape_cast %div3A_160 : vector<16xf32> to vector<1x16xf32>
        tpu.vector_store %arg8[%swap3A_161, %swap3A_162], %swap3A_165 {strides = array<i32>} : memref<200x128xf32, #tpu.memory_space<vmem>>, vector<1x16xf32>,
        %get3A_166 = arith.index_cast %scan3A_37 : i32 to index
        %get3A_167 = arith.constant 112 : index
        %get3A_168 = tpu.vector_load %arg8[%get3A_166, %get3A_167] {strides = array<i32>} : memref<200x128xf32, #tpu.memory_space<vmem>>, vector<1x16xf32>,
        %get3A_169 = vector.shape_cast %get3A_168 : vector<1x16xf32> to vector<16xf32>
        %neg3A_170 = arith.constant 0.000000e+00 : f32
        %neg3A_171 = vector.broadcast %neg3A_170 : f32 to vector<16xf32>
        %neg3A_172 = arith.subf %neg3A_171, %get3A_169 : vector<16xf32>
        %exp3A_173 = math.exp %neg3A_172 : vector<16xf32>
        %add3A_174 = arith.constant 1.000000e+00 : f32
        %add3A_175 = vector.broadcast %add3A_174 : f32 to vector<16xf32>
        %add3A_176 = arith.addf %add3A_175, %exp3A_173 : vector<16xf32>
        %div3A_177 = arith.constant 1.000000e+00 : f32
        %div3A_178 = vector.broadcast %div3A_177 : f32 to vector<16xf32>
        %div3A_179 = arith.divf %div3A_178, %add3A_176 : vector<16xf32>
        %swap3A_180 = arith.index_cast %scan3A_37 : i32 to index
        %swap3A_181 = arith.constant 112 : index
        %swap3A_182 = tpu.vector_load %arg8[%swap3A_180, %swap3A_181] {strides = array<i32>} : memref<200x128xf32, #tpu.memory_space<vmem>>, vector<1x16xf32>,
        %swap3A_183 = vector.shape_cast %swap3A_182 : vector<1x16xf32> to vector<16xf32>
        %swap3A_184 = vector.shape_cast %div3A_179 : vector<16xf32> to vector<1x16xf32>
        tpu.vector_store %arg8[%swap3A_180, %swap3A_181], %swap3A_184 {strides = array<i32>} : memref<200x128xf32, #tpu.memory_space<vmem>>, vector<1x16xf32>,
      }
      %scan3A_30 = arith.constant 200 : i32
      %dma_start3A_31 = arith.constant 0 : i32
      %dma_start3A_32 = arith.constant 0 : i32
      %dma_start3A_33 = tpu.memref_slice %arg6[%dma_start3A_31, %dma_start3A_32] : memref<10112x128xf32, #tpu.memory_space<vmem_shared>> -> memref<10112x128xf32, #tpu.memory_space<vmem_shared>>
      tpu.enqueue_indirect_dma source(%arg8 : memref<200x128xf32, #tpu.memory_space<vmem>>) target(%dma_start3A_33 : memref<10112x128xf32, #tpu.memory_space<vmem_shared>>) offsets(%arg7 : memref<200xi32, #tpu.memory_space<vmem>>) semaphore(%arg9 : memref<!tpu.dma_semaphore, #tpu.memory_space<semaphore_mem>>) {add = true}
      %dma_wait3A_34 = arith.constant 0 : i32
      %dma_wait3A_35 = arith.constant 0 : i32
      %dma_wait3A_36 = tpu.memref_slice %arg6[%dma_wait3A_34, %dma_wait3A_35] : memref<10112x128xf32, #tpu.memory_space<vmem_shared>> -> memref<10112x128xf32, #tpu.memory_space<vmem_shared>>
      tpu.wait_indirect_dma semaphore(%arg9 : memref<!tpu.dma_semaphore, #tpu.memory_space<semaphore_mem>>) src(%arg8 : memref<200x128xf32, #tpu.memory_space<vmem>>) dst(%dma_wait3A_36 : memref<10112x128xf32, #tpu.memory_space<vmem_shared>>)
    }
    %scan3A_9 = arith.constant 50 : i32
    %barrier3A_10 = arith.constant 0 : index
    tpu.barrier barrier_id(%barrier3A_10)
    "tpu.region"() ({
      %run_scoped3A = tpu.sem_alloc : memref<!tpu.dma_semaphore, #tpu.memory_space<semaphore_mem>>
      %dma_start3A = arith.constant 0 : i32
      %dma_start3A_11 = tpu.memref_slice %arg5[%arg0, %mul3A_2, %dma_start3A] : memref<2x10112x128xf32, #tpu.memory_space<hbm>> -> memref<1x632x128xf32, #tpu.memory_space<hbm>>
      %dma_start3A_12 = tpu.memref_squeeze %dma_start3A_11 : memref<1x632x128xf32, #tpu.memory_space<hbm>> -> memref<632x128xf32, #tpu.memory_space<hbm>>
      %dma_start3A_13 = arith.constant 0 : i32
      %dma_start3A_14 = tpu.memref_slice %arg6[%mul3A_2, %dma_start3A_13] : memref<10112x128xf32, #tpu.memory_space<vmem_shared>> -> memref<632x128xf32, #tpu.memory_space<vmem_shared>>
      tpu.enqueue_dma source(%dma_start3A_14 : memref<632x128xf32, #tpu.memory_space<vmem_shared>>) target(%dma_start3A_12 : memref<632x128xf32, #tpu.memory_space<hbm>>) target_semaphore(%run_scoped3A : memref<!tpu.dma_semaphore, #tpu.memory_space<semaphore_mem>>)
      %dma_wait3A = arith.constant 0 : i32
      %dma_wait3A_15 = tpu.memref_slice %arg5[%arg0, %mul3A_2, %dma_wait3A] : memref<2x10112x128xf32, #tpu.memory_space<hbm>> -> memref<1x632x128xf32, #tpu.memory_space<hbm>>
      %dma_wait3A_16 = tpu.memref_squeeze %dma_wait3A_15 : memref<1x632x128xf32, #tpu.memory_space<hbm>> -> memref<632x128xf32, #tpu.memory_space<hbm>>
      %dma_wait3A_17 = arith.constant 0 : i32
      %dma_wait3A_18 = tpu.memref_slice %arg6[%mul3A_2, %dma_wait3A_17] : memref<10112x128xf32, #tpu.memory_space<vmem_shared>> -> memref<632x128xf32, #tpu.memory_space<vmem_shared>>
      tpu.wait_dma2 semaphore(%run_scoped3A : memref<!tpu.dma_semaphore, #tpu.memory_space<semaphore_mem>>) src(%dma_wait3A_18 : memref<632x128xf32, #tpu.memory_space<vmem_shared>>) dst(%dma_wait3A_16 : memref<632x128xf32, #tpu.memory_space<hbm>>)
      tpu.yield
    }) : () -> ()
    return
  }
}

#map = affine_map<(d0, d1) -> (0, 0)>
#map1 = affine_map<(d0, d1) -> (0)>
#map2 = affine_map<(d0, d1) -> (0, 0, 0)>
module attributes {stable_mosaic.version = 14 : i64} {
  func.func @body(%arg0: i32, %arg1: i32, %arg2: memref<10000x128xf32, #tpu.memory_space<hbm>>, %arg3: memref<10000x128xf32, #tpu.memory_space<hbm>>, %arg4: memref<10000x128xf32, #tpu.memory_space<hbm>>, %arg5: memref<320000x128xf32, #tpu.memory_space<hbm>>, %arg6: memref<320000xi32, #tpu.memory_space<hbm>>, %arg7: memref<320000xi32, #tpu.memory_space<hbm>>, %arg8: memref<10112x128xf32, #tpu.memory_space<hbm>>, %arg9: memref<2x10112x128xf32, #tpu.memory_space<hbm>>, %arg10: memref<320000x128xf32, #tpu.memory_space<hbm>>, %arg11: memref<10112x128xf32, #tpu.memory_space<vmem_shared>>, %arg12: memref<80xi32, #tpu.memory_space<vmem>>, %arg13: memref<80xi32, #tpu.memory_space<vmem>>, %arg14: memref<80x128xf32, #tpu.memory_space<vmem>>, %arg15: memref<80x128xf32, #tpu.memory_space<vmem>>, %arg16: memref<80x128xf32, #tpu.memory_space<vmem>>, %arg17: memref<80x128xf32, #tpu.memory_space<vmem>>, %arg18: memref<!tpu.dma_semaphore, #tpu.memory_space<semaphore_mem>>, %arg19: memref<!tpu.dma_semaphore, #tpu.memory_space<semaphore_mem>>) attributes {dimension_semantics = [#tpu.dimension_semantics<core_parallel>, #tpu.dimension_semantics<subcore_parallel>], iteration_bounds = array<i64: 2, 16>, scalar_prefetch = 0 : i64, scratch_operands = 9 : i64, tpu.core_type = #tpu.core_type<sc_vector_subcore>, window_params = [{transform_indices = #map}, {transform_indices = #map}, {transform_indices = #map}, {transform_indices = #map}, {transform_indices = #map1}, {transform_indices = #map1}, {transform_indices = #map}, {transform_indices = #map2}, {transform_indices = #map}]} {
    %mul3A = arith.constant 16 : i32
    %mul3A_0 = arith.muli %arg0, %mul3A : i32
    %add3A = arith.addi %mul3A_0, %arg1 : i32
    %mul3A_1 = arith.constant 632 : i32
    %mul3A_2 = arith.muli %arg1, %mul3A_1 : i32
    "tpu.region"() ({
      %run_scoped3A = tpu.sem_alloc : memref<!tpu.dma_semaphore, #tpu.memory_space<semaphore_mem>>
      %dma_start3A = arith.constant 0 : i32
      %dma_start3A_11 = tpu.memref_slice %arg11[%mul3A_2, %dma_start3A] : memref<10112x128xf32, #tpu.memory_space<vmem_shared>> -> memref<632x128xf32, #tpu.memory_space<vmem_shared>>
      %dma_start3A_12 = arith.constant 0 : i32
      %dma_start3A_13 = tpu.memref_slice %arg8[%mul3A_2, %dma_start3A_12] : memref<10112x128xf32, #tpu.memory_space<hbm>> -> memref<632x128xf32, #tpu.memory_space<hbm>>
      tpu.enqueue_dma source(%dma_start3A_13 : memref<632x128xf32, #tpu.memory_space<hbm>>) target(%dma_start3A_11 : memref<632x128xf32, #tpu.memory_space<vmem_shared>>) target_semaphore(%run_scoped3A : memref<!tpu.dma_semaphore, #tpu.memory_space<semaphore_mem>>)
      %dma_wait3A = arith.constant 0 : i32
      %dma_wait3A_14 = tpu.memref_slice %arg11[%mul3A_2, %dma_wait3A] : memref<10112x128xf32, #tpu.memory_space<vmem_shared>> -> memref<632x128xf32, #tpu.memory_space<vmem_shared>>
      %dma_wait3A_15 = arith.constant 0 : i32
      %dma_wait3A_16 = tpu.memref_slice %arg8[%mul3A_2, %dma_wait3A_15] : memref<10112x128xf32, #tpu.memory_space<hbm>> -> memref<632x128xf32, #tpu.memory_space<hbm>>
      tpu.wait_dma2 semaphore(%run_scoped3A : memref<!tpu.dma_semaphore, #tpu.memory_space<semaphore_mem>>) src(%dma_wait3A_16 : memref<632x128xf32, #tpu.memory_space<hbm>>) dst(%dma_wait3A_14 : memref<632x128xf32, #tpu.memory_space<vmem_shared>>)
      tpu.yield
    }) : () -> ()
    %barrier3A = arith.constant 0 : index
    tpu.barrier barrier_id(%barrier3A)
    %mul3A_3 = arith.constant 10000 : i32
    %mul3A_4 = arith.muli %add3A, %mul3A_3 : i32
    %scan3A = arith.constant 0 : i32
    %scan3A_5 = arith.constant 0 : i32
    %scan3A_6 = arith.constant 125 : i32
    %scan3A_7 = arith.addi %scan3A_5, %scan3A_6 : i32
    %scan3A_8 = arith.constant 1 : i32
    scf.for %scan3A_11 = %scan3A_5 to %scan3A_7 step %scan3A_8  : i32 {
      %mul3A_12 = arith.constant 80 : i32
      %mul3A_13 = arith.muli %scan3A_11, %mul3A_12 : i32
      %add3A_14 = arith.addi %mul3A_4, %mul3A_13 : i32
      %dma_start3A = tpu.memref_slice %arg6[%add3A_14] : memref<320000xi32, #tpu.memory_space<hbm>> -> memref<80xi32, #tpu.memory_space<hbm>>
      %dma_start3A_15 = tpu.memref_slice %arg6[%add3A_14] : memref<320000xi32, #tpu.memory_space<hbm>> -> memref<80xi32, #tpu.memory_space<hbm>>
      tpu.enqueue_dma source(%dma_start3A_15 : memref<80xi32, #tpu.memory_space<hbm>>) target(%arg12 : memref<80xi32, #tpu.memory_space<vmem>>) target_semaphore(%arg18 : memref<!tpu.dma_semaphore, #tpu.memory_space<semaphore_mem>>)
      %dma_start3A_16 = tpu.memref_slice %arg7[%add3A_14] : memref<320000xi32, #tpu.memory_space<hbm>> -> memref<80xi32, #tpu.memory_space<hbm>>
      %dma_start3A_17 = tpu.memref_slice %arg7[%add3A_14] : memref<320000xi32, #tpu.memory_space<hbm>> -> memref<80xi32, #tpu.memory_space<hbm>>
      tpu.enqueue_dma source(%dma_start3A_17 : memref<80xi32, #tpu.memory_space<hbm>>) target(%arg13 : memref<80xi32, #tpu.memory_space<vmem>>) target_semaphore(%arg18 : memref<!tpu.dma_semaphore, #tpu.memory_space<semaphore_mem>>)
      %dma_start3A_18 = arith.constant 0 : i32
      %dma_start3A_19 = tpu.memref_slice %arg5[%add3A_14, %dma_start3A_18] : memref<320000x128xf32, #tpu.memory_space<hbm>> -> memref<80x128xf32, #tpu.memory_space<hbm>>
      %dma_start3A_20 = arith.constant 0 : i32
      %dma_start3A_21 = tpu.memref_slice %arg5[%add3A_14, %dma_start3A_20] : memref<320000x128xf32, #tpu.memory_space<hbm>> -> memref<80x128xf32, #tpu.memory_space<hbm>>
      tpu.enqueue_dma source(%dma_start3A_21 : memref<80x128xf32, #tpu.memory_space<hbm>>) target(%arg17 : memref<80x128xf32, #tpu.memory_space<vmem>>) target_semaphore(%arg19 : memref<!tpu.dma_semaphore, #tpu.memory_space<semaphore_mem>>)
      %dma_wait3A = tpu.memref_slice %arg6[%add3A_14] : memref<320000xi32, #tpu.memory_space<hbm>> -> memref<80xi32, #tpu.memory_space<hbm>>
      %dma_wait3A_22 = tpu.memref_slice %arg6[%add3A_14] : memref<320000xi32, #tpu.memory_space<hbm>> -> memref<80xi32, #tpu.memory_space<hbm>>
      tpu.wait_dma2 semaphore(%arg18 : memref<!tpu.dma_semaphore, #tpu.memory_space<semaphore_mem>>) src(%dma_wait3A_22 : memref<80xi32, #tpu.memory_space<hbm>>) dst(%arg12 : memref<80xi32, #tpu.memory_space<vmem>>)
      %dma_wait3A_23 = tpu.memref_slice %arg7[%add3A_14] : memref<320000xi32, #tpu.memory_space<hbm>> -> memref<80xi32, #tpu.memory_space<hbm>>
      %dma_wait3A_24 = tpu.memref_slice %arg7[%add3A_14] : memref<320000xi32, #tpu.memory_space<hbm>> -> memref<80xi32, #tpu.memory_space<hbm>>
      tpu.wait_dma2 semaphore(%arg18 : memref<!tpu.dma_semaphore, #tpu.memory_space<semaphore_mem>>) src(%dma_wait3A_24 : memref<80xi32, #tpu.memory_space<hbm>>) dst(%arg13 : memref<80xi32, #tpu.memory_space<vmem>>)
      %dma_start3A_25 = arith.constant 0 : i32
      %dma_start3A_26 = arith.constant 0 : i32
      %dma_start3A_27 = tpu.memref_slice %arg2[%dma_start3A_25, %dma_start3A_26] : memref<10000x128xf32, #tpu.memory_space<hbm>> -> memref<10000x128xf32, #tpu.memory_space<hbm>>
      tpu.enqueue_indirect_dma source(%dma_start3A_27 : memref<10000x128xf32, #tpu.memory_space<hbm>>) target(%arg14 : memref<80x128xf32, #tpu.memory_space<vmem>>) offsets(%arg12 : memref<80xi32, #tpu.memory_space<vmem>>) semaphore(%arg18 : memref<!tpu.dma_semaphore, #tpu.memory_space<semaphore_mem>>)
      %dma_start3A_28 = arith.constant 0 : i32
      %dma_start3A_29 = arith.constant 0 : i32
      %dma_start3A_30 = tpu.memref_slice %arg3[%dma_start3A_28, %dma_start3A_29] : memref<10000x128xf32, #tpu.memory_space<hbm>> -> memref<10000x128xf32, #tpu.memory_space<hbm>>
      tpu.enqueue_indirect_dma source(%dma_start3A_30 : memref<10000x128xf32, #tpu.memory_space<hbm>>) target(%arg15 : memref<80x128xf32, #tpu.memory_space<vmem>>) offsets(%arg12 : memref<80xi32, #tpu.memory_space<vmem>>) semaphore(%arg18 : memref<!tpu.dma_semaphore, #tpu.memory_space<semaphore_mem>>)
      %dma_start3A_31 = arith.constant 0 : i32
      %dma_start3A_32 = arith.constant 0 : i32
      %dma_start3A_33 = tpu.memref_slice %arg4[%dma_start3A_31, %dma_start3A_32] : memref<10000x128xf32, #tpu.memory_space<hbm>> -> memref<10000x128xf32, #tpu.memory_space<hbm>>
      tpu.enqueue_indirect_dma source(%dma_start3A_33 : memref<10000x128xf32, #tpu.memory_space<hbm>>) target(%arg16 : memref<80x128xf32, #tpu.memory_space<vmem>>) offsets(%arg13 : memref<80xi32, #tpu.memory_space<vmem>>) semaphore(%arg18 : memref<!tpu.dma_semaphore, #tpu.memory_space<semaphore_mem>>)
      %dma_wait3A_34 = arith.constant 0 : i32
      %dma_wait3A_35 = tpu.memref_slice %arg5[%add3A_14, %dma_wait3A_34] : memref<320000x128xf32, #tpu.memory_space<hbm>> -> memref<80x128xf32, #tpu.memory_space<hbm>>
      %dma_wait3A_36 = arith.constant 0 : i32
      %dma_wait3A_37 = tpu.memref_slice %arg5[%add3A_14, %dma_wait3A_36] : memref<320000x128xf32, #tpu.memory_space<hbm>> -> memref<80x128xf32, #tpu.memory_space<hbm>>
      tpu.wait_dma2 semaphore(%arg19 : memref<!tpu.dma_semaphore, #tpu.memory_space<semaphore_mem>>) src(%dma_wait3A_37 : memref<80x128xf32, #tpu.memory_space<hbm>>) dst(%arg17 : memref<80x128xf32, #tpu.memory_space<vmem>>)
      %dma_wait3A_38 = arith.constant 0 : i32
      %dma_wait3A_39 = arith.constant 0 : i32
      %dma_wait3A_40 = tpu.memref_slice %arg2[%dma_wait3A_38, %dma_wait3A_39] : memref<10000x128xf32, #tpu.memory_space<hbm>> -> memref<10000x128xf32, #tpu.memory_space<hbm>>
      tpu.wait_indirect_dma semaphore(%arg18 : memref<!tpu.dma_semaphore, #tpu.memory_space<semaphore_mem>>) src(%dma_wait3A_40 : memref<10000x128xf32, #tpu.memory_space<hbm>>) dst(%arg14 : memref<80x128xf32, #tpu.memory_space<vmem>>)
      %dma_wait3A_41 = arith.constant 0 : i32
      %dma_wait3A_42 = arith.constant 0 : i32
      %dma_wait3A_43 = tpu.memref_slice %arg3[%dma_wait3A_41, %dma_wait3A_42] : memref<10000x128xf32, #tpu.memory_space<hbm>> -> memref<10000x128xf32, #tpu.memory_space<hbm>>
      tpu.wait_indirect_dma semaphore(%arg18 : memref<!tpu.dma_semaphore, #tpu.memory_space<semaphore_mem>>) src(%dma_wait3A_43 : memref<10000x128xf32, #tpu.memory_space<hbm>>) dst(%arg15 : memref<80x128xf32, #tpu.memory_space<vmem>>)
      %dma_wait3A_44 = arith.constant 0 : i32
      %dma_wait3A_45 = arith.constant 0 : i32
      %dma_wait3A_46 = tpu.memref_slice %arg4[%dma_wait3A_44, %dma_wait3A_45] : memref<10000x128xf32, #tpu.memory_space<hbm>> -> memref<10000x128xf32, #tpu.memory_space<hbm>>
      tpu.wait_indirect_dma semaphore(%arg18 : memref<!tpu.dma_semaphore, #tpu.memory_space<semaphore_mem>>) src(%dma_wait3A_46 : memref<10000x128xf32, #tpu.memory_space<hbm>>) dst(%arg16 : memref<80x128xf32, #tpu.memory_space<vmem>>)
      %scan3A_47 = arith.constant 0 : i32
      %scan3A_48 = arith.constant 0 : i32
      %scan3A_49 = arith.constant 80 : i32
      %scan3A_50 = arith.addi %scan3A_48, %scan3A_49 : i32
      %scan3A_51 = arith.constant 1 : i32
      scf.for %scan3A_67 = %scan3A_48 to %scan3A_50 step %scan3A_51  : i32 {
        %get3A = arith.index_cast %scan3A_67 : i32 to index
        %get3A_68 = arith.constant 0 : index
        %get3A_69 = tpu.vector_load %arg14[%get3A, %get3A_68] {strides = array<i32>} : memref<80x128xf32, #tpu.memory_space<vmem>>, vector<1x16xf32>,
        %get3A_70 = vector.shape_cast %get3A_69 : vector<1x16xf32> to vector<16xf32>
        %get3A_71 = arith.index_cast %scan3A_67 : i32 to index
        %get3A_72 = arith.constant 0 : index
        %get3A_73 = tpu.vector_load %arg16[%get3A_71, %get3A_72] {strides = array<i32>} : memref<80x128xf32, #tpu.memory_space<vmem>>, vector<1x16xf32>,
        %get3A_74 = vector.shape_cast %get3A_73 : vector<1x16xf32> to vector<16xf32>
        %add3A_75 = arith.addf %get3A_70, %get3A_74 : vector<16xf32>
        %get3A_76 = arith.index_cast %scan3A_67 : i32 to index
        %get3A_77 = arith.constant 0 : index
        %get3A_78 = tpu.vector_load %arg17[%get3A_76, %get3A_77] {strides = array<i32>} : memref<80x128xf32, #tpu.memory_space<vmem>>, vector<1x16xf32>,
        %get3A_79 = vector.shape_cast %get3A_78 : vector<1x16xf32> to vector<16xf32>
        %add3A_80 = arith.addf %add3A_75, %get3A_79 : vector<16xf32>
        %neg3A = arith.constant 0.000000e+00 : f32
        %neg3A_81 = vector.broadcast %neg3A : f32 to vector<16xf32>
        %neg3A_82 = arith.subf %neg3A_81, %add3A_80 : vector<16xf32>
        %exp3A = math.exp %neg3A_82 : vector<16xf32>
        %add3A_83 = arith.constant 1.000000e+00 : f32
        %add3A_84 = vector.broadcast %add3A_83 : f32 to vector<16xf32>
        %add3A_85 = arith.addf %add3A_84, %exp3A : vector<16xf32>
        %div3A = arith.constant 1.000000e+00 : f32
        %div3A_86 = vector.broadcast %div3A : f32 to vector<16xf32>
        %div3A_87 = arith.divf %div3A_86, %add3A_85 : vector<16xf32>
        %get3A_88 = arith.index_cast %scan3A_67 : i32 to index
        %get3A_89 = arith.constant 0 : index
        %get3A_90 = tpu.vector_load %arg15[%get3A_88, %get3A_89] {strides = array<i32>} : memref<80x128xf32, #tpu.memory_space<vmem>>, vector<1x16xf32>,
        %get3A_91 = vector.shape_cast %get3A_90 : vector<1x16xf32> to vector<16xf32>
        %mul3A_92 = arith.mulf %div3A_87, %get3A_91 : vector<16xf32>
        %swap3A = arith.index_cast %scan3A_67 : i32 to index
        %swap3A_93 = arith.constant 0 : index
        %swap3A_94 = tpu.vector_load %arg14[%swap3A, %swap3A_93] {strides = array<i32>} : memref<80x128xf32, #tpu.memory_space<vmem>>, vector<1x16xf32>,
        %swap3A_95 = vector.shape_cast %swap3A_94 : vector<1x16xf32> to vector<16xf32>
        %swap3A_96 = vector.shape_cast %mul3A_92 : vector<16xf32> to vector<1x16xf32>
        tpu.vector_store %arg14[%swap3A, %swap3A_93], %swap3A_96 {strides = array<i32>} : memref<80x128xf32, #tpu.memory_space<vmem>>, vector<1x16xf32>,
        %swap3A_97 = arith.index_cast %scan3A_67 : i32 to index
        %swap3A_98 = arith.constant 0 : index
        %swap3A_99 = tpu.vector_load %arg17[%swap3A_97, %swap3A_98] {strides = array<i32>} : memref<80x128xf32, #tpu.memory_space<vmem>>, vector<1x16xf32>,
        %swap3A_100 = vector.shape_cast %swap3A_99 : vector<1x16xf32> to vector<16xf32>
        %swap3A_101 = vector.shape_cast %div3A_87 : vector<16xf32> to vector<1x16xf32>
        tpu.vector_store %arg17[%swap3A_97, %swap3A_98], %swap3A_101 {strides = array<i32>} : memref<80x128xf32, #tpu.memory_space<vmem>>, vector<1x16xf32>,
        %get3A_102 = arith.index_cast %scan3A_67 : i32 to index
        %get3A_103 = arith.constant 16 : index
        %get3A_104 = tpu.vector_load %arg14[%get3A_102, %get3A_103] {strides = array<i32>} : memref<80x128xf32, #tpu.memory_space<vmem>>, vector<1x16xf32>,
        %get3A_105 = vector.shape_cast %get3A_104 : vector<1x16xf32> to vector<16xf32>
        %get3A_106 = arith.index_cast %scan3A_67 : i32 to index
        %get3A_107 = arith.constant 16 : index
        %get3A_108 = tpu.vector_load %arg16[%get3A_106, %get3A_107] {strides = array<i32>} : memref<80x128xf32, #tpu.memory_space<vmem>>, vector<1x16xf32>,
        %get3A_109 = vector.shape_cast %get3A_108 : vector<1x16xf32> to vector<16xf32>
        %add3A_110 = arith.addf %get3A_105, %get3A_109 : vector<16xf32>
        %get3A_111 = arith.index_cast %scan3A_67 : i32 to index
        %get3A_112 = arith.constant 16 : index
        %get3A_113 = tpu.vector_load %arg17[%get3A_111, %get3A_112] {strides = array<i32>} : memref<80x128xf32, #tpu.memory_space<vmem>>, vector<1x16xf32>,
        %get3A_114 = vector.shape_cast %get3A_113 : vector<1x16xf32> to vector<16xf32>
        %add3A_115 = arith.addf %add3A_110, %get3A_114 : vector<16xf32>
        %neg3A_116 = arith.constant 0.000000e+00 : f32
        %neg3A_117 = vector.broadcast %neg3A_116 : f32 to vector<16xf32>
        %neg3A_118 = arith.subf %neg3A_117, %add3A_115 : vector<16xf32>
        %exp3A_119 = math.exp %neg3A_118 : vector<16xf32>
        %add3A_120 = arith.constant 1.000000e+00 : f32
        %add3A_121 = vector.broadcast %add3A_120 : f32 to vector<16xf32>
        %add3A_122 = arith.addf %add3A_121, %exp3A_119 : vector<16xf32>
        %div3A_123 = arith.constant 1.000000e+00 : f32
        %div3A_124 = vector.broadcast %div3A_123 : f32 to vector<16xf32>
        %div3A_125 = arith.divf %div3A_124, %add3A_122 : vector<16xf32>
        %get3A_126 = arith.index_cast %scan3A_67 : i32 to index
        %get3A_127 = arith.constant 16 : index
        %get3A_128 = tpu.vector_load %arg15[%get3A_126, %get3A_127] {strides = array<i32>} : memref<80x128xf32, #tpu.memory_space<vmem>>, vector<1x16xf32>,
        %get3A_129 = vector.shape_cast %get3A_128 : vector<1x16xf32> to vector<16xf32>
        %mul3A_130 = arith.mulf %div3A_125, %get3A_129 : vector<16xf32>
        %swap3A_131 = arith.index_cast %scan3A_67 : i32 to index
        %swap3A_132 = arith.constant 16 : index
        %swap3A_133 = tpu.vector_load %arg14[%swap3A_131, %swap3A_132] {strides = array<i32>} : memref<80x128xf32, #tpu.memory_space<vmem>>, vector<1x16xf32>,
        %swap3A_134 = vector.shape_cast %swap3A_133 : vector<1x16xf32> to vector<16xf32>
        %swap3A_135 = vector.shape_cast %mul3A_130 : vector<16xf32> to vector<1x16xf32>
        tpu.vector_store %arg14[%swap3A_131, %swap3A_132], %swap3A_135 {strides = array<i32>} : memref<80x128xf32, #tpu.memory_space<vmem>>, vector<1x16xf32>,
        %swap3A_136 = arith.index_cast %scan3A_67 : i32 to index
        %swap3A_137 = arith.constant 16 : index
        %swap3A_138 = tpu.vector_load %arg17[%swap3A_136, %swap3A_137] {strides = array<i32>} : memref<80x128xf32, #tpu.memory_space<vmem>>, vector<1x16xf32>,
        %swap3A_139 = vector.shape_cast %swap3A_138 : vector<1x16xf32> to vector<16xf32>
        %swap3A_140 = vector.shape_cast %div3A_125 : vector<16xf32> to vector<1x16xf32>
        tpu.vector_store %arg17[%swap3A_136, %swap3A_137], %swap3A_140 {strides = array<i32>} : memref<80x128xf32, #tpu.memory_space<vmem>>, vector<1x16xf32>,
        %get3A_141 = arith.index_cast %scan3A_67 : i32 to index
        %get3A_142 = arith.constant 32 : index
        %get3A_143 = tpu.vector_load %arg14[%get3A_141, %get3A_142] {strides = array<i32>} : memref<80x128xf32, #tpu.memory_space<vmem>>, vector<1x16xf32>,
        %get3A_144 = vector.shape_cast %get3A_143 : vector<1x16xf32> to vector<16xf32>
        %get3A_145 = arith.index_cast %scan3A_67 : i32 to index
        %get3A_146 = arith.constant 32 : index
        %get3A_147 = tpu.vector_load %arg16[%get3A_145, %get3A_146] {strides = array<i32>} : memref<80x128xf32, #tpu.memory_space<vmem>>, vector<1x16xf32>,
        %get3A_148 = vector.shape_cast %get3A_147 : vector<1x16xf32> to vector<16xf32>
        %add3A_149 = arith.addf %get3A_144, %get3A_148 : vector<16xf32>
        %get3A_150 = arith.index_cast %scan3A_67 : i32 to index
        %get3A_151 = arith.constant 32 : index
        %get3A_152 = tpu.vector_load %arg17[%get3A_150, %get3A_151] {strides = array<i32>} : memref<80x128xf32, #tpu.memory_space<vmem>>, vector<1x16xf32>,
        %get3A_153 = vector.shape_cast %get3A_152 : vector<1x16xf32> to vector<16xf32>
        %add3A_154 = arith.addf %add3A_149, %get3A_153 : vector<16xf32>
        %neg3A_155 = arith.constant 0.000000e+00 : f32
        %neg3A_156 = vector.broadcast %neg3A_155 : f32 to vector<16xf32>
        %neg3A_157 = arith.subf %neg3A_156, %add3A_154 : vector<16xf32>
        %exp3A_158 = math.exp %neg3A_157 : vector<16xf32>
        %add3A_159 = arith.constant 1.000000e+00 : f32
        %add3A_160 = vector.broadcast %add3A_159 : f32 to vector<16xf32>
        %add3A_161 = arith.addf %add3A_160, %exp3A_158 : vector<16xf32>
        %div3A_162 = arith.constant 1.000000e+00 : f32
        %div3A_163 = vector.broadcast %div3A_162 : f32 to vector<16xf32>
        %div3A_164 = arith.divf %div3A_163, %add3A_161 : vector<16xf32>
        %get3A_165 = arith.index_cast %scan3A_67 : i32 to index
        %get3A_166 = arith.constant 32 : index
        %get3A_167 = tpu.vector_load %arg15[%get3A_165, %get3A_166] {strides = array<i32>} : memref<80x128xf32, #tpu.memory_space<vmem>>, vector<1x16xf32>,
        %get3A_168 = vector.shape_cast %get3A_167 : vector<1x16xf32> to vector<16xf32>
        %mul3A_169 = arith.mulf %div3A_164, %get3A_168 : vector<16xf32>
        %swap3A_170 = arith.index_cast %scan3A_67 : i32 to index
        %swap3A_171 = arith.constant 32 : index
        %swap3A_172 = tpu.vector_load %arg14[%swap3A_170, %swap3A_171] {strides = array<i32>} : memref<80x128xf32, #tpu.memory_space<vmem>>, vector<1x16xf32>,
        %swap3A_173 = vector.shape_cast %swap3A_172 : vector<1x16xf32> to vector<16xf32>
        %swap3A_174 = vector.shape_cast %mul3A_169 : vector<16xf32> to vector<1x16xf32>
        tpu.vector_store %arg14[%swap3A_170, %swap3A_171], %swap3A_174 {strides = array<i32>} : memref<80x128xf32, #tpu.memory_space<vmem>>, vector<1x16xf32>,
        %swap3A_175 = arith.index_cast %scan3A_67 : i32 to index
        %swap3A_176 = arith.constant 32 : index
        %swap3A_177 = tpu.vector_load %arg17[%swap3A_175, %swap3A_176] {strides = array<i32>} : memref<80x128xf32, #tpu.memory_space<vmem>>, vector<1x16xf32>,
        %swap3A_178 = vector.shape_cast %swap3A_177 : vector<1x16xf32> to vector<16xf32>
        %swap3A_179 = vector.shape_cast %div3A_164 : vector<16xf32> to vector<1x16xf32>
        tpu.vector_store %arg17[%swap3A_175, %swap3A_176], %swap3A_179 {strides = array<i32>} : memref<80x128xf32, #tpu.memory_space<vmem>>, vector<1x16xf32>,
        %get3A_180 = arith.index_cast %scan3A_67 : i32 to index
        %get3A_181 = arith.constant 48 : index
        %get3A_182 = tpu.vector_load %arg14[%get3A_180, %get3A_181] {strides = array<i32>} : memref<80x128xf32, #tpu.memory_space<vmem>>, vector<1x16xf32>,
        %get3A_183 = vector.shape_cast %get3A_182 : vector<1x16xf32> to vector<16xf32>
        %get3A_184 = arith.index_cast %scan3A_67 : i32 to index
        %get3A_185 = arith.constant 48 : index
        %get3A_186 = tpu.vector_load %arg16[%get3A_184, %get3A_185] {strides = array<i32>} : memref<80x128xf32, #tpu.memory_space<vmem>>, vector<1x16xf32>,
        %get3A_187 = vector.shape_cast %get3A_186 : vector<1x16xf32> to vector<16xf32>
        %add3A_188 = arith.addf %get3A_183, %get3A_187 : vector<16xf32>
        %get3A_189 = arith.index_cast %scan3A_67 : i32 to index
        %get3A_190 = arith.constant 48 : index
        %get3A_191 = tpu.vector_load %arg17[%get3A_189, %get3A_190] {strides = array<i32>} : memref<80x128xf32, #tpu.memory_space<vmem>>, vector<1x16xf32>,
        %get3A_192 = vector.shape_cast %get3A_191 : vector<1x16xf32> to vector<16xf32>
        %add3A_193 = arith.addf %add3A_188, %get3A_192 : vector<16xf32>
        %neg3A_194 = arith.constant 0.000000e+00 : f32
        %neg3A_195 = vector.broadcast %neg3A_194 : f32 to vector<16xf32>
        %neg3A_196 = arith.subf %neg3A_195, %add3A_193 : vector<16xf32>
        %exp3A_197 = math.exp %neg3A_196 : vector<16xf32>
        %add3A_198 = arith.constant 1.000000e+00 : f32
        %add3A_199 = vector.broadcast %add3A_198 : f32 to vector<16xf32>
        %add3A_200 = arith.addf %add3A_199, %exp3A_197 : vector<16xf32>
        %div3A_201 = arith.constant 1.000000e+00 : f32
        %div3A_202 = vector.broadcast %div3A_201 : f32 to vector<16xf32>
        %div3A_203 = arith.divf %div3A_202, %add3A_200 : vector<16xf32>
        %get3A_204 = arith.index_cast %scan3A_67 : i32 to index
        %get3A_205 = arith.constant 48 : index
        %get3A_206 = tpu.vector_load %arg15[%get3A_204, %get3A_205] {strides = array<i32>} : memref<80x128xf32, #tpu.memory_space<vmem>>, vector<1x16xf32>,
        %get3A_207 = vector.shape_cast %get3A_206 : vector<1x16xf32> to vector<16xf32>
        %mul3A_208 = arith.mulf %div3A_203, %get3A_207 : vector<16xf32>
        %swap3A_209 = arith.index_cast %scan3A_67 : i32 to index
        %swap3A_210 = arith.constant 48 : index
        %swap3A_211 = tpu.vector_load %arg14[%swap3A_209, %swap3A_210] {strides = array<i32>} : memref<80x128xf32, #tpu.memory_space<vmem>>, vector<1x16xf32>,
        %swap3A_212 = vector.shape_cast %swap3A_211 : vector<1x16xf32> to vector<16xf32>
        %swap3A_213 = vector.shape_cast %mul3A_208 : vector<16xf32> to vector<1x16xf32>
        tpu.vector_store %arg14[%swap3A_209, %swap3A_210], %swap3A_213 {strides = array<i32>} : memref<80x128xf32, #tpu.memory_space<vmem>>, vector<1x16xf32>,
        %swap3A_214 = arith.index_cast %scan3A_67 : i32 to index
        %swap3A_215 = arith.constant 48 : index
        %swap3A_216 = tpu.vector_load %arg17[%swap3A_214, %swap3A_215] {strides = array<i32>} : memref<80x128xf32, #tpu.memory_space<vmem>>, vector<1x16xf32>,
        %swap3A_217 = vector.shape_cast %swap3A_216 : vector<1x16xf32> to vector<16xf32>
        %swap3A_218 = vector.shape_cast %div3A_203 : vector<16xf32> to vector<1x16xf32>
        tpu.vector_store %arg17[%swap3A_214, %swap3A_215], %swap3A_218 {strides = array<i32>} : memref<80x128xf32, #tpu.memory_space<vmem>>, vector<1x16xf32>,
        %get3A_219 = arith.index_cast %scan3A_67 : i32 to index
        %get3A_220 = arith.constant 64 : index
        %get3A_221 = tpu.vector_load %arg14[%get3A_219, %get3A_220] {strides = array<i32>} : memref<80x128xf32, #tpu.memory_space<vmem>>, vector<1x16xf32>,
        %get3A_222 = vector.shape_cast %get3A_221 : vector<1x16xf32> to vector<16xf32>
        %get3A_223 = arith.index_cast %scan3A_67 : i32 to index
        %get3A_224 = arith.constant 64 : index
        %get3A_225 = tpu.vector_load %arg16[%get3A_223, %get3A_224] {strides = array<i32>} : memref<80x128xf32, #tpu.memory_space<vmem>>, vector<1x16xf32>,
        %get3A_226 = vector.shape_cast %get3A_225 : vector<1x16xf32> to vector<16xf32>
        %add3A_227 = arith.addf %get3A_222, %get3A_226 : vector<16xf32>
        %get3A_228 = arith.index_cast %scan3A_67 : i32 to index
        %get3A_229 = arith.constant 64 : index
        %get3A_230 = tpu.vector_load %arg17[%get3A_228, %get3A_229] {strides = array<i32>} : memref<80x128xf32, #tpu.memory_space<vmem>>, vector<1x16xf32>,
        %get3A_231 = vector.shape_cast %get3A_230 : vector<1x16xf32> to vector<16xf32>
        %add3A_232 = arith.addf %add3A_227, %get3A_231 : vector<16xf32>
        %neg3A_233 = arith.constant 0.000000e+00 : f32
        %neg3A_234 = vector.broadcast %neg3A_233 : f32 to vector<16xf32>
        %neg3A_235 = arith.subf %neg3A_234, %add3A_232 : vector<16xf32>
        %exp3A_236 = math.exp %neg3A_235 : vector<16xf32>
        %add3A_237 = arith.constant 1.000000e+00 : f32
        %add3A_238 = vector.broadcast %add3A_237 : f32 to vector<16xf32>
        %add3A_239 = arith.addf %add3A_238, %exp3A_236 : vector<16xf32>
        %div3A_240 = arith.constant 1.000000e+00 : f32
        %div3A_241 = vector.broadcast %div3A_240 : f32 to vector<16xf32>
        %div3A_242 = arith.divf %div3A_241, %add3A_239 : vector<16xf32>
        %get3A_243 = arith.index_cast %scan3A_67 : i32 to index
        %get3A_244 = arith.constant 64 : index
        %get3A_245 = tpu.vector_load %arg15[%get3A_243, %get3A_244] {strides = array<i32>} : memref<80x128xf32, #tpu.memory_space<vmem>>, vector<1x16xf32>,
        %get3A_246 = vector.shape_cast %get3A_245 : vector<1x16xf32> to vector<16xf32>
        %mul3A_247 = arith.mulf %div3A_242, %get3A_246 : vector<16xf32>
        %swap3A_248 = arith.index_cast %scan3A_67 : i32 to index
        %swap3A_249 = arith.constant 64 : index
        %swap3A_250 = tpu.vector_load %arg14[%swap3A_248, %swap3A_249] {strides = array<i32>} : memref<80x128xf32, #tpu.memory_space<vmem>>, vector<1x16xf32>,
        %swap3A_251 = vector.shape_cast %swap3A_250 : vector<1x16xf32> to vector<16xf32>
        %swap3A_252 = vector.shape_cast %mul3A_247 : vector<16xf32> to vector<1x16xf32>
        tpu.vector_store %arg14[%swap3A_248, %swap3A_249], %swap3A_252 {strides = array<i32>} : memref<80x128xf32, #tpu.memory_space<vmem>>, vector<1x16xf32>,
        %swap3A_253 = arith.index_cast %scan3A_67 : i32 to index
        %swap3A_254 = arith.constant 64 : index
        %swap3A_255 = tpu.vector_load %arg17[%swap3A_253, %swap3A_254] {strides = array<i32>} : memref<80x128xf32, #tpu.memory_space<vmem>>, vector<1x16xf32>,
        %swap3A_256 = vector.shape_cast %swap3A_255 : vector<1x16xf32> to vector<16xf32>
        %swap3A_257 = vector.shape_cast %div3A_242 : vector<16xf32> to vector<1x16xf32>
        tpu.vector_store %arg17[%swap3A_253, %swap3A_254], %swap3A_257 {strides = array<i32>} : memref<80x128xf32, #tpu.memory_space<vmem>>, vector<1x16xf32>,
        %get3A_258 = arith.index_cast %scan3A_67 : i32 to index
        %get3A_259 = arith.constant 80 : index
        %get3A_260 = tpu.vector_load %arg14[%get3A_258, %get3A_259] {strides = array<i32>} : memref<80x128xf32, #tpu.memory_space<vmem>>, vector<1x16xf32>,
        %get3A_261 = vector.shape_cast %get3A_260 : vector<1x16xf32> to vector<16xf32>
        %get3A_262 = arith.index_cast %scan3A_67 : i32 to index
        %get3A_263 = arith.constant 80 : index
        %get3A_264 = tpu.vector_load %arg16[%get3A_262, %get3A_263] {strides = array<i32>} : memref<80x128xf32, #tpu.memory_space<vmem>>, vector<1x16xf32>,
        %get3A_265 = vector.shape_cast %get3A_264 : vector<1x16xf32> to vector<16xf32>
        %add3A_266 = arith.addf %get3A_261, %get3A_265 : vector<16xf32>
        %get3A_267 = arith.index_cast %scan3A_67 : i32 to index
        %get3A_268 = arith.constant 80 : index
        %get3A_269 = tpu.vector_load %arg17[%get3A_267, %get3A_268] {strides = array<i32>} : memref<80x128xf32, #tpu.memory_space<vmem>>, vector<1x16xf32>,
        %get3A_270 = vector.shape_cast %get3A_269 : vector<1x16xf32> to vector<16xf32>
        %add3A_271 = arith.addf %add3A_266, %get3A_270 : vector<16xf32>
        %neg3A_272 = arith.constant 0.000000e+00 : f32
        %neg3A_273 = vector.broadcast %neg3A_272 : f32 to vector<16xf32>
        %neg3A_274 = arith.subf %neg3A_273, %add3A_271 : vector<16xf32>
        %exp3A_275 = math.exp %neg3A_274 : vector<16xf32>
        %add3A_276 = arith.constant 1.000000e+00 : f32
        %add3A_277 = vector.broadcast %add3A_276 : f32 to vector<16xf32>
        %add3A_278 = arith.addf %add3A_277, %exp3A_275 : vector<16xf32>
        %div3A_279 = arith.constant 1.000000e+00 : f32
        %div3A_280 = vector.broadcast %div3A_279 : f32 to vector<16xf32>
        %div3A_281 = arith.divf %div3A_280, %add3A_278 : vector<16xf32>
        %get3A_282 = arith.index_cast %scan3A_67 : i32 to index
        %get3A_283 = arith.constant 80 : index
        %get3A_284 = tpu.vector_load %arg15[%get3A_282, %get3A_283] {strides = array<i32>} : memref<80x128xf32, #tpu.memory_space<vmem>>, vector<1x16xf32>,
        %get3A_285 = vector.shape_cast %get3A_284 : vector<1x16xf32> to vector<16xf32>
        %mul3A_286 = arith.mulf %div3A_281, %get3A_285 : vector<16xf32>
        %swap3A_287 = arith.index_cast %scan3A_67 : i32 to index
        %swap3A_288 = arith.constant 80 : index
        %swap3A_289 = tpu.vector_load %arg14[%swap3A_287, %swap3A_288] {strides = array<i32>} : memref<80x128xf32, #tpu.memory_space<vmem>>, vector<1x16xf32>,
        %swap3A_290 = vector.shape_cast %swap3A_289 : vector<1x16xf32> to vector<16xf32>
        %swap3A_291 = vector.shape_cast %mul3A_286 : vector<16xf32> to vector<1x16xf32>
        tpu.vector_store %arg14[%swap3A_287, %swap3A_288], %swap3A_291 {strides = array<i32>} : memref<80x128xf32, #tpu.memory_space<vmem>>, vector<1x16xf32>,
        %swap3A_292 = arith.index_cast %scan3A_67 : i32 to index
        %swap3A_293 = arith.constant 80 : index
        %swap3A_294 = tpu.vector_load %arg17[%swap3A_292, %swap3A_293] {strides = array<i32>} : memref<80x128xf32, #tpu.memory_space<vmem>>, vector<1x16xf32>,
        %swap3A_295 = vector.shape_cast %swap3A_294 : vector<1x16xf32> to vector<16xf32>
        %swap3A_296 = vector.shape_cast %div3A_281 : vector<16xf32> to vector<1x16xf32>
        tpu.vector_store %arg17[%swap3A_292, %swap3A_293], %swap3A_296 {strides = array<i32>} : memref<80x128xf32, #tpu.memory_space<vmem>>, vector<1x16xf32>,
        %get3A_297 = arith.index_cast %scan3A_67 : i32 to index
        %get3A_298 = arith.constant 96 : index
        %get3A_299 = tpu.vector_load %arg14[%get3A_297, %get3A_298] {strides = array<i32>} : memref<80x128xf32, #tpu.memory_space<vmem>>, vector<1x16xf32>,
        %get3A_300 = vector.shape_cast %get3A_299 : vector<1x16xf32> to vector<16xf32>
        %get3A_301 = arith.index_cast %scan3A_67 : i32 to index
        %get3A_302 = arith.constant 96 : index
        %get3A_303 = tpu.vector_load %arg16[%get3A_301, %get3A_302] {strides = array<i32>} : memref<80x128xf32, #tpu.memory_space<vmem>>, vector<1x16xf32>,
        %get3A_304 = vector.shape_cast %get3A_303 : vector<1x16xf32> to vector<16xf32>
        %add3A_305 = arith.addf %get3A_300, %get3A_304 : vector<16xf32>
        %get3A_306 = arith.index_cast %scan3A_67 : i32 to index
        %get3A_307 = arith.constant 96 : index
        %get3A_308 = tpu.vector_load %arg17[%get3A_306, %get3A_307] {strides = array<i32>} : memref<80x128xf32, #tpu.memory_space<vmem>>, vector<1x16xf32>,
        %get3A_309 = vector.shape_cast %get3A_308 : vector<1x16xf32> to vector<16xf32>
        %add3A_310 = arith.addf %add3A_305, %get3A_309 : vector<16xf32>
        %neg3A_311 = arith.constant 0.000000e+00 : f32
        %neg3A_312 = vector.broadcast %neg3A_311 : f32 to vector<16xf32>
        %neg3A_313 = arith.subf %neg3A_312, %add3A_310 : vector<16xf32>
        %exp3A_314 = math.exp %neg3A_313 : vector<16xf32>
        %add3A_315 = arith.constant 1.000000e+00 : f32
        %add3A_316 = vector.broadcast %add3A_315 : f32 to vector<16xf32>
        %add3A_317 = arith.addf %add3A_316, %exp3A_314 : vector<16xf32>
        %div3A_318 = arith.constant 1.000000e+00 : f32
        %div3A_319 = vector.broadcast %div3A_318 : f32 to vector<16xf32>
        %div3A_320 = arith.divf %div3A_319, %add3A_317 : vector<16xf32>
        %get3A_321 = arith.index_cast %scan3A_67 : i32 to index
        %get3A_322 = arith.constant 96 : index
        %get3A_323 = tpu.vector_load %arg15[%get3A_321, %get3A_322] {strides = array<i32>} : memref<80x128xf32, #tpu.memory_space<vmem>>, vector<1x16xf32>,
        %get3A_324 = vector.shape_cast %get3A_323 : vector<1x16xf32> to vector<16xf32>
        %mul3A_325 = arith.mulf %div3A_320, %get3A_324 : vector<16xf32>
        %swap3A_326 = arith.index_cast %scan3A_67 : i32 to index
        %swap3A_327 = arith.constant 96 : index
        %swap3A_328 = tpu.vector_load %arg14[%swap3A_326, %swap3A_327] {strides = array<i32>} : memref<80x128xf32, #tpu.memory_space<vmem>>, vector<1x16xf32>,
        %swap3A_329 = vector.shape_cast %swap3A_328 : vector<1x16xf32> to vector<16xf32>
        %swap3A_330 = vector.shape_cast %mul3A_325 : vector<16xf32> to vector<1x16xf32>
        tpu.vector_store %arg14[%swap3A_326, %swap3A_327], %swap3A_330 {strides = array<i32>} : memref<80x128xf32, #tpu.memory_space<vmem>>, vector<1x16xf32>,
        %swap3A_331 = arith.index_cast %scan3A_67 : i32 to index
        %swap3A_332 = arith.constant 96 : index
        %swap3A_333 = tpu.vector_load %arg17[%swap3A_331, %swap3A_332] {strides = array<i32>} : memref<80x128xf32, #tpu.memory_space<vmem>>, vector<1x16xf32>,
        %swap3A_334 = vector.shape_cast %swap3A_333 : vector<1x16xf32> to vector<16xf32>
        %swap3A_335 = vector.shape_cast %div3A_320 : vector<16xf32> to vector<1x16xf32>
        tpu.vector_store %arg17[%swap3A_331, %swap3A_332], %swap3A_335 {strides = array<i32>} : memref<80x128xf32, #tpu.memory_space<vmem>>, vector<1x16xf32>,
        %get3A_336 = arith.index_cast %scan3A_67 : i32 to index
        %get3A_337 = arith.constant 112 : index
        %get3A_338 = tpu.vector_load %arg14[%get3A_336, %get3A_337] {strides = array<i32>} : memref<80x128xf32, #tpu.memory_space<vmem>>, vector<1x16xf32>,
        %get3A_339 = vector.shape_cast %get3A_338 : vector<1x16xf32> to vector<16xf32>
        %get3A_340 = arith.index_cast %scan3A_67 : i32 to index
        %get3A_341 = arith.constant 112 : index
        %get3A_342 = tpu.vector_load %arg16[%get3A_340, %get3A_341] {strides = array<i32>} : memref<80x128xf32, #tpu.memory_space<vmem>>, vector<1x16xf32>,
        %get3A_343 = vector.shape_cast %get3A_342 : vector<1x16xf32> to vector<16xf32>
        %add3A_344 = arith.addf %get3A_339, %get3A_343 : vector<16xf32>
        %get3A_345 = arith.index_cast %scan3A_67 : i32 to index
        %get3A_346 = arith.constant 112 : index
        %get3A_347 = tpu.vector_load %arg17[%get3A_345, %get3A_346] {strides = array<i32>} : memref<80x128xf32, #tpu.memory_space<vmem>>, vector<1x16xf32>,
        %get3A_348 = vector.shape_cast %get3A_347 : vector<1x16xf32> to vector<16xf32>
        %add3A_349 = arith.addf %add3A_344, %get3A_348 : vector<16xf32>
        %neg3A_350 = arith.constant 0.000000e+00 : f32
        %neg3A_351 = vector.broadcast %neg3A_350 : f32 to vector<16xf32>
        %neg3A_352 = arith.subf %neg3A_351, %add3A_349 : vector<16xf32>
        %exp3A_353 = math.exp %neg3A_352 : vector<16xf32>
        %add3A_354 = arith.constant 1.000000e+00 : f32
        %add3A_355 = vector.broadcast %add3A_354 : f32 to vector<16xf32>
        %add3A_356 = arith.addf %add3A_355, %exp3A_353 : vector<16xf32>
        %div3A_357 = arith.constant 1.000000e+00 : f32
        %div3A_358 = vector.broadcast %div3A_357 : f32 to vector<16xf32>
        %div3A_359 = arith.divf %div3A_358, %add3A_356 : vector<16xf32>
        %get3A_360 = arith.index_cast %scan3A_67 : i32 to index
        %get3A_361 = arith.constant 112 : index
        %get3A_362 = tpu.vector_load %arg15[%get3A_360, %get3A_361] {strides = array<i32>} : memref<80x128xf32, #tpu.memory_space<vmem>>, vector<1x16xf32>,
        %get3A_363 = vector.shape_cast %get3A_362 : vector<1x16xf32> to vector<16xf32>
        %mul3A_364 = arith.mulf %div3A_359, %get3A_363 : vector<16xf32>
        %swap3A_365 = arith.index_cast %scan3A_67 : i32 to index
        %swap3A_366 = arith.constant 112 : index
        %swap3A_367 = tpu.vector_load %arg14[%swap3A_365, %swap3A_366] {strides = array<i32>} : memref<80x128xf32, #tpu.memory_space<vmem>>, vector<1x16xf32>,
        %swap3A_368 = vector.shape_cast %swap3A_367 : vector<1x16xf32> to vector<16xf32>
        %swap3A_369 = vector.shape_cast %mul3A_364 : vector<16xf32> to vector<1x16xf32>
        tpu.vector_store %arg14[%swap3A_365, %swap3A_366], %swap3A_369 {strides = array<i32>} : memref<80x128xf32, #tpu.memory_space<vmem>>, vector<1x16xf32>,
        %swap3A_370 = arith.index_cast %scan3A_67 : i32 to index
        %swap3A_371 = arith.constant 112 : index
        %swap3A_372 = tpu.vector_load %arg17[%swap3A_370, %swap3A_371] {strides = array<i32>} : memref<80x128xf32, #tpu.memory_space<vmem>>, vector<1x16xf32>,
        %swap3A_373 = vector.shape_cast %swap3A_372 : vector<1x16xf32> to vector<16xf32>
        %swap3A_374 = vector.shape_cast %div3A_359 : vector<16xf32> to vector<1x16xf32>
        tpu.vector_store %arg17[%swap3A_370, %swap3A_371], %swap3A_374 {strides = array<i32>} : memref<80x128xf32, #tpu.memory_space<vmem>>, vector<1x16xf32>,
      }
      %scan3A_52 = arith.constant 80 : i32
      %dma_start3A_53 = arith.constant 0 : i32
      %dma_start3A_54 = arith.constant 0 : i32
      %dma_start3A_55 = tpu.memref_slice %arg11[%dma_start3A_53, %dma_start3A_54] : memref<10112x128xf32, #tpu.memory_space<vmem_shared>> -> memref<10112x128xf32, #tpu.memory_space<vmem_shared>>
      tpu.enqueue_indirect_dma source(%arg14 : memref<80x128xf32, #tpu.memory_space<vmem>>) target(%dma_start3A_55 : memref<10112x128xf32, #tpu.memory_space<vmem_shared>>) offsets(%arg13 : memref<80xi32, #tpu.memory_space<vmem>>) semaphore(%arg18 : memref<!tpu.dma_semaphore, #tpu.memory_space<semaphore_mem>>) {add = true}
      %dma_start3A_56 = arith.constant 0 : i32
      %dma_start3A_57 = tpu.memref_slice %arg10[%add3A_14, %dma_start3A_56] : memref<320000x128xf32, #tpu.memory_space<hbm>> -> memref<80x128xf32, #tpu.memory_space<hbm>>
      %dma_start3A_58 = arith.constant 0 : i32
      %dma_start3A_59 = tpu.memref_slice %arg10[%add3A_14, %dma_start3A_58] : memref<320000x128xf32, #tpu.memory_space<hbm>> -> memref<80x128xf32, #tpu.memory_space<hbm>>
      tpu.enqueue_dma source(%arg17 : memref<80x128xf32, #tpu.memory_space<vmem>>) target(%dma_start3A_59 : memref<80x128xf32, #tpu.memory_space<hbm>>) target_semaphore(%arg19 : memref<!tpu.dma_semaphore, #tpu.memory_space<semaphore_mem>>)
      %dma_wait3A_60 = arith.constant 0 : i32
      %dma_wait3A_61 = arith.constant 0 : i32
      %dma_wait3A_62 = tpu.memref_slice %arg11[%dma_wait3A_60, %dma_wait3A_61] : memref<10112x128xf32, #tpu.memory_space<vmem_shared>> -> memref<10112x128xf32, #tpu.memory_space<vmem_shared>>
      tpu.wait_indirect_dma semaphore(%arg18 : memref<!tpu.dma_semaphore, #tpu.memory_space<semaphore_mem>>) src(%arg14 : memref<80x128xf32, #tpu.memory_space<vmem>>) dst(%dma_wait3A_62 : memref<10112x128xf32, #tpu.memory_space<vmem_shared>>)
      %dma_wait3A_63 = arith.constant 0 : i32
      %dma_wait3A_64 = tpu.memref_slice %arg10[%add3A_14, %dma_wait3A_63] : memref<320000x128xf32, #tpu.memory_space<hbm>> -> memref<80x128xf32, #tpu.memory_space<hbm>>
      %dma_wait3A_65 = arith.constant 0 : i32
      %dma_wait3A_66 = tpu.memref_slice %arg10[%add3A_14, %dma_wait3A_65] : memref<320000x128xf32, #tpu.memory_space<hbm>> -> memref<80x128xf32, #tpu.memory_space<hbm>>
      tpu.wait_dma2 semaphore(%arg19 : memref<!tpu.dma_semaphore, #tpu.memory_space<semaphore_mem>>) src(%arg17 : memref<80x128xf32, #tpu.memory_space<vmem>>) dst(%dma_wait3A_66 : memref<80x128xf32, #tpu.memory_space<hbm>>)
    }
    %scan3A_9 = arith.constant 125 : i32
    %barrier3A_10 = arith.constant 0 : index
    tpu.barrier barrier_id(%barrier3A_10)
    "tpu.region"() ({
      %run_scoped3A = tpu.sem_alloc : memref<!tpu.dma_semaphore, #tpu.memory_space<semaphore_mem>>
      %dma_start3A = arith.constant 0 : i32
      %dma_start3A_11 = tpu.memref_slice %arg9[%arg0, %mul3A_2, %dma_start3A] : memref<2x10112x128xf32, #tpu.memory_space<hbm>> -> memref<1x632x128xf32, #tpu.memory_space<hbm>>
      %dma_start3A_12 = tpu.memref_squeeze %dma_start3A_11 : memref<1x632x128xf32, #tpu.memory_space<hbm>> -> memref<632x128xf32, #tpu.memory_space<hbm>>
      %dma_start3A_13 = arith.constant 0 : i32
      %dma_start3A_14 = tpu.memref_slice %arg11[%mul3A_2, %dma_start3A_13] : memref<10112x128xf32, #tpu.memory_space<vmem_shared>> -> memref<632x128xf32, #tpu.memory_space<vmem_shared>>
      tpu.enqueue_dma source(%dma_start3A_14 : memref<632x128xf32, #tpu.memory_space<vmem_shared>>) target(%dma_start3A_12 : memref<632x128xf32, #tpu.memory_space<hbm>>) target_semaphore(%run_scoped3A : memref<!tpu.dma_semaphore, #tpu.memory_space<semaphore_mem>>)
      %dma_wait3A = arith.constant 0 : i32
      %dma_wait3A_15 = tpu.memref_slice %arg9[%arg0, %mul3A_2, %dma_wait3A] : memref<2x10112x128xf32, #tpu.memory_space<hbm>> -> memref<1x632x128xf32, #tpu.memory_space<hbm>>
      %dma_wait3A_16 = tpu.memref_squeeze %dma_wait3A_15 : memref<1x632x128xf32, #tpu.memory_space<hbm>> -> memref<632x128xf32, #tpu.memory_space<hbm>>
      %dma_wait3A_17 = arith.constant 0 : i32
      %dma_wait3A_18 = tpu.memref_slice %arg11[%mul3A_2, %dma_wait3A_17] : memref<10112x128xf32, #tpu.memory_space<vmem_shared>> -> memref<632x128xf32, #tpu.memory_space<vmem_shared>>
      tpu.wait_dma2 semaphore(%run_scoped3A : memref<!tpu.dma_semaphore, #tpu.memory_space<semaphore_mem>>) src(%dma_wait3A_18 : memref<632x128xf32, #tpu.memory_space<vmem_shared>>) dst(%dma_wait3A_16 : memref<632x128xf32, #tpu.memory_space<hbm>>)
      tpu.yield
    }) : () -> ()
    return
  }
}

#map = affine_map<(d0, d1) -> (0, 0)>
#map1 = affine_map<(d0, d1) -> (0)>
#map2 = affine_map<(d0, d1) -> (0, 0, 0)>
module attributes {stable_mosaic.version = 14 : i64} {
  func.func @body(%arg0: i32, %arg1: i32, %arg2: memref<320000x128xf32, #tpu.memory_space<hbm>>, %arg3: memref<320000xi32, #tpu.memory_space<hbm>>, %arg4: memref<10112x128xf32, #tpu.memory_space<hbm>>, %arg5: memref<2x10112x128xf32, #tpu.memory_space<hbm>>, %arg6: memref<10112x128xf32, #tpu.memory_space<vmem_shared>>, %arg7: memref<200xi32, #tpu.memory_space<vmem>>, %arg8: memref<200x128xf32, #tpu.memory_space<vmem>>, %arg9: memref<!tpu.dma_semaphore, #tpu.memory_space<semaphore_mem>>) attributes {dimension_semantics = [#tpu.dimension_semantics<core_parallel>, #tpu.dimension_semantics<subcore_parallel>], iteration_bounds = array<i64: 2, 16>, scalar_prefetch = 0 : i64, scratch_operands = 4 : i64, tpu.core_type = #tpu.core_type<sc_vector_subcore>, window_params = [{transform_indices = #map}, {transform_indices = #map1}, {transform_indices = #map}, {transform_indices = #map2}]} {
    %mul3A = arith.constant 16 : i32
    %mul3A_0 = arith.muli %arg0, %mul3A : i32
    %add3A = arith.addi %mul3A_0, %arg1 : i32
    %mul3A_1 = arith.constant 632 : i32
    %mul3A_2 = arith.muli %arg1, %mul3A_1 : i32
    "tpu.region"() ({
      %run_scoped3A = tpu.sem_alloc : memref<!tpu.dma_semaphore, #tpu.memory_space<semaphore_mem>>
      %dma_start3A = arith.constant 0 : i32
      %dma_start3A_11 = tpu.memref_slice %arg6[%mul3A_2, %dma_start3A] : memref<10112x128xf32, #tpu.memory_space<vmem_shared>> -> memref<632x128xf32, #tpu.memory_space<vmem_shared>>
      %dma_start3A_12 = arith.constant 0 : i32
      %dma_start3A_13 = tpu.memref_slice %arg4[%mul3A_2, %dma_start3A_12] : memref<10112x128xf32, #tpu.memory_space<hbm>> -> memref<632x128xf32, #tpu.memory_space<hbm>>
      tpu.enqueue_dma source(%dma_start3A_13 : memref<632x128xf32, #tpu.memory_space<hbm>>) target(%dma_start3A_11 : memref<632x128xf32, #tpu.memory_space<vmem_shared>>) target_semaphore(%run_scoped3A : memref<!tpu.dma_semaphore, #tpu.memory_space<semaphore_mem>>)
      %dma_wait3A = arith.constant 0 : i32
      %dma_wait3A_14 = tpu.memref_slice %arg6[%mul3A_2, %dma_wait3A] : memref<10112x128xf32, #tpu.memory_space<vmem_shared>> -> memref<632x128xf32, #tpu.memory_space<vmem_shared>>
      %dma_wait3A_15 = arith.constant 0 : i32
      %dma_wait3A_16 = tpu.memref_slice %arg4[%mul3A_2, %dma_wait3A_15] : memref<10112x128xf32, #tpu.memory_space<hbm>> -> memref<632x128xf32, #tpu.memory_space<hbm>>
      tpu.wait_dma2 semaphore(%run_scoped3A : memref<!tpu.dma_semaphore, #tpu.memory_space<semaphore_mem>>) src(%dma_wait3A_16 : memref<632x128xf32, #tpu.memory_space<hbm>>) dst(%dma_wait3A_14 : memref<632x128xf32, #tpu.memory_space<vmem_shared>>)
      tpu.yield
    }) : () -> ()
    %barrier3A = arith.constant 0 : index
    tpu.barrier barrier_id(%barrier3A)
    %mul3A_3 = arith.constant 10000 : i32
    %mul3A_4 = arith.muli %add3A, %mul3A_3 : i32
    %scan3A = arith.constant 0 : i32
    %scan3A_5 = arith.constant 0 : i32
    %scan3A_6 = arith.constant 50 : i32
    %scan3A_7 = arith.addi %scan3A_5, %scan3A_6 : i32
    %scan3A_8 = arith.constant 1 : i32
    scf.for %scan3A_11 = %scan3A_5 to %scan3A_7 step %scan3A_8  : i32 {
      %mul3A_12 = arith.constant 200 : i32
      %mul3A_13 = arith.muli %scan3A_11, %mul3A_12 : i32
      %add3A_14 = arith.addi %mul3A_4, %mul3A_13 : i32
      %dma_start3A = arith.constant 0 : i32
      %dma_start3A_15 = tpu.memref_slice %arg2[%add3A_14, %dma_start3A] : memref<320000x128xf32, #tpu.memory_space<hbm>> -> memref<200x128xf32, #tpu.memory_space<hbm>>
      %dma_start3A_16 = arith.constant 0 : i32
      %dma_start3A_17 = tpu.memref_slice %arg2[%add3A_14, %dma_start3A_16] : memref<320000x128xf32, #tpu.memory_space<hbm>> -> memref<200x128xf32, #tpu.memory_space<hbm>>
      tpu.enqueue_dma source(%dma_start3A_17 : memref<200x128xf32, #tpu.memory_space<hbm>>) target(%arg8 : memref<200x128xf32, #tpu.memory_space<vmem>>) target_semaphore(%arg9 : memref<!tpu.dma_semaphore, #tpu.memory_space<semaphore_mem>>)
      %dma_start3A_18 = tpu.memref_slice %arg3[%add3A_14] : memref<320000xi32, #tpu.memory_space<hbm>> -> memref<200xi32, #tpu.memory_space<hbm>>
      %dma_start3A_19 = tpu.memref_slice %arg3[%add3A_14] : memref<320000xi32, #tpu.memory_space<hbm>> -> memref<200xi32, #tpu.memory_space<hbm>>
      tpu.enqueue_dma source(%dma_start3A_19 : memref<200xi32, #tpu.memory_space<hbm>>) target(%arg7 : memref<200xi32, #tpu.memory_space<vmem>>) target_semaphore(%arg9 : memref<!tpu.dma_semaphore, #tpu.memory_space<semaphore_mem>>)
      %dma_wait3A = arith.constant 0 : i32
      %dma_wait3A_20 = tpu.memref_slice %arg2[%add3A_14, %dma_wait3A] : memref<320000x128xf32, #tpu.memory_space<hbm>> -> memref<200x128xf32, #tpu.memory_space<hbm>>
      %dma_wait3A_21 = arith.constant 0 : i32
      %dma_wait3A_22 = tpu.memref_slice %arg2[%add3A_14, %dma_wait3A_21] : memref<320000x128xf32, #tpu.memory_space<hbm>> -> memref<200x128xf32, #tpu.memory_space<hbm>>
      tpu.wait_dma2 semaphore(%arg9 : memref<!tpu.dma_semaphore, #tpu.memory_space<semaphore_mem>>) src(%dma_wait3A_22 : memref<200x128xf32, #tpu.memory_space<hbm>>) dst(%arg8 : memref<200x128xf32, #tpu.memory_space<vmem>>)
      %dma_wait3A_23 = tpu.memref_slice %arg3[%add3A_14] : memref<320000xi32, #tpu.memory_space<hbm>> -> memref<200xi32, #tpu.memory_space<hbm>>
      %dma_wait3A_24 = tpu.memref_slice %arg3[%add3A_14] : memref<320000xi32, #tpu.memory_space<hbm>> -> memref<200xi32, #tpu.memory_space<hbm>>
      tpu.wait_dma2 semaphore(%arg9 : memref<!tpu.dma_semaphore, #tpu.memory_space<semaphore_mem>>) src(%dma_wait3A_24 : memref<200xi32, #tpu.memory_space<hbm>>) dst(%arg7 : memref<200xi32, #tpu.memory_space<vmem>>)
      %dma_start3A_25 = arith.constant 0 : i32
      %dma_start3A_26 = arith.constant 0 : i32
      %dma_start3A_27 = tpu.memref_slice %arg6[%dma_start3A_25, %dma_start3A_26] : memref<10112x128xf32, #tpu.memory_space<vmem_shared>> -> memref<10112x128xf32, #tpu.memory_space<vmem_shared>>
      tpu.enqueue_indirect_dma source(%arg8 : memref<200x128xf32, #tpu.memory_space<vmem>>) target(%dma_start3A_27 : memref<10112x128xf32, #tpu.memory_space<vmem_shared>>) offsets(%arg7 : memref<200xi32, #tpu.memory_space<vmem>>) semaphore(%arg9 : memref<!tpu.dma_semaphore, #tpu.memory_space<semaphore_mem>>) {add = true}
      %dma_wait3A_28 = arith.constant 0 : i32
      %dma_wait3A_29 = arith.constant 0 : i32
      %dma_wait3A_30 = tpu.memref_slice %arg6[%dma_wait3A_28, %dma_wait3A_29] : memref<10112x128xf32, #tpu.memory_space<vmem_shared>> -> memref<10112x128xf32, #tpu.memory_space<vmem_shared>>
      tpu.wait_indirect_dma semaphore(%arg9 : memref<!tpu.dma_semaphore, #tpu.memory_space<semaphore_mem>>) src(%arg8 : memref<200x128xf32, #tpu.memory_space<vmem>>) dst(%dma_wait3A_30 : memref<10112x128xf32, #tpu.memory_space<vmem_shared>>)
    }
    %scan3A_9 = arith.constant 50 : i32
    %barrier3A_10 = arith.constant 0 : index
    tpu.barrier barrier_id(%barrier3A_10)
    "tpu.region"() ({
      %run_scoped3A = tpu.sem_alloc : memref<!tpu.dma_semaphore, #tpu.memory_space<semaphore_mem>>
      %dma_start3A = arith.constant 0 : i32
      %dma_start3A_11 = tpu.memref_slice %arg5[%arg0, %mul3A_2, %dma_start3A] : memref<2x10112x128xf32, #tpu.memory_space<hbm>> -> memref<1x632x128xf32, #tpu.memory_space<hbm>>
      %dma_start3A_12 = tpu.memref_squeeze %dma_start3A_11 : memref<1x632x128xf32, #tpu.memory_space<hbm>> -> memref<632x128xf32, #tpu.memory_space<hbm>>
      %dma_start3A_13 = arith.constant 0 : i32
      %dma_start3A_14 = tpu.memref_slice %arg6[%mul3A_2, %dma_start3A_13] : memref<10112x128xf32, #tpu.memory_space<vmem_shared>> -> memref<632x128xf32, #tpu.memory_space<vmem_shared>>
      tpu.enqueue_dma source(%dma_start3A_14 : memref<632x128xf32, #tpu.memory_space<vmem_shared>>) target(%dma_start3A_12 : memref<632x128xf32, #tpu.memory_space<hbm>>) target_semaphore(%run_scoped3A : memref<!tpu.dma_semaphore, #tpu.memory_space<semaphore_mem>>)
      %dma_wait3A = arith.constant 0 : i32
      %dma_wait3A_15 = tpu.memref_slice %arg5[%arg0, %mul3A_2, %dma_wait3A] : memref<2x10112x128xf32, #tpu.memory_space<hbm>> -> memref<1x632x128xf32, #tpu.memory_space<hbm>>
      %dma_wait3A_16 = tpu.memref_squeeze %dma_wait3A_15 : memref<1x632x128xf32, #tpu.memory_space<hbm>> -> memref<632x128xf32, #tpu.memory_space<hbm>>
      %dma_wait3A_17 = arith.constant 0 : i32
      %dma_wait3A_18 = tpu.memref_slice %arg6[%mul3A_2, %dma_wait3A_17] : memref<10112x128xf32, #tpu.memory_space<vmem_shared>> -> memref<632x128xf32, #tpu.memory_space<vmem_shared>>
      tpu.wait_dma2 semaphore(%run_scoped3A : memref<!tpu.dma_semaphore, #tpu.memory_space<semaphore_mem>>) src(%dma_wait3A_18 : memref<632x128xf32, #tpu.memory_space<vmem_shared>>) dst(%dma_wait3A_16 : memref<632x128xf32, #tpu.memory_space<hbm>>)
      tpu.yield
    }) : () -> ()
    return
  }
}

module attributes {stable_mosaic.version = 14 : i64} {
  func.func @_embed_h_body(%arg0: memref<10000x128xf32, #tpu.memory_space<vmem>>, %arg1: memref<128x128xf32, #tpu.memory_space<vmem>>, %arg2: memref<1x128xf32, #tpu.memory_space<vmem>>, %arg3: memref<10000x128xf32, #tpu.memory_space<vmem>>) attributes {dimension_semantics = [], scalar_prefetch = 0 : i64, scratch_operands = 0 : i64, tpu.core_type = #tpu.core_type<tc>} {
    %get3A = arith.constant 0 : index
    %get3A_0 = arith.constant 0 : index
    %get3A_1 = vector.load %arg0[%get3A, %get3A_0] : memref<10000x128xf32, #tpu.memory_space<vmem>>, vector<10000x128xf32>
    %get3A_2 = arith.constant 0 : index
    %get3A_3 = arith.constant 0 : index
    %get3A_4 = vector.load %arg1[%get3A_2, %get3A_3] : memref<128x128xf32, #tpu.memory_space<vmem>>, vector<128x128xf32>
    %dot_general3A = arith.constant dense<0.000000e+00> : vector<10000x128xf32>
    %dot_general3A_5 = tpu.matmul %get3A_1, %get3A_4, %dot_general3A {dimension_numbers = #tpu.dot_dimension_numbers<[1], [0], [0], [1], [0, 0, 1, 1], [], []>, transpose_lhs_hint = false} : vector<10000x128xf32>, vector<128x128xf32>, vector<10000x128xf32> -> vector<10000x128xf32>
    %get3A_6 = arith.constant 0 : index
    %get3A_7 = arith.constant 0 : index
    %get3A_8 = vector.load %arg2[%get3A_6, %get3A_7] : memref<1x128xf32, #tpu.memory_space<vmem>>, vector<1x128xf32>
    %add3A = vector.broadcast %get3A_8 : vector<1x128xf32> to vector<10000x128xf32>
    %add3A_9 = arith.addf %dot_general3A_5, %add3A : vector<10000x128xf32>
    %swap3A = arith.constant 0 : index
    %swap3A_10 = arith.constant 0 : index
    %swap3A_11 = vector.load %arg3[%swap3A, %swap3A_10] : memref<10000x128xf32, #tpu.memory_space<vmem>>, vector<10000x128xf32>
    tpu.vector_store %arg3[%swap3A, %swap3A_10], %add3A_9 {strides = array<i32>} : memref<10000x128xf32, #tpu.memory_space<vmem>>, vector<10000x128xf32>,
    return
  }
}

module attributes {stable_mosaic.version = 14 : i64} {
  func.func @_embed_e_body(%arg0: i32, %arg1: memref<2000x128xf32, #tpu.memory_space<vmem>>, %arg2: memref<128x128xf32, #tpu.memory_space<vmem>>, %arg3: memref<1x128xf32, #tpu.memory_space<vmem>>, %arg4: memref<128x128xf32, #tpu.memory_space<vmem>>, %arg5: memref<1x128xf32, #tpu.memory_space<vmem>>, %arg6: memref<2000x128xf32, #tpu.memory_space<vmem>>, %arg7: memref<2000x128xf32, #tpu.memory_space<vmem>>) attributes {dimension_semantics = [#tpu.dimension_semantics<arbitrary>], iteration_bounds = array<i64: 160>, scalar_prefetch = 0 : i64, scratch_operands = 0 : i64, tpu.core_type = #tpu.core_type<tc>, window_params = [{transform_indices = @transform_0, window_bounds = array<i64: 2000, 128>}, {pipeline_mode = #tpu.pipeline_mode<synchronous>, transform_indices = @transform_1, window_bounds = array<i64: 128, 128>}, {pipeline_mode = #tpu.pipeline_mode<synchronous>, transform_indices = @transform_2, window_bounds = array<i64: 1, 128>}, {pipeline_mode = #tpu.pipeline_mode<synchronous>, transform_indices = @transform_3, window_bounds = array<i64: 128, 128>}, {pipeline_mode = #tpu.pipeline_mode<synchronous>, transform_indices = @transform_4, window_bounds = array<i64: 1, 128>}, {transform_indices = @transform_5, window_bounds = array<i64: 2000, 128>}, {transform_indices = @transform_6, window_bounds = array<i64: 2000, 128>}]} {
    %get3A = arith.constant 0 : index
    %get3A_0 = arith.constant 0 : index
    %get3A_1 = vector.load %arg1[%get3A, %get3A_0] : memref<2000x128xf32, #tpu.memory_space<vmem>>, vector<2000x128xf32>
    %get3A_2 = arith.constant 0 : index
    %get3A_3 = arith.constant 0 : index
    %get3A_4 = vector.load %arg2[%get3A_2, %get3A_3] : memref<128x128xf32, #tpu.memory_space<vmem>>, vector<128x128xf32>
    %dot_general3A = arith.constant dense<0.000000e+00> : vector<2000x128xf32>
    %dot_general3A_5 = tpu.matmul %get3A_1, %get3A_4, %dot_general3A {dimension_numbers = #tpu.dot_dimension_numbers<[1], [0], [0], [1], [0, 0, 1, 1], [], []>, transpose_lhs_hint = false} : vector<2000x128xf32>, vector<128x128xf32>, vector<2000x128xf32> -> vector<2000x128xf32>
    %get3A_6 = arith.constant 0 : index
    %get3A_7 = arith.constant 0 : index
    %get3A_8 = vector.load %arg3[%get3A_6, %get3A_7] : memref<1x128xf32, #tpu.memory_space<vmem>>, vector<1x128xf32>
    %add3A = vector.broadcast %get3A_8 : vector<1x128xf32> to vector<2000x128xf32>
    %add3A_9 = arith.addf %dot_general3A_5, %add3A : vector<2000x128xf32>
    %swap3A = arith.constant 0 : index
    %swap3A_10 = arith.constant 0 : index
    %swap3A_11 = vector.load %arg6[%swap3A, %swap3A_10] : memref<2000x128xf32, #tpu.memory_space<vmem>>, vector<2000x128xf32>
    tpu.vector_store %arg6[%swap3A, %swap3A_10], %add3A_9 {strides = array<i32>} : memref<2000x128xf32, #tpu.memory_space<vmem>>, vector<2000x128xf32>,
    %get3A_12 = arith.constant 0 : index
    %get3A_13 = arith.constant 0 : index
    %get3A_14 = vector.load %arg4[%get3A_12, %get3A_13] : memref<128x128xf32, #tpu.memory_space<vmem>>, vector<128x128xf32>
    %dot_general3A_15 = arith.constant dense<0.000000e+00> : vector<2000x128xf32>
    %dot_general3A_16 = tpu.matmul %add3A_9, %get3A_14, %dot_general3A_15 {dimension_numbers = #tpu.dot_dimension_numbers<[1], [0], [0], [1], [0, 0, 1, 1], [], []>, transpose_lhs_hint = false} : vector<2000x128xf32>, vector<128x128xf32>, vector<2000x128xf32> -> vector<2000x128xf32>
    %get3A_17 = arith.constant 0 : index
    %get3A_18 = arith.constant 0 : index
    %get3A_19 = vector.load %arg5[%get3A_17, %get3A_18] : memref<1x128xf32, #tpu.memory_space<vmem>>, vector<1x128xf32>
    %add3A_20 = vector.broadcast %get3A_19 : vector<1x128xf32> to vector<2000x128xf32>
    %add3A_21 = arith.addf %dot_general3A_16, %add3A_20 : vector<2000x128xf32>
    %swap3A_22 = arith.constant 0 : index
    %swap3A_23 = arith.constant 0 : index
    %swap3A_24 = vector.load %arg7[%swap3A_22, %swap3A_23] : memref<2000x128xf32, #tpu.memory_space<vmem>>, vector<2000x128xf32>
    tpu.vector_store %arg7[%swap3A_22, %swap3A_23], %add3A_21 {strides = array<i32>} : memref<2000x128xf32, #tpu.memory_space<vmem>>, vector<2000x128xf32>,
    return
  }
  func.func @transform_0(%arg0: i32) -> (i32, i32) {
    %c0_i32 = arith.constant 0 : i32
    %c0_i32_0 = arith.constant 0 : i32
    return %arg0, %c0_i32 : i32, i32
  }
  func.func @transform_1(%arg0: i32) -> (i32, i32) {
    %c0_i32 = arith.constant 0 : i32
    %c0_i32_0 = arith.constant 0 : i32
    %c0_i32_1 = arith.constant 0 : i32
    return %c0_i32, %c0_i32_0 : i32, i32
  }
  func.func @transform_2(%arg0: i32) -> (i32, i32) {
    %c0_i32 = arith.constant 0 : i32
    %c0_i32_0 = arith.constant 0 : i32
    %c0_i32_1 = arith.constant 0 : i32
    return %c0_i32, %c0_i32_0 : i32, i32
  }
  func.func @transform_3(%arg0: i32) -> (i32, i32) {
    %c0_i32 = arith.constant 0 : i32
    %c0_i32_0 = arith.constant 0 : i32
    %c0_i32_1 = arith.constant 0 : i32
    return %c0_i32, %c0_i32_0 : i32, i32
  }
  func.func @transform_4(%arg0: i32) -> (i32, i32) {
    %c0_i32 = arith.constant 0 : i32
    %c0_i32_0 = arith.constant 0 : i32
    %c0_i32_1 = arith.constant 0 : i32
    return %c0_i32, %c0_i32_0 : i32, i32
  }
  func.func @transform_5(%arg0: i32) -> (i32, i32) {
    %c0_i32 = arith.constant 0 : i32
    %c0_i32_0 = arith.constant 0 : i32
    return %arg0, %c0_i32 : i32, i32
  }
  func.func @transform_6(%arg0: i32) -> (i32, i32) {
    %c0_i32 = arith.constant 0 : i32
    %c0_i32_0 = arith.constant 0 : i32
    return %arg0, %c0_i32 : i32, i32
  }
}

module attributes {stable_mosaic.version = 14 : i64} {
  func.func @_tables_body(%arg0: memref<10000x128xf32, #tpu.memory_space<vmem>>, %arg1: memref<128x128xf32, #tpu.memory_space<vmem>>, %arg2: memref<1x128xf32, #tpu.memory_space<vmem>>, %arg3: memref<128x128xf32, #tpu.memory_space<vmem>>, %arg4: memref<1x128xf32, #tpu.memory_space<vmem>>, %arg5: memref<128x128xf32, #tpu.memory_space<vmem>>, %arg6: memref<1x128xf32, #tpu.memory_space<vmem>>, %arg7: memref<128x128xf32, #tpu.memory_space<vmem>>, %arg8: memref<1x128xf32, #tpu.memory_space<vmem>>, %arg9: memref<10000x128xf32, #tpu.memory_space<vmem>>, %arg10: memref<10000x128xf32, #tpu.memory_space<vmem>>, %arg11: memref<10000x128xf32, #tpu.memory_space<vmem>>, %arg12: memref<10000x128xf32, #tpu.memory_space<vmem>>) attributes {dimension_semantics = [], scalar_prefetch = 0 : i64, scratch_operands = 0 : i64, tpu.core_type = #tpu.core_type<tc>} {
    %get3A = arith.constant 0 : index
    %get3A_0 = arith.constant 0 : index
    %get3A_1 = vector.load %arg0[%get3A, %get3A_0] : memref<10000x128xf32, #tpu.memory_space<vmem>>, vector<10000x128xf32>
    %get3A_2 = arith.constant 0 : index
    %get3A_3 = arith.constant 0 : index
    %get3A_4 = vector.load %arg1[%get3A_2, %get3A_3] : memref<128x128xf32, #tpu.memory_space<vmem>>, vector<128x128xf32>
    %dot_general3A = arith.constant dense<0.000000e+00> : vector<10000x128xf32>
    %dot_general3A_5 = tpu.matmul %get3A_1, %get3A_4, %dot_general3A {dimension_numbers = #tpu.dot_dimension_numbers<[1], [0], [0], [1], [0, 0, 1, 1], [], []>, transpose_lhs_hint = false} : vector<10000x128xf32>, vector<128x128xf32>, vector<10000x128xf32> -> vector<10000x128xf32>
    %get3A_6 = arith.constant 0 : index
    %get3A_7 = arith.constant 0 : index
    %get3A_8 = vector.load %arg2[%get3A_6, %get3A_7] : memref<1x128xf32, #tpu.memory_space<vmem>>, vector<1x128xf32>
    %add3A = vector.broadcast %get3A_8 : vector<1x128xf32> to vector<10000x128xf32>
    %add3A_9 = arith.addf %dot_general3A_5, %add3A : vector<10000x128xf32>
    %swap3A = arith.constant 0 : index
    %swap3A_10 = arith.constant 0 : index
    %swap3A_11 = vector.load %arg9[%swap3A, %swap3A_10] : memref<10000x128xf32, #tpu.memory_space<vmem>>, vector<10000x128xf32>
    tpu.vector_store %arg9[%swap3A, %swap3A_10], %add3A_9 {strides = array<i32>} : memref<10000x128xf32, #tpu.memory_space<vmem>>, vector<10000x128xf32>,
    %get3A_12 = arith.constant 0 : index
    %get3A_13 = arith.constant 0 : index
    %get3A_14 = vector.load %arg3[%get3A_12, %get3A_13] : memref<128x128xf32, #tpu.memory_space<vmem>>, vector<128x128xf32>
    %dot_general3A_15 = arith.constant dense<0.000000e+00> : vector<10000x128xf32>
    %dot_general3A_16 = tpu.matmul %get3A_1, %get3A_14, %dot_general3A_15 {dimension_numbers = #tpu.dot_dimension_numbers<[1], [0], [0], [1], [0, 0, 1, 1], [], []>, transpose_lhs_hint = false} : vector<10000x128xf32>, vector<128x128xf32>, vector<10000x128xf32> -> vector<10000x128xf32>
    %get3A_17 = arith.constant 0 : index
    %get3A_18 = arith.constant 0 : index
    %get3A_19 = vector.load %arg4[%get3A_17, %get3A_18] : memref<1x128xf32, #tpu.memory_space<vmem>>, vector<1x128xf32>
    %add3A_20 = vector.broadcast %get3A_19 : vector<1x128xf32> to vector<10000x128xf32>
    %add3A_21 = arith.addf %dot_general3A_16, %add3A_20 : vector<10000x128xf32>
    %swap3A_22 = arith.constant 0 : index
    %swap3A_23 = arith.constant 0 : index
    %swap3A_24 = vector.load %arg10[%swap3A_22, %swap3A_23] : memref<10000x128xf32, #tpu.memory_space<vmem>>, vector<10000x128xf32>
    tpu.vector_store %arg10[%swap3A_22, %swap3A_23], %add3A_21 {strides = array<i32>} : memref<10000x128xf32, #tpu.memory_space<vmem>>, vector<10000x128xf32>,
    %get3A_25 = arith.constant 0 : index
    %get3A_26 = arith.constant 0 : index
    %get3A_27 = vector.load %arg5[%get3A_25, %get3A_26] : memref<128x128xf32, #tpu.memory_space<vmem>>, vector<128x128xf32>
    %dot_general3A_28 = arith.constant dense<0.000000e+00> : vector<10000x128xf32>
    %dot_general3A_29 = tpu.matmul %get3A_1, %get3A_27, %dot_general3A_28 {dimension_numbers = #tpu.dot_dimension_numbers<[1], [0], [0], [1], [0, 0, 1, 1], [], []>, transpose_lhs_hint = false} : vector<10000x128xf32>, vector<128x128xf32>, vector<10000x128xf32> -> vector<10000x128xf32>
    %get3A_30 = arith.constant 0 : index
    %get3A_31 = arith.constant 0 : index
    %get3A_32 = vector.load %arg6[%get3A_30, %get3A_31] : memref<1x128xf32, #tpu.memory_space<vmem>>, vector<1x128xf32>
    %add3A_33 = vector.broadcast %get3A_32 : vector<1x128xf32> to vector<10000x128xf32>
    %add3A_34 = arith.addf %dot_general3A_29, %add3A_33 : vector<10000x128xf32>
    %swap3A_35 = arith.constant 0 : index
    %swap3A_36 = arith.constant 0 : index
    %swap3A_37 = vector.load %arg11[%swap3A_35, %swap3A_36] : memref<10000x128xf32, #tpu.memory_space<vmem>>, vector<10000x128xf32>
    tpu.vector_store %arg11[%swap3A_35, %swap3A_36], %add3A_34 {strides = array<i32>} : memref<10000x128xf32, #tpu.memory_space<vmem>>, vector<10000x128xf32>,
    %get3A_38 = arith.constant 0 : index
    %get3A_39 = arith.constant 0 : index
    %get3A_40 = vector.load %arg7[%get3A_38, %get3A_39] : memref<128x128xf32, #tpu.memory_space<vmem>>, vector<128x128xf32>
    %dot_general3A_41 = arith.constant dense<0.000000e+00> : vector<10000x128xf32>
    %dot_general3A_42 = tpu.matmul %get3A_1, %get3A_40, %dot_general3A_41 {dimension_numbers = #tpu.dot_dimension_numbers<[1], [0], [0], [1], [0, 0, 1, 1], [], []>, transpose_lhs_hint = false} : vector<10000x128xf32>, vector<128x128xf32>, vector<10000x128xf32> -> vector<10000x128xf32>
    %get3A_43 = arith.constant 0 : index
    %get3A_44 = arith.constant 0 : index
    %get3A_45 = vector.load %arg8[%get3A_43, %get3A_44] : memref<1x128xf32, #tpu.memory_space<vmem>>, vector<1x128xf32>
    %add3A_46 = vector.broadcast %get3A_45 : vector<1x128xf32> to vector<10000x128xf32>
    %add3A_47 = arith.addf %dot_general3A_42, %add3A_46 : vector<10000x128xf32>
    %swap3A_48 = arith.constant 0 : index
    %swap3A_49 = arith.constant 0 : index
    %swap3A_50 = vector.load %arg12[%swap3A_48, %swap3A_49] : memref<10000x128xf32, #tpu.memory_space<vmem>>, vector<10000x128xf32>
    tpu.vector_store %arg12[%swap3A_48, %swap3A_49], %add3A_47 {strides = array<i32>} : memref<10000x128xf32, #tpu.memory_space<vmem>>, vector<10000x128xf32>,
    return
  }
}

module attributes {stable_mosaic.version = 14 : i64} {
  func.func @_estats_body(%arg0: i32, %arg1: memref<1280x128xf32, #tpu.memory_space<vmem>>, %arg2: memref<1x10x128xf32, #tpu.memory_space<vmem>>, %arg3: memref<8x128xf32, #tpu.memory_space<vmem>>) attributes {dimension_semantics = [#tpu.dimension_semantics<arbitrary>], iteration_bounds = array<i64: 250>, scalar_prefetch = 0 : i64, scratch_operands = 0 : i64, tpu.core_type = #tpu.core_type<tc>, window_params = [{transform_indices = @transform_0, window_bounds = array<i64: 1280, 128>}, {transform_indices = @transform_1, window_bounds = array<i64: 1, 10, 128>}, {pipeline_mode = #tpu.pipeline_mode<synchronous>, transform_indices = @transform_2, window_bounds = array<i64: 8, 128>}]} {
    %get3A = arith.constant 0 : index
    %get3A_0 = arith.constant 0 : index
    %get3A_1 = vector.load %arg1[%get3A, %get3A_0] : memref<1280x128xf32, #tpu.memory_space<vmem>>, vector<1280x128xf32>
    %get3A_2 = arith.constant 0 : index
    %get3A_3 = arith.constant 0 : index
    %get3A_4 = arith.constant 0 : index
    %get3A_5 = vector.load %arg2[%get3A_2, %get3A_3, %get3A_4] : memref<1x10x128xf32, #tpu.memory_space<vmem>>, vector<1x10x128xf32>
    %get3A_6 = vector.shape_cast %get3A_5 : vector<1x10x128xf32> to vector<10x128xf32>
    %slice3A = vector.extract_strided_slice %get3A_6 {offsets = [0, 0], sizes = [1, 128], strides = [1, 1]} : vector<10x128xf32> to vector<1x128xf32>
    %broadcast_in_dim3A = vector.shape_cast %slice3A : vector<1x128xf32> to vector<1x128xf32>
    %broadcast_in_dim3A_7 = vector.broadcast %broadcast_in_dim3A : vector<1x128xf32> to vector<128x128xf32>
    %transpose3A = tpu.transpose %broadcast_in_dim3A_7, [1, 0] : vector<128x128xf32> -> vector<128x128xf32>
    %slice3A_8 = vector.extract_strided_slice %get3A_6 {offsets = [1, 0], sizes = [1, 128], strides = [1, 1]} : vector<10x128xf32> to vector<1x128xf32>
    %broadcast_in_dim3A_9 = vector.shape_cast %slice3A_8 : vector<1x128xf32> to vector<1x128xf32>
    %broadcast_in_dim3A_10 = vector.broadcast %broadcast_in_dim3A_9 : vector<1x128xf32> to vector<128x128xf32>
    %transpose3A_11 = tpu.transpose %broadcast_in_dim3A_10, [1, 0] : vector<128x128xf32> -> vector<128x128xf32>
    %slice3A_12 = vector.extract_strided_slice %get3A_6 {offsets = [2, 0], sizes = [1, 128], strides = [1, 1]} : vector<10x128xf32> to vector<1x128xf32>
    %broadcast_in_dim3A_13 = vector.shape_cast %slice3A_12 : vector<1x128xf32> to vector<1x128xf32>
    %broadcast_in_dim3A_14 = vector.broadcast %broadcast_in_dim3A_13 : vector<1x128xf32> to vector<128x128xf32>
    %transpose3A_15 = tpu.transpose %broadcast_in_dim3A_14, [1, 0] : vector<128x128xf32> -> vector<128x128xf32>
    %slice3A_16 = vector.extract_strided_slice %get3A_6 {offsets = [3, 0], sizes = [1, 128], strides = [1, 1]} : vector<10x128xf32> to vector<1x128xf32>
    %broadcast_in_dim3A_17 = vector.shape_cast %slice3A_16 : vector<1x128xf32> to vector<1x128xf32>
    %broadcast_in_dim3A_18 = vector.broadcast %broadcast_in_dim3A_17 : vector<1x128xf32> to vector<128x128xf32>
    %transpose3A_19 = tpu.transpose %broadcast_in_dim3A_18, [1, 0] : vector<128x128xf32> -> vector<128x128xf32>
    %slice3A_20 = vector.extract_strided_slice %get3A_6 {offsets = [4, 0], sizes = [1, 128], strides = [1, 1]} : vector<10x128xf32> to vector<1x128xf32>
    %broadcast_in_dim3A_21 = vector.shape_cast %slice3A_20 : vector<1x128xf32> to vector<1x128xf32>
    %broadcast_in_dim3A_22 = vector.broadcast %broadcast_in_dim3A_21 : vector<1x128xf32> to vector<128x128xf32>
    %transpose3A_23 = tpu.transpose %broadcast_in_dim3A_22, [1, 0] : vector<128x128xf32> -> vector<128x128xf32>
    %slice3A_24 = vector.extract_strided_slice %get3A_6 {offsets = [5, 0], sizes = [1, 128], strides = [1, 1]} : vector<10x128xf32> to vector<1x128xf32>
    %broadcast_in_dim3A_25 = vector.shape_cast %slice3A_24 : vector<1x128xf32> to vector<1x128xf32>
    %broadcast_in_dim3A_26 = vector.broadcast %broadcast_in_dim3A_25 : vector<1x128xf32> to vector<128x128xf32>
    %transpose3A_27 = tpu.transpose %broadcast_in_dim3A_26, [1, 0] : vector<128x128xf32> -> vector<128x128xf32>
    %slice3A_28 = vector.extract_strided_slice %get3A_6 {offsets = [6, 0], sizes = [1, 128], strides = [1, 1]} : vector<10x128xf32> to vector<1x128xf32>
    %broadcast_in_dim3A_29 = vector.shape_cast %slice3A_28 : vector<1x128xf32> to vector<1x128xf32>
    %broadcast_in_dim3A_30 = vector.broadcast %broadcast_in_dim3A_29 : vector<1x128xf32> to vector<128x128xf32>
    %transpose3A_31 = tpu.transpose %broadcast_in_dim3A_30, [1, 0] : vector<128x128xf32> -> vector<128x128xf32>
    %slice3A_32 = vector.extract_strided_slice %get3A_6 {offsets = [7, 0], sizes = [1, 128], strides = [1, 1]} : vector<10x128xf32> to vector<1x128xf32>
    %broadcast_in_dim3A_33 = vector.shape_cast %slice3A_32 : vector<1x128xf32> to vector<1x128xf32>
    %broadcast_in_dim3A_34 = vector.broadcast %broadcast_in_dim3A_33 : vector<1x128xf32> to vector<128x128xf32>
    %transpose3A_35 = tpu.transpose %broadcast_in_dim3A_34, [1, 0] : vector<128x128xf32> -> vector<128x128xf32>
    %slice3A_36 = vector.extract_strided_slice %get3A_6 {offsets = [8, 0], sizes = [1, 128], strides = [1, 1]} : vector<10x128xf32> to vector<1x128xf32>
    %broadcast_in_dim3A_37 = vector.shape_cast %slice3A_36 : vector<1x128xf32> to vector<1x128xf32>
    %broadcast_in_dim3A_38 = vector.broadcast %broadcast_in_dim3A_37 : vector<1x128xf32> to vector<128x128xf32>
    %transpose3A_39 = tpu.transpose %broadcast_in_dim3A_38, [1, 0] : vector<128x128xf32> -> vector<128x128xf32>
    %slice3A_40 = vector.extract_strided_slice %get3A_6 {offsets = [9, 0], sizes = [1, 128], strides = [1, 1]} : vector<10x128xf32> to vector<1x128xf32>
    %broadcast_in_dim3A_41 = vector.shape_cast %slice3A_40 : vector<1x128xf32> to vector<1x128xf32>
    %broadcast_in_dim3A_42 = vector.broadcast %broadcast_in_dim3A_41 : vector<1x128xf32> to vector<128x128xf32>
    %transpose3A_43 = tpu.transpose %broadcast_in_dim3A_42, [1, 0] : vector<128x128xf32> -> vector<128x128xf32>
    %concatenate3A = tpu.concatenate %transpose3A, %transpose3A_11, %transpose3A_15, %transpose3A_19, %transpose3A_23, %transpose3A_27, %transpose3A_31, %transpose3A_35, %transpose3A_39, %transpose3A_43 in 0 : vector<128x128xf32>, vector<128x128xf32>, vector<128x128xf32>, vector<128x128xf32>, vector<128x128xf32>, vector<128x128xf32>, vector<128x128xf32>, vector<128x128xf32>, vector<128x128xf32>, vector<128x128xf32> -> vector<1280x128xf32>
    %mul3A = arith.mulf %get3A_1, %concatenate3A : vector<1280x128xf32>
    %reduce_sum3A = arith.constant dense<0.000000e+00> : vector<128xf32>
    %reduce_sum3A_44 = vector.multi_reduction <add>, %mul3A, %reduce_sum3A [0] : vector<1280x128xf32> to vector<128xf32>
    %broadcast_in_dim3A_45 = vector.shape_cast %reduce_sum3A_44 : vector<128xf32> to vector<1x128xf32>
    %mul3A_46 = arith.mulf %mul3A, %mul3A : vector<1280x128xf32>
    %reduce_sum3A_47 = arith.constant dense<0.000000e+00> : vector<128xf32>
    %reduce_sum3A_48 = vector.multi_reduction <add>, %mul3A_46, %reduce_sum3A_47 [0] : vector<1280x128xf32> to vector<128xf32>
    %broadcast_in_dim3A_49 = vector.shape_cast %reduce_sum3A_48 : vector<128xf32> to vector<1x128xf32>
    %broadcast_in_dim3A_50 = arith.constant 0.000000e+00 : f32
    %broadcast_in_dim3A_51 = vector.broadcast %broadcast_in_dim3A_50 : f32 to vector<6x128xf32>
    %concatenate3A_52 = tpu.concatenate %broadcast_in_dim3A_45, %broadcast_in_dim3A_49, %broadcast_in_dim3A_51 in 0 : vector<1x128xf32>, vector<1x128xf32>, vector<6x128xf32> -> vector<8x128xf32>
    %eq3A = arith.constant 0 : i32
    %eq3A_53 = arith.cmpi eq, %arg0, %eq3A : i32
    %convert_element_type3A = arith.extui %eq3A_53 : i1 to i32
    %cond3A = arith.constant 0 : i32
    %cond3A_54 = arith.cmpi ne, %convert_element_type3A, %cond3A : i32
    scf.if %cond3A_54 {
      %swap3A = arith.constant 0 : index
      %swap3A_59 = arith.constant 0 : index
      %swap3A_60 = vector.load %arg3[%swap3A, %swap3A_59] : memref<8x128xf32, #tpu.memory_space<vmem>>, vector<8x128xf32>
      tpu.vector_store %arg3[%swap3A, %swap3A_59], %concatenate3A_52 {strides = array<i32>} : memref<8x128xf32, #tpu.memory_space<vmem>>, vector<8x128xf32>,
    } else {
    }
    %gt3A = arith.constant 0 : i32
    %gt3A_55 = arith.cmpi sgt, %arg0, %gt3A : i32
    %convert_element_type3A_56 = arith.extui %gt3A_55 : i1 to i32
    %cond3A_57 = arith.constant 0 : i32
    %cond3A_58 = arith.cmpi ne, %convert_element_type3A_56, %cond3A_57 : i32
    scf.if %cond3A_58 {
      %get3A_59 = arith.constant 0 : index
      %get3A_60 = arith.constant 0 : index
      %get3A_61 = vector.load %arg3[%get3A_59, %get3A_60] : memref<8x128xf32, #tpu.memory_space<vmem>>, vector<8x128xf32>
      %add3A = arith.addf %get3A_61, %concatenate3A_52 : vector<8x128xf32>
      %swap3A = arith.constant 0 : index
      %swap3A_62 = arith.constant 0 : index
      %swap3A_63 = vector.load %arg3[%swap3A, %swap3A_62] : memref<8x128xf32, #tpu.memory_space<vmem>>, vector<8x128xf32>
      tpu.vector_store %arg3[%swap3A, %swap3A_62], %add3A {strides = array<i32>} : memref<8x128xf32, #tpu.memory_space<vmem>>, vector<8x128xf32>,
    } else {
    }
    return
  }
  func.func @transform_0(%arg0: i32) -> (i32, i32) {
    %c0_i32 = arith.constant 0 : i32
    %c0_i32_0 = arith.constant 0 : i32
    return %arg0, %c0_i32 : i32, i32
  }
  func.func @transform_1(%arg0: i32) -> (i32, i32, i32) {
    %c0_i32 = arith.constant 0 : i32
    %c0_i32_0 = arith.constant 0 : i32
    %c0_i32_1 = arith.constant 0 : i32
    return %arg0, %c0_i32, %c0_i32_0 : i32, i32, i32
  }
  func.func @transform_2(%arg0: i32) -> (i32, i32) {
    %c0_i32 = arith.constant 0 : i32
    %c0_i32_0 = arith.constant 0 : i32
    %c0_i32_1 = arith.constant 0 : i32
    return %c0_i32, %c0_i32_0 : i32, i32
  }
}

module attributes {stable_mosaic.version = 14 : i64} {
  func.func @_apply_body(%arg0: i32, %arg1: memref<1280x128xf32, #tpu.memory_space<vmem>>, %arg2: memref<1280x128xf32, #tpu.memory_space<vmem>>, %arg3: memref<1x10x128xf32, #tpu.memory_space<vmem>>, %arg4: memref<8x128xf32, #tpu.memory_space<vmem>>, %arg5: memref<2x128xf32, #tpu.memory_space<vmem>>, %arg6: memref<128x128xf32, #tpu.memory_space<vmem>>, %arg7: memref<1x128xf32, #tpu.memory_space<vmem>>, %arg8: memref<1280x128xf32, #tpu.memory_space<vmem>>, %arg9: memref<1280x128xf32, #tpu.memory_space<vmem>>) attributes {dimension_semantics = [#tpu.dimension_semantics<arbitrary>], iteration_bounds = array<i64: 250>, scalar_prefetch = 0 : i64, scratch_operands = 0 : i64, tpu.core_type = #tpu.core_type<tc>, window_params = [{transform_indices = @transform_0, window_bounds = array<i64: 1280, 128>}, {transform_indices = @transform_1, window_bounds = array<i64: 1280, 128>}, {transform_indices = @transform_2, window_bounds = array<i64: 1, 10, 128>}, {pipeline_mode = #tpu.pipeline_mode<synchronous>, transform_indices = @transform_3, window_bounds = array<i64: 8, 128>}, {pipeline_mode = #tpu.pipeline_mode<synchronous>, transform_indices = @transform_4, window_bounds = array<i64: 2, 128>}, {pipeline_mode = #tpu.pipeline_mode<synchronous>, transform_indices = @transform_5, window_bounds = array<i64: 128, 128>}, {pipeline_mode = #tpu.pipeline_mode<synchronous>, transform_indices = @transform_6, window_bounds = array<i64: 1, 128>}, {transform_indices = @transform_7, window_bounds = array<i64: 1280, 128>}, {transform_indices = @transform_8, window_bounds = array<i64: 1280, 128>}]} {
    %get3A = arith.constant 0 : index
    %get3A_0 = arith.constant 0 : index
    %get3A_1 = vector.load %arg4[%get3A, %get3A_0] : memref<8x128xf32, #tpu.memory_space<vmem>>, vector<8x128xf32>
    %slice3A = vector.extract_strided_slice %get3A_1 {offsets = [0, 0], sizes = [1, 128], strides = [1, 1]} : vector<8x128xf32> to vector<1x128xf32>
    %mul3A = arith.constant 3.125000e-06 : f32
    %mul3A_2 = vector.broadcast %mul3A : f32 to vector<1x128xf32>
    %mul3A_3 = arith.mulf %slice3A, %mul3A_2 : vector<1x128xf32>
    %slice3A_4 = vector.extract_strided_slice %get3A_1 {offsets = [1, 0], sizes = [1, 128], strides = [1, 1]} : vector<8x128xf32> to vector<1x128xf32>
    %mul3A_5 = arith.constant 3.125000e-06 : f32
    %mul3A_6 = vector.broadcast %mul3A_5 : f32 to vector<1x128xf32>
    %mul3A_7 = arith.mulf %slice3A_4, %mul3A_6 : vector<1x128xf32>
    %mul3A_8 = arith.mulf %mul3A_3, %mul3A_3 : vector<1x128xf32>
    %sub3A = arith.subf %mul3A_7, %mul3A_8 : vector<1x128xf32>
    %get3A_9 = arith.constant 0 : index
    %get3A_10 = arith.constant 0 : index
    %get3A_11 = vector.load %arg1[%get3A_9, %get3A_10] : memref<1280x128xf32, #tpu.memory_space<vmem>>, vector<1280x128xf32>
    %get3A_12 = arith.constant 0 : index
    %get3A_13 = arith.constant 0 : index
    %get3A_14 = arith.constant 0 : index
    %get3A_15 = vector.load %arg3[%get3A_12, %get3A_13, %get3A_14] : memref<1x10x128xf32, #tpu.memory_space<vmem>>, vector<1x10x128xf32>
    %get3A_16 = vector.shape_cast %get3A_15 : vector<1x10x128xf32> to vector<10x128xf32>
    %slice3A_17 = vector.extract_strided_slice %get3A_16 {offsets = [0, 0], sizes = [1, 128], strides = [1, 1]} : vector<10x128xf32> to vector<1x128xf32>
    %broadcast_in_dim3A = vector.shape_cast %slice3A_17 : vector<1x128xf32> to vector<1x128xf32>
    %broadcast_in_dim3A_18 = vector.broadcast %broadcast_in_dim3A : vector<1x128xf32> to vector<128x128xf32>
    %transpose3A = tpu.transpose %broadcast_in_dim3A_18, [1, 0] : vector<128x128xf32> -> vector<128x128xf32>
    %slice3A_19 = vector.extract_strided_slice %get3A_16 {offsets = [1, 0], sizes = [1, 128], strides = [1, 1]} : vector<10x128xf32> to vector<1x128xf32>
    %broadcast_in_dim3A_20 = vector.shape_cast %slice3A_19 : vector<1x128xf32> to vector<1x128xf32>
    %broadcast_in_dim3A_21 = vector.broadcast %broadcast_in_dim3A_20 : vector<1x128xf32> to vector<128x128xf32>
    %transpose3A_22 = tpu.transpose %broadcast_in_dim3A_21, [1, 0] : vector<128x128xf32> -> vector<128x128xf32>
    %slice3A_23 = vector.extract_strided_slice %get3A_16 {offsets = [2, 0], sizes = [1, 128], strides = [1, 1]} : vector<10x128xf32> to vector<1x128xf32>
    %broadcast_in_dim3A_24 = vector.shape_cast %slice3A_23 : vector<1x128xf32> to vector<1x128xf32>
    %broadcast_in_dim3A_25 = vector.broadcast %broadcast_in_dim3A_24 : vector<1x128xf32> to vector<128x128xf32>
    %transpose3A_26 = tpu.transpose %broadcast_in_dim3A_25, [1, 0] : vector<128x128xf32> -> vector<128x128xf32>
    %slice3A_27 = vector.extract_strided_slice %get3A_16 {offsets = [3, 0], sizes = [1, 128], strides = [1, 1]} : vector<10x128xf32> to vector<1x128xf32>
    %broadcast_in_dim3A_28 = vector.shape_cast %slice3A_27 : vector<1x128xf32> to vector<1x128xf32>
    %broadcast_in_dim3A_29 = vector.broadcast %broadcast_in_dim3A_28 : vector<1x128xf32> to vector<128x128xf32>
    %transpose3A_30 = tpu.transpose %broadcast_in_dim3A_29, [1, 0] : vector<128x128xf32> -> vector<128x128xf32>
    %slice3A_31 = vector.extract_strided_slice %get3A_16 {offsets = [4, 0], sizes = [1, 128], strides = [1, 1]} : vector<10x128xf32> to vector<1x128xf32>
    %broadcast_in_dim3A_32 = vector.shape_cast %slice3A_31 : vector<1x128xf32> to vector<1x128xf32>
    %broadcast_in_dim3A_33 = vector.broadcast %broadcast_in_dim3A_32 : vector<1x128xf32> to vector<128x128xf32>
    %transpose3A_34 = tpu.transpose %broadcast_in_dim3A_33, [1, 0] : vector<128x128xf32> -> vector<128x128xf32>
    %slice3A_35 = vector.extract_strided_slice %get3A_16 {offsets = [5, 0], sizes = [1, 128], strides = [1, 1]} : vector<10x128xf32> to vector<1x128xf32>
    %broadcast_in_dim3A_36 = vector.shape_cast %slice3A_35 : vector<1x128xf32> to vector<1x128xf32>
    %broadcast_in_dim3A_37 = vector.broadcast %broadcast_in_dim3A_36 : vector<1x128xf32> to vector<128x128xf32>
    %transpose3A_38 = tpu.transpose %broadcast_in_dim3A_37, [1, 0] : vector<128x128xf32> -> vector<128x128xf32>
    %slice3A_39 = vector.extract_strided_slice %get3A_16 {offsets = [6, 0], sizes = [1, 128], strides = [1, 1]} : vector<10x128xf32> to vector<1x128xf32>
    %broadcast_in_dim3A_40 = vector.shape_cast %slice3A_39 : vector<1x128xf32> to vector<1x128xf32>
    %broadcast_in_dim3A_41 = vector.broadcast %broadcast_in_dim3A_40 : vector<1x128xf32> to vector<128x128xf32>
    %transpose3A_42 = tpu.transpose %broadcast_in_dim3A_41, [1, 0] : vector<128x128xf32> -> vector<128x128xf32>
    %slice3A_43 = vector.extract_strided_slice %get3A_16 {offsets = [7, 0], sizes = [1, 128], strides = [1, 1]} : vector<10x128xf32> to vector<1x128xf32>
    %broadcast_in_dim3A_44 = vector.shape_cast %slice3A_43 : vector<1x128xf32> to vector<1x128xf32>
    %broadcast_in_dim3A_45 = vector.broadcast %broadcast_in_dim3A_44 : vector<1x128xf32> to vector<128x128xf32>
    %transpose3A_46 = tpu.transpose %broadcast_in_dim3A_45, [1, 0] : vector<128x128xf32> -> vector<128x128xf32>
    %slice3A_47 = vector.extract_strided_slice %get3A_16 {offsets = [8, 0], sizes = [1, 128], strides = [1, 1]} : vector<10x128xf32> to vector<1x128xf32>
    %broadcast_in_dim3A_48 = vector.shape_cast %slice3A_47 : vector<1x128xf32> to vector<1x128xf32>
    %broadcast_in_dim3A_49 = vector.broadcast %broadcast_in_dim3A_48 : vector<1x128xf32> to vector<128x128xf32>
    %transpose3A_50 = tpu.transpose %broadcast_in_dim3A_49, [1, 0] : vector<128x128xf32> -> vector<128x128xf32>
    %slice3A_51 = vector.extract_strided_slice %get3A_16 {offsets = [9, 0], sizes = [1, 128], strides = [1, 1]} : vector<10x128xf32> to vector<1x128xf32>
    %broadcast_in_dim3A_52 = vector.shape_cast %slice3A_51 : vector<1x128xf32> to vector<1x128xf32>
    %broadcast_in_dim3A_53 = vector.broadcast %broadcast_in_dim3A_52 : vector<1x128xf32> to vector<128x128xf32>
    %transpose3A_54 = tpu.transpose %broadcast_in_dim3A_53, [1, 0] : vector<128x128xf32> -> vector<128x128xf32>
    %concatenate3A = tpu.concatenate %transpose3A, %transpose3A_22, %transpose3A_26, %transpose3A_30, %transpose3A_34, %transpose3A_38, %transpose3A_42, %transpose3A_46, %transpose3A_50, %transpose3A_54 in 0 : vector<128x128xf32>, vector<128x128xf32>, vector<128x128xf32>, vector<128x128xf32>, vector<128x128xf32>, vector<128x128xf32>, vector<128x128xf32>, vector<128x128xf32>, vector<128x128xf32>, vector<128x128xf32> -> vector<1280x128xf32>
    %mul3A_55 = arith.mulf %get3A_11, %concatenate3A : vector<1280x128xf32>
    %get3A_56 = arith.constant 0 : index
    %get3A_57 = arith.constant 0 : index
    %get3A_58 = vector.load %arg5[%get3A_56, %get3A_57] : memref<2x128xf32, #tpu.memory_space<vmem>>, vector<2x128xf32>
    %slice3A_59 = vector.extract_strided_slice %get3A_58 {offsets = [0, 0], sizes = [1, 128], strides = [1, 1]} : vector<2x128xf32> to vector<1x128xf32>
    %sub3A_60 = vector.broadcast %mul3A_3 : vector<1x128xf32> to vector<1280x128xf32>
    %sub3A_61 = arith.subf %mul3A_55, %sub3A_60 : vector<1280x128xf32>
    %mul3A_62 = vector.broadcast %slice3A_59 : vector<1x128xf32> to vector<1280x128xf32>
    %mul3A_63 = arith.mulf %mul3A_62, %sub3A_61 : vector<1280x128xf32>
    %add3A = arith.constant 9.99999974E-6 : f32
    %add3A_64 = vector.broadcast %add3A : f32 to vector<1x128xf32>
    %add3A_65 = arith.addf %sub3A, %add3A_64 : vector<1x128xf32>
    %rsqrt3A = math.rsqrt %add3A_65 : vector<1x128xf32>
    %mul3A_66 = vector.broadcast %rsqrt3A : vector<1x128xf32> to vector<1280x128xf32>
    %mul3A_67 = arith.mulf %mul3A_63, %mul3A_66 : vector<1280x128xf32>
    %slice3A_68 = vector.extract_strided_slice %get3A_58 {offsets = [1, 0], sizes = [1, 128], strides = [1, 1]} : vector<2x128xf32> to vector<1x128xf32>
    %add3A_69 = vector.broadcast %slice3A_68 : vector<1x128xf32> to vector<1280x128xf32>
    %add3A_70 = arith.addf %mul3A_67, %add3A_69 : vector<1280x128xf32>
    %get3A_71 = arith.constant 0 : index
    %get3A_72 = arith.constant 0 : index
    %get3A_73 = vector.load %arg2[%get3A_71, %get3A_72] : memref<1280x128xf32, #tpu.memory_space<vmem>>, vector<1280x128xf32>
    %max3A = arith.constant 0.000000e+00 : f32
    %max3A_74 = vector.broadcast %max3A : f32 to vector<1280x128xf32>
    %max3A_75 = arith.maximumf %add3A_70, %max3A_74 : vector<1280x128xf32>
    %add3A_76 = arith.addf %get3A_73, %max3A_75 : vector<1280x128xf32>
    %swap3A = arith.constant 0 : index
    %swap3A_77 = arith.constant 0 : index
    %swap3A_78 = vector.load %arg8[%swap3A, %swap3A_77] : memref<1280x128xf32, #tpu.memory_space<vmem>>, vector<1280x128xf32>
    tpu.vector_store %arg8[%swap3A, %swap3A_77], %add3A_76 {strides = array<i32>} : memref<1280x128xf32, #tpu.memory_space<vmem>>, vector<1280x128xf32>,
    %get3A_79 = arith.constant 0 : index
    %get3A_80 = arith.constant 0 : index
    %get3A_81 = vector.load %arg6[%get3A_79, %get3A_80] : memref<128x128xf32, #tpu.memory_space<vmem>>, vector<128x128xf32>
    %dot_general3A = arith.constant dense<0.000000e+00> : vector<1280x128xf32>
    %dot_general3A_82 = tpu.matmul %add3A_76, %get3A_81, %dot_general3A {dimension_numbers = #tpu.dot_dimension_numbers<[1], [0], [0], [1], [0, 0, 1, 1], [], []>, transpose_lhs_hint = false} : vector<1280x128xf32>, vector<128x128xf32>, vector<1280x128xf32> -> vector<1280x128xf32>
    %get3A_83 = arith.constant 0 : index
    %get3A_84 = arith.constant 0 : index
    %get3A_85 = vector.load %arg7[%get3A_83, %get3A_84] : memref<1x128xf32, #tpu.memory_space<vmem>>, vector<1x128xf32>
    %add3A_86 = vector.broadcast %get3A_85 : vector<1x128xf32> to vector<1280x128xf32>
    %add3A_87 = arith.addf %dot_general3A_82, %add3A_86 : vector<1280x128xf32>
    %swap3A_88 = arith.constant 0 : index
    %swap3A_89 = arith.constant 0 : index
    %swap3A_90 = vector.load %arg9[%swap3A_88, %swap3A_89] : memref<1280x128xf32, #tpu.memory_space<vmem>>, vector<1280x128xf32>
    tpu.vector_store %arg9[%swap3A_88, %swap3A_89], %add3A_87 {strides = array<i32>} : memref<1280x128xf32, #tpu.memory_space<vmem>>, vector<1280x128xf32>,
    return
  }
  func.func @transform_0(%arg0: i32) -> (i32, i32) {
    %c0_i32 = arith.constant 0 : i32
    %c0_i32_0 = arith.constant 0 : i32
    return %arg0, %c0_i32 : i32, i32
  }
  func.func @transform_1(%arg0: i32) -> (i32, i32) {
    %c0_i32 = arith.constant 0 : i32
    %c0_i32_0 = arith.constant 0 : i32
    return %arg0, %c0_i32 : i32, i32
  }
  func.func @transform_2(%arg0: i32) -> (i32, i32, i32) {
    %c0_i32 = arith.constant 0 : i32
    %c0_i32_0 = arith.constant 0 : i32
    %c0_i32_1 = arith.constant 0 : i32
    return %arg0, %c0_i32, %c0_i32_0 : i32, i32, i32
  }
  func.func @transform_3(%arg0: i32) -> (i32, i32) {
    %c0_i32 = arith.constant 0 : i32
    %c0_i32_0 = arith.constant 0 : i32
    %c0_i32_1 = arith.constant 0 : i32
    return %c0_i32, %c0_i32_0 : i32, i32
  }
  func.func @transform_4(%arg0: i32) -> (i32, i32) {
    %c0_i32 = arith.constant 0 : i32
    %c0_i32_0 = arith.constant 0 : i32
    %c0_i32_1 = arith.constant 0 : i32
    return %c0_i32, %c0_i32_0 : i32, i32
  }
  func.func @transform_5(%arg0: i32) -> (i32, i32) {
    %c0_i32 = arith.constant 0 : i32
    %c0_i32_0 = arith.constant 0 : i32
    %c0_i32_1 = arith.constant 0 : i32
    return %c0_i32, %c0_i32_0 : i32, i32
  }
  func.func @transform_6(%arg0: i32) -> (i32, i32) {
    %c0_i32 = arith.constant 0 : i32
    %c0_i32_0 = arith.constant 0 : i32
    %c0_i32_1 = arith.constant 0 : i32
    return %c0_i32, %c0_i32_0 : i32, i32
  }
  func.func @transform_7(%arg0: i32) -> (i32, i32) {
    %c0_i32 = arith.constant 0 : i32
    %c0_i32_0 = arith.constant 0 : i32
    return %arg0, %c0_i32 : i32, i32
  }
  func.func @transform_8(%arg0: i32) -> (i32, i32) {
    %c0_i32 = arith.constant 0 : i32
    %c0_i32_0 = arith.constant 0 : i32
    return %arg0, %c0_i32 : i32, i32
  }
}

module attributes {stable_mosaic.version = 14 : i64} {
  func.func @_hupd_body(%arg0: memref<10000x128xf32, #tpu.memory_space<vmem>>, %arg1: memref<10000x128xf32, #tpu.memory_space<vmem>>, %arg2: memref<10000x128xf32, #tpu.memory_space<vmem>>, %arg3: memref<2x128xf32, #tpu.memory_space<vmem>>, %arg4: memref<2x10112x128xf32, #tpu.memory_space<vmem>>, %arg5: memref<2x10112x128xf32, #tpu.memory_space<vmem>>, %arg6: memref<10000x128xf32, #tpu.memory_space<vmem>>) attributes {dimension_semantics = [], scalar_prefetch = 0 : i64, scratch_operands = 0 : i64, tpu.core_type = #tpu.core_type<tc>} {
    %get3A = arith.constant 0 : index
    %get3A_0 = arith.constant 0 : index
    %get3A_1 = arith.constant 0 : index
    %get3A_2 = vector.load %arg4[%get3A, %get3A_0, %get3A_1] : memref<2x10112x128xf32, #tpu.memory_space<vmem>>, vector<2x10112x128xf32>
    %get3A_3 = arith.constant 0 : index
    %get3A_4 = arith.constant 0 : index
    %get3A_5 = arith.constant 0 : index
    %get3A_6 = vector.load %arg5[%get3A_3, %get3A_4, %get3A_5] : memref<2x10112x128xf32, #tpu.memory_space<vmem>>, vector<2x10112x128xf32>
    %slice3A = vector.extract_strided_slice %get3A_2 {offsets = [0, 0, 0], sizes = [1, 10000, 128], strides = [1, 1, 1]} : vector<2x10112x128xf32> to vector<1x10000x128xf32>
    %squeeze3A = vector.shape_cast %slice3A : vector<1x10000x128xf32> to vector<10000x128xf32>
    %slice3A_7 = vector.extract_strided_slice %get3A_2 {offsets = [1, 0, 0], sizes = [1, 10000, 128], strides = [1, 1, 1]} : vector<2x10112x128xf32> to vector<1x10000x128xf32>
    %squeeze3A_8 = vector.shape_cast %slice3A_7 : vector<1x10000x128xf32> to vector<10000x128xf32>
    %add3A = arith.addf %squeeze3A, %squeeze3A_8 : vector<10000x128xf32>
    %slice3A_9 = vector.extract_strided_slice %get3A_6 {offsets = [0, 0, 0], sizes = [1, 10000, 128], strides = [1, 1, 1]} : vector<2x10112x128xf32> to vector<1x10000x128xf32>
    %squeeze3A_10 = vector.shape_cast %slice3A_9 : vector<1x10000x128xf32> to vector<10000x128xf32>
    %slice3A_11 = vector.extract_strided_slice %get3A_6 {offsets = [1, 0, 0], sizes = [1, 10000, 128], strides = [1, 1, 1]} : vector<2x10112x128xf32> to vector<1x10000x128xf32>
    %squeeze3A_12 = vector.shape_cast %slice3A_11 : vector<1x10000x128xf32> to vector<10000x128xf32>
    %add3A_13 = arith.addf %squeeze3A_10, %squeeze3A_12 : vector<10000x128xf32>
    %add3A_14 = arith.constant 9.99999997E-7 : f32
    %add3A_15 = vector.broadcast %add3A_14 : f32 to vector<10000x128xf32>
    %add3A_16 = arith.addf %add3A_13, %add3A_15 : vector<10000x128xf32>
    %div3A = arith.divf %add3A, %add3A_16 : vector<10000x128xf32>
    %get3A_17 = arith.constant 0 : index
    %get3A_18 = arith.constant 0 : index
    %get3A_19 = vector.load %arg0[%get3A_17, %get3A_18] : memref<10000x128xf32, #tpu.memory_space<vmem>>, vector<10000x128xf32>
    %add3A_20 = arith.addf %get3A_19, %div3A : vector<10000x128xf32>
    %get3A_21 = arith.constant 0 : index
    %get3A_22 = arith.constant 0 : index
    %get3A_23 = vector.load %arg2[%get3A_21, %get3A_22] : memref<10000x128xf32, #tpu.memory_space<vmem>>, vector<10000x128xf32>
    %mul3A = arith.mulf %add3A_20, %get3A_23 : vector<10000x128xf32>
    %reduce_sum3A = arith.constant dense<0.000000e+00> : vector<128xf32>
    %reduce_sum3A_24 = vector.multi_reduction <add>, %mul3A, %reduce_sum3A [0] : vector<10000x128xf32> to vector<128xf32>
    %broadcast_in_dim3A = vector.shape_cast %reduce_sum3A_24 : vector<128xf32> to vector<1x128xf32>
    %div3A_25 = arith.constant 1.000000e+04 : f32
    %div3A_26 = vector.broadcast %div3A_25 : f32 to vector<1x128xf32>
    %div3A_27 = arith.divf %broadcast_in_dim3A, %div3A_26 : vector<1x128xf32>
    %mul3A_28 = arith.mulf %mul3A, %mul3A : vector<10000x128xf32>
    %reduce_sum3A_29 = arith.constant dense<0.000000e+00> : vector<128xf32>
    %reduce_sum3A_30 = vector.multi_reduction <add>, %mul3A_28, %reduce_sum3A_29 [0] : vector<10000x128xf32> to vector<128xf32>
    %broadcast_in_dim3A_31 = vector.shape_cast %reduce_sum3A_30 : vector<128xf32> to vector<1x128xf32>
    %div3A_32 = arith.constant 1.000000e+04 : f32
    %div3A_33 = vector.broadcast %div3A_32 : f32 to vector<1x128xf32>
    %div3A_34 = arith.divf %broadcast_in_dim3A_31, %div3A_33 : vector<1x128xf32>
    %mul3A_35 = arith.mulf %div3A_27, %div3A_27 : vector<1x128xf32>
    %sub3A = arith.subf %div3A_34, %mul3A_35 : vector<1x128xf32>
    %get3A_36 = arith.constant 0 : index
    %get3A_37 = arith.constant 0 : index
    %get3A_38 = vector.load %arg3[%get3A_36, %get3A_37] : memref<2x128xf32, #tpu.memory_space<vmem>>, vector<2x128xf32>
    %slice3A_39 = vector.extract_strided_slice %get3A_38 {offsets = [0, 0], sizes = [1, 128], strides = [1, 1]} : vector<2x128xf32> to vector<1x128xf32>
    %sub3A_40 = vector.broadcast %div3A_27 : vector<1x128xf32> to vector<10000x128xf32>
    %sub3A_41 = arith.subf %mul3A, %sub3A_40 : vector<10000x128xf32>
    %mul3A_42 = vector.broadcast %slice3A_39 : vector<1x128xf32> to vector<10000x128xf32>
    %mul3A_43 = arith.mulf %mul3A_42, %sub3A_41 : vector<10000x128xf32>
    %add3A_44 = arith.constant 9.99999974E-6 : f32
    %add3A_45 = vector.broadcast %add3A_44 : f32 to vector<1x128xf32>
    %add3A_46 = arith.addf %sub3A, %add3A_45 : vector<1x128xf32>
    %rsqrt3A = math.rsqrt %add3A_46 : vector<1x128xf32>
    %mul3A_47 = vector.broadcast %rsqrt3A : vector<1x128xf32> to vector<10000x128xf32>
    %mul3A_48 = arith.mulf %mul3A_43, %mul3A_47 : vector<10000x128xf32>
    %slice3A_49 = vector.extract_strided_slice %get3A_38 {offsets = [1, 0], sizes = [1, 128], strides = [1, 1]} : vector<2x128xf32> to vector<1x128xf32>
    %add3A_50 = vector.broadcast %slice3A_49 : vector<1x128xf32> to vector<10000x128xf32>
    %add3A_51 = arith.addf %mul3A_48, %add3A_50 : vector<10000x128xf32>
    %get3A_52 = arith.constant 0 : index
    %get3A_53 = arith.constant 0 : index
    %get3A_54 = vector.load %arg1[%get3A_52, %get3A_53] : memref<10000x128xf32, #tpu.memory_space<vmem>>, vector<10000x128xf32>
    %max3A = arith.constant 0.000000e+00 : f32
    %max3A_55 = vector.broadcast %max3A : f32 to vector<10000x128xf32>
    %max3A_56 = arith.maximumf %add3A_51, %max3A_55 : vector<10000x128xf32>
    %add3A_57 = arith.addf %get3A_54, %max3A_56 : vector<10000x128xf32>
    %swap3A = arith.constant 0 : index
    %swap3A_58 = arith.constant 0 : index
    %swap3A_59 = vector.load %arg6[%swap3A, %swap3A_58] : memref<10000x128xf32, #tpu.memory_space<vmem>>, vector<10000x128xf32>
    tpu.vector_store %arg6[%swap3A, %swap3A_58], %add3A_57 {strides = array<i32>} : memref<10000x128xf32, #tpu.memory_space<vmem>>, vector<10000x128xf32>,
    return
  }
}

module attributes {stable_mosaic.version = 14 : i64} {
  func.func @_mlp_body(%arg0: memref<10000x128xf32, #tpu.memory_space<vmem>>, %arg1: memref<128x128xf32, #tpu.memory_space<vmem>>, %arg2: memref<1x128xf32, #tpu.memory_space<vmem>>, %arg3: memref<128x128xf32, #tpu.memory_space<vmem>>, %arg4: memref<1x128xf32, #tpu.memory_space<vmem>>, %arg5: memref<128x128xf32, #tpu.memory_space<vmem>>, %arg6: memref<1x128xf32, #tpu.memory_space<vmem>>, %arg7: memref<10000x128xf32, #tpu.memory_space<vmem>>) attributes {dimension_semantics = [], scalar_prefetch = 0 : i64, scratch_operands = 0 : i64, tpu.core_type = #tpu.core_type<tc>} {
    %get3A = arith.constant 0 : index
    %get3A_0 = arith.constant 0 : index
    %get3A_1 = vector.load %arg0[%get3A, %get3A_0] : memref<10000x128xf32, #tpu.memory_space<vmem>>, vector<10000x128xf32>
    %get3A_2 = arith.constant 0 : index
    %get3A_3 = arith.constant 0 : index
    %get3A_4 = vector.load %arg1[%get3A_2, %get3A_3] : memref<128x128xf32, #tpu.memory_space<vmem>>, vector<128x128xf32>
    %dot_general3A = arith.constant dense<0.000000e+00> : vector<10000x128xf32>
    %dot_general3A_5 = tpu.matmul %get3A_1, %get3A_4, %dot_general3A {dimension_numbers = #tpu.dot_dimension_numbers<[1], [0], [0], [1], [0, 0, 1, 1], [], []>, transpose_lhs_hint = false} : vector<10000x128xf32>, vector<128x128xf32>, vector<10000x128xf32> -> vector<10000x128xf32>
    %get3A_6 = arith.constant 0 : index
    %get3A_7 = arith.constant 0 : index
    %get3A_8 = vector.load %arg2[%get3A_6, %get3A_7] : memref<1x128xf32, #tpu.memory_space<vmem>>, vector<1x128xf32>
    %add3A = vector.broadcast %get3A_8 : vector<1x128xf32> to vector<10000x128xf32>
    %add3A_9 = arith.addf %dot_general3A_5, %add3A : vector<10000x128xf32>
    %max3A = arith.constant 0.000000e+00 : f32
    %max3A_10 = vector.broadcast %max3A : f32 to vector<10000x128xf32>
    %max3A_11 = arith.maximumf %add3A_9, %max3A_10 : vector<10000x128xf32>
    %get3A_12 = arith.constant 0 : index
    %get3A_13 = arith.constant 0 : index
    %get3A_14 = vector.load %arg3[%get3A_12, %get3A_13] : memref<128x128xf32, #tpu.memory_space<vmem>>, vector<128x128xf32>
    %dot_general3A_15 = arith.constant dense<0.000000e+00> : vector<10000x128xf32>
    %dot_general3A_16 = tpu.matmul %max3A_11, %get3A_14, %dot_general3A_15 {dimension_numbers = #tpu.dot_dimension_numbers<[1], [0], [0], [1], [0, 0, 1, 1], [], []>, transpose_lhs_hint = false} : vector<10000x128xf32>, vector<128x128xf32>, vector<10000x128xf32> -> vector<10000x128xf32>
    %get3A_17 = arith.constant 0 : index
    %get3A_18 = arith.constant 0 : index
    %get3A_19 = vector.load %arg4[%get3A_17, %get3A_18] : memref<1x128xf32, #tpu.memory_space<vmem>>, vector<1x128xf32>
    %add3A_20 = vector.broadcast %get3A_19 : vector<1x128xf32> to vector<10000x128xf32>
    %add3A_21 = arith.addf %dot_general3A_16, %add3A_20 : vector<10000x128xf32>
    %max3A_22 = arith.constant 0.000000e+00 : f32
    %max3A_23 = vector.broadcast %max3A_22 : f32 to vector<10000x128xf32>
    %max3A_24 = arith.maximumf %add3A_21, %max3A_23 : vector<10000x128xf32>
    %get3A_25 = arith.constant 0 : index
    %get3A_26 = arith.constant 0 : index
    %get3A_27 = vector.load %arg5[%get3A_25, %get3A_26] : memref<128x128xf32, #tpu.memory_space<vmem>>, vector<128x128xf32>
    %dot_general3A_28 = arith.constant dense<0.000000e+00> : vector<10000x128xf32>
    %dot_general3A_29 = tpu.matmul %max3A_24, %get3A_27, %dot_general3A_28 {dimension_numbers = #tpu.dot_dimension_numbers<[1], [0], [0], [1], [0, 0, 1, 1], [], []>, transpose_lhs_hint = false} : vector<10000x128xf32>, vector<128x128xf32>, vector<10000x128xf32> -> vector<10000x128xf32>
    %get3A_30 = arith.constant 0 : index
    %get3A_31 = arith.constant 0 : index
    %get3A_32 = vector.load %arg6[%get3A_30, %get3A_31] : memref<1x128xf32, #tpu.memory_space<vmem>>, vector<1x128xf32>
    %add3A_33 = vector.broadcast %get3A_32 : vector<1x128xf32> to vector<10000x128xf32>
    %add3A_34 = arith.addf %dot_general3A_29, %add3A_33 : vector<10000x128xf32>
    %swap3A = arith.constant 0 : index
    %swap3A_35 = arith.constant 0 : index
    %swap3A_36 = vector.load %arg7[%swap3A, %swap3A_35] : memref<10000x128xf32, #tpu.memory_space<vmem>>, vector<10000x128xf32>
    tpu.vector_store %arg7[%swap3A, %swap3A_35], %add3A_34 {strides = array<i32>} : memref<10000x128xf32, #tpu.memory_space<vmem>>, vector<10000x128xf32>,
    return
  }
}

</mosaic_0001>

<sc_bundles>
// kernel: kernel.27.cloned.1.call-start
scs
__scs_entry_jumppad:
0x0: {  	(pc) =	sbr.rel $0x88, $3  }
0x1: {  	(tag) =	ssettag $0x0;
	lr =	simm.s32 $0x1  }
0x2: {  	[smem:$0x3F84] =	sst lr;
	_ =	strace $0xD0000000  }
0x3: {  	_ = 	snop  }
0x4: {  	_ = 	snop  }
0x5: {  	_ = 	snop  }
0x6: {  	_ = 	snop  }
0x7: {  	_ = 	snop  }
__scs_overlays_trampoline_lowered:
0x8: {  	[smem:$0x3F93] =	sst s0  }
0x9: {  	[smem:$0x3F94] =	sst s1  }
0xa: {  	[smem:$0x3F95] =	sst s2  }
0xb: {  	[smem:$0x3F96] =	sst s3  }
0xc: {  	[smem:$0x3F97] =	sst s4  }
0xd: {  	[smem:$0x3F98] =	sst s5  }
0xe: {  	[smem:$0x3F99] =	sst s6  }
0xf: {  	[smem:$0x3F9A] =	sst s7  }
0x10: {  	[smem:$0x3F9B] =	sst s8  }
0x11: {  	[smem:$0x3F9C] =	sst s9;
	s0 =	simm.s32 @!p0 $0x0  }
0x12: {  	s1 =	sld [smem:$0x3F82];
	s0 =	simm.s32 @p0 $0x1  }
0x13: {  	[smem:$0x3F9D] =	sst s0;
	s0 =	simm.s32 @!p1 $0x0  }
0x14: {  	s2 =	sld [smem:$0x3F81];
	s0 =	simm.s32 @p1 $0x1  }
0x15: {  	[smem:$0x3F9E] =	sst s0;
	s0 =	simm.s32 @!p2 $0x0  }
0x16: {  	s3 =	sld [smem:$0x3FDB];
	s0 =	simm.s32 @p2 $0x1  }
0x17: {  	s4 =	simm.s32 $0x1BF5;
	[smem:$0x3FA0] =	sst s0  }
0x18: {  	s0 =	sld [smem:$0x3F83];
	_ =	swait.ge [sflag:s4], $0x0  }
0x19: {  	s7 =	sld [smem:$0x3F84]  }
0x1a: {  	s8 =	sadd.s32 $0xFFFFE003, lr  }
0x1b: {  	s9 =	sadd.s32 $0xFFFFFEF7, lr;
	s5 =	simm.s32 $0xFFFFFFFF;
	p2 =	slt.u32 s8, $0xFFFFF086  }
0x1c: {  	p1 =	slt.u32 s9, $0xF7A;
	s5 =	simm.s32 @!p2 $0x0  }
0x1d: {  	s5 =	simm.s32 @p1 $0x1;
	p0 =	seq.s32 s7, s2  }
0x1e: {  	s7 =	smul.u32 @!p0 $0xF7A, s2;
	p2 =	seq.s32 @!p0 s5, $0x0  }
0x1f: {  	s9 =	smul.u32 $0xF7A, s1;
	s8 =	simm.s32 @!p0 $0x1BF5;
	p2 =	por !p2, p0  }
0x20: {  	[sflag:s8] =	ssyncset.s32 @!p0 $0xFFFFF086;
	s6 =	sadd.s32 @!p0 s3, s7;
	s7 =	simm.s32 @!p0 $0x108  }
0x21: {  	s3 =	sadd.s32 s3, s9;
	s6 =	sadd.s32 @!p0 $0x88, s6;
	s7 =	simm.s32 @p2 $0x1082  }
0x22: {  	[simem:s7], [sflag:s8] =	dma.local @!p0 [hbm:s6], $0xF7A  }
0x23: {  	s9 =	sor.u32 $0xD0000000, s2;
	s6 =	simm.s32 $0x108;
	_ =	swait.ge @!p0 [sflag:s8], $0x0  }
0x24: {  	s3 =	sadd.s32 $0x88, s3;
	s6 =	simm.s32 @!p1 $0x1082;
	[sflag:s4] =	ssyncset.s32 $0xFFFFF086  }
0x25: {  	[simem:s6], [sflag:s4] =	dma.local [hbm:s3], $0xF7A  }
0x26: {  	[smem:$0x3F84] =	sst s1;
	(tag) =	ssettag s2;
	_ =	strace s9  }
0x27: {  	s1 =	sld [smem:$0x3F94]  }
0x28: {  	s2 =	sld [smem:$0x3F95]  }
0x29: {  	s4 =	sld [smem:$0x3F97]  }
0x2a: {  	p0 =	seq.s32 s5, $0x0;
	s5 =	sld [smem:$0x3F98]  }
0x2b: {  	s6 =	sld [smem:$0x3F99]  }
0x2c: {  	s7 =	sld [smem:$0x3F9A]  }
0x2d: {  	s3 =	simm.s32 $0x108;
	s8 =	sld [smem:$0x3F9B]  }
0x2e: {  	s3 =	simm.s32 @!p0 $0x1082;
	s9 =	sld [smem:$0x3F9C]  }
0x2f: {  	lr =	sadd.s32 s0, s3;
	s0 =	sld [smem:$0x3F93]  }
0x30: {  	s3 =	sld [smem:$0x3F96]  }
0x31: {  	[smem:$0x3F9F] =	sst s10  }
0x32: {  	s10 =	sld [smem:$0x3F9D];
	_ =	sdelay $0x3  }
0x33: {  	p0 =	seq.s32 s10, $0x1;
	s10 =	sld [smem:$0x3F9F];
	_ =	sdelay $0x3  }
0x34: {  	[smem:$0x3F9F] =	sst s10  }
0x35: {  	s10 =	sld [smem:$0x3F9E];
	_ =	sdelay $0x3  }
0x36: {  	p1 =	seq.s32 s10, $0x1;
	s10 =	sld [smem:$0x3F9F];
	_ =	sdelay $0x3  }
0x37: {  	[smem:$0x3F9F] =	sst s10  }
0x38: {  	s10 =	sld [smem:$0x3FA0]  }
0x39: {  	_ = 	snop;
	(pc) =	sbr.ind lr, $3  }
0x3a: {  	_ = 	snop  }
0x3b: {  	_ = 	snop  }
0x3c: {  	p2 =	seq.s32 s10, $0x1;
	s10 =	sld [smem:$0x3F9F]  }
0x3d: {  	_ =	shalt  }
0x3e: {  	_ =	shalt  }
0x3f: {  	_ =	shalt  }
0x40: {  	_ =	shalt  }
0x41: {  	_ =	shalt  }
0x42: {  	_ =	shalt  }
0x43: {  	_ =	shalt  }
0x44: {  	_ =	shalt  }
0x45: {  	_ =	shalt  }
0x46: {  	_ =	shalt  }
0x47: {  	_ =	shalt  }
0x48: {  	_ =	shalt  }
0x49: {  	_ =	shalt  }
0x4a: {  	_ =	shalt  }
0x4b: {  	_ =	shalt  }
0x4c: {  	_ =	shalt  }
0x4d: {  	_ =	shalt  }
0x4e: {  	_ =	shalt  }
0x4f: {  	_ =	shalt  }
0x50: {  	_ =	shalt  }
0x51: {  	_ =	shalt  }
0x52: {  	_ =	shalt  }
0x53: {  	_ =	shalt  }
0x54: {  	_ =	shalt  }
0x55: {  	_ =	shalt  }
0x56: {  	_ =	shalt  }
0x57: {  	_ =	shalt  }
0x58: {  	_ =	shalt  }
0x59: {  	_ =	shalt  }
0x5a: {  	_ =	shalt  }
0x5b: {  	_ =	shalt  }
0x5c: {  	_ =	shalt  }
0x5d: {  	_ =	shalt  }
0x5e: {  	_ =	shalt  }
0x5f: {  	_ =	shalt  }
0x60: {  	_ =	shalt  }
0x61: {  	_ =	shalt  }
0x62: {  	_ =	shalt  }
0x63: {  	_ =	shalt  }
0x64: {  	_ =	shalt  }
0x65: {  	_ =	shalt  }
0x66: {  	_ =	shalt  }
0x67: {  	_ =	shalt  }
0x68: {  	_ =	shalt  }
0x69: {  	_ =	shalt  }
0x6a: {  	_ =	shalt  }
0x6b: {  	_ =	shalt  }
0x6c: {  	_ =	shalt  }
0x6d: {  	_ =	shalt  }
0x6e: {  	_ =	shalt  }
0x6f: {  	_ =	shalt  }
0x70: {  	_ =	shalt  }
0x71: {  	_ =	shalt  }
0x72: {  	_ =	shalt  }
0x73: {  	_ =	shalt  }
0x74: {  	_ =	shalt  }
0x75: {  	_ =	shalt  }
0x76: {  	_ =	shalt  }
0x77: {  	_ =	shalt  }
0x78: {  	_ =	shalt  }
0x79: {  	_ =	shalt  }
0x7a: {  	_ =	shalt  }
0x7b: {  	_ =	shalt  }
0x7c: {  	_ =	shalt  }
0x7d: {  	_ =	shalt  }
0x7e: {  	_ =	shalt  }
0x7f: {  	_ =	shalt  }
0x80: {  	_ =	shalt  }
0x81: {  	_ =	shalt  }
0x82: {  	_ =	shalt  }
0x83: {  	_ =	shalt  }
0x84: {  	_ =	shalt  }
0x85: {  	_ =	shalt  }
0x86: {  	_ =	shalt  }
0x87: {  	_ =	shalt  }
.Lfunc_end0:
.L_simem_size_0:
called_computation_lowered:
.L_overlay_start_0:
0x88: {  	s2 =	sld [smem:$0x3FD9]  }
0x89: {  	s3 =	sld [smem:$0x3FFE];
	_ =	sdelay $0x1  }
0x8a: {  	s1 =	srdreg.scid  }
0x8b: {  	s0 =	sand.u32 $0x1, s1  }
0x8c: {  	s16 =	sshll.u32 s0, $0xA;
	s2 =	sadd.s32 s3, s2  }
0x8d: {  	s2 =	sadd.s32 s2, s16  }
0x8e: {  	[smem:$0x3FAB] =	sst s2  }
0x8f: {  	_ = 	snop  }
0x90: {  	(tm) =	ssettm $0x1  }
0x91: {  	s17 =	sld [smem:$0x3FFB];
	_ =	sdelay $0x3  }
0x92: {  	_ =	strace s17  }
0x93: {  	s2 =	sld [smem:$0x3FFC];
	_ =	sdelay $0x3  }
0x94: {  	_ =	strace s2  }
0x95: {  	s2 =	sld [smem:$0x3FFD];
	_ =	sdelay $0x3  }
0x96: {  	_ =	strace s2  }
0x97: {  	_ =	strace $0x8FFFFFFF  }
0x98: {  	s18 =	sld [smem:$0x3FDB];
	_ =	sdelay $0x1  }
0x99: {  	s19 =	simm.s32 $_scs_section_size  }
0x9a: {  	s4 =	simm.s32 $_size__tile_overlayer_lowered;
	s5 =	simm.s32 $_tile_overlayer_lowered  }
0x9b: {  	s22 =	simm.s32 $0x1BFF;
	s21 =	sshll.u32 s5, $0x1;
	s2 =	sadd.s32 s19, s18  }
0x9c: {  	s6 =	simm.s32 $0x0;
	s20 =	sshll.u32 s4, $0x1;
	s4 =	sadd.s32 s21, s2  }
0x9d: {  	[timem:s6], [sflag:s22] =	dma.local [hbm:s4], s20  }
0x9e: {  	_ =	swait.ge [sflag:s22], s20  }
0x9f: {  	s3 =	ssub.s32 $0x0, s20;
	[sflag:s22] =	ssyncset.done $0x0  }
0xa0: {  	[sflag:s22] =	ssyncadd.s32 s3;
	_ =	sdelay $0x1  }
0xa1: {  	s23 =	simm.s32 $0x1B8B  }
0xa2: {  	_ =	swait.ge [sflag:s23], $0x1  }
0xa3: {  	[sflag:s23] =	ssyncset.done $0x0  }
0xa4: {  	s25 =	simm.s32 $0x1B8E;
	s24 =	sld [smem:$0x3FFE];
	[sflag:s23] =	ssyncadd.s32 $0xFFFFFFFF  }
0xa5: {  	s26 =	simm.s32 $execute0_lowered;
	[smem:$0x3FD2] =	sst s25  }
0xa6: {  	s4 =	sshll.u32 s26, $0x1;
	_ =	strace $0x80000046;
	[dreg:$0x1] =	wrdreg $0xFFFFFFFF  }
0xa7: {  	s28 =	simm.s32 $_size_execute0_lowered;
	s2 =	sadd.s32 s2, s4;
	[dreg:$0x0] =	wrdreg $0x0  }
0xa8: {  	s4 =	sshll.u32 s28, $0x1;
	[dreg:$0x2] =	wrdreg s2  }
0xa9: {  	[dreg:$0x3] =	wrdreg s4  }
0xaa: {  	[dreg:$0x4] =	wrdreg $0xC0  }
0xab: {  	_ =	task [dreg:s6], $0x5FFFF  }
0xac: {  	[dreg:$0x1] =	wrdreg $0xFFFFFFFF  }
0xad: {  	[dreg:$0x0] =	wrdreg $0x60  }
0xae: {  	[dreg:$0x2] =	wrdreg s24  }
0xaf: {  	[dreg:$0x3] =	wrdreg $0x0  }
0xb0: {  	[dreg:$0x4] =	wrdreg $0x9  }
0xb1: {  	_ =	task.clear_ibuf [dreg:s6], $0x5FFFF;
	_ =	strace $0x90000046  }
0xb2: {  	s29 =	simm.s32 $0x9;
	_ =	strace $0x80000048  }
0xb3: {  	_ =	swait.ge [sflag:s29], $0x1  }
0xb4: {  	[sflag:s29] =	ssyncadd.s32 $0xFFFFFFFF  }
0xb5: {  	_ =	strace $0x90000048  }
0xb6: {  	_ =	sfence  }
0xb7: {  	s30 =	sld [smem:$0x0];
	_ =	sdelay $0x2  }
0xb8: {  	s31 =	sshll.u32 s1, $0xD;
	s1 =	sshrl.u32 s1, $0x2  }
0xb9: {  	s3 =	sand.u32 $0x4000, s31;
	s1 =	sadd.s32 s1, s30  }
0xba: {  	s0 =	sor.u32 s3, s0;
	s1 =	sshll.u32 s1, $0x11  }
0xbb: {  	s0 =	sor.u32 s1, s0  }
0xbc: {  	s0 =	sadd.s32 $0x8F2B, s0  }
0xbd: {  	[sflag:s0] =	ssyncadd.remote.s32 $0x1  }
0xbe: {  	_ =	sfence.sel $0xFFFF  }
0xbf: {  	[dreg:$0x0] =	wrdreg $0xFFFFFFFF;
	(pc) =	sbr.abs _section_cstart, $3  }
0xc0: {  	[dreg:$0x1] =	wrdreg $0xFFFFFFFF  }
0xc1: {  	_ =	task.clear_ibuf [dreg:s6], $0x2FFFF;
	_ =	strace $0x9FFFFFFF  }
0xc2: {  	(tm) =	ssettm $0x7FFFFFFF  }
0xc3: {  	_ =	shalt  }
tec
execute0_lowered:
.L_overlay_start_1:
0x0: {  	(tag) =	ssettag $0x1  }
0x1: {  	s0 =	rddreg [dreg:$0x0]  }
0x2: {  	s1 =	rddreg [dreg:$0x1];
	s3 =	simm.s32 $0x0;
	s16 =	stileid.u32  }
0x3: {  	s2 =	srdreg.scid;
	s17 =	simm.s32 $0x3;
	s18 =	simm.s32 $0x13C00  }
0x4: {  	s19 =	simm.s32 $0x13C80;
	s20 =	simm.s32 $0x1B500;
	s21 =	simm.s32 $0x1  }
0x5: {  	s22 =	simm.s32 $0x50;
	s23 =	simm.s32 $0x13D00;
	s24 =	simm.s32 $0x16500  }
0x6: {  	s25 =	simm.s32 $0x18D00;
	s28 =	simm.s32 $0x0;
	[smem:$0x7FF] =	sst s3  }
0x7: {  	s4 =	sadd.s32 $0xA6B200, s0;
	s10 =	smul.u32 $0x13C00, s16;
	s2 =	sand.u32 $0x1, s2  }
0x8: {  	s5 =	sadd.s32 $0xA1CE00, s0;
	s6 =	sadd.s32 $0xA44000, s0;
	s7 =	sadd.s32 $0x58E00, s0  }
0x9: {  	s8 =	sadd.s32 $0x1E000, s0;
	s9 =	sadd.s32 $0x27E00, s0;
	s13 =	smul.u32 $0x4F000, s16  }
0xa: {  	s31 =	sshll.u32 s16, $0x6;
	_ =	strace $0x80000047;
	s11 =	smul.u32 $0x13C000, s2  }
0xb: {  	s26 =	ssub.s32 $0x2, s2;
	s2 =	sshll.u32 s2, $0x4;
	s12 =	sshrl.u32 s10, $0x3  }
0xc: {  	s15 =	sshrl.u32 s26, $0x1;
	s30 =	sshrl.u32 s13, $0x2;
	s2 =	sor.u32 s16, s2  }
0xd: {  	s10 =	sadd.s32 s10, s11;
	s12 =	sadd.s32 s12, s0;
	s29 =	ssub.s32 s26, s15  }
0xe: {  	s11 =	sadd.s32 s30, s1;
	s13 =	smul.u32 $0x2710, s2;
	s26 =	simm.s32 $0x2  }
0xf: {  	s10 =	sshrl.u32 s10, $0x3;
	s12 =	sadd.s32 $0xAB9600, s12;
	s15 =	smax.u32 s29, $0x1  }
0x10: {  	s16 =	sshrl.u32 s11, $0x3;
	s14 =	sadd.s32 s10, s0;
	s10 =	sadd.s32 $0xAE0E00, s0  }
0x11: {  	[dreg:$0x3] =	wrdreg s12;
	s12 =	sor.u32 $0x1C03, s31;
	s14 =	sadd.s32 $0xFC2E00, s14  }
.LBB2_1:
0x12: {  	s0 =	rddreg [dreg:$0x3]  }
0x13: {  	[spmem:s16], [sflag:s12] =	dma.local [hbm:s0], $0x2780  }
0x14: {  	_ =	swait.ge [sflag:s17], $0x2780  }
0x15: {  	[sflag:s17] =	ssyncset.done $0x0  }
0x16: {  	[sflag:s17] =	ssyncadd.s32 $0xFFFFD880  }
0x17: {  	s29 =	simm.s32 $0x0;
	[bflag:$0x0] =	sbarrier.arrive $0xFFFF  }
.LBB2_2:
0x18: {  	s0 =	smul.u32 $0x50, s29;
	_ =	sdelay $0x1  }
0x19: {  	s0 =	sadd.s32 s13, s0  }
0x1a: {  	s2 =	sshrl.u32 s0, $0x3  }
0x1b: {  	s31 =	simm.s32 $0x0;
	s11 =	sadd.s32 s8, s2  }
0x1c: {  	[tilespmem:s18], [sflag:$0x1] =	stream.linear.gather [hbm4b:s11+s31], $0x50, $0x38;
	[tilespmem:$0x1DD00] =	vst v63  }
0x1d: {  	s30 =	sshll.u32 s0, $0x4;
	s2 =	sadd.s32 s9, s2  }
0x1e: {  	[tilespmem:s19], [sflag:$0x1] =	stream.linear.gather [hbm4b:s2+s31], $0x50, $0x38;
	[tilespmem:$0x1DD00] =	vst v63  }
0x1f: {  	s0 =	sadd.s32 s7, s30  }
0x20: {  	[tilespmem:s20], [sflag:$0x2] =	stream.linear.gather [hbm4b:s0+s31], $0x2800, $0x38;
	[tilespmem:$0x1DD00] =	vst v63  }
0x21: {  	_ =	swait.ge [sflag:s21], $0x50  }
0x22: {  	[sflag:s21] =	ssyncset.done $0x0  }
0x23: {  	[sflag:s21] =	ssyncadd.s32 $0xFFFFFFB0  }
0x24: {  	_ =	swait.ge [sflag:s21], $0x50  }
0x25: {  	[sflag:s21] =	ssyncset.done $0x0  }
0x26: {  	[sflag:s21] =	ssyncadd.s32 $0xFFFFFFB0  }
0x27: {  	[tilespmem:s23], [sflag:$0x1] =	stream.indirect.gather [hbm4b:s4+s22], $0x80, s18, s22, $0xb8;
	[tilespmem:$0x1DD00] =	vst v63  }
0x28: {  	_ = 	snop  }
0x29: {  	[tilespmem:s24], [sflag:$0x1] =	stream.indirect.gather [hbm4b:s5+s22], $0x80, s18, s22, $0xb8;
	[tilespmem:$0x1DD00] =	vst v63  }
0x2a: {  	_ = 	snop  }
0x2b: {  	[tilespmem:s25], [sflag:$0x1] =	stream.indirect.gather [hbm4b:s6+s22], $0x80, s19, s22, $0xb8;
	[tilespmem:$0x1DD00] =	vst v63  }
0x2c: {  	_ =	swait.ge [sflag:s26], $0x2800  }
0x2d: {  	[sflag:s26] =	ssyncset.done $0x0  }
0x2e: {  	[sflag:s26] =	ssyncadd.s32 $0xFFFFD800  }
0x2f: {  	_ =	swait.ge [sflag:s21], $0x2800  }
0x30: {  	[sflag:s21] =	ssyncset.done $0x0  }
0x31: {  	[sflag:s21] =	ssyncadd.s32 $0xFFFFD800  }
0x32: {  	_ =	swait.ge [sflag:s21], $0x2800  }
0x33: {  	[sflag:s21] =	ssyncset.done $0x0  }
0x34: {  	[sflag:s21] =	ssyncadd.s32 $0xFFFFD800  }
0x35: {  	_ =	swait.ge [sflag:s21], $0x2800  }
0x36: {  	[sflag:s21] =	ssyncset.done $0x0  }
0x37: {  	s31 =	simm.s32 $0x0;
	[sflag:s21] =	ssyncadd.s32 $0xFFFFD800  }
0x38: {  	v0 =	vld [tilespmem:s31+$0x1B520]  }
0x39: {  	v1 =	vld [tilespmem:s31+$0x1B500]  }
0x3a: {  	v2 =	vld [tilespmem:s31+$0x1B510]  }
0x3b: {  	v3 =	vld [tilespmem:s31+$0x18D00]  }
0x3c: {  	v4 =	vld [tilespmem:s31+$0x18D50]  }
0x3d: {  	v5 =	vld [tilespmem:s31+$0x18D40]  }
0x3e: {  	v6 =	vld [tilespmem:s31+$0x18D30]  }
0x3f: {  	v7 =	vld [tilespmem:s31+$0x13D00]  }
0x40: {  	v8 =	vld [tilespmem:s31+$0x1B530]  }
0x41: {  	v9 =	vld [tilespmem:s31+$0x13D30]  }
0x42: {  	v10 =	vld [tilespmem:s31+$0x18D10]  }
0x43: {  	v11 =	vld [tilespmem:s31+$0x18D20]  }
0x44: {  	v12 =	vld [tilespmem:s31+$0x13D20]  }
0x45: {  	v13 =	vld [tilespmem:s31+$0x1B540]  }
0x46: {  	v14 =	vld [tilespmem:s31+$0x13D10];
	v3 =	vadd.f32 v3, v7  }
0x47: {  	v6 =	vadd.f32 v6, v9;
	v9 =	vld [tilespmem:s31+$0x13D40]  }
0x48: {  	v61 =	vld [tilespmem:s31+$0x1B550];
	v1 =	vadd.f32 v1, v3  }
0x49: {  	v63 =	vld [tilespmem:s31+$0x13D60];
	v11 =	vadd.f32 v11, v12  }
0x4a: {  	v7 =	vld [tilespmem:s31+$0x18D70];
	v6 =	vadd.f32 v8, v6;
	[tilespmem:s31+$0x1B500] =	vst v1;
	v1 =	vsub.f32 $0.0e+00, v1  }
0x4b: {  	v10 =	vadd.f32 v10, v14;
	v8 =	vld [tilespmem:s31+$0x13D50];
	v0 =	vadd.f32 v0, v11  }
0x4c: {  	v3 =	vld [tilespmem:s31+$0x13D70];
	[tilespmem:s31+$0x1B530] =	vst v6;
	v6 =	vsub.f32 $0.0e+00, v6;
	v5 =	vadd.f32 v5, v9;
	v62 =	vmul.f32 $1.442695020e+00, v1  }
0x4d: {  	v11 =	vld [tilespmem:s31+$0x1B570];
	v2 =	vadd.f32 v2, v10  }
0x4e: {  	[tilespmem:s31+$0x1B520] =	vst v0;
	v9 =	vld [tilespmem:s31+$0x18D60];
	v6 =	vmul.f32 $1.442695020e+00, v6;
	v5 =	vadd.f32 v13, v5;
	(erf) = vpow2.f32 v62  }
0x4f: {  	v0 =	vsub.f32 $0.0e+00, v0;
	[tilespmem:s31+$0x1B510] =	vst v2;
	v2 =	vsub.f32 $0.0e+00, v2  }
0x50: {  	v4 =	vadd.f32 v4, v8;
	[tilespmem:s31+$0x1B540] =	vst v5;
	(erf) = vpow2.f32 v6;
	v5 =	vsub.f32 $0.0e+00, v5;
	v6 =	vld [tilespmem:s31+$0x1B560]  }
0x51: {  	v0 =	vmul.f32 $1.442695020e+00, v0;
	v3 =	vadd.f32 v7, v3  }
0x52: {  	v2 =	vmul.f32 $1.442695020e+00, v2;
	v4 =	vadd.f32 v61, v4;
	v5 =	vmul.f32 $1.442695020e+00, v5  }
0x53: {  	(erf) = vpow2.f32 v0;
	v0 =	vadd.f32 v11, v3;
	v3 =	vadd.f32 v9, v63  }
0x54: {  	(erf) = vpow2.f32 v5;
	v5 =	vsub.f32 $0.0e+00, v4  }
0x55: {  	[tilespmem:s31+$0x1B550] =	vst v4;
	v4 =	vsub.f32 $0.0e+00, v0;
	v3 =	vadd.f32 v6, v3  }
0x56: {  	(erf) = vpow2.f32 v2;
	v5 =	vmul.f32 $1.442695020e+00, v5  }
0x57: {  	v1 =	vld [tilespmem:s31+$0x16530];
	v4 =	vmul.f32 $1.442695020e+00, v4;
	v2 =	vpop (erf)  }
0x58: {  	[tilespmem:s31+$0x1B570] =	vst v0;
	v0 =	vld [tilespmem:s31+$0x16560];
	(erf) = vpow2.f32 v5;
	v6 =	vadd.f32 $1.000000000e+00, v2  }
0x59: {  	[tilespmem:s31+$0x1B560] =	vst v3;
	v5 =	vsub.f32 $0.0e+00, v3;
	v3 =	vpop (erf);
	v2 =	vld [tilespmem:s31+$0x16570];
	(erf) = vpow2.f32 v4  }
0x5a: {  	v4 =	vld [tilespmem:s31+$0x16540];
	v7 =	vadd.f32 $1.000000000e+00, v3;
	(erf) = vrcp.f32 v6  }
0x5b: {  	v3 =	vld [tilespmem:s31+$0x16550];
	v6 =	vmul.f32 $1.442695020e+00, v5  }
0x5c: {  	v8 =	vpop (erf);
	v5 =	vld [tilespmem:s31+$0x16520];
	(erf) = vrcp.f32 v7  }
0x5d: {  	s2 =	simm.s32 $0x200;
	s0 =	simm.s32 $0x400;
	v7 =	vadd.f32 $1.000000000e+00, v8;
	(erf) = vpow2.f32 v6;
	v6 =	vld [tilespmem:s31+$0x16500];
	v8 =	vpop (erf)  }
.LBB2_3:
0x5e: {  	p0 =	sne.s32 s0, $0x9E00  }
0x5f: {  	s11 =	sshra.s32 s2, $0x2;
	v9 =	vld [tilespmem:s31+$0x16510];
	v12 =	vadd.f32 $1.000000000e+00, v8;
	v10 =	vpop (erf);
	(erf) = vrcp.f32 v7;
	s2 =	smov.u32 s0;
	s0 =	sadd.s32 $0x200, s0  }
0x60: {  	v7 =	vld [tilespmem:s11+$0x1B520];
	v13 =	vadd.f32 $1.000000000e+00, v10  }
0x61: {  	v11 =	vld [tilespmem:s11+$0x1B500];
	(erf) = vrcp.f32 v12;
	v8 =	vpop (erf)  }
0x62: {  	v12 =	vld [tilespmem:s11+$0x1B510];
	v8 =	vadd.f32 $1.000000000e+00, v8;
	(erf) = vrcp.f32 v13;
	v10 =	vpop (erf)  }
0x63: {  	v13 =	vld [tilespmem:s11+$0x18D00];
	v10 =	vadd.f32 $1.000000000e+00, v10;
	v14 =	vpop (erf)  }
0x64: {  	v15 =	vld [tilespmem:s11+$0x18D50];
	v16 =	vmul.f32 v14, v6;
	(erf) = vrcp.f32 v8  }
0x65: {  	v8 =	vld [tilespmem:s11+$0x18D40];
	v14 =	vpop (erf);
	(erf) = vrcp.f32 v10  }
0x66: {  	v10 =	vld [tilespmem:s11+$0x18D30];
	[tilespmem:s31+$0x13D00] =	vst v16;
	v17 =	vmul.f32 v14, v1;
	v6 =	vpop (erf)  }
0x67: {  	v14 =	vld [tilespmem:s11+$0x13D00];
	v18 =	vadd.f32 $1.000000000e+00, v6  }
0x68: {  	v16 =	vld [tilespmem:s11+$0x1B530];
	[tilespmem:s31+$0x13D30] =	vst v17;
	v1 =	vpop (erf)  }
0x69: {  	v17 =	vld [tilespmem:s11+$0x13D30];
	v1 =	vmul.f32 v1, v5;
	(erf) = vrcp.f32 v18  }
0x6a: {  	v5 =	vld [tilespmem:s11+$0x18D10];
	v6 =	vpop (erf)  }
0x6b: {  	v18 =	vld [tilespmem:s11+$0x18D20];
	[tilespmem:s31+$0x13D20] =	vst v1;
	v19 =	vmul.f32 v6, v4;
	v4 =	vpop (erf)  }
0x6c: {  	v6 =	vadd.f32 v13, v14;
	v13 =	vld [tilespmem:s11+$0x13D20];
	v4 =	vmul.f32 v4, v9  }
0x6d: {  	v9 =	vld [tilespmem:s11+$0x1B540];
	[tilespmem:s31+$0x13D40] =	vst v19;
	v1 =	vpop (erf)  }
0x6e: {  	v6 =	vadd.f32 v11, v6;
	v10 =	vadd.f32 v10, v17;
	v11 =	vld [tilespmem:s11+$0x13D40];
	[tilespmem:s31+$0x13D10] =	vst v4;
	v1 =	vmul.f32 v1, v3;
	v3 =	vpop (erf)  }
0x6f: {  	v4 =	vld [tilespmem:s11+$0x13D10];
	v2 =	vmul.f32 v3, v2  }
0x70: {  	v3 =	vsub.f32 $0.0e+00, v6;
	v10 =	vadd.f32 v16, v10;
	v14 =	vld [tilespmem:s11+$0x18D70];
	[tilespmem:s31+$0x13D50] =	vst v1  }
0x71: {  	v1 =	vadd.f32 v18, v13;
	v13 =	vld [tilespmem:s11+$0x13D50];
	[tilespmem:s31+$0x13D70] =	vst v2  }
0x72: {  	v2 =	vmul.f32 $1.442695020e+00, v3;
	v3 =	vsub.f32 $0.0e+00, v10;
	[tilespmem:s11+$0x1B530] =	vst v10;
	v10 =	vld [tilespmem:s11+$0x13D70];
	v16 =	vpop (erf)  }
0x73: {  	[tilespmem:s11+$0x1B500] =	vst v6;
	v1 =	vadd.f32 v7, v1;
	v6 =	vadd.f32 v8, v11;
	v7 =	vld [tilespmem:s11+$0x1B550];
	v0 =	vmul.f32 v16, v0  }
0x74: {  	v4 =	vadd.f32 v5, v4;
	v3 =	vmul.f32 $1.442695020e+00, v3;
	v5 =	vld [tilespmem:s11+$0x1B570];
	(erf) = vpow2.f32 v2  }
0x75: {  	v2 =	vsub.f32 $0.0e+00, v1;
	v6 =	vadd.f32 v9, v6;
	v8 =	vld [tilespmem:s11+$0x18D60];
	[tilespmem:s31+$0x13D60] =	vst v0;
	s31 =	smov.u32 s11  }
0x76: {  	v0 =	vadd.f32 v12, v4;
	[tilespmem:s31+$0x1B520] =	vst v1;
	v4 =	vadd.f32 v15, v13;
	v9 =	vld [tilespmem:s31+$0x13D60];
	(erf) = vpow2.f32 v3  }
0x77: {  	v2 =	vmul.f32 $1.442695020e+00, v2;
	v1 =	vld [tilespmem:s31+$0x16530];
	v3 =	vsub.f32 $0.0e+00, v6;
	[tilespmem:s31+$0x1B540] =	vst v6;
	v6 =	vadd.f32 v14, v10  }
0x78: {  	v10 =	vsub.f32 $0.0e+00, v0;
	[tilespmem:s31+$0x1B510] =	vst v0;
	v0 =	vadd.f32 v7, v4;
	v4 =	vld [tilespmem:s31+$0x1B560]  }
0x79: {  	v3 =	vmul.f32 $1.442695020e+00, v3;
	v5 =	vadd.f32 v5, v6;
	(erf) = vpow2.f32 v2  }
0x7a: {  	v2 =	vmul.f32 $1.442695020e+00, v10;
	v6 =	vsub.f32 $0.0e+00, v0;
	[tilespmem:s31+$0x1B550] =	vst v0  }
0x7b: {  	v8 =	vadd.f32 v8, v9;
	v7 =	vsub.f32 $0.0e+00, v5;
	[tilespmem:s31+$0x1B570] =	vst v5;
	(erf) = vpow2.f32 v3  }
0x7c: {  	v3 =	vmul.f32 $1.442695020e+00, v6;
	(erf) = vpow2.f32 v2  }
0x7d: {  	v8 =	vadd.f32 v4, v8;
	v4 =	vmul.f32 $1.442695020e+00, v7;
	v0 =	vpop (erf)  }
0x7e: {  	v5 =	vadd.f32 $1.000000000e+00, v0;
	(erf) = vpow2.f32 v3  }
0x7f: {  	v6 =	vsub.f32 $0.0e+00, v8;
	v0 =	vld [tilespmem:s31+$0x16560];
	[tilespmem:s31+$0x1B560] =	vst v8;
	v2 =	vpop (erf);
	(erf) = vpow2.f32 v4  }
.Ltmp0:
0x80: {  	v7 =	vadd.f32 $1.000000000e+00, v2;
	v2 =	vld [tilespmem:s31+$0x16570];
	(erf) = vrcp.f32 v5;
	(pc) =	sbr.rel @p0 .LBB2_3-.Ltmp0, $4  }
0x81: {  	v3 =	vld [tilespmem:s31+$0x16550];
	v6 =	vmul.f32 $1.442695020e+00, v6  }
0x82: {  	v4 =	vld [tilespmem:s31+$0x16540];
	v5 =	vpop (erf);
	(erf) = vrcp.f32 v7  }
0x83: {  	v7 =	vadd.f32 $1.000000000e+00, v5;
	v5 =	vld [tilespmem:s31+$0x16520];
	(erf) = vpow2.f32 v6  }
0x84: {  	v6 =	vld [tilespmem:s31+$0x16500];
	v8 =	vpop (erf)  }
0x85: {  	v11 =	vpop (erf);
	(erf) = vrcp.f32 v7;
	_ =	sdelay $0x1  }
0x86: {  	v8 =	vadd.f32 $1.000000000e+00, v8;
	v32 =	vpop (erf)  }
0x87: {  	s0 =	sshra.s32 s2, $0x2;
	v9 =	vld [tilespmem:s31+$0x16510];
	v14 =	vpop (erf)  }
0x88: {  	v10 =	vld [tilespmem:s0+$0x1B520];
	v11 =	vadd.f32 $1.000000000e+00, v11;
	v16 =	vpop (erf);
	(erf) = vrcp.f32 v8  }
0x89: {  	v12 =	vld [tilespmem:s0+$0x1B500]  }
0x8a: {  	v13 =	vld [tilespmem:s0+$0x1B510];
	v36 =	vadd.f32 $1.000000000e+00, v32;
	(erf) = vrcp.f32 v11  }
0x8b: {  	v15 =	vld [tilespmem:s0+$0x18D00];
	v14 =	vadd.f32 $1.000000000e+00, v14;
	v35 =	vpop (erf)  }
0x8c: {  	v17 =	vld [tilespmem:s0+$0x18D50];
	v6 =	vmul.f32 v16, v6;
	(erf) = vrcp.f32 v36;
	v39 =	vpop (erf)  }
0x8d: {  	v33 =	vld [tilespmem:s0+$0x18D40];
	v40 =	vpop (erf);
	(erf) = vrcp.f32 v14  }
0x8e: {  	v34 =	vld [tilespmem:s0+$0x18D30];
	[tilespmem:s31+$0x13D00] =	vst v6;
	v1 =	vmul.f32 v35, v1  }
0x8f: {  	v37 =	vld [tilespmem:s0+$0x13D00];
	v43 =	vadd.f32 $1.000000000e+00, v39  }
0x90: {  	v38 =	vld [tilespmem:s0+$0x1B530];
	[tilespmem:s31+$0x13D30] =	vst v1  }
0x91: {  	v18 =	vld [tilespmem:s0+$0x13D30];
	v1 =	vmul.f32 v40, v5;
	v19 =	vpop (erf);
	(erf) = vrcp.f32 v43  }
0x92: {  	v41 =	vld [tilespmem:s0+$0x18D10]  }
0x93: {  	v42 =	vld [tilespmem:s0+$0x18D20];
	[tilespmem:s31+$0x13D20] =	vst v1;
	v4 =	vmul.f32 v19, v4;
	v45 =	vpop (erf)  }
0x94: {  	v44 =	vld [tilespmem:s0+$0x13D20];
	v46 =	vmul.f32 v45, v9  }
0x95: {  	v20 =	vld [tilespmem:s0+$0x1B540];
	v7 =	vadd.f32 v15, v37;
	v47 =	vpop (erf);
	[tilespmem:s31+$0x13D40] =	vst v4  }
0x96: {  	v16 =	vadd.f32 v34, v18;
	v48 =	vmul.f32 v47, v3;
	v4 =	vld [tilespmem:s0+$0x13D40];
	[tilespmem:s31+$0x13D10] =	vst v46;
	v50 =	vpop (erf)  }
0x97: {  	v52 =	vadd.f32 v12, v7;
	v49 =	vld [tilespmem:s0+$0x13D10];
	v2 =	vmul.f32 v50, v2  }
0x98: {  	v54 =	vadd.f32 v38, v16;
	v51 =	vld [tilespmem:s0+$0x18D70];
	[tilespmem:s31+$0x13D50] =	vst v48  }
0x99: {  	v55 =	vsub.f32 $0.0e+00, v52;
	v53 =	vld [tilespmem:s0+$0x13D50];
	[tilespmem:s31+$0x13D70] =	vst v2  }
0x9a: {  	v6 =	vadd.f32 v42, v44;
	v57 =	vsub.f32 $0.0e+00, v54;
	v56 =	vld [tilespmem:s0+$0x13D70];
	v58 =	vpop (erf)  }
0x9b: {  	v2 =	vmul.f32 $1.442695020e+00, v55;
	v59 =	vld [tilespmem:s0+$0x1B550];
	[tilespmem:s0+$0x1B530] =	vst v54;
	v0 =	vmul.f32 v58, v0  }
0x9c: {  	v61 =	vadd.f32 v10, v6;
	v62 =	vmul.f32 $1.442695020e+00, v57;
	v60 =	vld [tilespmem:s0+$0x1B570];
	[tilespmem:s0+$0x1B500] =	vst v52  }
0x9d: {  	v63 =	vld [tilespmem:s0+$0x18D60];
	v4 =	vadd.f32 v33, v4;
	(erf) = vpow2.f32 v2;
	[tilespmem:s31+$0x13D60] =	vst v0  }
0x9e: {  	v14 =	vsub.f32 $0.0e+00, v61;
	v12 =	vadd.f32 v41, v49;
	(erf) = vpow2.f32 v62;
	v18 =	vld [tilespmem:s0+$0x13D60]  }
0x9f: {  	v4 =	vadd.f32 v20, v4;
	v19 =	vadd.f32 v17, v53  }
0xa0: {  	v0 =	vadd.f32 v13, v12;
	v21 =	vld [tilespmem:s0+$0x1B560];
	v20 =	vadd.f32 v51, v56  }
0xa1: {  	v22 =	vsub.f32 $0.0e+00, v4;
	v5 =	vadd.f32 v59, v19  }
0xa2: {  	v2 =	vmul.f32 $1.442695020e+00, v14;
	v23 =	vsub.f32 $0.0e+00, v0;
	v6 =	vadd.f32 v60, v20  }
0xa3: {  	v8 =	vmul.f32 $1.442695020e+00, v22;
	v24 =	vsub.f32 $0.0e+00, v5;
	v3 =	vadd.f32 v63, v18  }
0xa4: {  	(erf) = vpow2.f32 v2;
	v25 =	vmul.f32 $1.442695020e+00, v23;
	v26 =	vsub.f32 $0.0e+00, v6  }
0xa5: {  	(erf) = vpow2.f32 v8;
	v27 =	vmul.f32 $1.442695020e+00, v24;
	v3 =	vadd.f32 v21, v3  }
0xa6: {  	(erf) = vpow2.f32 v25;
	v29 =	vpop (erf);
	v28 =	vmul.f32 $1.442695020e+00, v26  }
0xa7: {  	v7 =	vadd.f32 $1.000000000e+00, v29;
	(erf) = vpow2.f32 v27;
	v31 =	vpop (erf);
	v30 =	vsub.f32 $0.0e+00, v3  }
0xa8: {  	v32 =	vadd.f32 $1.000000000e+00, v31;
	(erf) = vpow2.f32 v28  }
0xa9: {  	(erf) = vrcp.f32 v7;
	v33 =	vmul.f32 $1.442695020e+00, v30  }
0xaa: {  	(erf) = vrcp.f32 v32  }
0xab: {  	(erf) = vpow2.f32 v33;
	_ =	sdelay $0x1  }
0xac: {  	v34 =	vpop (erf)  }
0xad: {  	v35 =	vpop (erf)  }
0xae: {  	v36 =	vpop (erf)  }
0xaf: {  	v2 =	vadd.f32 $1.000000000e+00, v34;
	v37 =	vpop (erf)  }
0xb0: {  	v7 =	vadd.f32 $1.000000000e+00, v35;
	v38 =	vpop (erf)  }
0xb1: {  	v39 =	vadd.f32 $1.000000000e+00, v36;
	(erf) = vrcp.f32 v2;
	v40 =	vpop (erf)  }
0xb2: {  	v41 =	vadd.f32 $1.000000000e+00, v37;
	(erf) = vrcp.f32 v7;
	v42 =	vpop (erf)  }
0xb3: {  	(erf) = vrcp.f32 v39;
	v43 =	vadd.f32 $1.000000000e+00, v38;
	v44 =	vpop (erf)  }
0xb4: {  	v45 =	vld [tilespmem:s0+$0x16500];
	(erf) = vrcp.f32 v41;
	v46 =	vadd.f32 $1.000000000e+00, v44  }
0xb5: {  	[tilespmem:s0+$0x1B520] =	vst v61;
	v47 =	vld [tilespmem:s0+$0x16530];
	(erf) = vrcp.f32 v43  }
0xb6: {  	[tilespmem:s0+$0x1B540] =	vst v4;
	v48 =	vld [tilespmem:s0+$0x16520];
	(erf) = vrcp.f32 v46  }
0xb7: {  	v49 =	vld [tilespmem:s0+$0x16540];
	[tilespmem:s0+$0x1B510] =	vst v0  }
0xb8: {  	v50 =	vld [tilespmem:s0+$0x16510];
	[tilespmem:s0+$0x1B550] =	vst v5  }
0xb9: {  	v51 =	vld [tilespmem:s0+$0x16550];
	[tilespmem:s0+$0x1B570] =	vst v6;
	v52 =	vmul.f32 v40, v45  }
0xba: {  	v53 =	vld [tilespmem:s0+$0x16570];
	[tilespmem:s0+$0x1B560] =	vst v3;
	v1 =	vmul.f32 v42, v47;
	v54 =	vpop (erf)  }
0xbb: {  	v55 =	vld [tilespmem:s0+$0x16560];
	[tilespmem:s0+$0x13D00] =	vst v52;
	v2 =	vmul.f32 v54, v48;
	v56 =	vpop (erf)  }
0xbc: {  	[tilespmem:s0+$0x13D30] =	vst v1;
	v0 =	vmul.f32 v56, v49;
	v57 =	vpop (erf)  }
0xbd: {  	[tilespmem:s0+$0x13D20] =	vst v2;
	v1 =	vmul.f32 v57, v50;
	v58 =	vpop (erf)  }
0xbe: {  	[tilespmem:s0+$0x13D40] =	vst v0;
	v59 =	vmul.f32 v58, v51;
	v60 =	vpop (erf)  }
0xbf: {  	[tilespmem:s0+$0x13D10] =	vst v1;
	v61 =	vmul.f32 v60, v53;
	v62 =	vpop (erf)  }
0xc0: {  	[tilespmem:s0+$0x13D50] =	vst v59;
	v63 =	vmul.f32 v62, v55  }
0xc1: {  	[tilespmem:s0+$0x13D70] =	vst v61  }
0xc2: {  	[tilespmem:s0+$0x13D60] =	vst v63  }
0xc3: {  	[spmem:s1] =	stream.indirect.scatter.add.f32 [tilespmem:s23], [sflag:$0x1], $0x80, s19, s22, $0xb8;
	[tilespmem:$0x1DD00] =	vst v63  }
0xc4: {  	s29 =	sadd.s32 $0x1, s29;
	s31 =	sadd.s32 s10, s30  }
0xc5: {  	[hbm4b:s31+s3] =	stream.linear.scatter [tilespmem:s20], [sflag:$0x2], $0x2800, $0x38;
	[tilespmem:$0x1DD00] =	vst v63  }
0xc6: {  	p0 =	sne.s32 s29, $0x7D;
	_ =	swait.ge [sflag:s21], $0x2800  }
.Ltmp1:
0xc7: {  	[sflag:s21] =	ssyncset.done $0x0;
	(pc) =	sbr.rel @p0 .LBB2_2-.Ltmp1, $4  }
0xc8: {  	[sflag:s21] =	ssyncadd.s32 $0xFFFFD800  }
0xc9: {  	_ =	swait.ge [sflag:s26], $0x2800  }
0xca: {  	[sflag:s26] =	ssyncset.done $0x0  }
0xcb: {  	[sflag:s26] =	ssyncadd.s32 $0xFFFFD800  }
0xcc: {  	s28 =	sadd.s32 $0x1, s28  }
0xcd: {  	p0 =	sne.s32 s28, s15  }
.Ltmp2:
0xce: {  	[bflag:$0x0] =	sbarrier.arrive $0xFFFF;
	(pc) =	sbr.rel @p0 .LBB2_1-.Ltmp2, $4  }
0xcf: {  	[hbm:s14], [sflag:s12] =	dma.local [spmem:s16], $0x2780  }
0xd0: {  	_ =	swait.ge [sflag:s17], $0x2780  }
0xd1: {  	[sflag:s17] =	ssyncset.done $0x0  }
0xd2: {  	[sflag:s17] =	ssyncadd.s32 $0xFFFFD880  }
0xd3: {  	_ =	sfence.sel $0x180000  }
0xd4: {  	[bflag:$0x0] =	sbarrier.arrive $0xFFFF  }
0xd5: {  	_ =	strace $0x90000047  }
0xd6: {  	s0 =	stileid.u32;
	[bflag:$0x2] =	sbarrier.arrive $0xFFFF  }
0xd7: {  	p0 =	sne.s32 s0, $0x0;
	s0 =	rddreg [dreg:$0x2]  }
0xd8: {  	s0 =	sadd.s32 @!p0 $0x100000, s0  }
0xd9: {  	[sflag:s0] =	ssyncadd.tile.s32 @!p0 $0x1;
	_ =	shalt  }
.Lfunc_end2:
_tile_overlayer_lowered:
.L_overlay_start_2:
0xda: {  	(tag) =	ssettag $0x2  }
0xdb: {  	s0 =	rddreg [dreg:$0x0];
	s2 =	stileid.u32  }
0xdc: {  	s1 =	rddreg [dreg:$0x1];
	p0 =	sne.s32 s2, $0x0  }
0xdd: {  	s3 =	rddreg [dreg:$0x2];
	[bflag:$0x3] =	sbarrier.arrive $0xFFFF;
	s2 =	simm.s32 @!p0 $0x1C03  }
0xde: {  	[timem:s3], [sflag:s2] =	dma.local @!p0 [hbm:s0], s1  }
0xdf: {  	s0 =	simm.s32 @!p0 $0x3  }
0xe0: {  	_ =	swait.ge @!p0 [sflag:s0], s1  }
0xe1: {  	s1 =	ssub.s32 @!p0 $0x0, s1;
	[sflag:s0] =	ssyncset.done @!p0 $0x0  }
0xe2: {  	[sflag:s0] =	ssyncadd.s32 @!p0 s1  }
0xe3: {  	[bflag:$0x3] =	sbarrier.arrive $0xFFFF  }
0xe4: {  	_ =	shalt  }

// kernel: kernel.30.cloned.1.call-start
scs
__scs_entry_jumppad:
0x0: {  	(pc) =	sbr.rel $0x88, $3  }
0x1: {  	(tag) =	ssettag $0x0;
	lr =	simm.s32 $0x1  }
0x2: {  	[smem:$0x3F84] =	sst lr;
	_ =	strace $0xD0000000  }
0x3: {  	_ = 	snop  }
0x4: {  	_ = 	snop  }
0x5: {  	_ = 	snop  }
0x6: {  	_ = 	snop  }
0x7: {  	_ = 	snop  }
__scs_overlays_trampoline_lowered:
0x8: {  	[smem:$0x3F93] =	sst s0  }
0x9: {  	[smem:$0x3F94] =	sst s1  }
0xa: {  	[smem:$0x3F95] =	sst s2  }
0xb: {  	[smem:$0x3F96] =	sst s3  }
0xc: {  	[smem:$0x3F97] =	sst s4  }
0xd: {  	[smem:$0x3F98] =	sst s5  }
0xe: {  	[smem:$0x3F99] =	sst s6  }
0xf: {  	[smem:$0x3F9A] =	sst s7  }
0x10: {  	[smem:$0x3F9B] =	sst s8  }
0x11: {  	[smem:$0x3F9C] =	sst s9;
	s0 =	simm.s32 @!p0 $0x0  }
0x12: {  	s1 =	sld [smem:$0x3F82];
	s0 =	simm.s32 @p0 $0x1  }
0x13: {  	[smem:$0x3F9D] =	sst s0;
	s0 =	simm.s32 @!p1 $0x0  }
0x14: {  	s2 =	sld [smem:$0x3F81];
	s0 =	simm.s32 @p1 $0x1  }
0x15: {  	[smem:$0x3F9E] =	sst s0;
	s0 =	simm.s32 @!p2 $0x0  }
0x16: {  	s3 =	sld [smem:$0x3FDB];
	s0 =	simm.s32 @p2 $0x1  }
0x17: {  	s4 =	simm.s32 $0x1BF5;
	[smem:$0x3FA0] =	sst s0  }
0x18: {  	s0 =	sld [smem:$0x3F83];
	_ =	swait.ge [sflag:s4], $0x0  }
0x19: {  	s7 =	sld [smem:$0x3F84]  }
0x1a: {  	s8 =	sadd.s32 $0xFFFFE003, lr  }
0x1b: {  	s9 =	sadd.s32 $0xFFFFFEF7, lr;
	s5 =	simm.s32 $0xFFFFFFFF;
	p2 =	slt.u32 s8, $0xFFFFF086  }
0x1c: {  	p1 =	slt.u32 s9, $0xF7A;
	s5 =	simm.s32 @!p2 $0x0  }
0x1d: {  	s5 =	simm.s32 @p1 $0x1;
	p0 =	seq.s32 s7, s2  }
0x1e: {  	s7 =	smul.u32 @!p0 $0xF7A, s2;
	p2 =	seq.s32 @!p0 s5, $0x0  }
0x1f: {  	s9 =	smul.u32 $0xF7A, s1;
	s8 =	simm.s32 @!p0 $0x1BF5;
	p2 =	por !p2, p0  }
0x20: {  	[sflag:s8] =	ssyncset.s32 @!p0 $0xFFFFF086;
	s6 =	sadd.s32 @!p0 s3, s7;
	s7 =	simm.s32 @!p0 $0x108  }
0x21: {  	s3 =	sadd.s32 s3, s9;
	s6 =	sadd.s32 @!p0 $0x88, s6;
	s7 =	simm.s32 @p2 $0x1082  }
0x22: {  	[simem:s7], [sflag:s8] =	dma.local @!p0 [hbm:s6], $0xF7A  }
0x23: {  	s9 =	sor.u32 $0xD0000000, s2;
	s6 =	simm.s32 $0x108;
	_ =	swait.ge @!p0 [sflag:s8], $0x0  }
0x24: {  	s3 =	sadd.s32 $0x88, s3;
	s6 =	simm.s32 @!p1 $0x1082;
	[sflag:s4] =	ssyncset.s32 $0xFFFFF086  }
0x25: {  	[simem:s6], [sflag:s4] =	dma.local [hbm:s3], $0xF7A  }
0x26: {  	[smem:$0x3F84] =	sst s1;
	(tag) =	ssettag s2;
	_ =	strace s9  }
0x27: {  	s1 =	sld [smem:$0x3F94]  }
0x28: {  	s2 =	sld [smem:$0x3F95]  }
0x29: {  	s4 =	sld [smem:$0x3F97]  }
0x2a: {  	p0 =	seq.s32 s5, $0x0;
	s5 =	sld [smem:$0x3F98]  }
0x2b: {  	s6 =	sld [smem:$0x3F99]  }
0x2c: {  	s7 =	sld [smem:$0x3F9A]  }
0x2d: {  	s3 =	simm.s32 $0x108;
	s8 =	sld [smem:$0x3F9B]  }
0x2e: {  	s3 =	simm.s32 @!p0 $0x1082;
	s9 =	sld [smem:$0x3F9C]  }
0x2f: {  	lr =	sadd.s32 s0, s3;
	s0 =	sld [smem:$0x3F93]  }
0x30: {  	s3 =	sld [smem:$0x3F96]  }
0x31: {  	[smem:$0x3F9F] =	sst s10  }
0x32: {  	s10 =	sld [smem:$0x3F9D];
	_ =	sdelay $0x3  }
0x33: {  	p0 =	seq.s32 s10, $0x1;
	s10 =	sld [smem:$0x3F9F];
	_ =	sdelay $0x3  }
0x34: {  	[smem:$0x3F9F] =	sst s10  }
0x35: {  	s10 =	sld [smem:$0x3F9E];
	_ =	sdelay $0x3  }
0x36: {  	p1 =	seq.s32 s10, $0x1;
	s10 =	sld [smem:$0x3F9F];
	_ =	sdelay $0x3  }
0x37: {  	[smem:$0x3F9F] =	sst s10  }
0x38: {  	s10 =	sld [smem:$0x3FA0]  }
0x39: {  	_ = 	snop;
	(pc) =	sbr.ind lr, $3  }
0x3a: {  	_ = 	snop  }
0x3b: {  	_ = 	snop  }
0x3c: {  	p2 =	seq.s32 s10, $0x1;
	s10 =	sld [smem:$0x3F9F]  }
0x3d: {  	_ =	shalt  }
0x3e: {  	_ =	shalt  }
0x3f: {  	_ =	shalt  }
0x40: {  	_ =	shalt  }
0x41: {  	_ =	shalt  }
0x42: {  	_ =	shalt  }
0x43: {  	_ =	shalt  }
0x44: {  	_ =	shalt  }
0x45: {  	_ =	shalt  }
0x46: {  	_ =	shalt  }
0x47: {  	_ =	shalt  }
0x48: {  	_ =	shalt  }
0x49: {  	_ =	shalt  }
0x4a: {  	_ =	shalt  }
0x4b: {  	_ =	shalt  }
0x4c: {  	_ =	shalt  }
0x4d: {  	_ =	shalt  }
0x4e: {  	_ =	shalt  }
0x4f: {  	_ =	shalt  }
0x50: {  	_ =	shalt  }
0x51: {  	_ =	shalt  }
0x52: {  	_ =	shalt  }
0x53: {  	_ =	shalt  }
0x54: {  	_ =	shalt  }
0x55: {  	_ =	shalt  }
0x56: {  	_ =	shalt  }
0x57: {  	_ =	shalt  }
0x58: {  	_ =	shalt  }
0x59: {  	_ =	shalt  }
0x5a: {  	_ =	shalt  }
0x5b: {  	_ =	shalt  }
0x5c: {  	_ =	shalt  }
0x5d: {  	_ =	shalt  }
0x5e: {  	_ =	shalt  }
0x5f: {  	_ =	shalt  }
0x60: {  	_ =	shalt  }
0x61: {  	_ =	shalt  }
0x62: {  	_ =	shalt  }
0x63: {  	_ =	shalt  }
0x64: {  	_ =	shalt  }
0x65: {  	_ =	shalt  }
0x66: {  	_ =	shalt  }
0x67: {  	_ =	shalt  }
0x68: {  	_ =	shalt  }
0x69: {  	_ =	shalt  }
0x6a: {  	_ =	shalt  }
0x6b: {  	_ =	shalt  }
0x6c: {  	_ =	shalt  }
0x6d: {  	_ =	shalt  }
0x6e: {  	_ =	shalt  }
0x6f: {  	_ =	shalt  }
0x70: {  	_ =	shalt  }
0x71: {  	_ =	shalt  }
0x72: {  	_ =	shalt  }
0x73: {  	_ =	shalt  }
0x74: {  	_ =	shalt  }
0x75: {  	_ =	shalt  }
0x76: {  	_ =	shalt  }
0x77: {  	_ =	shalt  }
0x78: {  	_ =	shalt  }
0x79: {  	_ =	shalt  }
0x7a: {  	_ =	shalt  }
0x7b: {  	_ =	shalt  }
0x7c: {  	_ =	shalt  }
0x7d: {  	_ =	shalt  }
0x7e: {  	_ =	shalt  }
0x7f: {  	_ =	shalt  }
0x80: {  	_ =	shalt  }
0x81: {  	_ =	shalt  }
0x82: {  	_ =	shalt  }
0x83: {  	_ =	shalt  }
0x84: {  	_ =	shalt  }
0x85: {  	_ =	shalt  }
0x86: {  	_ =	shalt  }
0x87: {  	_ =	shalt  }
.Lfunc_end0:
.L_simem_size_0:
called_computation.1_lowered:
.L_overlay_start_0:
0x88: {  	s2 =	sld [smem:$0x3FD9]  }
0x89: {  	s3 =	sld [smem:$0x3FFE];
	_ =	sdelay $0x1  }
0x8a: {  	s1 =	srdreg.scid  }
0x8b: {  	s0 =	sand.u32 $0x1, s1  }
0x8c: {  	s16 =	sshll.u32 s0, $0xA;
	s2 =	sadd.s32 s3, s2  }
0x8d: {  	s2 =	sadd.s32 s2, s16  }
0x8e: {  	[smem:$0x3FAB] =	sst s2  }
0x8f: {  	_ = 	snop  }
0x90: {  	(tm) =	ssettm $0x1  }
0x91: {  	s17 =	sld [smem:$0x3FFB];
	_ =	sdelay $0x3  }
0x92: {  	_ =	strace s17  }
0x93: {  	s2 =	sld [smem:$0x3FFC];
	_ =	sdelay $0x3  }
0x94: {  	_ =	strace s2  }
0x95: {  	s2 =	sld [smem:$0x3FFD];
	_ =	sdelay $0x3  }
0x96: {  	_ =	strace s2  }
0x97: {  	_ =	strace $0x8FFFFFFF  }
0x98: {  	s18 =	sld [smem:$0x3FDB];
	_ =	sdelay $0x1  }
0x99: {  	s19 =	simm.s32 $_scs_section_size  }
0x9a: {  	s4 =	simm.s32 $_size__tile_overlayer_lowered;
	s5 =	simm.s32 $_tile_overlayer_lowered  }
0x9b: {  	s22 =	simm.s32 $0x1BFF;
	s21 =	sshll.u32 s5, $0x1;
	s2 =	sadd.s32 s19, s18  }
0x9c: {  	s6 =	simm.s32 $0x0;
	s20 =	sshll.u32 s4, $0x1;
	s4 =	sadd.s32 s21, s2  }
0x9d: {  	[timem:s6], [sflag:s22] =	dma.local [hbm:s4], s20  }
0x9e: {  	_ =	swait.ge [sflag:s22], s20  }
0x9f: {  	s3 =	ssub.s32 $0x0, s20;
	[sflag:s22] =	ssyncset.done $0x0  }
0xa0: {  	[sflag:s22] =	ssyncadd.s32 s3;
	_ =	sdelay $0x1  }
0xa1: {  	s23 =	simm.s32 $0x1B8B  }
0xa2: {  	_ =	swait.ge [sflag:s23], $0x1  }
0xa3: {  	[sflag:s23] =	ssyncset.done $0x0  }
0xa4: {  	s25 =	simm.s32 $0x1B8E;
	s24 =	sld [smem:$0x3FFE];
	[sflag:s23] =	ssyncadd.s32 $0xFFFFFFFF  }
0xa5: {  	s26 =	simm.s32 $execute0_lowered;
	[smem:$0x3FD2] =	sst s25  }
0xa6: {  	s4 =	sshll.u32 s26, $0x1;
	_ =	strace $0x80000049;
	[dreg:$0x1] =	wrdreg $0xFFFFFFFF  }
0xa7: {  	s28 =	simm.s32 $_size_execute0_lowered;
	s2 =	sadd.s32 s2, s4;
	[dreg:$0x0] =	wrdreg $0x0  }
0xa8: {  	s4 =	sshll.u32 s28, $0x1;
	[dreg:$0x2] =	wrdreg s2  }
0xa9: {  	[dreg:$0x3] =	wrdreg s4  }
0xaa: {  	[dreg:$0x4] =	wrdreg $0xC0  }
0xab: {  	_ =	task [dreg:s6], $0x5FFFF  }
0xac: {  	[dreg:$0x1] =	wrdreg $0xFFFFFFFF  }
0xad: {  	[dreg:$0x0] =	wrdreg $0x60  }
0xae: {  	[dreg:$0x2] =	wrdreg s24  }
0xaf: {  	[dreg:$0x3] =	wrdreg $0x0  }
0xb0: {  	[dreg:$0x4] =	wrdreg $0x9  }
0xb1: {  	_ =	task.clear_ibuf [dreg:s6], $0x5FFFF;
	_ =	strace $0x90000049  }
0xb2: {  	s29 =	simm.s32 $0x9;
	_ =	strace $0x8000004B  }
0xb3: {  	_ =	swait.ge [sflag:s29], $0x1  }
0xb4: {  	[sflag:s29] =	ssyncadd.s32 $0xFFFFFFFF  }
0xb5: {  	_ =	strace $0x9000004B  }
0xb6: {  	_ =	sfence  }
0xb7: {  	s30 =	sld [smem:$0x0];
	_ =	sdelay $0x2  }
0xb8: {  	s31 =	sshll.u32 s1, $0xD;
	s1 =	sshrl.u32 s1, $0x2  }
0xb9: {  	s3 =	sand.u32 $0x4000, s31;
	s1 =	sadd.s32 s1, s30  }
0xba: {  	s0 =	sor.u32 s3, s0;
	s1 =	sshll.u32 s1, $0x11  }
0xbb: {  	s0 =	sor.u32 s1, s0  }
0xbc: {  	s0 =	sadd.s32 $0x8F2B, s0  }
0xbd: {  	[sflag:s0] =	ssyncadd.remote.s32 $0x1  }
0xbe: {  	_ =	sfence.sel $0xFFFF  }
0xbf: {  	[dreg:$0x0] =	wrdreg $0xFFFFFFFF;
	(pc) =	sbr.abs _section_cstart, $3  }
0xc0: {  	[dreg:$0x1] =	wrdreg $0xFFFFFFFF  }
0xc1: {  	_ =	task.clear_ibuf [dreg:s6], $0x2FFFF;
	_ =	strace $0x9FFFFFFF  }
0xc2: {  	(tm) =	ssettm $0x7FFFFFFF  }
0xc3: {  	_ =	shalt  }
tec
execute0_lowered:
.L_overlay_start_1:
0x0: {  	(tag) =	ssettag $0x1  }
0x1: {  	s6 =	rddreg [dreg:$0x0]  }
0x2: {  	s2 =	rddreg [dreg:$0x1]  }
0x3: {  	s0 =	rddreg [dreg:$0x2];
	s3 =	simm.s32 $0x0;
	s1 =	stileid.u32  }
0x4: {  	s4 =	srdreg.scid;
	s14 =	simm.s32 $0x13C00;
	s15 =	simm.s32 $0x1  }
0x5: {  	s16 =	simm.s32 $0xC8;
	[smem:$0x7FF] =	sst s3;
	s7 =	smul.u32 $0x13C00, s1  }
0x6: {  	s8 =	sand.u32 $0x1, s4;
	s4 =	sadd.s32 $0xAE0E00, s6;
	s5 =	sadd.s32 $0x27E00, s6  }
0x7: {  	s11 =	smul.u32 $0x4F000, s1;
	s31 =	sshll.u32 s1, $0x6;
	_ =	strace $0x8000004A  }
0x8: {  	s9 =	smul.u32 $0x13C000, s8;
	s28 =	ssub.s32 $0x2, s8;
	s30 =	sshll.u32 s8, $0x4  }
0x9: {  	s10 =	sshrl.u32 s7, $0x3;
	s12 =	sshrl.u32 s28, $0x1;
	s29 =	sshrl.u32 s11, $0x2  }
0xa: {  	s8 =	sor.u32 s1, s30;
	s7 =	sadd.s32 s7, s9;
	s10 =	sadd.s32 s10, s6  }
0xb: {  	s12 =	ssub.s32 s28, s12;
	s11 =	sadd.s32 s29, s2;
	s7 =	sshrl.u32 s7, $0x3  }
0xc: {  	s8 =	smul.u32 $0x2710, s8;
	s11 =	sshrl.u32 s11, $0x3;
	s13 =	sadd.s32 s7, s6  }
0xd: {  	s6 =	sadd.s32 $0xAB9600, s10;
	s7 =	sor.u32 $0x1C02, s31;
	s10 =	smax.u32 s12, $0x1  }
0xe: {  	s12 =	simm.s32 $0x2;
	s9 =	sadd.s32 $0xA1CE00, s13;
	s13 =	simm.s32 $0x13D00  }
.LBB2_1:
0xf: {  	[spmem:s11], [sflag:s7] =	dma.local [hbm:s6], $0x2780  }
0x10: {  	_ =	swait.ge [sflag:s12], $0x2780  }
0x11: {  	[sflag:s12] =	ssyncset.done $0x0  }
0x12: {  	[sflag:s12] =	ssyncadd.s32 $0xFFFFD880  }
0x13: {  	s17 =	simm.s32 $0x0;
	[bflag:$0x0] =	sbarrier.arrive $0xFFFF  }
.LBB2_2:
0x14: {  	s18 =	smul.u32 $0xC8, s17;
	_ =	sdelay $0x1  }
0x15: {  	s18 =	sadd.s32 s8, s18  }
0x16: {  	s19 =	sshll.u32 s18, $0x4  }
0x17: {  	s20 =	simm.s32 $0x0;
	s18 =	sshrl.u32 s18, $0x3;
	s19 =	sadd.s32 s4, s19  }
0x18: {  	[tilespmem:s13], [sflag:$0x1] =	stream.linear.gather [hbm4b:s19+s20], $0x6400, $0x38;
	[tilespmem:$0x1A100] =	vst v63  }
0x19: {  	s18 =	sadd.s32 s5, s18  }
0x1a: {  	[tilespmem:s14], [sflag:$0x1] =	stream.linear.gather [hbm4b:s18+s20], $0xC8, $0x38;
	[tilespmem:$0x1A100] =	vst v63  }
0x1b: {  	_ =	swait.ge [sflag:s15], $0x6400  }
0x1c: {  	[sflag:s15] =	ssyncset.done $0x0  }
0x1d: {  	[sflag:s15] =	ssyncadd.s32 $0xFFFF9C00  }
0x1e: {  	_ =	swait.ge [sflag:s15], $0xC8  }
0x1f: {  	[sflag:s15] =	ssyncset.done $0x0  }
0x20: {  	s18 =	simm.s32 $0x0;
	[sflag:s15] =	ssyncadd.s32 $0xFFFFFF38  }
0x21: {  	v3 =	vld [tilespmem:s18+$0x13D00]  }
0x22: {  	v5 =	vld [tilespmem:s18+$0x13D10]  }
0x23: {  	v4 =	vld [tilespmem:s18+$0x13D20]  }
0x24: {  	v1 =	vld [tilespmem:s18+$0x13D30]  }
0x25: {  	v2 =	vld [tilespmem:s18+$0x13D40]  }
0x26: {  	v0 =	vld [tilespmem:s18+$0x13D50];
	v6 =	vsub.f32 $0.0e+00, v3  }
0x27: {  	s19 =	simm.s32 $0x200;
	v5 =	vsub.f32 $0.0e+00, v5;
	v3 =	vld [tilespmem:s18+$0x13D60]  }
.LBB2_3:
0x28: {  	p0 =	sne.s32 s19, $0x18E00;
	v6 =	vmul.f32 $1.442695020e+00, v6;
	v4 =	vsub.f32 $0.0e+00, v4;
	v7 =	vld [tilespmem:s18+$0x13D70]  }
0x29: {  	v5 =	vmul.f32 $1.442695020e+00, v5;
	v1 =	vsub.f32 $0.0e+00, v1  }
0x2a: {  	v4 =	vmul.f32 $1.442695020e+00, v4;
	v2 =	vsub.f32 $0.0e+00, v2;
	(erf) = vpow2.f32 v6  }
0x2b: {  	v1 =	vmul.f32 $1.442695020e+00, v1;
	v0 =	vsub.f32 $0.0e+00, v0;
	(erf) = vpow2.f32 v5  }
0x2c: {  	v2 =	vmul.f32 $1.442695020e+00, v2;
	v3 =	vsub.f32 $0.0e+00, v3;
	(erf) = vpow2.f32 v4  }
0x2d: {  	v0 =	vmul.f32 $1.442695020e+00, v0;
	v4 =	vsub.f32 $0.0e+00, v7;
	(erf) = vpow2.f32 v1  }
0x2e: {  	v1 =	vmul.f32 $1.442695020e+00, v3;
	(erf) = vpow2.f32 v2  }
0x2f: {  	v2 =	vmul.f32 $1.442695020e+00, v4;
	(erf) = vpow2.f32 v0  }
0x30: {  	(erf) = vpow2.f32 v1  }
0x31: {  	(erf) = vpow2.f32 v2;
	_ =	sdelay $0x1  }
0x32: {  	v0 =	vpop (erf)  }
0x33: {  	v3 =	vadd.f32 $1.000000000e+00, v0;
	v1 =	vpop (erf)  }
0x34: {  	v4 =	vadd.f32 $1.000000000e+00, v1;
	v2 =	vpop (erf)  }
0x35: {  	v5 =	vadd.f32 $1.000000000e+00, v2;
	(erf) = vrcp.f32 v3;
	v0 =	vpop (erf)  }
0x36: {  	v3 =	vadd.f32 $1.000000000e+00, v0;
	(erf) = vrcp.f32 v4;
	v1 =	vpop (erf)  }
0x37: {  	v4 =	vadd.f32 $1.000000000e+00, v1;
	(erf) = vrcp.f32 v5;
	v2 =	vpop (erf)  }
0x38: {  	v2 =	vadd.f32 $1.000000000e+00, v2;
	(erf) = vrcp.f32 v3;
	v0 =	vpop (erf)  }
0x39: {  	v0 =	vadd.f32 $1.000000000e+00, v0;
	(erf) = vrcp.f32 v4;
	v1 =	vpop (erf)  }
0x3a: {  	v1 =	vadd.f32 $1.000000000e+00, v1;
	(erf) = vrcp.f32 v2  }
0x3b: {  	(erf) = vrcp.f32 v0  }
0x3c: {  	(erf) = vrcp.f32 v1;
	_ =	sdelay $0x1  }
0x3d: {  	v0 =	vpop (erf)  }
0x3e: {  	s20 =	sshra.s32 s19, $0x2;
	[tilespmem:s18+$0x13D00] =	vst v0;
	v0 =	vpop (erf)  }
0x3f: {  	v3 =	vld [tilespmem:s20+$0x13D00];
	[tilespmem:s18+$0x13D10] =	vst v0;
	v0 =	vpop (erf)  }
0x40: {  	v5 =	vld [tilespmem:s20+$0x13D10];
	[tilespmem:s18+$0x13D20] =	vst v0;
	v0 =	vpop (erf)  }
.Ltmp0:
0x41: {  	v4 =	vld [tilespmem:s20+$0x13D20];
	[tilespmem:s18+$0x13D30] =	vst v0;
	v0 =	vpop (erf);
	(pc) =	sbr.rel @p0 .LBB2_3-.Ltmp0, $4  }
0x42: {  	v1 =	vld [tilespmem:s20+$0x13D30];
	[tilespmem:s18+$0x13D40] =	vst v0;
	v0 =	vpop (erf)  }
0x43: {  	v2 =	vld [tilespmem:s20+$0x13D40];
	[tilespmem:s18+$0x13D50] =	vst v0;
	v7 =	vpop (erf)  }
0x44: {  	v6 =	vsub.f32 $0.0e+00, v3;
	v0 =	vld [tilespmem:s20+$0x13D50];
	[tilespmem:s18+$0x13D60] =	vst v7;
	v7 =	vpop (erf)  }
0x45: {  	s19 =	sadd.s32 $0x200, s19;
	v5 =	vsub.f32 $0.0e+00, v5;
	v3 =	vld [tilespmem:s20+$0x13D60];
	[tilespmem:s18+$0x13D70] =	vst v7;
	s18 =	smov.u32 s20  }
0x46: {  	v6 =	vmul.f32 $1.442695020e+00, v6;
	v4 =	vsub.f32 $0.0e+00, v4;
	v7 =	vld [tilespmem:s18+$0x13D70]  }
0x47: {  	v5 =	vmul.f32 $1.442695020e+00, v5;
	v1 =	vsub.f32 $0.0e+00, v1  }
0x48: {  	v4 =	vmul.f32 $1.442695020e+00, v4;
	v2 =	vsub.f32 $0.0e+00, v2;
	(erf) = vpow2.f32 v6  }
0x49: {  	v1 =	vmul.f32 $1.442695020e+00, v1;
	v0 =	vsub.f32 $0.0e+00, v0;
	(erf) = vpow2.f32 v5  }
0x4a: {  	v2 =	vmul.f32 $1.442695020e+00, v2;
	v3 =	vsub.f32 $0.0e+00, v3;
	(erf) = vpow2.f32 v4  }
0x4b: {  	v0 =	vmul.f32 $1.442695020e+00, v0;
	v45 =	vsub.f32 $0.0e+00, v7;
	(erf) = vpow2.f32 v1  }
0x4c: {  	v46 =	vmul.f32 $1.442695020e+00, v3;
	(erf) = vpow2.f32 v2  }
0x4d: {  	v47 =	vmul.f32 $1.442695020e+00, v45;
	(erf) = vpow2.f32 v0  }
0x4e: {  	(erf) = vpow2.f32 v46  }
0x4f: {  	(erf) = vpow2.f32 v47;
	_ =	sdelay $0x1  }
0x50: {  	v48 =	vpop (erf)  }
0x51: {  	v0 =	vadd.f32 $1.000000000e+00, v48;
	v49 =	vpop (erf)  }
0x52: {  	v1 =	vadd.f32 $1.000000000e+00, v49;
	v50 =	vpop (erf)  }
0x53: {  	v2 =	vadd.f32 $1.000000000e+00, v50;
	(erf) = vrcp.f32 v0;
	v51 =	vpop (erf)  }
0x54: {  	v0 =	vadd.f32 $1.000000000e+00, v51;
	(erf) = vrcp.f32 v1;
	v52 =	vpop (erf)  }
0x55: {  	v1 =	vadd.f32 $1.000000000e+00, v52;
	(erf) = vrcp.f32 v2;
	v53 =	vpop (erf)  }
0x56: {  	v2 =	vadd.f32 $1.000000000e+00, v53;
	(erf) = vrcp.f32 v0;
	v54 =	vpop (erf)  }
0x57: {  	v0 =	vadd.f32 $1.000000000e+00, v54;
	(erf) = vrcp.f32 v1;
	v55 =	vpop (erf)  }
0x58: {  	v1 =	vadd.f32 $1.000000000e+00, v55;
	(erf) = vrcp.f32 v2  }
0x59: {  	(erf) = vrcp.f32 v0  }
0x5a: {  	(erf) = vrcp.f32 v1;
	_ =	sdelay $0x1  }
0x5b: {  	v56 =	vpop (erf)  }
0x5c: {  	[tilespmem:s18+$0x13D00] =	vst v56;
	v57 =	vpop (erf)  }
0x5d: {  	[tilespmem:s18+$0x13D10] =	vst v57;
	v58 =	vpop (erf)  }
0x5e: {  	[tilespmem:s18+$0x13D20] =	vst v58;
	v59 =	vpop (erf)  }
0x5f: {  	[tilespmem:s18+$0x13D30] =	vst v59;
	v60 =	vpop (erf)  }
0x60: {  	[tilespmem:s18+$0x13D40] =	vst v60;
	v61 =	vpop (erf)  }
0x61: {  	s17 =	sadd.s32 $0x1, s17;
	[tilespmem:s18+$0x13D50] =	vst v61;
	v62 =	vpop (erf)  }
0x62: {  	p0 =	sne.s32 s17, $0x32;
	[tilespmem:s18+$0x13D60] =	vst v62;
	v63 =	vpop (erf)  }
.Ltmp1:
0x63: {  	[tilespmem:s18+$0x13D70] =	vst v63;
	(pc) =	sbr.rel @p0 .LBB2_2-.Ltmp1, $4  }
0x64: {  	[spmem:s2] =	stream.indirect.scatter.add.f32 [tilespmem:s13], [sflag:$0x1], $0x80, s14, s16, $0xb8;
	[tilespmem:$0x1A100] =	vst v63  }
0x65: {  	_ =	swait.ge [sflag:s15], $0x6400  }
0x66: {  	[sflag:s15] =	ssyncset.done $0x0  }
0x67: {  	[sflag:s15] =	ssyncadd.s32 $0xFFFF9C00  }
0x68: {  	s3 =	sadd.s32 $0x1, s3  }
0x69: {  	p0 =	sne.s32 s3, s10  }
.Ltmp2:
0x6a: {  	[bflag:$0x0] =	sbarrier.arrive $0xFFFF;
	(pc) =	sbr.rel @p0 .LBB2_1-.Ltmp2, $4  }
0x6b: {  	[hbm:s9], [sflag:s7] =	dma.local [spmem:s11], $0x2780  }
0x6c: {  	_ =	swait.ge [sflag:s12], $0x2780  }
0x6d: {  	[sflag:s12] =	ssyncset.done $0x0  }
0x6e: {  	[sflag:s12] =	ssyncadd.s32 $0xFFFFD880  }
0x6f: {  	_ =	sfence.sel $0x180000  }
0x70: {  	[bflag:$0x0] =	sbarrier.arrive $0xFFFF  }
0x71: {  	p0 =	sne.s32 s1, $0x0;
	_ =	strace $0x9000004A  }
0x72: {  	s0 =	sadd.s32 @!p0 $0x100000, s0;
	[bflag:$0x2] =	sbarrier.arrive $0xFFFF  }
0x73: {  	[sflag:s0] =	ssyncadd.tile.s32 @!p0 $0x1;
	_ =	shalt  }
.Lfunc_end2:
_tile_overlayer_lowered:
.L_overlay_start_2:
0x74: {  	(tag) =	ssettag $0x2  }
0x75: {  	s0 =	rddreg [dreg:$0x0];
	s2 =	stileid.u32  }
0x76: {  	s1 =	rddreg [dreg:$0x1];
	p0 =	sne.s32 s2, $0x0  }
0x77: {  	s3 =	rddreg [dreg:$0x2];
	[bflag:$0x3] =	sbarrier.arrive $0xFFFF;
	s2 =	simm.s32 @!p0 $0x1C02  }
0x78: {  	[timem:s3], [sflag:s2] =	dma.local @!p0 [hbm:s0], s1  }
0x79: {  	s0 =	simm.s32 @!p0 $0x2  }
0x7a: {  	_ =	swait.ge @!p0 [sflag:s0], s1  }
0x7b: {  	s1 =	ssub.s32 @!p0 $0x0, s1;
	[sflag:s0] =	ssyncset.done @!p0 $0x0  }
0x7c: {  	[sflag:s0] =	ssyncadd.s32 @!p0 s1  }
0x7d: {  	[bflag:$0x3] =	sbarrier.arrive $0xFFFF  }
0x7e: {  	_ =	shalt  }

// kernel: kernel.33.cloned.1.call-start
scs
__scs_entry_jumppad:
0x0: {  	(pc) =	sbr.rel $0x88, $3  }
0x1: {  	(tag) =	ssettag $0x0;
	lr =	simm.s32 $0x1  }
0x2: {  	[smem:$0x3F84] =	sst lr;
	_ =	strace $0xD0000000  }
0x3: {  	_ = 	snop  }
0x4: {  	_ = 	snop  }
0x5: {  	_ = 	snop  }
0x6: {  	_ = 	snop  }
0x7: {  	_ = 	snop  }
__scs_overlays_trampoline_lowered:
0x8: {  	[smem:$0x3F93] =	sst s0  }
0x9: {  	[smem:$0x3F94] =	sst s1  }
0xa: {  	[smem:$0x3F95] =	sst s2  }
0xb: {  	[smem:$0x3F96] =	sst s3  }
0xc: {  	[smem:$0x3F97] =	sst s4  }
0xd: {  	[smem:$0x3F98] =	sst s5  }
0xe: {  	[smem:$0x3F99] =	sst s6  }
0xf: {  	[smem:$0x3F9A] =	sst s7  }
0x10: {  	[smem:$0x3F9B] =	sst s8  }
0x11: {  	[smem:$0x3F9C] =	sst s9;
	s0 =	simm.s32 @!p0 $0x0  }
0x12: {  	s1 =	sld [smem:$0x3F82];
	s0 =	simm.s32 @p0 $0x1  }
0x13: {  	[smem:$0x3F9D] =	sst s0;
	s0 =	simm.s32 @!p1 $0x0  }
0x14: {  	s2 =	sld [smem:$0x3F81];
	s0 =	simm.s32 @p1 $0x1  }
0x15: {  	[smem:$0x3F9E] =	sst s0;
	s0 =	simm.s32 @!p2 $0x0  }
0x16: {  	s3 =	sld [smem:$0x3FDB];
	s0 =	simm.s32 @p2 $0x1  }
0x17: {  	s4 =	simm.s32 $0x1BF5;
	[smem:$0x3FA0] =	sst s0  }
0x18: {  	s0 =	sld [smem:$0x3F83];
	_ =	swait.ge [sflag:s4], $0x0  }
0x19: {  	s7 =	sld [smem:$0x3F84]  }
0x1a: {  	s8 =	sadd.s32 $0xFFFFE003, lr  }
0x1b: {  	s9 =	sadd.s32 $0xFFFFFEF7, lr;
	s5 =	simm.s32 $0xFFFFFFFF;
	p2 =	slt.u32 s8, $0xFFFFF086  }
0x1c: {  	p1 =	slt.u32 s9, $0xF7A;
	s5 =	simm.s32 @!p2 $0x0  }
0x1d: {  	s5 =	simm.s32 @p1 $0x1;
	p0 =	seq.s32 s7, s2  }
0x1e: {  	s7 =	smul.u32 @!p0 $0xF7A, s2;
	p2 =	seq.s32 @!p0 s5, $0x0  }
0x1f: {  	s9 =	smul.u32 $0xF7A, s1;
	s8 =	simm.s32 @!p0 $0x1BF5;
	p2 =	por !p2, p0  }
0x20: {  	[sflag:s8] =	ssyncset.s32 @!p0 $0xFFFFF086;
	s6 =	sadd.s32 @!p0 s3, s7;
	s7 =	simm.s32 @!p0 $0x108  }
0x21: {  	s3 =	sadd.s32 s3, s9;
	s6 =	sadd.s32 @!p0 $0x88, s6;
	s7 =	simm.s32 @p2 $0x1082  }
0x22: {  	[simem:s7], [sflag:s8] =	dma.local @!p0 [hbm:s6], $0xF7A  }
0x23: {  	s9 =	sor.u32 $0xD0000000, s2;
	s6 =	simm.s32 $0x108;
	_ =	swait.ge @!p0 [sflag:s8], $0x0  }
0x24: {  	s3 =	sadd.s32 $0x88, s3;
	s6 =	simm.s32 @!p1 $0x1082;
	[sflag:s4] =	ssyncset.s32 $0xFFFFF086  }
0x25: {  	[simem:s6], [sflag:s4] =	dma.local [hbm:s3], $0xF7A  }
0x26: {  	[smem:$0x3F84] =	sst s1;
	(tag) =	ssettag s2;
	_ =	strace s9  }
0x27: {  	s1 =	sld [smem:$0x3F94]  }
0x28: {  	s2 =	sld [smem:$0x3F95]  }
0x29: {  	s4 =	sld [smem:$0x3F97]  }
0x2a: {  	p0 =	seq.s32 s5, $0x0;
	s5 =	sld [smem:$0x3F98]  }
0x2b: {  	s6 =	sld [smem:$0x3F99]  }
0x2c: {  	s7 =	sld [smem:$0x3F9A]  }
0x2d: {  	s3 =	simm.s32 $0x108;
	s8 =	sld [smem:$0x3F9B]  }
0x2e: {  	s3 =	simm.s32 @!p0 $0x1082;
	s9 =	sld [smem:$0x3F9C]  }
0x2f: {  	lr =	sadd.s32 s0, s3;
	s0 =	sld [smem:$0x3F93]  }
0x30: {  	s3 =	sld [smem:$0x3F96]  }
0x31: {  	[smem:$0x3F9F] =	sst s10  }
0x32: {  	s10 =	sld [smem:$0x3F9D];
	_ =	sdelay $0x3  }
0x33: {  	p0 =	seq.s32 s10, $0x1;
	s10 =	sld [smem:$0x3F9F];
	_ =	sdelay $0x3  }
0x34: {  	[smem:$0x3F9F] =	sst s10  }
0x35: {  	s10 =	sld [smem:$0x3F9E];
	_ =	sdelay $0x3  }
0x36: {  	p1 =	seq.s32 s10, $0x1;
	s10 =	sld [smem:$0x3F9F];
	_ =	sdelay $0x3  }
0x37: {  	[smem:$0x3F9F] =	sst s10  }
0x38: {  	s10 =	sld [smem:$0x3FA0]  }
0x39: {  	_ = 	snop;
	(pc) =	sbr.ind lr, $3  }
0x3a: {  	_ = 	snop  }
0x3b: {  	_ = 	snop  }
0x3c: {  	p2 =	seq.s32 s10, $0x1;
	s10 =	sld [smem:$0x3F9F]  }
0x3d: {  	_ =	shalt  }
0x3e: {  	_ =	shalt  }
0x3f: {  	_ =	shalt  }
0x40: {  	_ =	shalt  }
0x41: {  	_ =	shalt  }
0x42: {  	_ =	shalt  }
0x43: {  	_ =	shalt  }
0x44: {  	_ =	shalt  }
0x45: {  	_ =	shalt  }
0x46: {  	_ =	shalt  }
0x47: {  	_ =	shalt  }
0x48: {  	_ =	shalt  }
0x49: {  	_ =	shalt  }
0x4a: {  	_ =	shalt  }
0x4b: {  	_ =	shalt  }
0x4c: {  	_ =	shalt  }
0x4d: {  	_ =	shalt  }
0x4e: {  	_ =	shalt  }
0x4f: {  	_ =	shalt  }
0x50: {  	_ =	shalt  }
0x51: {  	_ =	shalt  }
0x52: {  	_ =	shalt  }
0x53: {  	_ =	shalt  }
0x54: {  	_ =	shalt  }
0x55: {  	_ =	shalt  }
0x56: {  	_ =	shalt  }
0x57: {  	_ =	shalt  }
0x58: {  	_ =	shalt  }
0x59: {  	_ =	shalt  }
0x5a: {  	_ =	shalt  }
0x5b: {  	_ =	shalt  }
0x5c: {  	_ =	shalt  }
0x5d: {  	_ =	shalt  }
0x5e: {  	_ =	shalt  }
0x5f: {  	_ =	shalt  }
0x60: {  	_ =	shalt  }
0x61: {  	_ =	shalt  }
0x62: {  	_ =	shalt  }
0x63: {  	_ =	shalt  }
0x64: {  	_ =	shalt  }
0x65: {  	_ =	shalt  }
0x66: {  	_ =	shalt  }
0x67: {  	_ =	shalt  }
0x68: {  	_ =	shalt  }
0x69: {  	_ =	shalt  }
0x6a: {  	_ =	shalt  }
0x6b: {  	_ =	shalt  }
0x6c: {  	_ =	shalt  }
0x6d: {  	_ =	shalt  }
0x6e: {  	_ =	shalt  }
0x6f: {  	_ =	shalt  }
0x70: {  	_ =	shalt  }
0x71: {  	_ =	shalt  }
0x72: {  	_ =	shalt  }
0x73: {  	_ =	shalt  }
0x74: {  	_ =	shalt  }
0x75: {  	_ =	shalt  }
0x76: {  	_ =	shalt  }
0x77: {  	_ =	shalt  }
0x78: {  	_ =	shalt  }
0x79: {  	_ =	shalt  }
0x7a: {  	_ =	shalt  }
0x7b: {  	_ =	shalt  }
0x7c: {  	_ =	shalt  }
0x7d: {  	_ =	shalt  }
0x7e: {  	_ =	shalt  }
0x7f: {  	_ =	shalt  }
0x80: {  	_ =	shalt  }
0x81: {  	_ =	shalt  }
0x82: {  	_ =	shalt  }
0x83: {  	_ =	shalt  }
0x84: {  	_ =	shalt  }
0x85: {  	_ =	shalt  }
0x86: {  	_ =	shalt  }
0x87: {  	_ =	shalt  }
.Lfunc_end0:
.L_simem_size_0:
called_computation.2_lowered:
.L_overlay_start_0:
0x88: {  	s2 =	sld [smem:$0x3FD9]  }
0x89: {  	s3 =	sld [smem:$0x3FFE];
	_ =	sdelay $0x1  }
0x8a: {  	s1 =	srdreg.scid  }
0x8b: {  	s0 =	sand.u32 $0x1, s1  }
0x8c: {  	s16 =	sshll.u32 s0, $0xA;
	s2 =	sadd.s32 s3, s2  }
0x8d: {  	s2 =	sadd.s32 s2, s16  }
0x8e: {  	[smem:$0x3FAB] =	sst s2  }
0x8f: {  	_ = 	snop  }
0x90: {  	(tm) =	ssettm $0x1  }
0x91: {  	s17 =	sld [smem:$0x3FFB];
	_ =	sdelay $0x3  }
0x92: {  	_ =	strace s17  }
0x93: {  	s2 =	sld [smem:$0x3FFC];
	_ =	sdelay $0x3  }
0x94: {  	_ =	strace s2  }
0x95: {  	s2 =	sld [smem:$0x3FFD];
	_ =	sdelay $0x3  }
0x96: {  	_ =	strace s2  }
0x97: {  	_ =	strace $0x8FFFFFFF  }
0x98: {  	s18 =	sld [smem:$0x3FDB];
	_ =	sdelay $0x1  }
0x99: {  	s19 =	simm.s32 $_scs_section_size  }
0x9a: {  	s4 =	simm.s32 $_size__tile_overlayer_lowered;
	s5 =	simm.s32 $_tile_overlayer_lowered  }
0x9b: {  	s22 =	simm.s32 $0x1BFF;
	s21 =	sshll.u32 s5, $0x1;
	s2 =	sadd.s32 s19, s18  }
0x9c: {  	s6 =	simm.s32 $0x0;
	s20 =	sshll.u32 s4, $0x1;
	s4 =	sadd.s32 s21, s2  }
0x9d: {  	[timem:s6], [sflag:s22] =	dma.local [hbm:s4], s20  }
0x9e: {  	_ =	swait.ge [sflag:s22], s20  }
0x9f: {  	s3 =	ssub.s32 $0x0, s20;
	[sflag:s22] =	ssyncset.done $0x0  }
0xa0: {  	[sflag:s22] =	ssyncadd.s32 s3;
	_ =	sdelay $0x1  }
0xa1: {  	s23 =	simm.s32 $0x1B8B  }
0xa2: {  	_ =	swait.ge [sflag:s23], $0x1  }
0xa3: {  	[sflag:s23] =	ssyncset.done $0x0  }
0xa4: {  	s25 =	simm.s32 $0x1B8E;
	s24 =	sld [smem:$0x3FFE];
	[sflag:s23] =	ssyncadd.s32 $0xFFFFFFFF  }
0xa5: {  	s26 =	simm.s32 $execute0_lowered;
	[smem:$0x3FD2] =	sst s25  }
0xa6: {  	s4 =	sshll.u32 s26, $0x1;
	_ =	strace $0x8000004C;
	[dreg:$0x1] =	wrdreg $0xFFFFFFFF  }
0xa7: {  	s28 =	simm.s32 $_size_execute0_lowered;
	s2 =	sadd.s32 s2, s4;
	[dreg:$0x0] =	wrdreg $0x0  }
0xa8: {  	s4 =	sshll.u32 s28, $0x1;
	[dreg:$0x2] =	wrdreg s2  }
0xa9: {  	[dreg:$0x3] =	wrdreg s4  }
0xaa: {  	[dreg:$0x4] =	wrdreg $0xC0  }
0xab: {  	_ =	task [dreg:s6], $0x5FFFF  }
0xac: {  	[dreg:$0x1] =	wrdreg $0xFFFFFFFF  }
0xad: {  	[dreg:$0x0] =	wrdreg $0x60  }
0xae: {  	[dreg:$0x2] =	wrdreg s24  }
0xaf: {  	[dreg:$0x3] =	wrdreg $0x0  }
0xb0: {  	[dreg:$0x4] =	wrdreg $0x9  }
0xb1: {  	_ =	task.clear_ibuf [dreg:s6], $0x5FFFF;
	_ =	strace $0x9000004C  }
0xb2: {  	s29 =	simm.s32 $0x9;
	_ =	strace $0x8000004E  }
0xb3: {  	_ =	swait.ge [sflag:s29], $0x1  }
0xb4: {  	[sflag:s29] =	ssyncadd.s32 $0xFFFFFFFF  }
0xb5: {  	_ =	strace $0x9000004E  }
0xb6: {  	_ =	sfence  }
0xb7: {  	s30 =	sld [smem:$0x0];
	_ =	sdelay $0x2  }
0xb8: {  	s31 =	sshll.u32 s1, $0xD;
	s1 =	sshrl.u32 s1, $0x2  }
0xb9: {  	s3 =	sand.u32 $0x4000, s31;
	s1 =	sadd.s32 s1, s30  }
0xba: {  	s0 =	sor.u32 s3, s0;
	s1 =	sshll.u32 s1, $0x11  }
0xbb: {  	s0 =	sor.u32 s1, s0  }
0xbc: {  	s0 =	sadd.s32 $0x8F2B, s0  }
0xbd: {  	[sflag:s0] =	ssyncadd.remote.s32 $0x1  }
0xbe: {  	_ =	sfence.sel $0xFFFF  }
0xbf: {  	[dreg:$0x0] =	wrdreg $0xFFFFFFFF;
	(pc) =	sbr.abs _section_cstart, $3  }
0xc0: {  	[dreg:$0x1] =	wrdreg $0xFFFFFFFF  }
0xc1: {  	_ =	task.clear_ibuf [dreg:s6], $0x2FFFF;
	_ =	strace $0x9FFFFFFF  }
0xc2: {  	(tm) =	ssettm $0x7FFFFFFF  }
0xc3: {  	_ =	shalt  }
tec
execute0_lowered:
.L_overlay_start_1:
0x0: {  	(tag) =	ssettag $0x1  }
0x1: {  	s0 =	rddreg [dreg:$0x0]  }
0x2: {  	s2 =	rddreg [dreg:$0x1];
	s3 =	simm.s32 $0x0;
	s16 =	stileid.u32  }
0x3: {  	s1 =	srdreg.scid;
	s17 =	simm.s32 $0x3;
	s18 =	simm.s32 $0x13C00  }
0x4: {  	s19 =	simm.s32 $0x13C80;
	s20 =	simm.s32 $0x1B500;
	s21 =	simm.s32 $0x1  }
0x5: {  	s22 =	simm.s32 $0x50;
	s23 =	simm.s32 $0x13D00;
	s24 =	simm.s32 $0x16500  }
0x6: {  	s25 =	simm.s32 $0x18D00;
	s28 =	simm.s32 $0x0;
	[smem:$0x7FF] =	sst s3  }
0x7: {  	s10 =	smul.u32 $0x13C00, s16;
	s1 =	sand.u32 $0x1, s1;
	s4 =	sadd.s32 $0x53AE00, s0  }
0x8: {  	s5 =	sadd.s32 $0x562000, s0;
	s6 =	sadd.s32 $0x589200, s0;
	s7 =	sadd.s32 $0x58E00, s0  }
0x9: {  	s8 =	sadd.s32 $0x1E000, s0;
	s9 =	sadd.s32 $0x27E00, s0;
	s13 =	smul.u32 $0x4F000, s16  }
0xa: {  	s31 =	sshll.u32 s16, $0x6;
	_ =	strace $0x8000004D;
	s11 =	smul.u32 $0x13C000, s1  }
0xb: {  	s26 =	ssub.s32 $0x2, s1;
	s1 =	sshll.u32 s1, $0x4;
	s12 =	sshrl.u32 s10, $0x3  }
0xc: {  	s15 =	sshrl.u32 s26, $0x1;
	s30 =	sshrl.u32 s13, $0x2;
	s1 =	sor.u32 s16, s1  }
0xd: {  	s10 =	sadd.s32 s10, s11;
	s12 =	sadd.s32 s12, s0;
	s29 =	ssub.s32 s26, s15  }
0xe: {  	s11 =	sadd.s32 s30, s2;
	s13 =	smul.u32 $0x2710, s1;
	s26 =	simm.s32 $0x2  }
0xf: {  	s10 =	sshrl.u32 s10, $0x3;
	s12 =	sadd.s32 $0xAB9600, s12;
	s15 =	smax.u32 s29, $0x1  }
0x10: {  	s16 =	sshrl.u32 s11, $0x3;
	s14 =	sadd.s32 s10, s0;
	s10 =	sadd.s32 $0xAE0E00, s0  }
0x11: {  	[dreg:$0x3] =	wrdreg s12;
	s12 =	sor.u32 $0x1C03, s31;
	s14 =	sadd.s32 $0xFC2E00, s14  }
.LBB2_1:
0x12: {  	s0 =	rddreg [dreg:$0x3]  }
0x13: {  	[spmem:s16], [sflag:s12] =	dma.local [hbm:s0], $0x2780  }
0x14: {  	_ =	swait.ge [sflag:s17], $0x2780  }
0x15: {  	[sflag:s17] =	ssyncset.done $0x0  }
0x16: {  	[sflag:s17] =	ssyncadd.s32 $0xFFFFD880  }
0x17: {  	s29 =	simm.s32 $0x0;
	[bflag:$0x0] =	sbarrier.arrive $0xFFFF  }
.LBB2_2:
0x18: {  	s0 =	smul.u32 $0x50, s29;
	_ =	sdelay $0x1  }
0x19: {  	s0 =	sadd.s32 s13, s0  }
0x1a: {  	s1 =	sshrl.u32 s0, $0x3  }
0x1b: {  	s31 =	simm.s32 $0x0;
	s11 =	sadd.s32 s8, s1  }
0x1c: {  	[tilespmem:s18], [sflag:$0x1] =	stream.linear.gather [hbm4b:s11+s31], $0x50, $0x38;
	[tilespmem:$0x1DD00] =	vst v63  }
0x1d: {  	s30 =	sshll.u32 s0, $0x4;
	s1 =	sadd.s32 s9, s1  }
0x1e: {  	[tilespmem:s19], [sflag:$0x1] =	stream.linear.gather [hbm4b:s1+s31], $0x50, $0x38;
	[tilespmem:$0x1DD00] =	vst v63  }
0x1f: {  	s0 =	sadd.s32 s7, s30  }
0x20: {  	[tilespmem:s20], [sflag:$0x2] =	stream.linear.gather [hbm4b:s0+s31], $0x2800, $0x38;
	[tilespmem:$0x1DD00] =	vst v63  }
0x21: {  	_ =	swait.ge [sflag:s21], $0x50  }
0x22: {  	[sflag:s21] =	ssyncset.done $0x0  }
0x23: {  	[sflag:s21] =	ssyncadd.s32 $0xFFFFFFB0  }
0x24: {  	_ =	swait.ge [sflag:s21], $0x50  }
0x25: {  	[sflag:s21] =	ssyncset.done $0x0  }
0x26: {  	[sflag:s21] =	ssyncadd.s32 $0xFFFFFFB0  }
0x27: {  	[tilespmem:s23], [sflag:$0x1] =	stream.indirect.gather [hbm4b:s4+s22], $0x80, s18, s22, $0xb8;
	[tilespmem:$0x1DD00] =	vst v63  }
0x28: {  	_ = 	snop  }
0x29: {  	[tilespmem:s24], [sflag:$0x1] =	stream.indirect.gather [hbm4b:s5+s22], $0x80, s18, s22, $0xb8;
	[tilespmem:$0x1DD00] =	vst v63  }
0x2a: {  	_ = 	snop  }
0x2b: {  	[tilespmem:s25], [sflag:$0x1] =	stream.indirect.gather [hbm4b:s6+s22], $0x80, s19, s22, $0xb8;
	[tilespmem:$0x1DD00] =	vst v63  }
0x2c: {  	_ =	swait.ge [sflag:s26], $0x2800  }
0x2d: {  	[sflag:s26] =	ssyncset.done $0x0  }
0x2e: {  	[sflag:s26] =	ssyncadd.s32 $0xFFFFD800  }
0x2f: {  	_ =	swait.ge [sflag:s21], $0x2800  }
0x30: {  	[sflag:s21] =	ssyncset.done $0x0  }
0x31: {  	[sflag:s21] =	ssyncadd.s32 $0xFFFFD800  }
0x32: {  	_ =	swait.ge [sflag:s21], $0x2800  }
0x33: {  	[sflag:s21] =	ssyncset.done $0x0  }
0x34: {  	[sflag:s21] =	ssyncadd.s32 $0xFFFFD800  }
0x35: {  	_ =	swait.ge [sflag:s21], $0x2800  }
0x36: {  	[sflag:s21] =	ssyncset.done $0x0  }
0x37: {  	s31 =	simm.s32 $0x0;
	[sflag:s21] =	ssyncadd.s32 $0xFFFFD800  }
0x38: {  	v0 =	vld [tilespmem:s31+$0x1B520]  }
0x39: {  	v1 =	vld [tilespmem:s31+$0x1B500]  }
0x3a: {  	v2 =	vld [tilespmem:s31+$0x1B510]  }
0x3b: {  	v3 =	vld [tilespmem:s31+$0x18D00]  }
0x3c: {  	v4 =	vld [tilespmem:s31+$0x18D50]  }
0x3d: {  	v5 =	vld [tilespmem:s31+$0x18D40]  }
0x3e: {  	v6 =	vld [tilespmem:s31+$0x18D30]  }
0x3f: {  	v7 =	vld [tilespmem:s31+$0x13D00]  }
0x40: {  	v8 =	vld [tilespmem:s31+$0x1B530]  }
0x41: {  	v9 =	vld [tilespmem:s31+$0x13D30]  }
0x42: {  	v10 =	vld [tilespmem:s31+$0x18D10]  }
0x43: {  	v11 =	vld [tilespmem:s31+$0x18D20]  }
0x44: {  	v12 =	vld [tilespmem:s31+$0x13D20]  }
0x45: {  	v13 =	vld [tilespmem:s31+$0x1B540]  }
0x46: {  	v14 =	vld [tilespmem:s31+$0x13D10];
	v3 =	vadd.f32 v3, v7  }
0x47: {  	v6 =	vadd.f32 v6, v9;
	v9 =	vld [tilespmem:s31+$0x13D40]  }
0x48: {  	v61 =	vld [tilespmem:s31+$0x1B550];
	v1 =	vadd.f32 v1, v3  }
0x49: {  	v63 =	vld [tilespmem:s31+$0x13D60];
	v11 =	vadd.f32 v11, v12  }
0x4a: {  	v7 =	vld [tilespmem:s31+$0x18D70];
	v6 =	vadd.f32 v8, v6;
	[tilespmem:s31+$0x1B500] =	vst v1;
	v1 =	vsub.f32 $0.0e+00, v1  }
0x4b: {  	v10 =	vadd.f32 v10, v14;
	v8 =	vld [tilespmem:s31+$0x13D50];
	v0 =	vadd.f32 v0, v11  }
0x4c: {  	v3 =	vld [tilespmem:s31+$0x13D70];
	[tilespmem:s31+$0x1B530] =	vst v6;
	v6 =	vsub.f32 $0.0e+00, v6;
	v5 =	vadd.f32 v5, v9;
	v62 =	vmul.f32 $1.442695020e+00, v1  }
0x4d: {  	v11 =	vld [tilespmem:s31+$0x1B570];
	v2 =	vadd.f32 v2, v10  }
0x4e: {  	[tilespmem:s31+$0x1B520] =	vst v0;
	v9 =	vld [tilespmem:s31+$0x18D60];
	v6 =	vmul.f32 $1.442695020e+00, v6;
	v5 =	vadd.f32 v13, v5;
	(erf) = vpow2.f32 v62  }
0x4f: {  	v0 =	vsub.f32 $0.0e+00, v0;
	[tilespmem:s31+$0x1B510] =	vst v2;
	v2 =	vsub.f32 $0.0e+00, v2  }
0x50: {  	v4 =	vadd.f32 v4, v8;
	[tilespmem:s31+$0x1B540] =	vst v5;
	(erf) = vpow2.f32 v6;
	v5 =	vsub.f32 $0.0e+00, v5;
	v6 =	vld [tilespmem:s31+$0x1B560]  }
0x51: {  	v0 =	vmul.f32 $1.442695020e+00, v0;
	v3 =	vadd.f32 v7, v3  }
0x52: {  	v2 =	vmul.f32 $1.442695020e+00, v2;
	v4 =	vadd.f32 v61, v4;
	v5 =	vmul.f32 $1.442695020e+00, v5  }
0x53: {  	(erf) = vpow2.f32 v0;
	v0 =	vadd.f32 v11, v3;
	v3 =	vadd.f32 v9, v63  }
0x54: {  	(erf) = vpow2.f32 v5;
	v5 =	vsub.f32 $0.0e+00, v4  }
0x55: {  	[tilespmem:s31+$0x1B550] =	vst v4;
	v4 =	vsub.f32 $0.0e+00, v0;
	v3 =	vadd.f32 v6, v3  }
0x56: {  	(erf) = vpow2.f32 v2;
	v5 =	vmul.f32 $1.442695020e+00, v5  }
0x57: {  	v1 =	vld [tilespmem:s31+$0x16530];
	v4 =	vmul.f32 $1.442695020e+00, v4;
	v2 =	vpop (erf)  }
0x58: {  	[tilespmem:s31+$0x1B570] =	vst v0;
	v0 =	vld [tilespmem:s31+$0x16560];
	(erf) = vpow2.f32 v5;
	v6 =	vadd.f32 $1.000000000e+00, v2  }
0x59: {  	[tilespmem:s31+$0x1B560] =	vst v3;
	v5 =	vsub.f32 $0.0e+00, v3;
	v3 =	vpop (erf);
	v2 =	vld [tilespmem:s31+$0x16570];
	(erf) = vpow2.f32 v4  }
0x5a: {  	v4 =	vld [tilespmem:s31+$0x16540];
	v7 =	vadd.f32 $1.000000000e+00, v3;
	(erf) = vrcp.f32 v6  }
0x5b: {  	v3 =	vld [tilespmem:s31+$0x16550];
	v6 =	vmul.f32 $1.442695020e+00, v5  }
0x5c: {  	v8 =	vpop (erf);
	v5 =	vld [tilespmem:s31+$0x16520];
	(erf) = vrcp.f32 v7  }
0x5d: {  	s1 =	simm.s32 $0x200;
	s0 =	simm.s32 $0x400;
	v7 =	vadd.f32 $1.000000000e+00, v8;
	(erf) = vpow2.f32 v6;
	v6 =	vld [tilespmem:s31+$0x16500];
	v8 =	vpop (erf)  }
.LBB2_3:
0x5e: {  	p0 =	sne.s32 s0, $0x9E00  }
0x5f: {  	s11 =	sshra.s32 s1, $0x2;
	v9 =	vld [tilespmem:s31+$0x16510];
	v12 =	vadd.f32 $1.000000000e+00, v8;
	v10 =	vpop (erf);
	(erf) = vrcp.f32 v7;
	s1 =	smov.u32 s0;
	s0 =	sadd.s32 $0x200, s0  }
0x60: {  	v7 =	vld [tilespmem:s11+$0x1B520];
	v13 =	vadd.f32 $1.000000000e+00, v10  }
0x61: {  	v11 =	vld [tilespmem:s11+$0x1B500];
	(erf) = vrcp.f32 v12;
	v8 =	vpop (erf)  }
0x62: {  	v12 =	vld [tilespmem:s11+$0x1B510];
	v8 =	vadd.f32 $1.000000000e+00, v8;
	(erf) = vrcp.f32 v13;
	v10 =	vpop (erf)  }
0x63: {  	v13 =	vld [tilespmem:s11+$0x18D00];
	v10 =	vadd.f32 $1.000000000e+00, v10;
	v14 =	vpop (erf)  }
0x64: {  	v15 =	vld [tilespmem:s11+$0x18D50];
	v16 =	vmul.f32 v14, v6;
	(erf) = vrcp.f32 v8  }
0x65: {  	v8 =	vld [tilespmem:s11+$0x18D40];
	v14 =	vpop (erf);
	(erf) = vrcp.f32 v10  }
0x66: {  	v10 =	vld [tilespmem:s11+$0x18D30];
	[tilespmem:s31+$0x13D00] =	vst v16;
	v17 =	vmul.f32 v14, v1;
	v6 =	vpop (erf)  }
0x67: {  	v14 =	vld [tilespmem:s11+$0x13D00];
	v18 =	vadd.f32 $1.000000000e+00, v6  }
0x68: {  	v16 =	vld [tilespmem:s11+$0x1B530];
	[tilespmem:s31+$0x13D30] =	vst v17;
	v1 =	vpop (erf)  }
0x69: {  	v17 =	vld [tilespmem:s11+$0x13D30];
	v1 =	vmul.f32 v1, v5;
	(erf) = vrcp.f32 v18  }
0x6a: {  	v5 =	vld [tilespmem:s11+$0x18D10];
	v6 =	vpop (erf)  }
0x6b: {  	v18 =	vld [tilespmem:s11+$0x18D20];
	[tilespmem:s31+$0x13D20] =	vst v1;
	v19 =	vmul.f32 v6, v4;
	v4 =	vpop (erf)  }
0x6c: {  	v6 =	vadd.f32 v13, v14;
	v13 =	vld [tilespmem:s11+$0x13D20];
	v4 =	vmul.f32 v4, v9  }
0x6d: {  	v9 =	vld [tilespmem:s11+$0x1B540];
	[tilespmem:s31+$0x13D40] =	vst v19;
	v1 =	vpop (erf)  }
0x6e: {  	v6 =	vadd.f32 v11, v6;
	v10 =	vadd.f32 v10, v17;
	v11 =	vld [tilespmem:s11+$0x13D40];
	[tilespmem:s31+$0x13D10] =	vst v4;
	v1 =	vmul.f32 v1, v3;
	v3 =	vpop (erf)  }
0x6f: {  	v4 =	vld [tilespmem:s11+$0x13D10];
	v2 =	vmul.f32 v3, v2  }
0x70: {  	v3 =	vsub.f32 $0.0e+00, v6;
	v10 =	vadd.f32 v16, v10;
	v14 =	vld [tilespmem:s11+$0x18D70];
	[tilespmem:s31+$0x13D50] =	vst v1  }
0x71: {  	v1 =	vadd.f32 v18, v13;
	v13 =	vld [tilespmem:s11+$0x13D50];
	[tilespmem:s31+$0x13D70] =	vst v2  }
0x72: {  	v2 =	vmul.f32 $1.442695020e+00, v3;
	v3 =	vsub.f32 $0.0e+00, v10;
	[tilespmem:s11+$0x1B530] =	vst v10;
	v10 =	vld [tilespmem:s11+$0x13D70];
	v16 =	vpop (erf)  }
0x73: {  	[tilespmem:s11+$0x1B500] =	vst v6;
	v1 =	vadd.f32 v7, v1;
	v6 =	vadd.f32 v8, v11;
	v7 =	vld [tilespmem:s11+$0x1B550];
	v0 =	vmul.f32 v16, v0  }
0x74: {  	v4 =	vadd.f32 v5, v4;
	v3 =	vmul.f32 $1.442695020e+00, v3;
	v5 =	vld [tilespmem:s11+$0x1B570];
	(erf) = vpow2.f32 v2  }
0x75: {  	v2 =	vsub.f32 $0.0e+00, v1;
	v6 =	vadd.f32 v9, v6;
	v8 =	vld [tilespmem:s11+$0x18D60];
	[tilespmem:s31+$0x13D60] =	vst v0;
	s31 =	smov.u32 s11  }
0x76: {  	v0 =	vadd.f32 v12, v4;
	[tilespmem:s31+$0x1B520] =	vst v1;
	v4 =	vadd.f32 v15, v13;
	v9 =	vld [tilespmem:s31+$0x13D60];
	(erf) = vpow2.f32 v3  }
0x77: {  	v2 =	vmul.f32 $1.442695020e+00, v2;
	v1 =	vld [tilespmem:s31+$0x16530];
	v3 =	vsub.f32 $0.0e+00, v6;
	[tilespmem:s31+$0x1B540] =	vst v6;
	v6 =	vadd.f32 v14, v10  }
0x78: {  	v10 =	vsub.f32 $0.0e+00, v0;
	[tilespmem:s31+$0x1B510] =	vst v0;
	v0 =	vadd.f32 v7, v4;
	v4 =	vld [tilespmem:s31+$0x1B560]  }
0x79: {  	v3 =	vmul.f32 $1.442695020e+00, v3;
	v5 =	vadd.f32 v5, v6;
	(erf) = vpow2.f32 v2  }
0x7a: {  	v2 =	vmul.f32 $1.442695020e+00, v10;
	v6 =	vsub.f32 $0.0e+00, v0;
	[tilespmem:s31+$0x1B550] =	vst v0  }
0x7b: {  	v8 =	vadd.f32 v8, v9;
	v7 =	vsub.f32 $0.0e+00, v5;
	[tilespmem:s31+$0x1B570] =	vst v5;
	(erf) = vpow2.f32 v3  }
0x7c: {  	v3 =	vmul.f32 $1.442695020e+00, v6;
	(erf) = vpow2.f32 v2  }
0x7d: {  	v8 =	vadd.f32 v4, v8;
	v4 =	vmul.f32 $1.442695020e+00, v7;
	v0 =	vpop (erf)  }
0x7e: {  	v5 =	vadd.f32 $1.000000000e+00, v0;
	(erf) = vpow2.f32 v3  }
0x7f: {  	v6 =	vsub.f32 $0.0e+00, v8;
	v0 =	vld [tilespmem:s31+$0x16560];
	[tilespmem:s31+$0x1B560] =	vst v8;
	v2 =	vpop (erf);
	(erf) = vpow2.f32 v4  }
.Ltmp0:
0x80: {  	v7 =	vadd.f32 $1.000000000e+00, v2;
	v2 =	vld [tilespmem:s31+$0x16570];
	(erf) = vrcp.f32 v5;
	(pc) =	sbr.rel @p0 .LBB2_3-.Ltmp0, $4  }
0x81: {  	v3 =	vld [tilespmem:s31+$0x16550];
	v6 =	vmul.f32 $1.442695020e+00, v6  }
0x82: {  	v4 =	vld [tilespmem:s31+$0x16540];
	v5 =	vpop (erf);
	(erf) = vrcp.f32 v7  }
0x83: {  	v7 =	vadd.f32 $1.000000000e+00, v5;
	v5 =	vld [tilespmem:s31+$0x16520];
	(erf) = vpow2.f32 v6  }
0x84: {  	v6 =	vld [tilespmem:s31+$0x16500];
	v8 =	vpop (erf)  }
0x85: {  	v11 =	vpop (erf);
	(erf) = vrcp.f32 v7;
	_ =	sdelay $0x1  }
0x86: {  	v8 =	vadd.f32 $1.000000000e+00, v8;
	v32 =	vpop (erf)  }
0x87: {  	s0 =	sshra.s32 s1, $0x2;
	v9 =	vld [tilespmem:s31+$0x16510];
	v14 =	vpop (erf)  }
0x88: {  	v10 =	vld [tilespmem:s0+$0x1B520];
	v11 =	vadd.f32 $1.000000000e+00, v11;
	v16 =	vpop (erf);
	(erf) = vrcp.f32 v8  }
0x89: {  	v12 =	vld [tilespmem:s0+$0x1B500]  }
0x8a: {  	v13 =	vld [tilespmem:s0+$0x1B510];
	v36 =	vadd.f32 $1.000000000e+00, v32;
	(erf) = vrcp.f32 v11  }
0x8b: {  	v15 =	vld [tilespmem:s0+$0x18D00];
	v14 =	vadd.f32 $1.000000000e+00, v14;
	v35 =	vpop (erf)  }
0x8c: {  	v17 =	vld [tilespmem:s0+$0x18D50];
	v6 =	vmul.f32 v16, v6;
	(erf) = vrcp.f32 v36;
	v39 =	vpop (erf)  }
0x8d: {  	v33 =	vld [tilespmem:s0+$0x18D40];
	v40 =	vpop (erf);
	(erf) = vrcp.f32 v14  }
0x8e: {  	v34 =	vld [tilespmem:s0+$0x18D30];
	[tilespmem:s31+$0x13D00] =	vst v6;
	v1 =	vmul.f32 v35, v1  }
0x8f: {  	v37 =	vld [tilespmem:s0+$0x13D00];
	v43 =	vadd.f32 $1.000000000e+00, v39  }
0x90: {  	v38 =	vld [tilespmem:s0+$0x1B530];
	[tilespmem:s31+$0x13D30] =	vst v1  }
0x91: {  	v18 =	vld [tilespmem:s0+$0x13D30];
	v1 =	vmul.f32 v40, v5;
	v19 =	vpop (erf);
	(erf) = vrcp.f32 v43  }
0x92: {  	v41 =	vld [tilespmem:s0+$0x18D10]  }
0x93: {  	v42 =	vld [tilespmem:s0+$0x18D20];
	[tilespmem:s31+$0x13D20] =	vst v1;
	v4 =	vmul.f32 v19, v4;
	v45 =	vpop (erf)  }
0x94: {  	v44 =	vld [tilespmem:s0+$0x13D20];
	v46 =	vmul.f32 v45, v9  }
0x95: {  	v20 =	vld [tilespmem:s0+$0x1B540];
	v7 =	vadd.f32 v15, v37;
	v47 =	vpop (erf);
	[tilespmem:s31+$0x13D40] =	vst v4  }
0x96: {  	v16 =	vadd.f32 v34, v18;
	v48 =	vmul.f32 v47, v3;
	v4 =	vld [tilespmem:s0+$0x13D40];
	[tilespmem:s31+$0x13D10] =	vst v46;
	v50 =	vpop (erf)  }
0x97: {  	v52 =	vadd.f32 v12, v7;
	v49 =	vld [tilespmem:s0+$0x13D10];
	v2 =	vmul.f32 v50, v2  }
0x98: {  	v54 =	vadd.f32 v38, v16;
	v51 =	vld [tilespmem:s0+$0x18D70];
	[tilespmem:s31+$0x13D50] =	vst v48  }
0x99: {  	v55 =	vsub.f32 $0.0e+00, v52;
	v53 =	vld [tilespmem:s0+$0x13D50];
	[tilespmem:s31+$0x13D70] =	vst v2  }
0x9a: {  	v6 =	vadd.f32 v42, v44;
	v57 =	vsub.f32 $0.0e+00, v54;
	v56 =	vld [tilespmem:s0+$0x13D70];
	v58 =	vpop (erf)  }
0x9b: {  	v2 =	vmul.f32 $1.442695020e+00, v55;
	v59 =	vld [tilespmem:s0+$0x1B550];
	[tilespmem:s0+$0x1B530] =	vst v54;
	v0 =	vmul.f32 v58, v0  }
0x9c: {  	v61 =	vadd.f32 v10, v6;
	v62 =	vmul.f32 $1.442695020e+00, v57;
	v60 =	vld [tilespmem:s0+$0x1B570];
	[tilespmem:s0+$0x1B500] =	vst v52  }
0x9d: {  	v63 =	vld [tilespmem:s0+$0x18D60];
	v4 =	vadd.f32 v33, v4;
	(erf) = vpow2.f32 v2;
	[tilespmem:s31+$0x13D60] =	vst v0  }
0x9e: {  	v14 =	vsub.f32 $0.0e+00, v61;
	v12 =	vadd.f32 v41, v49;
	(erf) = vpow2.f32 v62;
	v18 =	vld [tilespmem:s0+$0x13D60]  }
0x9f: {  	v4 =	vadd.f32 v20, v4;
	v19 =	vadd.f32 v17, v53  }
0xa0: {  	v0 =	vadd.f32 v13, v12;
	v21 =	vld [tilespmem:s0+$0x1B560];
	v20 =	vadd.f32 v51, v56  }
0xa1: {  	v22 =	vsub.f32 $0.0e+00, v4;
	v5 =	vadd.f32 v59, v19  }
0xa2: {  	v2 =	vmul.f32 $1.442695020e+00, v14;
	v23 =	vsub.f32 $0.0e+00, v0;
	v6 =	vadd.f32 v60, v20  }
0xa3: {  	v8 =	vmul.f32 $1.442695020e+00, v22;
	v24 =	vsub.f32 $0.0e+00, v5;
	v3 =	vadd.f32 v63, v18  }
0xa4: {  	(erf) = vpow2.f32 v2;
	v25 =	vmul.f32 $1.442695020e+00, v23;
	v26 =	vsub.f32 $0.0e+00, v6  }
0xa5: {  	(erf) = vpow2.f32 v8;
	v27 =	vmul.f32 $1.442695020e+00, v24;
	v3 =	vadd.f32 v21, v3  }
0xa6: {  	(erf) = vpow2.f32 v25;
	v29 =	vpop (erf);
	v28 =	vmul.f32 $1.442695020e+00, v26  }
0xa7: {  	v7 =	vadd.f32 $1.000000000e+00, v29;
	(erf) = vpow2.f32 v27;
	v31 =	vpop (erf);
	v30 =	vsub.f32 $0.0e+00, v3  }
0xa8: {  	v32 =	vadd.f32 $1.000000000e+00, v31;
	(erf) = vpow2.f32 v28  }
0xa9: {  	(erf) = vrcp.f32 v7;
	v33 =	vmul.f32 $1.442695020e+00, v30  }
0xaa: {  	(erf) = vrcp.f32 v32  }
0xab: {  	(erf) = vpow2.f32 v33;
	_ =	sdelay $0x1  }
0xac: {  	v34 =	vpop (erf)  }
0xad: {  	v35 =	vpop (erf)  }
0xae: {  	v36 =	vpop (erf)  }
0xaf: {  	v2 =	vadd.f32 $1.000000000e+00, v34;
	v37 =	vpop (erf)  }
0xb0: {  	v7 =	vadd.f32 $1.000000000e+00, v35;
	v38 =	vpop (erf)  }
0xb1: {  	v39 =	vadd.f32 $1.000000000e+00, v36;
	(erf) = vrcp.f32 v2;
	v40 =	vpop (erf)  }
0xb2: {  	v41 =	vadd.f32 $1.000000000e+00, v37;
	(erf) = vrcp.f32 v7;
	v42 =	vpop (erf)  }
0xb3: {  	(erf) = vrcp.f32 v39;
	v43 =	vadd.f32 $1.000000000e+00, v38;
	v44 =	vpop (erf)  }
0xb4: {  	v45 =	vld [tilespmem:s0+$0x16500];
	(erf) = vrcp.f32 v41;
	v46 =	vadd.f32 $1.000000000e+00, v44  }
0xb5: {  	[tilespmem:s0+$0x1B520] =	vst v61;
	v47 =	vld [tilespmem:s0+$0x16530];
	(erf) = vrcp.f32 v43  }
0xb6: {  	[tilespmem:s0+$0x1B540] =	vst v4;
	v48 =	vld [tilespmem:s0+$0x16520];
	(erf) = vrcp.f32 v46  }
0xb7: {  	v49 =	vld [tilespmem:s0+$0x16540];
	[tilespmem:s0+$0x1B510] =	vst v0  }
0xb8: {  	v50 =	vld [tilespmem:s0+$0x16510];
	[tilespmem:s0+$0x1B550] =	vst v5  }
0xb9: {  	v51 =	vld [tilespmem:s0+$0x16550];
	[tilespmem:s0+$0x1B570] =	vst v6;
	v52 =	vmul.f32 v40, v45  }
0xba: {  	v53 =	vld [tilespmem:s0+$0x16570];
	[tilespmem:s0+$0x1B560] =	vst v3;
	v1 =	vmul.f32 v42, v47;
	v54 =	vpop (erf)  }
0xbb: {  	v55 =	vld [tilespmem:s0+$0x16560];
	[tilespmem:s0+$0x13D00] =	vst v52;
	v2 =	vmul.f32 v54, v48;
	v56 =	vpop (erf)  }
0xbc: {  	[tilespmem:s0+$0x13D30] =	vst v1;
	v0 =	vmul.f32 v56, v49;
	v57 =	vpop (erf)  }
0xbd: {  	[tilespmem:s0+$0x13D20] =	vst v2;
	v1 =	vmul.f32 v57, v50;
	v58 =	vpop (erf)  }
0xbe: {  	[tilespmem:s0+$0x13D40] =	vst v0;
	v59 =	vmul.f32 v58, v51;
	v60 =	vpop (erf)  }
0xbf: {  	[tilespmem:s0+$0x13D10] =	vst v1;
	v61 =	vmul.f32 v60, v53;
	v62 =	vpop (erf)  }
0xc0: {  	[tilespmem:s0+$0x13D50] =	vst v59;
	v63 =	vmul.f32 v62, v55  }
0xc1: {  	[tilespmem:s0+$0x13D70] =	vst v61  }
0xc2: {  	[tilespmem:s0+$0x13D60] =	vst v63  }
0xc3: {  	[spmem:s2] =	stream.indirect.scatter.add.f32 [tilespmem:s23], [sflag:$0x1], $0x80, s19, s22, $0xb8;
	[tilespmem:$0x1DD00] =	vst v63  }
0xc4: {  	s29 =	sadd.s32 $0x1, s29;
	s31 =	sadd.s32 s10, s30  }
0xc5: {  	[hbm4b:s31+s3] =	stream.linear.scatter [tilespmem:s20], [sflag:$0x2], $0x2800, $0x38;
	[tilespmem:$0x1DD00] =	vst v63  }
0xc6: {  	p0 =	sne.s32 s29, $0x7D;
	_ =	swait.ge [sflag:s21], $0x2800  }
.Ltmp1:
0xc7: {  	[sflag:s21] =	ssyncset.done $0x0;
	(pc) =	sbr.rel @p0 .LBB2_2-.Ltmp1, $4  }
0xc8: {  	[sflag:s21] =	ssyncadd.s32 $0xFFFFD800  }
0xc9: {  	_ =	swait.ge [sflag:s26], $0x2800  }
0xca: {  	[sflag:s26] =	ssyncset.done $0x0  }
0xcb: {  	[sflag:s26] =	ssyncadd.s32 $0xFFFFD800  }
0xcc: {  	s28 =	sadd.s32 $0x1, s28  }
0xcd: {  	p0 =	sne.s32 s28, s15  }
.Ltmp2:
0xce: {  	[bflag:$0x0] =	sbarrier.arrive $0xFFFF;
	(pc) =	sbr.rel @p0 .LBB2_1-.Ltmp2, $4  }
0xcf: {  	[hbm:s14], [sflag:s12] =	dma.local [spmem:s16], $0x2780  }
0xd0: {  	_ =	swait.ge [sflag:s17], $0x2780  }
0xd1: {  	[sflag:s17] =	ssyncset.done $0x0  }
0xd2: {  	[sflag:s17] =	ssyncadd.s32 $0xFFFFD880  }
0xd3: {  	_ =	sfence.sel $0x180000  }
0xd4: {  	[bflag:$0x0] =	sbarrier.arrive $0xFFFF  }
0xd5: {  	_ =	strace $0x9000004D  }
0xd6: {  	s0 =	stileid.u32;
	[bflag:$0x2] =	sbarrier.arrive $0xFFFF  }
0xd7: {  	p0 =	sne.s32 s0, $0x0;
	s0 =	rddreg [dreg:$0x2]  }
0xd8: {  	s0 =	sadd.s32 @!p0 $0x100000, s0  }
0xd9: {  	[sflag:s0] =	ssyncadd.tile.s32 @!p0 $0x1;
	_ =	shalt  }
.Lfunc_end2:
_tile_overlayer_lowered:
.L_overlay_start_2:
0xda: {  	(tag) =	ssettag $0x2  }
0xdb: {  	s0 =	rddreg [dreg:$0x0];
	s2 =	stileid.u32  }
0xdc: {  	s1 =	rddreg [dreg:$0x1];
	p0 =	sne.s32 s2, $0x0  }
0xdd: {  	s3 =	rddreg [dreg:$0x2];
	[bflag:$0x3] =	sbarrier.arrive $0xFFFF;
	s2 =	simm.s32 @!p0 $0x1C03  }
0xde: {  	[timem:s3], [sflag:s2] =	dma.local @!p0 [hbm:s0], s1  }
0xdf: {  	s0 =	simm.s32 @!p0 $0x3  }
0xe0: {  	_ =	swait.ge @!p0 [sflag:s0], s1  }
0xe1: {  	s1 =	ssub.s32 @!p0 $0x0, s1;
	[sflag:s0] =	ssyncset.done @!p0 $0x0  }
0xe2: {  	[sflag:s0] =	ssyncadd.s32 @!p0 s1  }
0xe3: {  	[bflag:$0x3] =	sbarrier.arrive $0xFFFF  }
0xe4: {  	_ =	shalt  }

// kernel: kernel.36.cloned.1.call-start
scs
__scs_entry_jumppad:
0x0: {  	(pc) =	sbr.rel $0x88, $3  }
0x1: {  	(tag) =	ssettag $0x0;
	lr =	simm.s32 $0x1  }
0x2: {  	[smem:$0x3F84] =	sst lr;
	_ =	strace $0xD0000000  }
0x3: {  	_ = 	snop  }
0x4: {  	_ = 	snop  }
0x5: {  	_ = 	snop  }
0x6: {  	_ = 	snop  }
0x7: {  	_ = 	snop  }
__scs_overlays_trampoline_lowered:
0x8: {  	[smem:$0x3F93] =	sst s0  }
0x9: {  	[smem:$0x3F94] =	sst s1  }
0xa: {  	[smem:$0x3F95] =	sst s2  }
0xb: {  	[smem:$0x3F96] =	sst s3  }
0xc: {  	[smem:$0x3F97] =	sst s4  }
0xd: {  	[smem:$0x3F98] =	sst s5  }
0xe: {  	[smem:$0x3F99] =	sst s6  }
0xf: {  	[smem:$0x3F9A] =	sst s7  }
0x10: {  	[smem:$0x3F9B] =	sst s8  }
0x11: {  	[smem:$0x3F9C] =	sst s9;
	s0 =	simm.s32 @!p0 $0x0  }
0x12: {  	s1 =	sld [smem:$0x3F82];
	s0 =	simm.s32 @p0 $0x1  }
0x13: {  	[smem:$0x3F9D] =	sst s0;
	s0 =	simm.s32 @!p1 $0x0  }
0x14: {  	s2 =	sld [smem:$0x3F81];
	s0 =	simm.s32 @p1 $0x1  }
0x15: {  	[smem:$0x3F9E] =	sst s0;
	s0 =	simm.s32 @!p2 $0x0  }
0x16: {  	s3 =	sld [smem:$0x3FDB];
	s0 =	simm.s32 @p2 $0x1  }
0x17: {  	s4 =	simm.s32 $0x1BF5;
	[smem:$0x3FA0] =	sst s0  }
0x18: {  	s0 =	sld [smem:$0x3F83];
	_ =	swait.ge [sflag:s4], $0x0  }
0x19: {  	s7 =	sld [smem:$0x3F84]  }
0x1a: {  	s8 =	sadd.s32 $0xFFFFE003, lr  }
0x1b: {  	s9 =	sadd.s32 $0xFFFFFEF7, lr;
	s5 =	simm.s32 $0xFFFFFFFF;
	p2 =	slt.u32 s8, $0xFFFFF086  }
0x1c: {  	p1 =	slt.u32 s9, $0xF7A;
	s5 =	simm.s32 @!p2 $0x0  }
0x1d: {  	s5 =	simm.s32 @p1 $0x1;
	p0 =	seq.s32 s7, s2  }
0x1e: {  	s7 =	smul.u32 @!p0 $0xF7A, s2;
	p2 =	seq.s32 @!p0 s5, $0x0  }
0x1f: {  	s9 =	smul.u32 $0xF7A, s1;
	s8 =	simm.s32 @!p0 $0x1BF5;
	p2 =	por !p2, p0  }
0x20: {  	[sflag:s8] =	ssyncset.s32 @!p0 $0xFFFFF086;
	s6 =	sadd.s32 @!p0 s3, s7;
	s7 =	simm.s32 @!p0 $0x108  }
0x21: {  	s3 =	sadd.s32 s3, s9;
	s6 =	sadd.s32 @!p0 $0x88, s6;
	s7 =	simm.s32 @p2 $0x1082  }
0x22: {  	[simem:s7], [sflag:s8] =	dma.local @!p0 [hbm:s6], $0xF7A  }
0x23: {  	s9 =	sor.u32 $0xD0000000, s2;
	s6 =	simm.s32 $0x108;
	_ =	swait.ge @!p0 [sflag:s8], $0x0  }
0x24: {  	s3 =	sadd.s32 $0x88, s3;
	s6 =	simm.s32 @!p1 $0x1082;
	[sflag:s4] =	ssyncset.s32 $0xFFFFF086  }
0x25: {  	[simem:s6], [sflag:s4] =	dma.local [hbm:s3], $0xF7A  }
0x26: {  	[smem:$0x3F84] =	sst s1;
	(tag) =	ssettag s2;
	_ =	strace s9  }
0x27: {  	s1 =	sld [smem:$0x3F94]  }
0x28: {  	s2 =	sld [smem:$0x3F95]  }
0x29: {  	s4 =	sld [smem:$0x3F97]  }
0x2a: {  	p0 =	seq.s32 s5, $0x0;
	s5 =	sld [smem:$0x3F98]  }
0x2b: {  	s6 =	sld [smem:$0x3F99]  }
0x2c: {  	s7 =	sld [smem:$0x3F9A]  }
0x2d: {  	s3 =	simm.s32 $0x108;
	s8 =	sld [smem:$0x3F9B]  }
0x2e: {  	s3 =	simm.s32 @!p0 $0x1082;
	s9 =	sld [smem:$0x3F9C]  }
0x2f: {  	lr =	sadd.s32 s0, s3;
	s0 =	sld [smem:$0x3F93]  }
0x30: {  	s3 =	sld [smem:$0x3F96]  }
0x31: {  	[smem:$0x3F9F] =	sst s10  }
0x32: {  	s10 =	sld [smem:$0x3F9D];
	_ =	sdelay $0x3  }
0x33: {  	p0 =	seq.s32 s10, $0x1;
	s10 =	sld [smem:$0x3F9F];
	_ =	sdelay $0x3  }
0x34: {  	[smem:$0x3F9F] =	sst s10  }
0x35: {  	s10 =	sld [smem:$0x3F9E];
	_ =	sdelay $0x3  }
0x36: {  	p1 =	seq.s32 s10, $0x1;
	s10 =	sld [smem:$0x3F9F];
	_ =	sdelay $0x3  }
0x37: {  	[smem:$0x3F9F] =	sst s10  }
0x38: {  	s10 =	sld [smem:$0x3FA0]  }
0x39: {  	_ = 	snop;
	(pc) =	sbr.ind lr, $3  }
0x3a: {  	_ = 	snop  }
0x3b: {  	_ = 	snop  }
0x3c: {  	p2 =	seq.s32 s10, $0x1;
	s10 =	sld [smem:$0x3F9F]  }
0x3d: {  	_ =	shalt  }
0x3e: {  	_ =	shalt  }
0x3f: {  	_ =	shalt  }
0x40: {  	_ =	shalt  }
0x41: {  	_ =	shalt  }
0x42: {  	_ =	shalt  }
0x43: {  	_ =	shalt  }
0x44: {  	_ =	shalt  }
0x45: {  	_ =	shalt  }
0x46: {  	_ =	shalt  }
0x47: {  	_ =	shalt  }
0x48: {  	_ =	shalt  }
0x49: {  	_ =	shalt  }
0x4a: {  	_ =	shalt  }
0x4b: {  	_ =	shalt  }
0x4c: {  	_ =	shalt  }
0x4d: {  	_ =	shalt  }
0x4e: {  	_ =	shalt  }
0x4f: {  	_ =	shalt  }
0x50: {  	_ =	shalt  }
0x51: {  	_ =	shalt  }
0x52: {  	_ =	shalt  }
0x53: {  	_ =	shalt  }
0x54: {  	_ =	shalt  }
0x55: {  	_ =	shalt  }
0x56: {  	_ =	shalt  }
0x57: {  	_ =	shalt  }
0x58: {  	_ =	shalt  }
0x59: {  	_ =	shalt  }
0x5a: {  	_ =	shalt  }
0x5b: {  	_ =	shalt  }
0x5c: {  	_ =	shalt  }
0x5d: {  	_ =	shalt  }
0x5e: {  	_ =	shalt  }
0x5f: {  	_ =	shalt  }
0x60: {  	_ =	shalt  }
0x61: {  	_ =	shalt  }
0x62: {  	_ =	shalt  }
0x63: {  	_ =	shalt  }
0x64: {  	_ =	shalt  }
0x65: {  	_ =	shalt  }
0x66: {  	_ =	shalt  }
0x67: {  	_ =	shalt  }
0x68: {  	_ =	shalt  }
0x69: {  	_ =	shalt  }
0x6a: {  	_ =	shalt  }
0x6b: {  	_ =	shalt  }
0x6c: {  	_ =	shalt  }
0x6d: {  	_ =	shalt  }
0x6e: {  	_ =	shalt  }
0x6f: {  	_ =	shalt  }
0x70: {  	_ =	shalt  }
0x71: {  	_ =	shalt  }
0x72: {  	_ =	shalt  }
0x73: {  	_ =	shalt  }
0x74: {  	_ =	shalt  }
0x75: {  	_ =	shalt  }
0x76: {  	_ =	shalt  }
0x77: {  	_ =	shalt  }
0x78: {  	_ =	shalt  }
0x79: {  	_ =	shalt  }
0x7a: {  	_ =	shalt  }
0x7b: {  	_ =	shalt  }
0x7c: {  	_ =	shalt  }
0x7d: {  	_ =	shalt  }
0x7e: {  	_ =	shalt  }
0x7f: {  	_ =	shalt  }
0x80: {  	_ =	shalt  }
0x81: {  	_ =	shalt  }
0x82: {  	_ =	shalt  }
0x83: {  	_ =	shalt  }
0x84: {  	_ =	shalt  }
0x85: {  	_ =	shalt  }
0x86: {  	_ =	shalt  }
0x87: {  	_ =	shalt  }
.Lfunc_end0:
.L_simem_size_0:
called_computation.3_lowered:
.L_overlay_start_0:
0x88: {  	s2 =	sld [smem:$0x3FD9]  }
0x89: {  	s3 =	sld [smem:$0x3FFE];
	_ =	sdelay $0x1  }
0x8a: {  	s1 =	srdreg.scid  }
0x8b: {  	s0 =	sand.u32 $0x1, s1  }
0x8c: {  	s16 =	sshll.u32 s0, $0xA;
	s2 =	sadd.s32 s3, s2  }
0x8d: {  	s2 =	sadd.s32 s2, s16  }
0x8e: {  	[smem:$0x3FAB] =	sst s2  }
0x8f: {  	_ = 	snop  }
0x90: {  	(tm) =	ssettm $0x1  }
0x91: {  	s17 =	sld [smem:$0x3FFB];
	_ =	sdelay $0x3  }
0x92: {  	_ =	strace s17  }
0x93: {  	s2 =	sld [smem:$0x3FFC];
	_ =	sdelay $0x3  }
0x94: {  	_ =	strace s2  }
0x95: {  	s2 =	sld [smem:$0x3FFD];
	_ =	sdelay $0x3  }
0x96: {  	_ =	strace s2  }
0x97: {  	_ =	strace $0x8FFFFFFF  }
0x98: {  	s18 =	sld [smem:$0x3FDB];
	_ =	sdelay $0x1  }
0x99: {  	s19 =	simm.s32 $_scs_section_size  }
0x9a: {  	s4 =	simm.s32 $_size__tile_overlayer_lowered;
	s5 =	simm.s32 $_tile_overlayer_lowered  }
0x9b: {  	s22 =	simm.s32 $0x1BFF;
	s21 =	sshll.u32 s5, $0x1;
	s2 =	sadd.s32 s19, s18  }
0x9c: {  	s6 =	simm.s32 $0x0;
	s20 =	sshll.u32 s4, $0x1;
	s4 =	sadd.s32 s21, s2  }
0x9d: {  	[timem:s6], [sflag:s22] =	dma.local [hbm:s4], s20  }
0x9e: {  	_ =	swait.ge [sflag:s22], s20  }
0x9f: {  	s3 =	ssub.s32 $0x0, s20;
	[sflag:s22] =	ssyncset.done $0x0  }
0xa0: {  	[sflag:s22] =	ssyncadd.s32 s3;
	_ =	sdelay $0x1  }
0xa1: {  	s23 =	simm.s32 $0x1B8B  }
0xa2: {  	_ =	swait.ge [sflag:s23], $0x1  }
0xa3: {  	[sflag:s23] =	ssyncset.done $0x0  }
0xa4: {  	s25 =	simm.s32 $0x1B8E;
	s24 =	sld [smem:$0x3FFE];
	[sflag:s23] =	ssyncadd.s32 $0xFFFFFFFF  }
0xa5: {  	s26 =	simm.s32 $execute0_lowered;
	[smem:$0x3FD2] =	sst s25  }
0xa6: {  	s4 =	sshll.u32 s26, $0x1;
	_ =	strace $0x8000004F;
	[dreg:$0x1] =	wrdreg $0xFFFFFFFF  }
0xa7: {  	s28 =	simm.s32 $_size_execute0_lowered;
	s2 =	sadd.s32 s2, s4;
	[dreg:$0x0] =	wrdreg $0x0  }
0xa8: {  	s4 =	sshll.u32 s28, $0x1;
	[dreg:$0x2] =	wrdreg s2  }
0xa9: {  	[dreg:$0x3] =	wrdreg s4  }
0xaa: {  	[dreg:$0x4] =	wrdreg $0xC0  }
0xab: {  	_ =	task [dreg:s6], $0x5FFFF  }
0xac: {  	[dreg:$0x1] =	wrdreg $0xFFFFFFFF  }
0xad: {  	[dreg:$0x0] =	wrdreg $0x60  }
0xae: {  	[dreg:$0x2] =	wrdreg s24  }
0xaf: {  	[dreg:$0x3] =	wrdreg $0x0  }
0xb0: {  	[dreg:$0x4] =	wrdreg $0x9  }
0xb1: {  	_ =	task.clear_ibuf [dreg:s6], $0x5FFFF;
	_ =	strace $0x9000004F  }
0xb2: {  	s29 =	simm.s32 $0x9;
	_ =	strace $0x80000051  }
0xb3: {  	_ =	swait.ge [sflag:s29], $0x1  }
0xb4: {  	[sflag:s29] =	ssyncadd.s32 $0xFFFFFFFF  }
0xb5: {  	_ =	strace $0x90000051  }
0xb6: {  	_ =	sfence  }
0xb7: {  	s30 =	sld [smem:$0x0];
	_ =	sdelay $0x2  }
0xb8: {  	s31 =	sshll.u32 s1, $0xD;
	s1 =	sshrl.u32 s1, $0x2  }
0xb9: {  	s3 =	sand.u32 $0x4000, s31;
	s1 =	sadd.s32 s1, s30  }
0xba: {  	s0 =	sor.u32 s3, s0;
	s1 =	sshll.u32 s1, $0x11  }
0xbb: {  	s0 =	sor.u32 s1, s0  }
0xbc: {  	s0 =	sadd.s32 $0x8F2B, s0  }
0xbd: {  	[sflag:s0] =	ssyncadd.remote.s32 $0x1  }
0xbe: {  	_ =	sfence.sel $0xFFFF  }
0xbf: {  	[dreg:$0x0] =	wrdreg $0xFFFFFFFF;
	(pc) =	sbr.abs _section_cstart, $3  }
0xc0: {  	[dreg:$0x1] =	wrdreg $0xFFFFFFFF  }
0xc1: {  	_ =	task.clear_ibuf [dreg:s6], $0x2FFFF;
	_ =	strace $0x9FFFFFFF  }
0xc2: {  	(tm) =	ssettm $0x7FFFFFFF  }
0xc3: {  	_ =	shalt  }
tec
execute0_lowered:
.L_overlay_start_1:
0x0: {  	(tag) =	ssettag $0x1  }
0x1: {  	s6 =	rddreg [dreg:$0x0]  }
0x2: {  	s2 =	rddreg [dreg:$0x1]  }
0x3: {  	s0 =	rddreg [dreg:$0x2];
	s3 =	simm.s32 $0x0;
	s1 =	stileid.u32  }
0x4: {  	s4 =	srdreg.scid;
	s14 =	simm.s32 $0x13C00;
	s15 =	simm.s32 $0x1  }
0x5: {  	s16 =	simm.s32 $0xC8;
	[smem:$0x7FF] =	sst s3;
	s7 =	smul.u32 $0x13C00, s1  }
0x6: {  	s8 =	sand.u32 $0x1, s4;
	s4 =	sadd.s32 $0xAE0E00, s6;
	s5 =	sadd.s32 $0x27E00, s6  }
0x7: {  	s11 =	smul.u32 $0x4F000, s1;
	s31 =	sshll.u32 s1, $0x6;
	_ =	strace $0x80000050  }
0x8: {  	s9 =	smul.u32 $0x13C000, s8;
	s28 =	ssub.s32 $0x2, s8;
	s30 =	sshll.u32 s8, $0x4  }
0x9: {  	s10 =	sshrl.u32 s7, $0x3;
	s12 =	sshrl.u32 s28, $0x1;
	s29 =	sshrl.u32 s11, $0x2  }
0xa: {  	s8 =	sor.u32 s1, s30;
	s7 =	sadd.s32 s7, s9;
	s10 =	sadd.s32 s10, s6  }
0xb: {  	s12 =	ssub.s32 s28, s12;
	s11 =	sadd.s32 s29, s2;
	s7 =	sshrl.u32 s7, $0x3  }
0xc: {  	s8 =	smul.u32 $0x2710, s8;
	s11 =	sshrl.u32 s11, $0x3;
	s13 =	sadd.s32 s7, s6  }
0xd: {  	s6 =	sadd.s32 $0xAB9600, s10;
	s7 =	sor.u32 $0x1C02, s31;
	s10 =	smax.u32 s12, $0x1  }
0xe: {  	s12 =	simm.s32 $0x2;
	s9 =	sadd.s32 $0x5D7600, s13;
	s13 =	simm.s32 $0x13D00  }
.LBB2_1:
0xf: {  	[spmem:s11], [sflag:s7] =	dma.local [hbm:s6], $0x2780  }
0x10: {  	_ =	swait.ge [sflag:s12], $0x2780  }
0x11: {  	[sflag:s12] =	ssyncset.done $0x0  }
0x12: {  	[sflag:s12] =	ssyncadd.s32 $0xFFFFD880  }
0x13: {  	s17 =	simm.s32 $0x0;
	[bflag:$0x0] =	sbarrier.arrive $0xFFFF  }
.LBB2_2:
0x14: {  	s18 =	smul.u32 $0xC8, s17;
	_ =	sdelay $0x1  }
0x15: {  	s18 =	sadd.s32 s8, s18  }
0x16: {  	s19 =	sshll.u32 s18, $0x4  }
0x17: {  	s20 =	simm.s32 $0x0;
	s18 =	sshrl.u32 s18, $0x3;
	s19 =	sadd.s32 s4, s19  }
0x18: {  	[tilespmem:s13], [sflag:$0x1] =	stream.linear.gather [hbm4b:s19+s20], $0x6400, $0x38;
	[tilespmem:$0x1A100] =	vst v63  }
0x19: {  	s18 =	sadd.s32 s5, s18  }
0x1a: {  	[tilespmem:s14], [sflag:$0x1] =	stream.linear.gather [hbm4b:s18+s20], $0xC8, $0x38;
	[tilespmem:$0x1A100] =	vst v63  }
0x1b: {  	_ =	swait.ge [sflag:s15], $0x6400  }
0x1c: {  	[sflag:s15] =	ssyncset.done $0x0  }
0x1d: {  	[sflag:s15] =	ssyncadd.s32 $0xFFFF9C00  }
0x1e: {  	_ =	swait.ge [sflag:s15], $0xC8  }
0x1f: {  	[sflag:s15] =	ssyncset.done $0x0  }
0x20: {  	s18 =	simm.s32 $0x0;
	[sflag:s15] =	ssyncadd.s32 $0xFFFFFF38  }
0x21: {  	v3 =	vld [tilespmem:s18+$0x13D00]  }
0x22: {  	v5 =	vld [tilespmem:s18+$0x13D10]  }
0x23: {  	v4 =	vld [tilespmem:s18+$0x13D20]  }
0x24: {  	v1 =	vld [tilespmem:s18+$0x13D30]  }
0x25: {  	v2 =	vld [tilespmem:s18+$0x13D40]  }
0x26: {  	v0 =	vld [tilespmem:s18+$0x13D50];
	v6 =	vsub.f32 $0.0e+00, v3  }
0x27: {  	s19 =	simm.s32 $0x200;
	v5 =	vsub.f32 $0.0e+00, v5;
	v3 =	vld [tilespmem:s18+$0x13D60]  }
.LBB2_3:
0x28: {  	p0 =	sne.s32 s19, $0x18E00;
	v6 =	vmul.f32 $1.442695020e+00, v6;
	v4 =	vsub.f32 $0.0e+00, v4;
	v7 =	vld [tilespmem:s18+$0x13D70]  }
0x29: {  	v5 =	vmul.f32 $1.442695020e+00, v5;
	v1 =	vsub.f32 $0.0e+00, v1  }
0x2a: {  	v4 =	vmul.f32 $1.442695020e+00, v4;
	v2 =	vsub.f32 $0.0e+00, v2;
	(erf) = vpow2.f32 v6  }
0x2b: {  	v1 =	vmul.f32 $1.442695020e+00, v1;
	v0 =	vsub.f32 $0.0e+00, v0;
	(erf) = vpow2.f32 v5  }
0x2c: {  	v2 =	vmul.f32 $1.442695020e+00, v2;
	v3 =	vsub.f32 $0.0e+00, v3;
	(erf) = vpow2.f32 v4  }
0x2d: {  	v0 =	vmul.f32 $1.442695020e+00, v0;
	v4 =	vsub.f32 $0.0e+00, v7;
	(erf) = vpow2.f32 v1  }
0x2e: {  	v1 =	vmul.f32 $1.442695020e+00, v3;
	(erf) = vpow2.f32 v2  }
0x2f: {  	v2 =	vmul.f32 $1.442695020e+00, v4;
	(erf) = vpow2.f32 v0  }
0x30: {  	(erf) = vpow2.f32 v1  }
0x31: {  	(erf) = vpow2.f32 v2;
	_ =	sdelay $0x1  }
0x32: {  	v0 =	vpop (erf)  }
0x33: {  	v3 =	vadd.f32 $1.000000000e+00, v0;
	v1 =	vpop (erf)  }
0x34: {  	v4 =	vadd.f32 $1.000000000e+00, v1;
	v2 =	vpop (erf)  }
0x35: {  	v5 =	vadd.f32 $1.000000000e+00, v2;
	(erf) = vrcp.f32 v3;
	v0 =	vpop (erf)  }
0x36: {  	v3 =	vadd.f32 $1.000000000e+00, v0;
	(erf) = vrcp.f32 v4;
	v1 =	vpop (erf)  }
0x37: {  	v4 =	vadd.f32 $1.000000000e+00, v1;
	(erf) = vrcp.f32 v5;
	v2 =	vpop (erf)  }
0x38: {  	v2 =	vadd.f32 $1.000000000e+00, v2;
	(erf) = vrcp.f32 v3;
	v0 =	vpop (erf)  }
0x39: {  	v0 =	vadd.f32 $1.000000000e+00, v0;
	(erf) = vrcp.f32 v4;
	v1 =	vpop (erf)  }
0x3a: {  	v1 =	vadd.f32 $1.000000000e+00, v1;
	(erf) = vrcp.f32 v2  }
0x3b: {  	(erf) = vrcp.f32 v0  }
0x3c: {  	(erf) = vrcp.f32 v1;
	_ =	sdelay $0x1  }
0x3d: {  	v0 =	vpop (erf)  }
0x3e: {  	s20 =	sshra.s32 s19, $0x2;
	[tilespmem:s18+$0x13D00] =	vst v0;
	v0 =	vpop (erf)  }
0x3f: {  	v3 =	vld [tilespmem:s20+$0x13D00];
	[tilespmem:s18+$0x13D10] =	vst v0;
	v0 =	vpop (erf)  }
0x40: {  	v5 =	vld [tilespmem:s20+$0x13D10];
	[tilespmem:s18+$0x13D20] =	vst v0;
	v0 =	vpop (erf)  }
.Ltmp0:
0x41: {  	v4 =	vld [tilespmem:s20+$0x13D20];
	[tilespmem:s18+$0x13D30] =	vst v0;
	v0 =	vpop (erf);
	(pc) =	sbr.rel @p0 .LBB2_3-.Ltmp0, $4  }
0x42: {  	v1 =	vld [tilespmem:s20+$0x13D30];
	[tilespmem:s18+$0x13D40] =	vst v0;
	v0 =	vpop (erf)  }
0x43: {  	v2 =	vld [tilespmem:s20+$0x13D40];
	[tilespmem:s18+$0x13D50] =	vst v0;
	v7 =	vpop (erf)  }
0x44: {  	v6 =	vsub.f32 $0.0e+00, v3;
	v0 =	vld [tilespmem:s20+$0x13D50];
	[tilespmem:s18+$0x13D60] =	vst v7;
	v7 =	vpop (erf)  }
0x45: {  	s19 =	sadd.s32 $0x200, s19;
	v5 =	vsub.f32 $0.0e+00, v5;
	v3 =	vld [tilespmem:s20+$0x13D60];
	[tilespmem:s18+$0x13D70] =	vst v7;
	s18 =	smov.u32 s20  }
0x46: {  	v6 =	vmul.f32 $1.442695020e+00, v6;
	v4 =	vsub.f32 $0.0e+00, v4;
	v7 =	vld [tilespmem:s18+$0x13D70]  }
0x47: {  	v5 =	vmul.f32 $1.442695020e+00, v5;
	v1 =	vsub.f32 $0.0e+00, v1  }
0x48: {  	v4 =	vmul.f32 $1.442695020e+00, v4;
	v2 =	vsub.f32 $0.0e+00, v2;
	(erf) = vpow2.f32 v6  }
0x49: {  	v1 =	vmul.f32 $1.442695020e+00, v1;
	v0 =	vsub.f32 $0.0e+00, v0;
	(erf) = vpow2.f32 v5  }
0x4a: {  	v2 =	vmul.f32 $1.442695020e+00, v2;
	v3 =	vsub.f32 $0.0e+00, v3;
	(erf) = vpow2.f32 v4  }
0x4b: {  	v0 =	vmul.f32 $1.442695020e+00, v0;
	v45 =	vsub.f32 $0.0e+00, v7;
	(erf) = vpow2.f32 v1  }
0x4c: {  	v46 =	vmul.f32 $1.442695020e+00, v3;
	(erf) = vpow2.f32 v2  }
0x4d: {  	v47 =	vmul.f32 $1.442695020e+00, v45;
	(erf) = vpow2.f32 v0  }
0x4e: {  	(erf) = vpow2.f32 v46  }
0x4f: {  	(erf) = vpow2.f32 v47;
	_ =	sdelay $0x1  }
0x50: {  	v48 =	vpop (erf)  }
0x51: {  	v0 =	vadd.f32 $1.000000000e+00, v48;
	v49 =	vpop (erf)  }
0x52: {  	v1 =	vadd.f32 $1.000000000e+00, v49;
	v50 =	vpop (erf)  }
0x53: {  	v2 =	vadd.f32 $1.000000000e+00, v50;
	(erf) = vrcp.f32 v0;
	v51 =	vpop (erf)  }
0x54: {  	v0 =	vadd.f32 $1.000000000e+00, v51;
	(erf) = vrcp.f32 v1;
	v52 =	vpop (erf)  }
0x55: {  	v1 =	vadd.f32 $1.000000000e+00, v52;
	(erf) = vrcp.f32 v2;
	v53 =	vpop (erf)  }
0x56: {  	v2 =	vadd.f32 $1.000000000e+00, v53;
	(erf) = vrcp.f32 v0;
	v54 =	vpop (erf)  }
0x57: {  	v0 =	vadd.f32 $1.000000000e+00, v54;
	(erf) = vrcp.f32 v1;
	v55 =	vpop (erf)  }
0x58: {  	v1 =	vadd.f32 $1.000000000e+00, v55;
	(erf) = vrcp.f32 v2  }
0x59: {  	(erf) = vrcp.f32 v0  }
0x5a: {  	(erf) = vrcp.f32 v1;
	_ =	sdelay $0x1  }
0x5b: {  	v56 =	vpop (erf)  }
0x5c: {  	[tilespmem:s18+$0x13D00] =	vst v56;
	v57 =	vpop (erf)  }
0x5d: {  	[tilespmem:s18+$0x13D10] =	vst v57;
	v58 =	vpop (erf)  }
0x5e: {  	[tilespmem:s18+$0x13D20] =	vst v58;
	v59 =	vpop (erf)  }
0x5f: {  	[tilespmem:s18+$0x13D30] =	vst v59;
	v60 =	vpop (erf)  }
0x60: {  	[tilespmem:s18+$0x13D40] =	vst v60;
	v61 =	vpop (erf)  }
0x61: {  	s17 =	sadd.s32 $0x1, s17;
	[tilespmem:s18+$0x13D50] =	vst v61;
	v62 =	vpop (erf)  }
0x62: {  	p0 =	sne.s32 s17, $0x32;
	[tilespmem:s18+$0x13D60] =	vst v62;
	v63 =	vpop (erf)  }
.Ltmp1:
0x63: {  	[tilespmem:s18+$0x13D70] =	vst v63;
	(pc) =	sbr.rel @p0 .LBB2_2-.Ltmp1, $4  }
0x64: {  	[spmem:s2] =	stream.indirect.scatter.add.f32 [tilespmem:s13], [sflag:$0x1], $0x80, s14, s16, $0xb8;
	[tilespmem:$0x1A100] =	vst v63  }
0x65: {  	_ =	swait.ge [sflag:s15], $0x6400  }
0x66: {  	[sflag:s15] =	ssyncset.done $0x0  }
0x67: {  	[sflag:s15] =	ssyncadd.s32 $0xFFFF9C00  }
0x68: {  	s3 =	sadd.s32 $0x1, s3  }
0x69: {  	p0 =	sne.s32 s3, s10  }
.Ltmp2:
0x6a: {  	[bflag:$0x0] =	sbarrier.arrive $0xFFFF;
	(pc) =	sbr.rel @p0 .LBB2_1-.Ltmp2, $4  }
0x6b: {  	[hbm:s9], [sflag:s7] =	dma.local [spmem:s11], $0x2780  }
0x6c: {  	_ =	swait.ge [sflag:s12], $0x2780  }
0x6d: {  	[sflag:s12] =	ssyncset.done $0x0  }
0x6e: {  	[sflag:s12] =	ssyncadd.s32 $0xFFFFD880  }
0x6f: {  	_ =	sfence.sel $0x180000  }
0x70: {  	[bflag:$0x0] =	sbarrier.arrive $0xFFFF  }
0x71: {  	p0 =	sne.s32 s1, $0x0;
	_ =	strace $0x90000050  }
0x72: {  	s0 =	sadd.s32 @!p0 $0x100000, s0;
	[bflag:$0x2] =	sbarrier.arrive $0xFFFF  }
0x73: {  	[sflag:s0] =	ssyncadd.tile.s32 @!p0 $0x1;
	_ =	shalt  }
.Lfunc_end2:
_tile_overlayer_lowered:
.L_overlay_start_2:
0x74: {  	(tag) =	ssettag $0x2  }
0x75: {  	s0 =	rddreg [dreg:$0x0];
	s2 =	stileid.u32  }
0x76: {  	s1 =	rddreg [dreg:$0x1];
	p0 =	sne.s32 s2, $0x0  }
0x77: {  	s3 =	rddreg [dreg:$0x2];
	[bflag:$0x3] =	sbarrier.arrive $0xFFFF;
	s2 =	simm.s32 @!p0 $0x1C02  }
0x78: {  	[timem:s3], [sflag:s2] =	dma.local @!p0 [hbm:s0], s1  }
0x79: {  	s0 =	simm.s32 @!p0 $0x2  }
0x7a: {  	_ =	swait.ge @!p0 [sflag:s0], s1  }
0x7b: {  	s1 =	ssub.s32 @!p0 $0x0, s1;
	[sflag:s0] =	ssyncset.done @!p0 $0x0  }
0x7c: {  	[sflag:s0] =	ssyncadd.s32 @!p0 s1  }
0x7d: {  	[bflag:$0x3] =	sbarrier.arrive $0xFFFF  }
0x7e: {  	_ =	shalt  }

// kernel: kernel.39.cloned.1.call-start
scs
__scs_entry_jumppad:
0x0: {  	(pc) =	sbr.rel $0x88, $3  }
0x1: {  	(tag) =	ssettag $0x0;
	lr =	simm.s32 $0x1  }
0x2: {  	[smem:$0x3F84] =	sst lr;
	_ =	strace $0xD0000000  }
0x3: {  	_ = 	snop  }
0x4: {  	_ = 	snop  }
0x5: {  	_ = 	snop  }
0x6: {  	_ = 	snop  }
0x7: {  	_ = 	snop  }
__scs_overlays_trampoline_lowered:
0x8: {  	[smem:$0x3F93] =	sst s0  }
0x9: {  	[smem:$0x3F94] =	sst s1  }
0xa: {  	[smem:$0x3F95] =	sst s2  }
0xb: {  	[smem:$0x3F96] =	sst s3  }
0xc: {  	[smem:$0x3F97] =	sst s4  }
0xd: {  	[smem:$0x3F98] =	sst s5  }
0xe: {  	[smem:$0x3F99] =	sst s6  }
0xf: {  	[smem:$0x3F9A] =	sst s7  }
0x10: {  	[smem:$0x3F9B] =	sst s8  }
0x11: {  	[smem:$0x3F9C] =	sst s9;
	s0 =	simm.s32 @!p0 $0x0  }
0x12: {  	s1 =	sld [smem:$0x3F82];
	s0 =	simm.s32 @p0 $0x1  }
0x13: {  	[smem:$0x3F9D] =	sst s0;
	s0 =	simm.s32 @!p1 $0x0  }
0x14: {  	s2 =	sld [smem:$0x3F81];
	s0 =	simm.s32 @p1 $0x1  }
0x15: {  	[smem:$0x3F9E] =	sst s0;
	s0 =	simm.s32 @!p2 $0x0  }
0x16: {  	s3 =	sld [smem:$0x3FDB];
	s0 =	simm.s32 @p2 $0x1  }
0x17: {  	s4 =	simm.s32 $0x1BF5;
	[smem:$0x3FA0] =	sst s0  }
0x18: {  	s0 =	sld [smem:$0x3F83];
	_ =	swait.ge [sflag:s4], $0x0  }
0x19: {  	s7 =	sld [smem:$0x3F84]  }
0x1a: {  	s8 =	sadd.s32 $0xFFFFE003, lr  }
0x1b: {  	s9 =	sadd.s32 $0xFFFFFEF7, lr;
	s5 =	simm.s32 $0xFFFFFFFF;
	p2 =	slt.u32 s8, $0xFFFFF086  }
0x1c: {  	p1 =	slt.u32 s9, $0xF7A;
	s5 =	simm.s32 @!p2 $0x0  }
0x1d: {  	s5 =	simm.s32 @p1 $0x1;
	p0 =	seq.s32 s7, s2  }
0x1e: {  	s7 =	smul.u32 @!p0 $0xF7A, s2;
	p2 =	seq.s32 @!p0 s5, $0x0  }
0x1f: {  	s9 =	smul.u32 $0xF7A, s1;
	s8 =	simm.s32 @!p0 $0x1BF5;
	p2 =	por !p2, p0  }
0x20: {  	[sflag:s8] =	ssyncset.s32 @!p0 $0xFFFFF086;
	s6 =	sadd.s32 @!p0 s3, s7;
	s7 =	simm.s32 @!p0 $0x108  }
0x21: {  	s3 =	sadd.s32 s3, s9;
	s6 =	sadd.s32 @!p0 $0x88, s6;
	s7 =	simm.s32 @p2 $0x1082  }
0x22: {  	[simem:s7], [sflag:s8] =	dma.local @!p0 [hbm:s6], $0xF7A  }
0x23: {  	s9 =	sor.u32 $0xD0000000, s2;
	s6 =	simm.s32 $0x108;
	_ =	swait.ge @!p0 [sflag:s8], $0x0  }
0x24: {  	s3 =	sadd.s32 $0x88, s3;
	s6 =	simm.s32 @!p1 $0x1082;
	[sflag:s4] =	ssyncset.s32 $0xFFFFF086  }
0x25: {  	[simem:s6], [sflag:s4] =	dma.local [hbm:s3], $0xF7A  }
0x26: {  	[smem:$0x3F84] =	sst s1;
	(tag) =	ssettag s2;
	_ =	strace s9  }
0x27: {  	s1 =	sld [smem:$0x3F94]  }
0x28: {  	s2 =	sld [smem:$0x3F95]  }
0x29: {  	s4 =	sld [smem:$0x3F97]  }
0x2a: {  	p0 =	seq.s32 s5, $0x0;
	s5 =	sld [smem:$0x3F98]  }
0x2b: {  	s6 =	sld [smem:$0x3F99]  }
0x2c: {  	s7 =	sld [smem:$0x3F9A]  }
0x2d: {  	s3 =	simm.s32 $0x108;
	s8 =	sld [smem:$0x3F9B]  }
0x2e: {  	s3 =	simm.s32 @!p0 $0x1082;
	s9 =	sld [smem:$0x3F9C]  }
0x2f: {  	lr =	sadd.s32 s0, s3;
	s0 =	sld [smem:$0x3F93]  }
0x30: {  	s3 =	sld [smem:$0x3F96]  }
0x31: {  	[smem:$0x3F9F] =	sst s10  }
0x32: {  	s10 =	sld [smem:$0x3F9D];
	_ =	sdelay $0x3  }
0x33: {  	p0 =	seq.s32 s10, $0x1;
	s10 =	sld [smem:$0x3F9F];
	_ =	sdelay $0x3  }
0x34: {  	[smem:$0x3F9F] =	sst s10  }
0x35: {  	s10 =	sld [smem:$0x3F9E];
	_ =	sdelay $0x3  }
0x36: {  	p1 =	seq.s32 s10, $0x1;
	s10 =	sld [smem:$0x3F9F];
	_ =	sdelay $0x3  }
0x37: {  	[smem:$0x3F9F] =	sst s10  }
0x38: {  	s10 =	sld [smem:$0x3FA0]  }
0x39: {  	_ = 	snop;
	(pc) =	sbr.ind lr, $3  }
0x3a: {  	_ = 	snop  }
0x3b: {  	_ = 	snop  }
0x3c: {  	p2 =	seq.s32 s10, $0x1;
	s10 =	sld [smem:$0x3F9F]  }
0x3d: {  	_ =	shalt  }
0x3e: {  	_ =	shalt  }
0x3f: {  	_ =	shalt  }
0x40: {  	_ =	shalt  }
0x41: {  	_ =	shalt  }
0x42: {  	_ =	shalt  }
0x43: {  	_ =	shalt  }
0x44: {  	_ =	shalt  }
0x45: {  	_ =	shalt  }
0x46: {  	_ =	shalt  }
0x47: {  	_ =	shalt  }
0x48: {  	_ =	shalt  }
0x49: {  	_ =	shalt  }
0x4a: {  	_ =	shalt  }
0x4b: {  	_ =	shalt  }
0x4c: {  	_ =	shalt  }
0x4d: {  	_ =	shalt  }
0x4e: {  	_ =	shalt  }
0x4f: {  	_ =	shalt  }
0x50: {  	_ =	shalt  }
0x51: {  	_ =	shalt  }
0x52: {  	_ =	shalt  }
0x53: {  	_ =	shalt  }
0x54: {  	_ =	shalt  }
0x55: {  	_ =	shalt  }
0x56: {  	_ =	shalt  }
0x57: {  	_ =	shalt  }
0x58: {  	_ =	shalt  }
0x59: {  	_ =	shalt  }
0x5a: {  	_ =	shalt  }
0x5b: {  	_ =	shalt  }
0x5c: {  	_ =	shalt  }
0x5d: {  	_ =	shalt  }
0x5e: {  	_ =	shalt  }
0x5f: {  	_ =	shalt  }
0x60: {  	_ =	shalt  }
0x61: {  	_ =	shalt  }
0x62: {  	_ =	shalt  }
0x63: {  	_ =	shalt  }
0x64: {  	_ =	shalt  }
0x65: {  	_ =	shalt  }
0x66: {  	_ =	shalt  }
0x67: {  	_ =	shalt  }
0x68: {  	_ =	shalt  }
0x69: {  	_ =	shalt  }
0x6a: {  	_ =	shalt  }
0x6b: {  	_ =	shalt  }
0x6c: {  	_ =	shalt  }
0x6d: {  	_ =	shalt  }
0x6e: {  	_ =	shalt  }
0x6f: {  	_ =	shalt  }
0x70: {  	_ =	shalt  }
0x71: {  	_ =	shalt  }
0x72: {  	_ =	shalt  }
0x73: {  	_ =	shalt  }
0x74: {  	_ =	shalt  }
0x75: {  	_ =	shalt  }
0x76: {  	_ =	shalt  }
0x77: {  	_ =	shalt  }
0x78: {  	_ =	shalt  }
0x79: {  	_ =	shalt  }
0x7a: {  	_ =	shalt  }
0x7b: {  	_ =	shalt  }
0x7c: {  	_ =	shalt  }
0x7d: {  	_ =	shalt  }
0x7e: {  	_ =	shalt  }
0x7f: {  	_ =	shalt  }
0x80: {  	_ =	shalt  }
0x81: {  	_ =	shalt  }
0x82: {  	_ =	shalt  }
0x83: {  	_ =	shalt  }
0x84: {  	_ =	shalt  }
0x85: {  	_ =	shalt  }
0x86: {  	_ =	shalt  }
0x87: {  	_ =	shalt  }
.Lfunc_end0:
.L_simem_size_0:
called_computation.4_lowered:
.L_overlay_start_0:
0x88: {  	s2 =	sld [smem:$0x3FD9]  }
0x89: {  	s3 =	sld [smem:$0x3FFE];
	_ =	sdelay $0x1  }
0x8a: {  	s1 =	srdreg.scid  }
0x8b: {  	s0 =	sand.u32 $0x1, s1  }
0x8c: {  	s16 =	sshll.u32 s0, $0xA;
	s2 =	sadd.s32 s3, s2  }
0x8d: {  	s2 =	sadd.s32 s2, s16  }
0x8e: {  	[smem:$0x3FAB] =	sst s2  }
0x8f: {  	_ = 	snop  }
0x90: {  	(tm) =	ssettm $0x1  }
0x91: {  	s17 =	sld [smem:$0x3FFB];
	_ =	sdelay $0x3  }
0x92: {  	_ =	strace s17  }
0x93: {  	s2 =	sld [smem:$0x3FFC];
	_ =	sdelay $0x3  }
0x94: {  	_ =	strace s2  }
0x95: {  	s2 =	sld [smem:$0x3FFD];
	_ =	sdelay $0x3  }
0x96: {  	_ =	strace s2  }
0x97: {  	_ =	strace $0x8FFFFFFF  }
0x98: {  	s18 =	sld [smem:$0x3FDB];
	_ =	sdelay $0x1  }
0x99: {  	s19 =	simm.s32 $_scs_section_size  }
0x9a: {  	s4 =	simm.s32 $_size__tile_overlayer_lowered;
	s5 =	simm.s32 $_tile_overlayer_lowered  }
0x9b: {  	s22 =	simm.s32 $0x1BFF;
	s21 =	sshll.u32 s5, $0x1;
	s2 =	sadd.s32 s19, s18  }
0x9c: {  	s6 =	simm.s32 $0x0;
	s20 =	sshll.u32 s4, $0x1;
	s4 =	sadd.s32 s21, s2  }
0x9d: {  	[timem:s6], [sflag:s22] =	dma.local [hbm:s4], s20  }
0x9e: {  	_ =	swait.ge [sflag:s22], s20  }
0x9f: {  	s3 =	ssub.s32 $0x0, s20;
	[sflag:s22] =	ssyncset.done $0x0  }
0xa0: {  	[sflag:s22] =	ssyncadd.s32 s3;
	_ =	sdelay $0x1  }
0xa1: {  	s23 =	simm.s32 $0x1B8B  }
0xa2: {  	_ =	swait.ge [sflag:s23], $0x1  }
0xa3: {  	[sflag:s23] =	ssyncset.done $0x0  }
0xa4: {  	s25 =	simm.s32 $0x1B8E;
	s24 =	sld [smem:$0x3FFE];
	[sflag:s23] =	ssyncadd.s32 $0xFFFFFFFF  }
0xa5: {  	s26 =	simm.s32 $execute0_lowered;
	[smem:$0x3FD2] =	sst s25  }
0xa6: {  	s4 =	sshll.u32 s26, $0x1;
	_ =	strace $0x80000052;
	[dreg:$0x1] =	wrdreg $0xFFFFFFFF  }
0xa7: {  	s28 =	simm.s32 $_size_execute0_lowered;
	s2 =	sadd.s32 s2, s4;
	[dreg:$0x0] =	wrdreg $0x0  }
0xa8: {  	s4 =	sshll.u32 s28, $0x1;
	[dreg:$0x2] =	wrdreg s2  }
0xa9: {  	[dreg:$0x3] =	wrdreg s4  }
0xaa: {  	[dreg:$0x4] =	wrdreg $0xC0  }
0xab: {  	_ =	task [dreg:s6], $0x5FFFF  }
0xac: {  	[dreg:$0x1] =	wrdreg $0xFFFFFFFF  }
0xad: {  	[dreg:$0x0] =	wrdreg $0x60  }
0xae: {  	[dreg:$0x2] =	wrdreg s24  }
0xaf: {  	[dreg:$0x3] =	wrdreg $0x0  }
0xb0: {  	[dreg:$0x4] =	wrdreg $0x9  }
0xb1: {  	_ =	task.clear_ibuf [dreg:s6], $0x5FFFF;
	_ =	strace $0x90000052  }
0xb2: {  	s29 =	simm.s32 $0x9;
	_ =	strace $0x80000054  }
0xb3: {  	_ =	swait.ge [sflag:s29], $0x1  }
0xb4: {  	[sflag:s29] =	ssyncadd.s32 $0xFFFFFFFF  }
0xb5: {  	_ =	strace $0x90000054  }
0xb6: {  	_ =	sfence  }
0xb7: {  	s30 =	sld [smem:$0x0];
	_ =	sdelay $0x2  }
0xb8: {  	s31 =	sshll.u32 s1, $0xD;
	s1 =	sshrl.u32 s1, $0x2  }
0xb9: {  	s3 =	sand.u32 $0x4000, s31;
	s1 =	sadd.s32 s1, s30  }
0xba: {  	s0 =	sor.u32 s3, s0;
	s1 =	sshll.u32 s1, $0x11  }
0xbb: {  	s0 =	sor.u32 s1, s0  }
0xbc: {  	s0 =	sadd.s32 $0x8F2B, s0  }
0xbd: {  	[sflag:s0] =	ssyncadd.remote.s32 $0x1  }
0xbe: {  	_ =	sfence.sel $0xFFFF  }
0xbf: {  	[dreg:$0x0] =	wrdreg $0xFFFFFFFF;
	(pc) =	sbr.abs _section_cstart, $3  }
0xc0: {  	[dreg:$0x1] =	wrdreg $0xFFFFFFFF  }
0xc1: {  	_ =	task.clear_ibuf [dreg:s6], $0x2FFFF;
	_ =	strace $0x9FFFFFFF  }
0xc2: {  	(tm) =	ssettm $0x7FFFFFFF  }
0xc3: {  	_ =	shalt  }
tec
execute0_lowered:
.L_overlay_start_1:
0x0: {  	(tag) =	ssettag $0x1  }
0x1: {  	s0 =	rddreg [dreg:$0x0]  }
0x2: {  	s2 =	rddreg [dreg:$0x1];
	s3 =	simm.s32 $0x0;
	s16 =	stileid.u32  }
0x3: {  	s1 =	srdreg.scid;
	s17 =	simm.s32 $0x3;
	s18 =	simm.s32 $0x13C00  }
0x4: {  	s19 =	simm.s32 $0x13C80;
	s20 =	simm.s32 $0x1B500;
	s21 =	simm.s32 $0x1  }
0x5: {  	s22 =	simm.s32 $0x50;
	s23 =	simm.s32 $0x13D00;
	s24 =	simm.s32 $0x16500  }
0x6: {  	s25 =	simm.s32 $0x18D00;
	s28 =	simm.s32 $0x0;
	[smem:$0x7FF] =	sst s3  }
0x7: {  	s10 =	smul.u32 $0x13C00, s16;
	s1 =	sand.u32 $0x1, s1;
	s4 =	sadd.s32 $0x53AE00, s0  }
0x8: {  	s5 =	sadd.s32 $0x562000, s0;
	s6 =	sadd.s32 $0x589200, s0;
	s7 =	sadd.s32 $0x58E00, s0  }
0x9: {  	s8 =	sadd.s32 $0x1E000, s0;
	s9 =	sadd.s32 $0x27E00, s0;
	s13 =	smul.u32 $0x4F000, s16  }
0xa: {  	s31 =	sshll.u32 s16, $0x6;
	_ =	strace $0x80000053;
	s11 =	smul.u32 $0x13C000, s1  }
0xb: {  	s26 =	ssub.s32 $0x2, s1;
	s1 =	sshll.u32 s1, $0x4;
	s12 =	sshrl.u32 s10, $0x3  }
0xc: {  	s15 =	sshrl.u32 s26, $0x1;
	s30 =	sshrl.u32 s13, $0x2;
	s1 =	sor.u32 s16, s1  }
0xd: {  	s10 =	sadd.s32 s10, s11;
	s12 =	sadd.s32 s12, s0;
	s29 =	ssub.s32 s26, s15  }
0xe: {  	s11 =	sadd.s32 s30, s2;
	s13 =	smul.u32 $0x2710, s1;
	s26 =	simm.s32 $0x2  }
0xf: {  	s10 =	sshrl.u32 s10, $0x3;
	s12 =	sadd.s32 $0xAB9600, s12;
	s15 =	smax.u32 s29, $0x1  }
0x10: {  	s16 =	sshrl.u32 s11, $0x3;
	s14 =	sadd.s32 s10, s0;
	s10 =	sadd.s32 $0xAE0E00, s0  }
0x11: {  	[dreg:$0x3] =	wrdreg s12;
	s12 =	sor.u32 $0x1C03, s31;
	s14 =	sadd.s32 $0x5D7600, s14  }
.LBB2_1:
0x12: {  	s0 =	rddreg [dreg:$0x3]  }
0x13: {  	[spmem:s16], [sflag:s12] =	dma.local [hbm:s0], $0x2780  }
0x14: {  	_ =	swait.ge [sflag:s17], $0x2780  }
0x15: {  	[sflag:s17] =	ssyncset.done $0x0  }
0x16: {  	[sflag:s17] =	ssyncadd.s32 $0xFFFFD880  }
0x17: {  	s29 =	simm.s32 $0x0;
	[bflag:$0x0] =	sbarrier.arrive $0xFFFF  }
.LBB2_2:
0x18: {  	s0 =	smul.u32 $0x50, s29;
	_ =	sdelay $0x1  }
0x19: {  	s0 =	sadd.s32 s13, s0  }
0x1a: {  	s1 =	sshrl.u32 s0, $0x3  }
0x1b: {  	s31 =	simm.s32 $0x0;
	s11 =	sadd.s32 s8, s1  }
0x1c: {  	[tilespmem:s18], [sflag:$0x1] =	stream.linear.gather [hbm4b:s11+s31], $0x50, $0x38;
	[tilespmem:$0x1DD00] =	vst v63  }
0x1d: {  	s30 =	sshll.u32 s0, $0x4;
	s1 =	sadd.s32 s9, s1  }
0x1e: {  	[tilespmem:s19], [sflag:$0x1] =	stream.linear.gather [hbm4b:s1+s31], $0x50, $0x38;
	[tilespmem:$0x1DD00] =	vst v63  }
0x1f: {  	s0 =	sadd.s32 s7, s30  }
0x20: {  	[tilespmem:s20], [sflag:$0x2] =	stream.linear.gather [hbm4b:s0+s31], $0x2800, $0x38;
	[tilespmem:$0x1DD00] =	vst v63  }
0x21: {  	_ =	swait.ge [sflag:s21], $0x50  }
0x22: {  	[sflag:s21] =	ssyncset.done $0x0  }
0x23: {  	[sflag:s21] =	ssyncadd.s32 $0xFFFFFFB0  }
0x24: {  	_ =	swait.ge [sflag:s21], $0x50  }
0x25: {  	[sflag:s21] =	ssyncset.done $0x0  }
0x26: {  	[sflag:s21] =	ssyncadd.s32 $0xFFFFFFB0  }
0x27: {  	[tilespmem:s23], [sflag:$0x1] =	stream.indirect.gather [hbm4b:s4+s22], $0x80, s18, s22, $0xb8;
	[tilespmem:$0x1DD00] =	vst v63  }
0x28: {  	_ = 	snop  }
0x29: {  	[tilespmem:s24], [sflag:$0x1] =	stream.indirect.gather [hbm4b:s5+s22], $0x80, s18, s22, $0xb8;
	[tilespmem:$0x1DD00] =	vst v63  }
0x2a: {  	_ = 	snop  }
0x2b: {  	[tilespmem:s25], [sflag:$0x1] =	stream.indirect.gather [hbm4b:s6+s22], $0x80, s19, s22, $0xb8;
	[tilespmem:$0x1DD00] =	vst v63  }
0x2c: {  	_ =	swait.ge [sflag:s26], $0x2800  }
0x2d: {  	[sflag:s26] =	ssyncset.done $0x0  }
0x2e: {  	[sflag:s26] =	ssyncadd.s32 $0xFFFFD800  }
0x2f: {  	_ =	swait.ge [sflag:s21], $0x2800  }
0x30: {  	[sflag:s21] =	ssyncset.done $0x0  }
0x31: {  	[sflag:s21] =	ssyncadd.s32 $0xFFFFD800  }
0x32: {  	_ =	swait.ge [sflag:s21], $0x2800  }
0x33: {  	[sflag:s21] =	ssyncset.done $0x0  }
0x34: {  	[sflag:s21] =	ssyncadd.s32 $0xFFFFD800  }
0x35: {  	_ =	swait.ge [sflag:s21], $0x2800  }
0x36: {  	[sflag:s21] =	ssyncset.done $0x0  }
0x37: {  	s31 =	simm.s32 $0x0;
	[sflag:s21] =	ssyncadd.s32 $0xFFFFD800  }
0x38: {  	v0 =	vld [tilespmem:s31+$0x1B520]  }
0x39: {  	v1 =	vld [tilespmem:s31+$0x1B500]  }
0x3a: {  	v2 =	vld [tilespmem:s31+$0x1B510]  }
0x3b: {  	v3 =	vld [tilespmem:s31+$0x18D00]  }
0x3c: {  	v4 =	vld [tilespmem:s31+$0x18D50]  }
0x3d: {  	v5 =	vld [tilespmem:s31+$0x18D40]  }
0x3e: {  	v6 =	vld [tilespmem:s31+$0x18D30]  }
0x3f: {  	v7 =	vld [tilespmem:s31+$0x13D00]  }
0x40: {  	v8 =	vld [tilespmem:s31+$0x1B530]  }
0x41: {  	v9 =	vld [tilespmem:s31+$0x13D30]  }
0x42: {  	v10 =	vld [tilespmem:s31+$0x18D10]  }
0x43: {  	v11 =	vld [tilespmem:s31+$0x18D20]  }
0x44: {  	v12 =	vld [tilespmem:s31+$0x13D20]  }
0x45: {  	v13 =	vld [tilespmem:s31+$0x1B540]  }
0x46: {  	v14 =	vld [tilespmem:s31+$0x13D10];
	v3 =	vadd.f32 v3, v7  }
0x47: {  	v6 =	vadd.f32 v6, v9;
	v9 =	vld [tilespmem:s31+$0x13D40]  }
0x48: {  	v61 =	vld [tilespmem:s31+$0x1B550];
	v1 =	vadd.f32 v1, v3  }
0x49: {  	v63 =	vld [tilespmem:s31+$0x13D60];
	v11 =	vadd.f32 v11, v12  }
0x4a: {  	v7 =	vld [tilespmem:s31+$0x18D70];
	v6 =	vadd.f32 v8, v6;
	[tilespmem:s31+$0x1B500] =	vst v1;
	v1 =	vsub.f32 $0.0e+00, v1  }
0x4b: {  	v10 =	vadd.f32 v10, v14;
	v8 =	vld [tilespmem:s31+$0x13D50];
	v0 =	vadd.f32 v0, v11  }
0x4c: {  	v3 =	vld [tilespmem:s31+$0x13D70];
	[tilespmem:s31+$0x1B530] =	vst v6;
	v6 =	vsub.f32 $0.0e+00, v6;
	v5 =	vadd.f32 v5, v9;
	v62 =	vmul.f32 $1.442695020e+00, v1  }
0x4d: {  	v11 =	vld [tilespmem:s31+$0x1B570];
	v2 =	vadd.f32 v2, v10  }
0x4e: {  	[tilespmem:s31+$0x1B520] =	vst v0;
	v9 =	vld [tilespmem:s31+$0x18D60];
	v6 =	vmul.f32 $1.442695020e+00, v6;
	v5 =	vadd.f32 v13, v5;
	(erf) = vpow2.f32 v62  }
0x4f: {  	v0 =	vsub.f32 $0.0e+00, v0;
	[tilespmem:s31+$0x1B510] =	vst v2;
	v2 =	vsub.f32 $0.0e+00, v2  }
0x50: {  	v4 =	vadd.f32 v4, v8;
	[tilespmem:s31+$0x1B540] =	vst v5;
	(erf) = vpow2.f32 v6;
	v5 =	vsub.f32 $0.0e+00, v5;
	v6 =	vld [tilespmem:s31+$0x1B560]  }
0x51: {  	v0 =	vmul.f32 $1.442695020e+00, v0;
	v3 =	vadd.f32 v7, v3  }
0x52: {  	v2 =	vmul.f32 $1.442695020e+00, v2;
	v4 =	vadd.f32 v61, v4;
	v5 =	vmul.f32 $1.442695020e+00, v5  }
0x53: {  	(erf) = vpow2.f32 v0;
	v0 =	vadd.f32 v11, v3;
	v3 =	vadd.f32 v9, v63  }
0x54: {  	(erf) = vpow2.f32 v5;
	v5 =	vsub.f32 $0.0e+00, v4  }
0x55: {  	[tilespmem:s31+$0x1B550] =	vst v4;
	v4 =	vsub.f32 $0.0e+00, v0;
	v3 =	vadd.f32 v6, v3  }
0x56: {  	(erf) = vpow2.f32 v2;
	v5 =	vmul.f32 $1.442695020e+00, v5  }
0x57: {  	v1 =	vld [tilespmem:s31+$0x16530];
	v4 =	vmul.f32 $1.442695020e+00, v4;
	v2 =	vpop (erf)  }
0x58: {  	[tilespmem:s31+$0x1B570] =	vst v0;
	v0 =	vld [tilespmem:s31+$0x16560];
	(erf) = vpow2.f32 v5;
	v6 =	vadd.f32 $1.000000000e+00, v2  }
0x59: {  	[tilespmem:s31+$0x1B560] =	vst v3;
	v5 =	vsub.f32 $0.0e+00, v3;
	v3 =	vpop (erf);
	v2 =	vld [tilespmem:s31+$0x16570];
	(erf) = vpow2.f32 v4  }
0x5a: {  	v4 =	vld [tilespmem:s31+$0x16540];
	v7 =	vadd.f32 $1.000000000e+00, v3;
	(erf) = vrcp.f32 v6  }
0x5b: {  	v3 =	vld [tilespmem:s31+$0x16550];
	v6 =	vmul.f32 $1.442695020e+00, v5  }
0x5c: {  	v8 =	vpop (erf);
	v5 =	vld [tilespmem:s31+$0x16520];
	(erf) = vrcp.f32 v7  }
0x5d: {  	s1 =	simm.s32 $0x200;
	s0 =	simm.s32 $0x400;
	v7 =	vadd.f32 $1.000000000e+00, v8;
	(erf) = vpow2.f32 v6;
	v6 =	vld [tilespmem:s31+$0x16500];
	v8 =	vpop (erf)  }
.LBB2_3:
0x5e: {  	p0 =	sne.s32 s0, $0x9E00  }
0x5f: {  	s11 =	sshra.s32 s1, $0x2;
	v9 =	vld [tilespmem:s31+$0x16510];
	v12 =	vadd.f32 $1.000000000e+00, v8;
	v10 =	vpop (erf);
	(erf) = vrcp.f32 v7;
	s1 =	smov.u32 s0;
	s0 =	sadd.s32 $0x200, s0  }
0x60: {  	v7 =	vld [tilespmem:s11+$0x1B520];
	v13 =	vadd.f32 $1.000000000e+00, v10  }
0x61: {  	v11 =	vld [tilespmem:s11+$0x1B500];
	(erf) = vrcp.f32 v12;
	v8 =	vpop (erf)  }
0x62: {  	v12 =	vld [tilespmem:s11+$0x1B510];
	v8 =	vadd.f32 $1.000000000e+00, v8;
	(erf) = vrcp.f32 v13;
	v10 =	vpop (erf)  }
0x63: {  	v13 =	vld [tilespmem:s11+$0x18D00];
	v10 =	vadd.f32 $1.000000000e+00, v10;
	v14 =	vpop (erf)  }
0x64: {  	v15 =	vld [tilespmem:s11+$0x18D50];
	v16 =	vmul.f32 v14, v6;
	(erf) = vrcp.f32 v8  }
0x65: {  	v8 =	vld [tilespmem:s11+$0x18D40];
	v14 =	vpop (erf);
	(erf) = vrcp.f32 v10  }
0x66: {  	v10 =	vld [tilespmem:s11+$0x18D30];
	[tilespmem:s31+$0x13D00] =	vst v16;
	v17 =	vmul.f32 v14, v1;
	v6 =	vpop (erf)  }
0x67: {  	v14 =	vld [tilespmem:s11+$0x13D00];
	v18 =	vadd.f32 $1.000000000e+00, v6  }
0x68: {  	v16 =	vld [tilespmem:s11+$0x1B530];
	[tilespmem:s31+$0x13D30] =	vst v17;
	v1 =	vpop (erf)  }
0x69: {  	v17 =	vld [tilespmem:s11+$0x13D30];
	v1 =	vmul.f32 v1, v5;
	(erf) = vrcp.f32 v18  }
0x6a: {  	v5 =	vld [tilespmem:s11+$0x18D10];
	v6 =	vpop (erf)  }
0x6b: {  	v18 =	vld [tilespmem:s11+$0x18D20];
	[tilespmem:s31+$0x13D20] =	vst v1;
	v19 =	vmul.f32 v6, v4;
	v4 =	vpop (erf)  }
0x6c: {  	v6 =	vadd.f32 v13, v14;
	v13 =	vld [tilespmem:s11+$0x13D20];
	v4 =	vmul.f32 v4, v9  }
0x6d: {  	v9 =	vld [tilespmem:s11+$0x1B540];
	[tilespmem:s31+$0x13D40] =	vst v19;
	v1 =	vpop (erf)  }
0x6e: {  	v6 =	vadd.f32 v11, v6;
	v10 =	vadd.f32 v10, v17;
	v11 =	vld [tilespmem:s11+$0x13D40];
	[tilespmem:s31+$0x13D10] =	vst v4;
	v1 =	vmul.f32 v1, v3;
	v3 =	vpop (erf)  }
0x6f: {  	v4 =	vld [tilespmem:s11+$0x13D10];
	v2 =	vmul.f32 v3, v2  }
0x70: {  	v3 =	vsub.f32 $0.0e+00, v6;
	v10 =	vadd.f32 v16, v10;
	v14 =	vld [tilespmem:s11+$0x18D70];
	[tilespmem:s31+$0x13D50] =	vst v1  }
0x71: {  	v1 =	vadd.f32 v18, v13;
	v13 =	vld [tilespmem:s11+$0x13D50];
	[tilespmem:s31+$0x13D70] =	vst v2  }
0x72: {  	v2 =	vmul.f32 $1.442695020e+00, v3;
	v3 =	vsub.f32 $0.0e+00, v10;
	[tilespmem:s11+$0x1B530] =	vst v10;
	v10 =	vld [tilespmem:s11+$0x13D70];
	v16 =	vpop (erf)  }
0x73: {  	[tilespmem:s11+$0x1B500] =	vst v6;
	v1 =	vadd.f32 v7, v1;
	v6 =	vadd.f32 v8, v11;
	v7 =	vld [tilespmem:s11+$0x1B550];
	v0 =	vmul.f32 v16, v0  }
0x74: {  	v4 =	vadd.f32 v5, v4;
	v3 =	vmul.f32 $1.442695020e+00, v3;
	v5 =	vld [tilespmem:s11+$0x1B570];
	(erf) = vpow2.f32 v2  }
0x75: {  	v2 =	vsub.f32 $0.0e+00, v1;
	v6 =	vadd.f32 v9, v6;
	v8 =	vld [tilespmem:s11+$0x18D60];
	[tilespmem:s31+$0x13D60] =	vst v0;
	s31 =	smov.u32 s11  }
0x76: {  	v0 =	vadd.f32 v12, v4;
	[tilespmem:s31+$0x1B520] =	vst v1;
	v4 =	vadd.f32 v15, v13;
	v9 =	vld [tilespmem:s31+$0x13D60];
	(erf) = vpow2.f32 v3  }
0x77: {  	v2 =	vmul.f32 $1.442695020e+00, v2;
	v1 =	vld [tilespmem:s31+$0x16530];
	v3 =	vsub.f32 $0.0e+00, v6;
	[tilespmem:s31+$0x1B540] =	vst v6;
	v6 =	vadd.f32 v14, v10  }
0x78: {  	v10 =	vsub.f32 $0.0e+00, v0;
	[tilespmem:s31+$0x1B510] =	vst v0;
	v0 =	vadd.f32 v7, v4;
	v4 =	vld [tilespmem:s31+$0x1B560]  }
0x79: {  	v3 =	vmul.f32 $1.442695020e+00, v3;
	v5 =	vadd.f32 v5, v6;
	(erf) = vpow2.f32 v2  }
0x7a: {  	v2 =	vmul.f32 $1.442695020e+00, v10;
	v6 =	vsub.f32 $0.0e+00, v0;
	[tilespmem:s31+$0x1B550] =	vst v0  }
0x7b: {  	v8 =	vadd.f32 v8, v9;
	v7 =	vsub.f32 $0.0e+00, v5;
	[tilespmem:s31+$0x1B570] =	vst v5;
	(erf) = vpow2.f32 v3  }
0x7c: {  	v3 =	vmul.f32 $1.442695020e+00, v6;
	(erf) = vpow2.f32 v2  }
0x7d: {  	v8 =	vadd.f32 v4, v8;
	v4 =	vmul.f32 $1.442695020e+00, v7;
	v0 =	vpop (erf)  }
0x7e: {  	v5 =	vadd.f32 $1.000000000e+00, v0;
	(erf) = vpow2.f32 v3  }
0x7f: {  	v6 =	vsub.f32 $0.0e+00, v8;
	v0 =	vld [tilespmem:s31+$0x16560];
	[tilespmem:s31+$0x1B560] =	vst v8;
	v2 =	vpop (erf);
	(erf) = vpow2.f32 v4  }
.Ltmp0:
0x80: {  	v7 =	vadd.f32 $1.000000000e+00, v2;
	v2 =	vld [tilespmem:s31+$0x16570];
	(erf) = vrcp.f32 v5;
	(pc) =	sbr.rel @p0 .LBB2_3-.Ltmp0, $4  }
0x81: {  	v3 =	vld [tilespmem:s31+$0x16550];
	v6 =	vmul.f32 $1.442695020e+00, v6  }
0x82: {  	v4 =	vld [tilespmem:s31+$0x16540];
	v5 =	vpop (erf);
	(erf) = vrcp.f32 v7  }
0x83: {  	v7 =	vadd.f32 $1.000000000e+00, v5;
	v5 =	vld [tilespmem:s31+$0x16520];
	(erf) = vpow2.f32 v6  }
0x84: {  	v6 =	vld [tilespmem:s31+$0x16500];
	v8 =	vpop (erf)  }
0x85: {  	v11 =	vpop (erf);
	(erf) = vrcp.f32 v7;
	_ =	sdelay $0x1  }
0x86: {  	v8 =	vadd.f32 $1.000000000e+00, v8;
	v32 =	vpop (erf)  }
0x87: {  	s0 =	sshra.s32 s1, $0x2;
	v9 =	vld [tilespmem:s31+$0x16510];
	v14 =	vpop (erf)  }
0x88: {  	v10 =	vld [tilespmem:s0+$0x1B520];
	v11 =	vadd.f32 $1.000000000e+00, v11;
	v16 =	vpop (erf);
	(erf) = vrcp.f32 v8  }
0x89: {  	v12 =	vld [tilespmem:s0+$0x1B500]  }
0x8a: {  	v13 =	vld [tilespmem:s0+$0x1B510];
	v36 =	vadd.f32 $1.000000000e+00, v32;
	(erf) = vrcp.f32 v11  }
0x8b: {  	v15 =	vld [tilespmem:s0+$0x18D00];
	v14 =	vadd.f32 $1.000000000e+00, v14;
	v35 =	vpop (erf)  }
0x8c: {  	v17 =	vld [tilespmem:s0+$0x18D50];
	v6 =	vmul.f32 v16, v6;
	(erf) = vrcp.f32 v36;
	v39 =	vpop (erf)  }
0x8d: {  	v33 =	vld [tilespmem:s0+$0x18D40];
	v40 =	vpop (erf);
	(erf) = vrcp.f32 v14  }
0x8e: {  	v34 =	vld [tilespmem:s0+$0x18D30];
	[tilespmem:s31+$0x13D00] =	vst v6;
	v1 =	vmul.f32 v35, v1  }
0x8f: {  	v37 =	vld [tilespmem:s0+$0x13D00];
	v43 =	vadd.f32 $1.000000000e+00, v39  }
0x90: {  	v38 =	vld [tilespmem:s0+$0x1B530];
	[tilespmem:s31+$0x13D30] =	vst v1  }
0x91: {  	v18 =	vld [tilespmem:s0+$0x13D30];
	v1 =	vmul.f32 v40, v5;
	v19 =	vpop (erf);
	(erf) = vrcp.f32 v43  }
0x92: {  	v41 =	vld [tilespmem:s0+$0x18D10]  }
0x93: {  	v42 =	vld [tilespmem:s0+$0x18D20];
	[tilespmem:s31+$0x13D20] =	vst v1;
	v4 =	vmul.f32 v19, v4;
	v45 =	vpop (erf)  }
0x94: {  	v44 =	vld [tilespmem:s0+$0x13D20];
	v46 =	vmul.f32 v45, v9  }
0x95: {  	v20 =	vld [tilespmem:s0+$0x1B540];
	v7 =	vadd.f32 v15, v37;
	v47 =	vpop (erf);
	[tilespmem:s31+$0x13D40] =	vst v4  }
0x96: {  	v16 =	vadd.f32 v34, v18;
	v48 =	vmul.f32 v47, v3;
	v4 =	vld [tilespmem:s0+$0x13D40];
	[tilespmem:s31+$0x13D10] =	vst v46;
	v50 =	vpop (erf)  }
0x97: {  	v52 =	vadd.f32 v12, v7;
	v49 =	vld [tilespmem:s0+$0x13D10];
	v2 =	vmul.f32 v50, v2  }
0x98: {  	v54 =	vadd.f32 v38, v16;
	v51 =	vld [tilespmem:s0+$0x18D70];
	[tilespmem:s31+$0x13D50] =	vst v48  }
0x99: {  	v55 =	vsub.f32 $0.0e+00, v52;
	v53 =	vld [tilespmem:s0+$0x13D50];
	[tilespmem:s31+$0x13D70] =	vst v2  }
0x9a: {  	v6 =	vadd.f32 v42, v44;
	v57 =	vsub.f32 $0.0e+00, v54;
	v56 =	vld [tilespmem:s0+$0x13D70];
	v58 =	vpop (erf)  }
0x9b: {  	v2 =	vmul.f32 $1.442695020e+00, v55;
	v59 =	vld [tilespmem:s0+$0x1B550];
	[tilespmem:s0+$0x1B530] =	vst v54;
	v0 =	vmul.f32 v58, v0  }
0x9c: {  	v61 =	vadd.f32 v10, v6;
	v62 =	vmul.f32 $1.442695020e+00, v57;
	v60 =	vld [tilespmem:s0+$0x1B570];
	[tilespmem:s0+$0x1B500] =	vst v52  }
0x9d: {  	v63 =	vld [tilespmem:s0+$0x18D60];
	v4 =	vadd.f32 v33, v4;
	(erf) = vpow2.f32 v2;
	[tilespmem:s31+$0x13D60] =	vst v0  }
0x9e: {  	v14 =	vsub.f32 $0.0e+00, v61;
	v12 =	vadd.f32 v41, v49;
	(erf) = vpow2.f32 v62;
	v18 =	vld [tilespmem:s0+$0x13D60]  }
0x9f: {  	v4 =	vadd.f32 v20, v4;
	v19 =	vadd.f32 v17, v53  }
0xa0: {  	v0 =	vadd.f32 v13, v12;
	v21 =	vld [tilespmem:s0+$0x1B560];
	v20 =	vadd.f32 v51, v56  }
0xa1: {  	v22 =	vsub.f32 $0.0e+00, v4;
	v5 =	vadd.f32 v59, v19  }
0xa2: {  	v2 =	vmul.f32 $1.442695020e+00, v14;
	v23 =	vsub.f32 $0.0e+00, v0;
	v6 =	vadd.f32 v60, v20  }
0xa3: {  	v8 =	vmul.f32 $1.442695020e+00, v22;
	v24 =	vsub.f32 $0.0e+00, v5;
	v3 =	vadd.f32 v63, v18  }
0xa4: {  	(erf) = vpow2.f32 v2;
	v25 =	vmul.f32 $1.442695020e+00, v23;
	v26 =	vsub.f32 $0.0e+00, v6  }
0xa5: {  	(erf) = vpow2.f32 v8;
	v27 =	vmul.f32 $1.442695020e+00, v24;
	v3 =	vadd.f32 v21, v3  }
0xa6: {  	(erf) = vpow2.f32 v25;
	v29 =	vpop (erf);
	v28 =	vmul.f32 $1.442695020e+00, v26  }
0xa7: {  	v7 =	vadd.f32 $1.000000000e+00, v29;
	(erf) = vpow2.f32 v27;
	v31 =	vpop (erf);
	v30 =	vsub.f32 $0.0e+00, v3  }
0xa8: {  	v32 =	vadd.f32 $1.000000000e+00, v31;
	(erf) = vpow2.f32 v28  }
0xa9: {  	(erf) = vrcp.f32 v7;
	v33 =	vmul.f32 $1.442695020e+00, v30  }
0xaa: {  	(erf) = vrcp.f32 v32  }
0xab: {  	(erf) = vpow2.f32 v33;
	_ =	sdelay $0x1  }
0xac: {  	v34 =	vpop (erf)  }
0xad: {  	v35 =	vpop (erf)  }
0xae: {  	v36 =	vpop (erf)  }
0xaf: {  	v2 =	vadd.f32 $1.000000000e+00, v34;
	v37 =	vpop (erf)  }
0xb0: {  	v7 =	vadd.f32 $1.000000000e+00, v35;
	v38 =	vpop (erf)  }
0xb1: {  	v39 =	vadd.f32 $1.000000000e+00, v36;
	(erf) = vrcp.f32 v2;
	v40 =	vpop (erf)  }
0xb2: {  	v41 =	vadd.f32 $1.000000000e+00, v37;
	(erf) = vrcp.f32 v7;
	v42 =	vpop (erf)  }
0xb3: {  	(erf) = vrcp.f32 v39;
	v43 =	vadd.f32 $1.000000000e+00, v38;
	v44 =	vpop (erf)  }
0xb4: {  	v45 =	vld [tilespmem:s0+$0x16500];
	(erf) = vrcp.f32 v41;
	v46 =	vadd.f32 $1.000000000e+00, v44  }
0xb5: {  	[tilespmem:s0+$0x1B520] =	vst v61;
	v47 =	vld [tilespmem:s0+$0x16530];
	(erf) = vrcp.f32 v43  }
0xb6: {  	[tilespmem:s0+$0x1B540] =	vst v4;
	v48 =	vld [tilespmem:s0+$0x16520];
	(erf) = vrcp.f32 v46  }
0xb7: {  	v49 =	vld [tilespmem:s0+$0x16540];
	[tilespmem:s0+$0x1B510] =	vst v0  }
0xb8: {  	v50 =	vld [tilespmem:s0+$0x16510];
	[tilespmem:s0+$0x1B550] =	vst v5  }
0xb9: {  	v51 =	vld [tilespmem:s0+$0x16550];
	[tilespmem:s0+$0x1B570] =	vst v6;
	v52 =	vmul.f32 v40, v45  }
0xba: {  	v53 =	vld [tilespmem:s0+$0x16570];
	[tilespmem:s0+$0x1B560] =	vst v3;
	v1 =	vmul.f32 v42, v47;
	v54 =	vpop (erf)  }
0xbb: {  	v55 =	vld [tilespmem:s0+$0x16560];
	[tilespmem:s0+$0x13D00] =	vst v52;
	v2 =	vmul.f32 v54, v48;
	v56 =	vpop (erf)  }
0xbc: {  	[tilespmem:s0+$0x13D30] =	vst v1;
	v0 =	vmul.f32 v56, v49;
	v57 =	vpop (erf)  }
0xbd: {  	[tilespmem:s0+$0x13D20] =	vst v2;
	v1 =	vmul.f32 v57, v50;
	v58 =	vpop (erf)  }
0xbe: {  	[tilespmem:s0+$0x13D40] =	vst v0;
	v59 =	vmul.f32 v58, v51;
	v60 =	vpop (erf)  }
0xbf: {  	[tilespmem:s0+$0x13D10] =	vst v1;
	v61 =	vmul.f32 v60, v53;
	v62 =	vpop (erf)  }
0xc0: {  	[tilespmem:s0+$0x13D50] =	vst v59;
	v63 =	vmul.f32 v62, v55  }
0xc1: {  	[tilespmem:s0+$0x13D70] =	vst v61  }
0xc2: {  	[tilespmem:s0+$0x13D60] =	vst v63  }
0xc3: {  	[spmem:s2] =	stream.indirect.scatter.add.f32 [tilespmem:s23], [sflag:$0x1], $0x80, s19, s22, $0xb8;
	[tilespmem:$0x1DD00] =	vst v63  }
0xc4: {  	s29 =	sadd.s32 $0x1, s29;
	s31 =	sadd.s32 s10, s30  }
0xc5: {  	[hbm4b:s31+s3] =	stream.linear.scatter [tilespmem:s20], [sflag:$0x2], $0x2800, $0x38;
	[tilespmem:$0x1DD00] =	vst v63  }
0xc6: {  	p0 =	sne.s32 s29, $0x7D;
	_ =	swait.ge [sflag:s21], $0x2800  }
.Ltmp1:
0xc7: {  	[sflag:s21] =	ssyncset.done $0x0;
	(pc) =	sbr.rel @p0 .LBB2_2-.Ltmp1, $4  }
0xc8: {  	[sflag:s21] =	ssyncadd.s32 $0xFFFFD800  }
0xc9: {  	_ =	swait.ge [sflag:s26], $0x2800  }
0xca: {  	[sflag:s26] =	ssyncset.done $0x0  }
0xcb: {  	[sflag:s26] =	ssyncadd.s32 $0xFFFFD800  }
0xcc: {  	s28 =	sadd.s32 $0x1, s28  }
0xcd: {  	p0 =	sne.s32 s28, s15  }
.Ltmp2:
0xce: {  	[bflag:$0x0] =	sbarrier.arrive $0xFFFF;
	(pc) =	sbr.rel @p0 .LBB2_1-.Ltmp2, $4  }
0xcf: {  	[hbm:s14], [sflag:s12] =	dma.local [spmem:s16], $0x2780  }
0xd0: {  	_ =	swait.ge [sflag:s17], $0x2780  }
0xd1: {  	[sflag:s17] =	ssyncset.done $0x0  }
0xd2: {  	[sflag:s17] =	ssyncadd.s32 $0xFFFFD880  }
0xd3: {  	_ =	sfence.sel $0x180000  }
0xd4: {  	[bflag:$0x0] =	sbarrier.arrive $0xFFFF  }
0xd5: {  	_ =	strace $0x90000053  }
0xd6: {  	s0 =	stileid.u32;
	[bflag:$0x2] =	sbarrier.arrive $0xFFFF  }
0xd7: {  	p0 =	sne.s32 s0, $0x0;
	s0 =	rddreg [dreg:$0x2]  }
0xd8: {  	s0 =	sadd.s32 @!p0 $0x100000, s0  }
0xd9: {  	[sflag:s0] =	ssyncadd.tile.s32 @!p0 $0x1;
	_ =	shalt  }
.Lfunc_end2:
_tile_overlayer_lowered:
.L_overlay_start_2:
0xda: {  	(tag) =	ssettag $0x2  }
0xdb: {  	s0 =	rddreg [dreg:$0x0];
	s2 =	stileid.u32  }
0xdc: {  	s1 =	rddreg [dreg:$0x1];
	p0 =	sne.s32 s2, $0x0  }
0xdd: {  	s3 =	rddreg [dreg:$0x2];
	[bflag:$0x3] =	sbarrier.arrive $0xFFFF;
	s2 =	simm.s32 @!p0 $0x1C03  }
0xde: {  	[timem:s3], [sflag:s2] =	dma.local @!p0 [hbm:s0], s1  }
0xdf: {  	s0 =	simm.s32 @!p0 $0x3  }
0xe0: {  	_ =	swait.ge @!p0 [sflag:s0], s1  }
0xe1: {  	s1 =	ssub.s32 @!p0 $0x0, s1;
	[sflag:s0] =	ssyncset.done @!p0 $0x0  }
0xe2: {  	[sflag:s0] =	ssyncadd.s32 @!p0 s1  }
0xe3: {  	[bflag:$0x3] =	sbarrier.arrive $0xFFFF  }
0xe4: {  	_ =	shalt  }

// kernel: kernel.42.cloned.1.call-start
scs
__scs_entry_jumppad:
0x0: {  	(pc) =	sbr.rel $0x88, $3  }
0x1: {  	(tag) =	ssettag $0x0;
	lr =	simm.s32 $0x1  }
0x2: {  	[smem:$0x3F84] =	sst lr;
	_ =	strace $0xD0000000  }
0x3: {  	_ = 	snop  }
0x4: {  	_ = 	snop  }
0x5: {  	_ = 	snop  }
0x6: {  	_ = 	snop  }
0x7: {  	_ = 	snop  }
__scs_overlays_trampoline_lowered:
0x8: {  	[smem:$0x3F93] =	sst s0  }
0x9: {  	[smem:$0x3F94] =	sst s1  }
0xa: {  	[smem:$0x3F95] =	sst s2  }
0xb: {  	[smem:$0x3F96] =	sst s3  }
0xc: {  	[smem:$0x3F97] =	sst s4  }
0xd: {  	[smem:$0x3F98] =	sst s5  }
0xe: {  	[smem:$0x3F99] =	sst s6  }
0xf: {  	[smem:$0x3F9A] =	sst s7  }
0x10: {  	[smem:$0x3F9B] =	sst s8  }
0x11: {  	[smem:$0x3F9C] =	sst s9;
	s0 =	simm.s32 @!p0 $0x0  }
0x12: {  	s1 =	sld [smem:$0x3F82];
	s0 =	simm.s32 @p0 $0x1  }
0x13: {  	[smem:$0x3F9D] =	sst s0;
	s0 =	simm.s32 @!p1 $0x0  }
0x14: {  	s2 =	sld [smem:$0x3F81];
	s0 =	simm.s32 @p1 $0x1  }
0x15: {  	[smem:$0x3F9E] =	sst s0;
	s0 =	simm.s32 @!p2 $0x0  }
0x16: {  	s3 =	sld [smem:$0x3FDB];
	s0 =	simm.s32 @p2 $0x1  }
0x17: {  	s4 =	simm.s32 $0x1BF5;
	[smem:$0x3FA0] =	sst s0  }
0x18: {  	s0 =	sld [smem:$0x3F83];
	_ =	swait.ge [sflag:s4], $0x0  }
0x19: {  	s7 =	sld [smem:$0x3F84]  }
0x1a: {  	s8 =	sadd.s32 $0xFFFFE003, lr  }
0x1b: {  	s9 =	sadd.s32 $0xFFFFFEF7, lr;
	s5 =	simm.s32 $0xFFFFFFFF;
	p2 =	slt.u32 s8, $0xFFFFF086  }
0x1c: {  	p1 =	slt.u32 s9, $0xF7A;
	s5 =	simm.s32 @!p2 $0x0  }
0x1d: {  	s5 =	simm.s32 @p1 $0x1;
	p0 =	seq.s32 s7, s2  }
0x1e: {  	s7 =	smul.u32 @!p0 $0xF7A, s2;
	p2 =	seq.s32 @!p0 s5, $0x0  }
0x1f: {  	s9 =	smul.u32 $0xF7A, s1;
	s8 =	simm.s32 @!p0 $0x1BF5;
	p2 =	por !p2, p0  }
0x20: {  	[sflag:s8] =	ssyncset.s32 @!p0 $0xFFFFF086;
	s6 =	sadd.s32 @!p0 s3, s7;
	s7 =	simm.s32 @!p0 $0x108  }
0x21: {  	s3 =	sadd.s32 s3, s9;
	s6 =	sadd.s32 @!p0 $0x88, s6;
	s7 =	simm.s32 @p2 $0x1082  }
0x22: {  	[simem:s7], [sflag:s8] =	dma.local @!p0 [hbm:s6], $0xF7A  }
0x23: {  	s9 =	sor.u32 $0xD0000000, s2;
	s6 =	simm.s32 $0x108;
	_ =	swait.ge @!p0 [sflag:s8], $0x0  }
0x24: {  	s3 =	sadd.s32 $0x88, s3;
	s6 =	simm.s32 @!p1 $0x1082;
	[sflag:s4] =	ssyncset.s32 $0xFFFFF086  }
0x25: {  	[simem:s6], [sflag:s4] =	dma.local [hbm:s3], $0xF7A  }
0x26: {  	[smem:$0x3F84] =	sst s1;
	(tag) =	ssettag s2;
	_ =	strace s9  }
0x27: {  	s1 =	sld [smem:$0x3F94]  }
0x28: {  	s2 =	sld [smem:$0x3F95]  }
0x29: {  	s4 =	sld [smem:$0x3F97]  }
0x2a: {  	p0 =	seq.s32 s5, $0x0;
	s5 =	sld [smem:$0x3F98]  }
0x2b: {  	s6 =	sld [smem:$0x3F99]  }
0x2c: {  	s7 =	sld [smem:$0x3F9A]  }
0x2d: {  	s3 =	simm.s32 $0x108;
	s8 =	sld [smem:$0x3F9B]  }
0x2e: {  	s3 =	simm.s32 @!p0 $0x1082;
	s9 =	sld [smem:$0x3F9C]  }
0x2f: {  	lr =	sadd.s32 s0, s3;
	s0 =	sld [smem:$0x3F93]  }
0x30: {  	s3 =	sld [smem:$0x3F96]  }
0x31: {  	[smem:$0x3F9F] =	sst s10  }
0x32: {  	s10 =	sld [smem:$0x3F9D];
	_ =	sdelay $0x3  }
0x33: {  	p0 =	seq.s32 s10, $0x1;
	s10 =	sld [smem:$0x3F9F];
	_ =	sdelay $0x3  }
0x34: {  	[smem:$0x3F9F] =	sst s10  }
0x35: {  	s10 =	sld [smem:$0x3F9E];
	_ =	sdelay $0x3  }
0x36: {  	p1 =	seq.s32 s10, $0x1;
	s10 =	sld [smem:$0x3F9F];
	_ =	sdelay $0x3  }
0x37: {  	[smem:$0x3F9F] =	sst s10  }
0x38: {  	s10 =	sld [smem:$0x3FA0]  }
0x39: {  	_ = 	snop;
	(pc) =	sbr.ind lr, $3  }
0x3a: {  	_ = 	snop  }
0x3b: {  	_ = 	snop  }
0x3c: {  	p2 =	seq.s32 s10, $0x1;
	s10 =	sld [smem:$0x3F9F]  }
0x3d: {  	_ =	shalt  }
0x3e: {  	_ =	shalt  }
0x3f: {  	_ =	shalt  }
0x40: {  	_ =	shalt  }
0x41: {  	_ =	shalt  }
0x42: {  	_ =	shalt  }
0x43: {  	_ =	shalt  }
0x44: {  	_ =	shalt  }
0x45: {  	_ =	shalt  }
0x46: {  	_ =	shalt  }
0x47: {  	_ =	shalt  }
0x48: {  	_ =	shalt  }
0x49: {  	_ =	shalt  }
0x4a: {  	_ =	shalt  }
0x4b: {  	_ =	shalt  }
0x4c: {  	_ =	shalt  }
0x4d: {  	_ =	shalt  }
0x4e: {  	_ =	shalt  }
0x4f: {  	_ =	shalt  }
0x50: {  	_ =	shalt  }
0x51: {  	_ =	shalt  }
0x52: {  	_ =	shalt  }
0x53: {  	_ =	shalt  }
0x54: {  	_ =	shalt  }
0x55: {  	_ =	shalt  }
0x56: {  	_ =	shalt  }
0x57: {  	_ =	shalt  }
0x58: {  	_ =	shalt  }
0x59: {  	_ =	shalt  }
0x5a: {  	_ =	shalt  }
0x5b: {  	_ =	shalt  }
0x5c: {  	_ =	shalt  }
0x5d: {  	_ =	shalt  }
0x5e: {  	_ =	shalt  }
0x5f: {  	_ =	shalt  }
0x60: {  	_ =	shalt  }
0x61: {  	_ =	shalt  }
0x62: {  	_ =	shalt  }
0x63: {  	_ =	shalt  }
0x64: {  	_ =	shalt  }
0x65: {  	_ =	shalt  }
0x66: {  	_ =	shalt  }
0x67: {  	_ =	shalt  }
0x68: {  	_ =	shalt  }
0x69: {  	_ =	shalt  }
0x6a: {  	_ =	shalt  }
0x6b: {  	_ =	shalt  }
0x6c: {  	_ =	shalt  }
0x6d: {  	_ =	shalt  }
0x6e: {  	_ =	shalt  }
0x6f: {  	_ =	shalt  }
0x70: {  	_ =	shalt  }
0x71: {  	_ =	shalt  }
0x72: {  	_ =	shalt  }
0x73: {  	_ =	shalt  }
0x74: {  	_ =	shalt  }
0x75: {  	_ =	shalt  }
0x76: {  	_ =	shalt  }
0x77: {  	_ =	shalt  }
0x78: {  	_ =	shalt  }
0x79: {  	_ =	shalt  }
0x7a: {  	_ =	shalt  }
0x7b: {  	_ =	shalt  }
0x7c: {  	_ =	shalt  }
0x7d: {  	_ =	shalt  }
0x7e: {  	_ =	shalt  }
0x7f: {  	_ =	shalt  }
0x80: {  	_ =	shalt  }
0x81: {  	_ =	shalt  }
0x82: {  	_ =	shalt  }
0x83: {  	_ =	shalt  }
0x84: {  	_ =	shalt  }
0x85: {  	_ =	shalt  }
0x86: {  	_ =	shalt  }
0x87: {  	_ =	shalt  }
.Lfunc_end0:
.L_simem_size_0:
called_computation.5_lowered:
.L_overlay_start_0:
0x88: {  	s2 =	sld [smem:$0x3FD9]  }
0x89: {  	s3 =	sld [smem:$0x3FFE];
	_ =	sdelay $0x1  }
0x8a: {  	s1 =	srdreg.scid  }
0x8b: {  	s0 =	sand.u32 $0x1, s1  }
0x8c: {  	s16 =	sshll.u32 s0, $0xA;
	s2 =	sadd.s32 s3, s2  }
0x8d: {  	s2 =	sadd.s32 s2, s16  }
0x8e: {  	[smem:$0x3FAB] =	sst s2  }
0x8f: {  	_ = 	snop  }
0x90: {  	(tm) =	ssettm $0x1  }
0x91: {  	s17 =	sld [smem:$0x3FFB];
	_ =	sdelay $0x3  }
0x92: {  	_ =	strace s17  }
0x93: {  	s2 =	sld [smem:$0x3FFC];
	_ =	sdelay $0x3  }
0x94: {  	_ =	strace s2  }
0x95: {  	s2 =	sld [smem:$0x3FFD];
	_ =	sdelay $0x3  }
0x96: {  	_ =	strace s2  }
0x97: {  	_ =	strace $0x8FFFFFFF  }
0x98: {  	s18 =	sld [smem:$0x3FDB];
	_ =	sdelay $0x1  }
0x99: {  	s19 =	simm.s32 $_scs_section_size  }
0x9a: {  	s4 =	simm.s32 $_size__tile_overlayer_lowered;
	s5 =	simm.s32 $_tile_overlayer_lowered  }
0x9b: {  	s22 =	simm.s32 $0x1BFF;
	s21 =	sshll.u32 s5, $0x1;
	s2 =	sadd.s32 s19, s18  }
0x9c: {  	s6 =	simm.s32 $0x0;
	s20 =	sshll.u32 s4, $0x1;
	s4 =	sadd.s32 s21, s2  }
0x9d: {  	[timem:s6], [sflag:s22] =	dma.local [hbm:s4], s20  }
0x9e: {  	_ =	swait.ge [sflag:s22], s20  }
0x9f: {  	s3 =	ssub.s32 $0x0, s20;
	[sflag:s22] =	ssyncset.done $0x0  }
0xa0: {  	[sflag:s22] =	ssyncadd.s32 s3;
	_ =	sdelay $0x1  }
0xa1: {  	s23 =	simm.s32 $0x1B8B  }
0xa2: {  	_ =	swait.ge [sflag:s23], $0x1  }
0xa3: {  	[sflag:s23] =	ssyncset.done $0x0  }
0xa4: {  	s25 =	simm.s32 $0x1B8E;
	s24 =	sld [smem:$0x3FFE];
	[sflag:s23] =	ssyncadd.s32 $0xFFFFFFFF  }
0xa5: {  	s26 =	simm.s32 $execute0_lowered;
	[smem:$0x3FD2] =	sst s25  }
0xa6: {  	s4 =	sshll.u32 s26, $0x1;
	_ =	strace $0x80000055;
	[dreg:$0x1] =	wrdreg $0xFFFFFFFF  }
0xa7: {  	s28 =	simm.s32 $_size_execute0_lowered;
	s2 =	sadd.s32 s2, s4;
	[dreg:$0x0] =	wrdreg $0x0  }
0xa8: {  	s4 =	sshll.u32 s28, $0x1;
	[dreg:$0x2] =	wrdreg s2  }
0xa9: {  	[dreg:$0x3] =	wrdreg s4  }
0xaa: {  	[dreg:$0x4] =	wrdreg $0xC0  }
0xab: {  	_ =	task [dreg:s6], $0x5FFFF  }
0xac: {  	[dreg:$0x1] =	wrdreg $0xFFFFFFFF  }
0xad: {  	[dreg:$0x0] =	wrdreg $0x60  }
0xae: {  	[dreg:$0x2] =	wrdreg s24  }
0xaf: {  	[dreg:$0x3] =	wrdreg $0x0  }
0xb0: {  	[dreg:$0x4] =	wrdreg $0x9  }
0xb1: {  	_ =	task.clear_ibuf [dreg:s6], $0x5FFFF;
	_ =	strace $0x90000055  }
0xb2: {  	s29 =	simm.s32 $0x9;
	_ =	strace $0x80000057  }
0xb3: {  	_ =	swait.ge [sflag:s29], $0x1  }
0xb4: {  	[sflag:s29] =	ssyncadd.s32 $0xFFFFFFFF  }
0xb5: {  	_ =	strace $0x90000057  }
0xb6: {  	_ =	sfence  }
0xb7: {  	s30 =	sld [smem:$0x0];
	_ =	sdelay $0x2  }
0xb8: {  	s31 =	sshll.u32 s1, $0xD;
	s1 =	sshrl.u32 s1, $0x2  }
0xb9: {  	s3 =	sand.u32 $0x4000, s31;
	s1 =	sadd.s32 s1, s30  }
0xba: {  	s0 =	sor.u32 s3, s0;
	s1 =	sshll.u32 s1, $0x11  }
0xbb: {  	s0 =	sor.u32 s1, s0  }
0xbc: {  	s0 =	sadd.s32 $0x8F2B, s0  }
0xbd: {  	[sflag:s0] =	ssyncadd.remote.s32 $0x1  }
0xbe: {  	_ =	sfence.sel $0xFFFF  }
0xbf: {  	[dreg:$0x0] =	wrdreg $0xFFFFFFFF;
	(pc) =	sbr.abs _section_cstart, $3  }
0xc0: {  	[dreg:$0x1] =	wrdreg $0xFFFFFFFF  }
0xc1: {  	_ =	task.clear_ibuf [dreg:s6], $0x2FFFF;
	_ =	strace $0x9FFFFFFF  }
0xc2: {  	(tm) =	ssettm $0x7FFFFFFF  }
0xc3: {  	_ =	shalt  }
tec
execute0_lowered:
.L_overlay_start_1:
0x0: {  	(tag) =	ssettag $0x1  }
0x1: {  	s6 =	rddreg [dreg:$0x0]  }
0x2: {  	s2 =	rddreg [dreg:$0x1]  }
0x3: {  	s0 =	rddreg [dreg:$0x2];
	s3 =	simm.s32 $0x0;
	s1 =	stileid.u32  }
0x4: {  	s4 =	srdreg.scid;
	s14 =	simm.s32 $0x13C00;
	s15 =	simm.s32 $0x1  }
0x5: {  	s16 =	simm.s32 $0xC8;
	[smem:$0x7FF] =	sst s3;
	s7 =	smul.u32 $0x13C00, s1  }
0x6: {  	s8 =	sand.u32 $0x1, s4;
	s4 =	sadd.s32 $0xAE0E00, s6;
	s5 =	sadd.s32 $0x27E00, s6  }
0x7: {  	s11 =	smul.u32 $0x4F000, s1;
	s31 =	sshll.u32 s1, $0x6;
	_ =	strace $0x80000056  }
0x8: {  	s9 =	smul.u32 $0x13C000, s8;
	s28 =	ssub.s32 $0x2, s8;
	s30 =	sshll.u32 s8, $0x4  }
0x9: {  	s10 =	sshrl.u32 s7, $0x3;
	s12 =	sshrl.u32 s28, $0x1;
	s29 =	sshrl.u32 s11, $0x2  }
0xa: {  	s8 =	sor.u32 s1, s30;
	s7 =	sadd.s32 s7, s9;
	s10 =	sadd.s32 s10, s6  }
0xb: {  	s12 =	ssub.s32 s28, s12;
	s11 =	sadd.s32 s29, s2;
	s7 =	sshrl.u32 s7, $0x3  }
0xc: {  	s8 =	smul.u32 $0x2710, s8;
	s11 =	sshrl.u32 s11, $0x3;
	s13 =	sadd.s32 s7, s6  }
0xd: {  	s6 =	sadd.s32 $0xAB9600, s10;
	s7 =	sor.u32 $0x1C02, s31;
	s10 =	smax.u32 s12, $0x1  }
0xe: {  	s12 =	simm.s32 $0x2;
	s9 =	sadd.s32 $0x626600, s13;
	s13 =	simm.s32 $0x13D00  }
.LBB2_1:
0xf: {  	[spmem:s11], [sflag:s7] =	dma.local [hbm:s6], $0x2780  }
0x10: {  	_ =	swait.ge [sflag:s12], $0x2780  }
0x11: {  	[sflag:s12] =	ssyncset.done $0x0  }
0x12: {  	[sflag:s12] =	ssyncadd.s32 $0xFFFFD880  }
0x13: {  	s17 =	simm.s32 $0x0;
	[bflag:$0x0] =	sbarrier.arrive $0xFFFF  }
.LBB2_2:
0x14: {  	s18 =	smul.u32 $0xC8, s17;
	_ =	sdelay $0x1  }
0x15: {  	s18 =	sadd.s32 s8, s18  }
0x16: {  	s19 =	sshll.u32 s18, $0x4  }
0x17: {  	s20 =	simm.s32 $0x0;
	s18 =	sshrl.u32 s18, $0x3;
	s19 =	sadd.s32 s4, s19  }
0x18: {  	[tilespmem:s13], [sflag:$0x1] =	stream.linear.gather [hbm4b:s19+s20], $0x6400, $0x38;
	[tilespmem:$0x1A100] =	vst v63  }
0x19: {  	s18 =	sadd.s32 s5, s18  }
0x1a: {  	[tilespmem:s14], [sflag:$0x1] =	stream.linear.gather [hbm4b:s18+s20], $0xC8, $0x38;
	[tilespmem:$0x1A100] =	vst v63  }
0x1b: {  	_ =	swait.ge [sflag:s15], $0x6400  }
0x1c: {  	[sflag:s15] =	ssyncset.done $0x0  }
0x1d: {  	[sflag:s15] =	ssyncadd.s32 $0xFFFF9C00  }
0x1e: {  	_ =	swait.ge [sflag:s15], $0xC8  }
0x1f: {  	[sflag:s15] =	ssyncset.done $0x0  }
0x20: {  	s18 =	simm.s32 $0x0;
	[sflag:s15] =	ssyncadd.s32 $0xFFFFFF38  }
0x21: {  	v3 =	vld [tilespmem:s18+$0x13D00]  }
0x22: {  	v5 =	vld [tilespmem:s18+$0x13D10]  }
0x23: {  	v4 =	vld [tilespmem:s18+$0x13D20]  }
0x24: {  	v1 =	vld [tilespmem:s18+$0x13D30]  }
0x25: {  	v2 =	vld [tilespmem:s18+$0x13D40]  }
0x26: {  	v0 =	vld [tilespmem:s18+$0x13D50];
	v6 =	vsub.f32 $0.0e+00, v3  }
0x27: {  	s19 =	simm.s32 $0x200;
	v5 =	vsub.f32 $0.0e+00, v5;
	v3 =	vld [tilespmem:s18+$0x13D60]  }
.LBB2_3:
0x28: {  	p0 =	sne.s32 s19, $0x18E00;
	v6 =	vmul.f32 $1.442695020e+00, v6;
	v4 =	vsub.f32 $0.0e+00, v4;
	v7 =	vld [tilespmem:s18+$0x13D70]  }
0x29: {  	v5 =	vmul.f32 $1.442695020e+00, v5;
	v1 =	vsub.f32 $0.0e+00, v1  }
0x2a: {  	v4 =	vmul.f32 $1.442695020e+00, v4;
	v2 =	vsub.f32 $0.0e+00, v2;
	(erf) = vpow2.f32 v6  }
0x2b: {  	v1 =	vmul.f32 $1.442695020e+00, v1;
	v0 =	vsub.f32 $0.0e+00, v0;
	(erf) = vpow2.f32 v5  }
0x2c: {  	v2 =	vmul.f32 $1.442695020e+00, v2;
	v3 =	vsub.f32 $0.0e+00, v3;
	(erf) = vpow2.f32 v4  }
0x2d: {  	v0 =	vmul.f32 $1.442695020e+00, v0;
	v4 =	vsub.f32 $0.0e+00, v7;
	(erf) = vpow2.f32 v1  }
0x2e: {  	v1 =	vmul.f32 $1.442695020e+00, v3;
	(erf) = vpow2.f32 v2  }
0x2f: {  	v2 =	vmul.f32 $1.442695020e+00, v4;
	(erf) = vpow2.f32 v0  }
0x30: {  	(erf) = vpow2.f32 v1  }
0x31: {  	(erf) = vpow2.f32 v2;
	_ =	sdelay $0x1  }
0x32: {  	v0 =	vpop (erf)  }
0x33: {  	v3 =	vadd.f32 $1.000000000e+00, v0;
	v1 =	vpop (erf)  }
0x34: {  	v4 =	vadd.f32 $1.000000000e+00, v1;
	v2 =	vpop (erf)  }
0x35: {  	v5 =	vadd.f32 $1.000000000e+00, v2;
	(erf) = vrcp.f32 v3;
	v0 =	vpop (erf)  }
0x36: {  	v3 =	vadd.f32 $1.000000000e+00, v0;
	(erf) = vrcp.f32 v4;
	v1 =	vpop (erf)  }
0x37: {  	v4 =	vadd.f32 $1.000000000e+00, v1;
	(erf) = vrcp.f32 v5;
	v2 =	vpop (erf)  }
0x38: {  	v2 =	vadd.f32 $1.000000000e+00, v2;
	(erf) = vrcp.f32 v3;
	v0 =	vpop (erf)  }
0x39: {  	v0 =	vadd.f32 $1.000000000e+00, v0;
	(erf) = vrcp.f32 v4;
	v1 =	vpop (erf)  }
0x3a: {  	v1 =	vadd.f32 $1.000000000e+00, v1;
	(erf) = vrcp.f32 v2  }
0x3b: {  	(erf) = vrcp.f32 v0  }
0x3c: {  	(erf) = vrcp.f32 v1;
	_ =	sdelay $0x1  }
0x3d: {  	v0 =	vpop (erf)  }
0x3e: {  	s20 =	sshra.s32 s19, $0x2;
	[tilespmem:s18+$0x13D00] =	vst v0;
	v0 =	vpop (erf)  }
0x3f: {  	v3 =	vld [tilespmem:s20+$0x13D00];
	[tilespmem:s18+$0x13D10] =	vst v0;
	v0 =	vpop (erf)  }
0x40: {  	v5 =	vld [tilespmem:s20+$0x13D10];
	[tilespmem:s18+$0x13D20] =	vst v0;
	v0 =	vpop (erf)  }
.Ltmp0:
0x41: {  	v4 =	vld [tilespmem:s20+$0x13D20];
	[tilespmem:s18+$0x13D30] =	vst v0;
	v0 =	vpop (erf);
	(pc) =	sbr.rel @p0 .LBB2_3-.Ltmp0, $4  }
0x42: {  	v1 =	vld [tilespmem:s20+$0x13D30];
	[tilespmem:s18+$0x13D40] =	vst v0;
	v0 =	vpop (erf)  }
0x43: {  	v2 =	vld [tilespmem:s20+$0x13D40];
	[tilespmem:s18+$0x13D50] =	vst v0;
	v7 =	vpop (erf)  }
0x44: {  	v6 =	vsub.f32 $0.0e+00, v3;
	v0 =	vld [tilespmem:s20+$0x13D50];
	[tilespmem:s18+$0x13D60] =	vst v7;
	v7 =	vpop (erf)  }
0x45: {  	s19 =	sadd.s32 $0x200, s19;
	v5 =	vsub.f32 $0.0e+00, v5;
	v3 =	vld [tilespmem:s20+$0x13D60];
	[tilespmem:s18+$0x13D70] =	vst v7;
	s18 =	smov.u32 s20  }
0x46: {  	v6 =	vmul.f32 $1.442695020e+00, v6;
	v4 =	vsub.f32 $0.0e+00, v4;
	v7 =	vld [tilespmem:s18+$0x13D70]  }
0x47: {  	v5 =	vmul.f32 $1.442695020e+00, v5;
	v1 =	vsub.f32 $0.0e+00, v1  }
0x48: {  	v4 =	vmul.f32 $1.442695020e+00, v4;
	v2 =	vsub.f32 $0.0e+00, v2;
	(erf) = vpow2.f32 v6  }
0x49: {  	v1 =	vmul.f32 $1.442695020e+00, v1;
	v0 =	vsub.f32 $0.0e+00, v0;
	(erf) = vpow2.f32 v5  }
0x4a: {  	v2 =	vmul.f32 $1.442695020e+00, v2;
	v3 =	vsub.f32 $0.0e+00, v3;
	(erf) = vpow2.f32 v4  }
0x4b: {  	v0 =	vmul.f32 $1.442695020e+00, v0;
	v45 =	vsub.f32 $0.0e+00, v7;
	(erf) = vpow2.f32 v1  }
0x4c: {  	v46 =	vmul.f32 $1.442695020e+00, v3;
	(erf) = vpow2.f32 v2  }
0x4d: {  	v47 =	vmul.f32 $1.442695020e+00, v45;
	(erf) = vpow2.f32 v0  }
0x4e: {  	(erf) = vpow2.f32 v46  }
0x4f: {  	(erf) = vpow2.f32 v47;
	_ =	sdelay $0x1  }
0x50: {  	v48 =	vpop (erf)  }
0x51: {  	v0 =	vadd.f32 $1.000000000e+00, v48;
	v49 =	vpop (erf)  }
0x52: {  	v1 =	vadd.f32 $1.000000000e+00, v49;
	v50 =	vpop (erf)  }
0x53: {  	v2 =	vadd.f32 $1.000000000e+00, v50;
	(erf) = vrcp.f32 v0;
	v51 =	vpop (erf)  }
0x54: {  	v0 =	vadd.f32 $1.000000000e+00, v51;
	(erf) = vrcp.f32 v1;
	v52 =	vpop (erf)  }
0x55: {  	v1 =	vadd.f32 $1.000000000e+00, v52;
	(erf) = vrcp.f32 v2;
	v53 =	vpop (erf)  }
0x56: {  	v2 =	vadd.f32 $1.000000000e+00, v53;
	(erf) = vrcp.f32 v0;
	v54 =	vpop (erf)  }
0x57: {  	v0 =	vadd.f32 $1.000000000e+00, v54;
	(erf) = vrcp.f32 v1;
	v55 =	vpop (erf)  }
0x58: {  	v1 =	vadd.f32 $1.000000000e+00, v55;
	(erf) = vrcp.f32 v2  }
0x59: {  	(erf) = vrcp.f32 v0  }
0x5a: {  	(erf) = vrcp.f32 v1;
	_ =	sdelay $0x1  }
0x5b: {  	v56 =	vpop (erf)  }
0x5c: {  	[tilespmem:s18+$0x13D00] =	vst v56;
	v57 =	vpop (erf)  }
0x5d: {  	[tilespmem:s18+$0x13D10] =	vst v57;
	v58 =	vpop (erf)  }
0x5e: {  	[tilespmem:s18+$0x13D20] =	vst v58;
	v59 =	vpop (erf)  }
0x5f: {  	[tilespmem:s18+$0x13D30] =	vst v59;
	v60 =	vpop (erf)  }
0x60: {  	[tilespmem:s18+$0x13D40] =	vst v60;
	v61 =	vpop (erf)  }
0x61: {  	s17 =	sadd.s32 $0x1, s17;
	[tilespmem:s18+$0x13D50] =	vst v61;
	v62 =	vpop (erf)  }
0x62: {  	p0 =	sne.s32 s17, $0x32;
	[tilespmem:s18+$0x13D60] =	vst v62;
	v63 =	vpop (erf)  }
.Ltmp1:
0x63: {  	[tilespmem:s18+$0x13D70] =	vst v63;
	(pc) =	sbr.rel @p0 .LBB2_2-.Ltmp1, $4  }
0x64: {  	[spmem:s2] =	stream.indirect.scatter.add.f32 [tilespmem:s13], [sflag:$0x1], $0x80, s14, s16, $0xb8;
	[tilespmem:$0x1A100] =	vst v63  }
0x65: {  	_ =	swait.ge [sflag:s15], $0x6400  }
0x66: {  	[sflag:s15] =	ssyncset.done $0x0  }
0x67: {  	[sflag:s15] =	ssyncadd.s32 $0xFFFF9C00  }
0x68: {  	s3 =	sadd.s32 $0x1, s3  }
0x69: {  	p0 =	sne.s32 s3, s10  }
.Ltmp2:
0x6a: {  	[bflag:$0x0] =	sbarrier.arrive $0xFFFF;
	(pc) =	sbr.rel @p0 .LBB2_1-.Ltmp2, $4  }
0x6b: {  	[hbm:s9], [sflag:s7] =	dma.local [spmem:s11], $0x2780  }
0x6c: {  	_ =	swait.ge [sflag:s12], $0x2780  }
0x6d: {  	[sflag:s12] =	ssyncset.done $0x0  }
0x6e: {  	[sflag:s12] =	ssyncadd.s32 $0xFFFFD880  }
0x6f: {  	_ =	sfence.sel $0x180000  }
0x70: {  	[bflag:$0x0] =	sbarrier.arrive $0xFFFF  }
0x71: {  	p0 =	sne.s32 s1, $0x0;
	_ =	strace $0x90000056  }
0x72: {  	s0 =	sadd.s32 @!p0 $0x100000, s0;
	[bflag:$0x2] =	sbarrier.arrive $0xFFFF  }
0x73: {  	[sflag:s0] =	ssyncadd.tile.s32 @!p0 $0x1;
	_ =	shalt  }
.Lfunc_end2:
_tile_overlayer_lowered:
.L_overlay_start_2:
0x74: {  	(tag) =	ssettag $0x2  }
0x75: {  	s0 =	rddreg [dreg:$0x0];
	s2 =	stileid.u32  }
0x76: {  	s1 =	rddreg [dreg:$0x1];
	p0 =	sne.s32 s2, $0x0  }
0x77: {  	s3 =	rddreg [dreg:$0x2];
	[bflag:$0x3] =	sbarrier.arrive $0xFFFF;
	s2 =	simm.s32 @!p0 $0x1C02  }
0x78: {  	[timem:s3], [sflag:s2] =	dma.local @!p0 [hbm:s0], s1  }
0x79: {  	s0 =	simm.s32 @!p0 $0x2  }
0x7a: {  	_ =	swait.ge @!p0 [sflag:s0], s1  }
0x7b: {  	s1 =	ssub.s32 @!p0 $0x0, s1;
	[sflag:s0] =	ssyncset.done @!p0 $0x0  }
0x7c: {  	[sflag:s0] =	ssyncadd.s32 @!p0 s1  }
0x7d: {  	[bflag:$0x3] =	sbarrier.arrive $0xFFFF  }
0x7e: {  	_ =	shalt  }

// kernel: kernel.45.cloned.1.call-start
scs
__scs_entry_jumppad:
0x0: {  	(pc) =	sbr.rel $0x88, $3  }
0x1: {  	(tag) =	ssettag $0x0;
	lr =	simm.s32 $0x1  }
0x2: {  	[smem:$0x3F84] =	sst lr;
	_ =	strace $0xD0000000  }
0x3: {  	_ = 	snop  }
0x4: {  	_ = 	snop  }
0x5: {  	_ = 	snop  }
0x6: {  	_ = 	snop  }
0x7: {  	_ = 	snop  }
__scs_overlays_trampoline_lowered:
0x8: {  	[smem:$0x3F93] =	sst s0  }
0x9: {  	[smem:$0x3F94] =	sst s1  }
0xa: {  	[smem:$0x3F95] =	sst s2  }
0xb: {  	[smem:$0x3F96] =	sst s3  }
0xc: {  	[smem:$0x3F97] =	sst s4  }
0xd: {  	[smem:$0x3F98] =	sst s5  }
0xe: {  	[smem:$0x3F99] =	sst s6  }
0xf: {  	[smem:$0x3F9A] =	sst s7  }
0x10: {  	[smem:$0x3F9B] =	sst s8  }
0x11: {  	[smem:$0x3F9C] =	sst s9;
	s0 =	simm.s32 @!p0 $0x0  }
0x12: {  	s1 =	sld [smem:$0x3F82];
	s0 =	simm.s32 @p0 $0x1  }
0x13: {  	[smem:$0x3F9D] =	sst s0;
	s0 =	simm.s32 @!p1 $0x0  }
0x14: {  	s2 =	sld [smem:$0x3F81];
	s0 =	simm.s32 @p1 $0x1  }
0x15: {  	[smem:$0x3F9E] =	sst s0;
	s0 =	simm.s32 @!p2 $0x0  }
0x16: {  	s3 =	sld [smem:$0x3FDB];
	s0 =	simm.s32 @p2 $0x1  }
0x17: {  	s4 =	simm.s32 $0x1BF5;
	[smem:$0x3FA0] =	sst s0  }
0x18: {  	s0 =	sld [smem:$0x3F83];
	_ =	swait.ge [sflag:s4], $0x0  }
0x19: {  	s7 =	sld [smem:$0x3F84]  }
0x1a: {  	s8 =	sadd.s32 $0xFFFFE003, lr  }
0x1b: {  	s9 =	sadd.s32 $0xFFFFFEF7, lr;
	s5 =	simm.s32 $0xFFFFFFFF;
	p2 =	slt.u32 s8, $0xFFFFF086  }
0x1c: {  	p1 =	slt.u32 s9, $0xF7A;
	s5 =	simm.s32 @!p2 $0x0  }
0x1d: {  	s5 =	simm.s32 @p1 $0x1;
	p0 =	seq.s32 s7, s2  }
0x1e: {  	s7 =	smul.u32 @!p0 $0xF7A, s2;
	p2 =	seq.s32 @!p0 s5, $0x0  }
0x1f: {  	s9 =	smul.u32 $0xF7A, s1;
	s8 =	simm.s32 @!p0 $0x1BF5;
	p2 =	por !p2, p0  }
0x20: {  	[sflag:s8] =	ssyncset.s32 @!p0 $0xFFFFF086;
	s6 =	sadd.s32 @!p0 s3, s7;
	s7 =	simm.s32 @!p0 $0x108  }
0x21: {  	s3 =	sadd.s32 s3, s9;
	s6 =	sadd.s32 @!p0 $0x88, s6;
	s7 =	simm.s32 @p2 $0x1082  }
0x22: {  	[simem:s7], [sflag:s8] =	dma.local @!p0 [hbm:s6], $0xF7A  }
0x23: {  	s9 =	sor.u32 $0xD0000000, s2;
	s6 =	simm.s32 $0x108;
	_ =	swait.ge @!p0 [sflag:s8], $0x0  }
0x24: {  	s3 =	sadd.s32 $0x88, s3;
	s6 =	simm.s32 @!p1 $0x1082;
	[sflag:s4] =	ssyncset.s32 $0xFFFFF086  }
0x25: {  	[simem:s6], [sflag:s4] =	dma.local [hbm:s3], $0xF7A  }
0x26: {  	[smem:$0x3F84] =	sst s1;
	(tag) =	ssettag s2;
	_ =	strace s9  }
0x27: {  	s1 =	sld [smem:$0x3F94]  }
0x28: {  	s2 =	sld [smem:$0x3F95]  }
0x29: {  	s4 =	sld [smem:$0x3F97]  }
0x2a: {  	p0 =	seq.s32 s5, $0x0;
	s5 =	sld [smem:$0x3F98]  }
0x2b: {  	s6 =	sld [smem:$0x3F99]  }
0x2c: {  	s7 =	sld [smem:$0x3F9A]  }
0x2d: {  	s3 =	simm.s32 $0x108;
	s8 =	sld [smem:$0x3F9B]  }
0x2e: {  	s3 =	simm.s32 @!p0 $0x1082;
	s9 =	sld [smem:$0x3F9C]  }
0x2f: {  	lr =	sadd.s32 s0, s3;
	s0 =	sld [smem:$0x3F93]  }
0x30: {  	s3 =	sld [smem:$0x3F96]  }
0x31: {  	[smem:$0x3F9F] =	sst s10  }
0x32: {  	s10 =	sld [smem:$0x3F9D];
	_ =	sdelay $0x3  }
0x33: {  	p0 =	seq.s32 s10, $0x1;
	s10 =	sld [smem:$0x3F9F];
	_ =	sdelay $0x3  }
0x34: {  	[smem:$0x3F9F] =	sst s10  }
0x35: {  	s10 =	sld [smem:$0x3F9E];
	_ =	sdelay $0x3  }
0x36: {  	p1 =	seq.s32 s10, $0x1;
	s10 =	sld [smem:$0x3F9F];
	_ =	sdelay $0x3  }
0x37: {  	[smem:$0x3F9F] =	sst s10  }
0x38: {  	s10 =	sld [smem:$0x3FA0]  }
0x39: {  	_ = 	snop;
	(pc) =	sbr.ind lr, $3  }
0x3a: {  	_ = 	snop  }
0x3b: {  	_ = 	snop  }
0x3c: {  	p2 =	seq.s32 s10, $0x1;
	s10 =	sld [smem:$0x3F9F]  }
0x3d: {  	_ =	shalt  }
0x3e: {  	_ =	shalt  }
0x3f: {  	_ =	shalt  }
0x40: {  	_ =	shalt  }
0x41: {  	_ =	shalt  }
0x42: {  	_ =	shalt  }
0x43: {  	_ =	shalt  }
0x44: {  	_ =	shalt  }
0x45: {  	_ =	shalt  }
0x46: {  	_ =	shalt  }
0x47: {  	_ =	shalt  }
0x48: {  	_ =	shalt  }
0x49: {  	_ =	shalt  }
0x4a: {  	_ =	shalt  }
0x4b: {  	_ =	shalt  }
0x4c: {  	_ =	shalt  }
0x4d: {  	_ =	shalt  }
0x4e: {  	_ =	shalt  }
0x4f: {  	_ =	shalt  }
0x50: {  	_ =	shalt  }
0x51: {  	_ =	shalt  }
0x52: {  	_ =	shalt  }
0x53: {  	_ =	shalt  }
0x54: {  	_ =	shalt  }
0x55: {  	_ =	shalt  }
0x56: {  	_ =	shalt  }
0x57: {  	_ =	shalt  }
0x58: {  	_ =	shalt  }
0x59: {  	_ =	shalt  }
0x5a: {  	_ =	shalt  }
0x5b: {  	_ =	shalt  }
0x5c: {  	_ =	shalt  }
0x5d: {  	_ =	shalt  }
0x5e: {  	_ =	shalt  }
0x5f: {  	_ =	shalt  }
0x60: {  	_ =	shalt  }
0x61: {  	_ =	shalt  }
0x62: {  	_ =	shalt  }
0x63: {  	_ =	shalt  }
0x64: {  	_ =	shalt  }
0x65: {  	_ =	shalt  }
0x66: {  	_ =	shalt  }
0x67: {  	_ =	shalt  }
0x68: {  	_ =	shalt  }
0x69: {  	_ =	shalt  }
0x6a: {  	_ =	shalt  }
0x6b: {  	_ =	shalt  }
0x6c: {  	_ =	shalt  }
0x6d: {  	_ =	shalt  }
0x6e: {  	_ =	shalt  }
0x6f: {  	_ =	shalt  }
0x70: {  	_ =	shalt  }
0x71: {  	_ =	shalt  }
0x72: {  	_ =	shalt  }
0x73: {  	_ =	shalt  }
0x74: {  	_ =	shalt  }
0x75: {  	_ =	shalt  }
0x76: {  	_ =	shalt  }
0x77: {  	_ =	shalt  }
0x78: {  	_ =	shalt  }
0x79: {  	_ =	shalt  }
0x7a: {  	_ =	shalt  }
0x7b: {  	_ =	shalt  }
0x7c: {  	_ =	shalt  }
0x7d: {  	_ =	shalt  }
0x7e: {  	_ =	shalt  }
0x7f: {  	_ =	shalt  }
0x80: {  	_ =	shalt  }
0x81: {  	_ =	shalt  }
0x82: {  	_ =	shalt  }
0x83: {  	_ =	shalt  }
0x84: {  	_ =	shalt  }
0x85: {  	_ =	shalt  }
0x86: {  	_ =	shalt  }
0x87: {  	_ =	shalt  }
.Lfunc_end0:
.L_simem_size_0:
called_computation.6_lowered:
.L_overlay_start_0:
0x88: {  	s2 =	sld [smem:$0x3FD9]  }
0x89: {  	s3 =	sld [smem:$0x3FFE];
	_ =	sdelay $0x1  }
0x8a: {  	s1 =	srdreg.scid  }
0x8b: {  	s0 =	sand.u32 $0x1, s1  }
0x8c: {  	s16 =	sshll.u32 s0, $0xA;
	s2 =	sadd.s32 s3, s2  }
0x8d: {  	s2 =	sadd.s32 s2, s16  }
0x8e: {  	[smem:$0x3FAB] =	sst s2  }
0x8f: {  	_ = 	snop  }
0x90: {  	(tm) =	ssettm $0x1  }
0x91: {  	s17 =	sld [smem:$0x3FFB];
	_ =	sdelay $0x3  }
0x92: {  	_ =	strace s17  }
0x93: {  	s2 =	sld [smem:$0x3FFC];
	_ =	sdelay $0x3  }
0x94: {  	_ =	strace s2  }
0x95: {  	s2 =	sld [smem:$0x3FFD];
	_ =	sdelay $0x3  }
0x96: {  	_ =	strace s2  }
0x97: {  	_ =	strace $0x8FFFFFFF  }
0x98: {  	s18 =	sld [smem:$0x3FDB];
	_ =	sdelay $0x1  }
0x99: {  	s19 =	simm.s32 $_scs_section_size  }
0x9a: {  	s4 =	simm.s32 $_size__tile_overlayer_lowered;
	s5 =	simm.s32 $_tile_overlayer_lowered  }
0x9b: {  	s22 =	simm.s32 $0x1BFF;
	s21 =	sshll.u32 s5, $0x1;
	s2 =	sadd.s32 s19, s18  }
0x9c: {  	s6 =	simm.s32 $0x0;
	s20 =	sshll.u32 s4, $0x1;
	s4 =	sadd.s32 s21, s2  }
0x9d: {  	[timem:s6], [sflag:s22] =	dma.local [hbm:s4], s20  }
0x9e: {  	_ =	swait.ge [sflag:s22], s20  }
0x9f: {  	s3 =	ssub.s32 $0x0, s20;
	[sflag:s22] =	ssyncset.done $0x0  }
0xa0: {  	[sflag:s22] =	ssyncadd.s32 s3;
	_ =	sdelay $0x1  }
0xa1: {  	s23 =	simm.s32 $0x1B8B  }
0xa2: {  	_ =	swait.ge [sflag:s23], $0x1  }
0xa3: {  	[sflag:s23] =	ssyncset.done $0x0  }
0xa4: {  	s25 =	simm.s32 $0x1B8E;
	s24 =	sld [smem:$0x3FFE];
	[sflag:s23] =	ssyncadd.s32 $0xFFFFFFFF  }
0xa5: {  	s26 =	simm.s32 $execute0_lowered;
	[smem:$0x3FD2] =	sst s25  }
0xa6: {  	s4 =	sshll.u32 s26, $0x1;
	_ =	strace $0x80000058;
	[dreg:$0x1] =	wrdreg $0xFFFFFFFF  }
0xa7: {  	s28 =	simm.s32 $_size_execute0_lowered;
	s2 =	sadd.s32 s2, s4;
	[dreg:$0x0] =	wrdreg $0x0  }
0xa8: {  	s4 =	sshll.u32 s28, $0x1;
	[dreg:$0x2] =	wrdreg s2  }
0xa9: {  	[dreg:$0x3] =	wrdreg s4  }
0xaa: {  	[dreg:$0x4] =	wrdreg $0xC0  }
0xab: {  	_ =	task [dreg:s6], $0x5FFFF  }
0xac: {  	[dreg:$0x1] =	wrdreg $0xFFFFFFFF  }
0xad: {  	[dreg:$0x0] =	wrdreg $0x60  }
0xae: {  	[dreg:$0x2] =	wrdreg s24  }
0xaf: {  	[dreg:$0x3] =	wrdreg $0x0  }
0xb0: {  	[dreg:$0x4] =	wrdreg $0x9  }
0xb1: {  	_ =	task.clear_ibuf [dreg:s6], $0x5FFFF;
	_ =	strace $0x90000058  }
0xb2: {  	s29 =	simm.s32 $0x9;
	_ =	strace $0x8000005A  }
0xb3: {  	_ =	swait.ge [sflag:s29], $0x1  }
0xb4: {  	[sflag:s29] =	ssyncadd.s32 $0xFFFFFFFF  }
0xb5: {  	_ =	strace $0x9000005A  }
0xb6: {  	_ =	sfence  }
0xb7: {  	s30 =	sld [smem:$0x0];
	_ =	sdelay $0x2  }
0xb8: {  	s31 =	sshll.u32 s1, $0xD;
	s1 =	sshrl.u32 s1, $0x2  }
0xb9: {  	s3 =	sand.u32 $0x4000, s31;
	s1 =	sadd.s32 s1, s30  }
0xba: {  	s0 =	sor.u32 s3, s0;
	s1 =	sshll.u32 s1, $0x11  }
0xbb: {  	s0 =	sor.u32 s1, s0  }
0xbc: {  	s0 =	sadd.s32 $0x8F2B, s0  }
0xbd: {  	[sflag:s0] =	ssyncadd.remote.s32 $0x1  }
0xbe: {  	_ =	sfence.sel $0xFFFF  }
0xbf: {  	[dreg:$0x0] =	wrdreg $0xFFFFFFFF;
	(pc) =	sbr.abs _section_cstart, $3  }
0xc0: {  	[dreg:$0x1] =	wrdreg $0xFFFFFFFF  }
0xc1: {  	_ =	task.clear_ibuf [dreg:s6], $0x2FFFF;
	_ =	strace $0x9FFFFFFF  }
0xc2: {  	(tm) =	ssettm $0x7FFFFFFF  }
0xc3: {  	_ =	shalt  }
tec
execute0_lowered:
.L_overlay_start_1:
0x0: {  	(tag) =	ssettag $0x1  }
0x1: {  	s0 =	rddreg [dreg:$0x0]  }
0x2: {  	s2 =	rddreg [dreg:$0x1];
	s3 =	simm.s32 $0x0;
	s16 =	stileid.u32  }
0x3: {  	s1 =	srdreg.scid;
	s17 =	simm.s32 $0x3;
	s18 =	simm.s32 $0x13C00  }
0x4: {  	s19 =	simm.s32 $0x13C80;
	s20 =	simm.s32 $0x1B500;
	s21 =	simm.s32 $0x1  }
0x5: {  	s22 =	simm.s32 $0x50;
	s23 =	simm.s32 $0x13D00;
	s24 =	simm.s32 $0x16500  }
0x6: {  	s25 =	simm.s32 $0x18D00;
	s28 =	simm.s32 $0x0;
	[smem:$0x7FF] =	sst s3  }
0x7: {  	s10 =	smul.u32 $0x13C00, s16;
	s1 =	sand.u32 $0x1, s1;
	s4 =	sadd.s32 $0x53AE00, s0  }
0x8: {  	s5 =	sadd.s32 $0x562000, s0;
	s6 =	sadd.s32 $0x589200, s0;
	s7 =	sadd.s32 $0x58E00, s0  }
0x9: {  	s8 =	sadd.s32 $0x1E000, s0;
	s9 =	sadd.s32 $0x27E00, s0;
	s13 =	smul.u32 $0x4F000, s16  }
0xa: {  	s31 =	sshll.u32 s16, $0x6;
	_ =	strace $0x80000059;
	s11 =	smul.u32 $0x13C000, s1  }
0xb: {  	s26 =	ssub.s32 $0x2, s1;
	s1 =	sshll.u32 s1, $0x4;
	s12 =	sshrl.u32 s10, $0x3  }
0xc: {  	s15 =	sshrl.u32 s26, $0x1;
	s30 =	sshrl.u32 s13, $0x2;
	s1 =	sor.u32 s16, s1  }
0xd: {  	s10 =	sadd.s32 s10, s11;
	s12 =	sadd.s32 s12, s0;
	s29 =	ssub.s32 s26, s15  }
0xe: {  	s11 =	sadd.s32 s30, s2;
	s13 =	smul.u32 $0x2710, s1;
	s26 =	simm.s32 $0x2  }
0xf: {  	s10 =	sshrl.u32 s10, $0x3;
	s12 =	sadd.s32 $0xAB9600, s12;
	s15 =	smax.u32 s29, $0x1  }
0x10: {  	s16 =	sshrl.u32 s11, $0x3;
	s14 =	sadd.s32 s10, s0;
	s10 =	sadd.s32 $0xAE0E00, s0  }
0x11: {  	[dreg:$0x3] =	wrdreg s12;
	s12 =	sor.u32 $0x1C03, s31;
	s14 =	sadd.s32 $0x5D7600, s14  }
.LBB2_1:
0x12: {  	s0 =	rddreg [dreg:$0x3]  }
0x13: {  	[spmem:s16], [sflag:s12] =	dma.local [hbm:s0], $0x2780  }
0x14: {  	_ =	swait.ge [sflag:s17], $0x2780  }
0x15: {  	[sflag:s17] =	ssyncset.done $0x0  }
0x16: {  	[sflag:s17] =	ssyncadd.s32 $0xFFFFD880  }
0x17: {  	s29 =	simm.s32 $0x0;
	[bflag:$0x0] =	sbarrier.arrive $0xFFFF  }
.LBB2_2:
0x18: {  	s0 =	smul.u32 $0x50, s29;
	_ =	sdelay $0x1  }
0x19: {  	s0 =	sadd.s32 s13, s0  }
0x1a: {  	s1 =	sshrl.u32 s0, $0x3  }
0x1b: {  	s31 =	simm.s32 $0x0;
	s11 =	sadd.s32 s8, s1  }
0x1c: {  	[tilespmem:s18], [sflag:$0x1] =	stream.linear.gather [hbm4b:s11+s31], $0x50, $0x38;
	[tilespmem:$0x1DD00] =	vst v63  }
0x1d: {  	s30 =	sshll.u32 s0, $0x4;
	s1 =	sadd.s32 s9, s1  }
0x1e: {  	[tilespmem:s19], [sflag:$0x1] =	stream.linear.gather [hbm4b:s1+s31], $0x50, $0x38;
	[tilespmem:$0x1DD00] =	vst v63  }
0x1f: {  	s0 =	sadd.s32 s7, s30  }
0x20: {  	[tilespmem:s20], [sflag:$0x2] =	stream.linear.gather [hbm4b:s0+s31], $0x2800, $0x38;
	[tilespmem:$0x1DD00] =	vst v63  }
0x21: {  	_ =	swait.ge [sflag:s21], $0x50  }
0x22: {  	[sflag:s21] =	ssyncset.done $0x0  }
0x23: {  	[sflag:s21] =	ssyncadd.s32 $0xFFFFFFB0  }
0x24: {  	_ =	swait.ge [sflag:s21], $0x50  }
0x25: {  	[sflag:s21] =	ssyncset.done $0x0  }
0x26: {  	[sflag:s21] =	ssyncadd.s32 $0xFFFFFFB0  }
0x27: {  	[tilespmem:s23], [sflag:$0x1] =	stream.indirect.gather [hbm4b:s4+s22], $0x80, s18, s22, $0xb8;
	[tilespmem:$0x1DD00] =	vst v63  }
0x28: {  	_ = 	snop  }
0x29: {  	[tilespmem:s24], [sflag:$0x1] =	stream.indirect.gather [hbm4b:s5+s22], $0x80, s18, s22, $0xb8;
	[tilespmem:$0x1DD00] =	vst v63  }
0x2a: {  	_ = 	snop  }
0x2b: {  	[tilespmem:s25], [sflag:$0x1] =	stream.indirect.gather [hbm4b:s6+s22], $0x80, s19, s22, $0xb8;
	[tilespmem:$0x1DD00] =	vst v63  }
0x2c: {  	_ =	swait.ge [sflag:s26], $0x2800  }
0x2d: {  	[sflag:s26] =	ssyncset.done $0x0  }
0x2e: {  	[sflag:s26] =	ssyncadd.s32 $0xFFFFD800  }
0x2f: {  	_ =	swait.ge [sflag:s21], $0x2800  }
0x30: {  	[sflag:s21] =	ssyncset.done $0x0  }
0x31: {  	[sflag:s21] =	ssyncadd.s32 $0xFFFFD800  }
0x32: {  	_ =	swait.ge [sflag:s21], $0x2800  }
0x33: {  	[sflag:s21] =	ssyncset.done $0x0  }
0x34: {  	[sflag:s21] =	ssyncadd.s32 $0xFFFFD800  }
0x35: {  	_ =	swait.ge [sflag:s21], $0x2800  }
0x36: {  	[sflag:s21] =	ssyncset.done $0x0  }
0x37: {  	s31 =	simm.s32 $0x0;
	[sflag:s21] =	ssyncadd.s32 $0xFFFFD800  }
0x38: {  	v0 =	vld [tilespmem:s31+$0x18D50]  }
0x39: {  	v1 =	vld [tilespmem:s31+$0x18D10]  }
0x3a: {  	v2 =	vld [tilespmem:s31+$0x18D40]  }
0x3b: {  	v3 =	vld [tilespmem:s31+$0x13D40]  }
0x3c: {  	v4 =	vld [tilespmem:s31+$0x18D20]  }
0x3d: {  	v5 =	vld [tilespmem:s31+$0x1B540]  }
0x3e: {  	v6 =	vld [tilespmem:s31+$0x18D30]  }
0x3f: {  	v7 =	vld [tilespmem:s31+$0x1B510]  }
0x40: {  	v9 =	vld [tilespmem:s31+$0x13D10]  }
0x41: {  	v10 =	vld [tilespmem:s31+$0x13D50];
	v2 =	vadd.f32 v2, v3  }
0x42: {  	v8 =	vld [tilespmem:s31+$0x1B550]  }
0x43: {  	v3 =	vld [tilespmem:s31+$0x13D30];
	v2 =	vadd.f32 v5, v2  }
0x44: {  	v11 =	vld [tilespmem:s31+$0x13D20]  }
0x45: {  	v1 =	vadd.f32 v1, v9;
	v5 =	vld [tilespmem:s31+$0x1B530];
	v2 =	vsub.f32 $0.0e+00, v2  }
0x46: {  	v62 =	vld [tilespmem:s31+$0x1B520];
	v0 =	vadd.f32 v0, v10  }
0x47: {  	v1 =	vadd.f32 v7, v1;
	v2 =	vmul.f32 $1.442695020e+00, v2  }
0x48: {  	v0 =	vadd.f32 v8, v0;
	v7 =	vld [tilespmem:s31+$0x18D00];
	v3 =	vadd.f32 v6, v3  }
0x49: {  	v4 =	vadd.f32 v4, v11;
	v1 =	vsub.f32 $0.0e+00, v1;
	(erf) = vpow2.f32 v2;
	v2 =	vld [tilespmem:s31+$0x13D00]  }
0x4a: {  	v8 =	vld [tilespmem:s31+$0x1B500];
	v0 =	vsub.f32 $0.0e+00, v0;
	v3 =	vadd.f32 v5, v3  }
0x4b: {  	v4 =	vadd.f32 v62, v4;
	v6 =	vld [tilespmem:s31+$0x18D70];
	v1 =	vmul.f32 $1.442695020e+00, v1  }
0x4c: {  	v0 =	vmul.f32 $1.442695020e+00, v0;
	v5 =	vld [tilespmem:s31+$0x13D70];
	v3 =	vsub.f32 $0.0e+00, v3  }
0x4d: {  	v4 =	vsub.f32 $0.0e+00, v4;
	(erf) = vpow2.f32 v1  }
0x4e: {  	v63 =	vld [tilespmem:s31+$0x1B570];
	(erf) = vpow2.f32 v0;
	v3 =	vmul.f32 $1.442695020e+00, v3;
	v0 =	vadd.f32 v7, v2  }
0x4f: {  	v1 =	vmul.f32 $1.442695020e+00, v4  }
0x50: {  	(erf) = vpow2.f32 v3;
	v0 =	vadd.f32 v8, v0  }
0x51: {  	v2 =	vadd.f32 v6, v5;
	(erf) = vpow2.f32 v1  }
0x52: {  	v4 =	vld [tilespmem:s31+$0x13D60];
	v3 =	vpop (erf);
	v0 =	vsub.f32 $0.0e+00, v0  }
0x53: {  	v1 =	vld [tilespmem:s31+$0x18D60];
	v2 =	vadd.f32 v63, v2;
	v3 =	vadd.f32 $1.000000000e+00, v3  }
0x54: {  	v5 =	vmul.f32 $1.442695020e+00, v0  }
0x55: {  	v7 =	vld [tilespmem:s31+$0x1B560];
	v2 =	vsub.f32 $0.0e+00, v2;
	(erf) = vrcp.f32 v3;
	_ =	sdelay $0x1  }
0x56: {  	v2 =	vmul.f32 $1.442695020e+00, v2;
	v0 =	vld [tilespmem:s31+$0x16570];
	v3 =	vpop (erf)  }
0x57: {  	v4 =	vadd.f32 v1, v4;
	v1 =	vld [tilespmem:s31+$0x16500];
	(erf) = vpow2.f32 v5;
	v8 =	vadd.f32 $1.000000000e+00, v3;
	v5 =	vpop (erf)  }
0x58: {  	(erf) = vpow2.f32 v2;
	v2 =	vld [tilespmem:s31+$0x16520];
	v6 =	vadd.f32 $1.000000000e+00, v5;
	v5 =	vpop (erf)  }
0x59: {  	s1 =	simm.s32 $0x200;
	s0 =	simm.s32 $0x400;
	v4 =	vadd.f32 v7, v4;
	v3 =	vld [tilespmem:s31+$0x16540];
	v5 =	vadd.f32 $1.000000000e+00, v5;
	(erf) = vrcp.f32 v8;
	v7 =	vpop (erf)  }
.LBB2_3:
0x5a: {  	p0 =	sne.s32 s0, $0x9E00  }
0x5b: {  	s11 =	sshra.s32 s1, $0x2;
	v9 =	vadd.f32 $1.000000000e+00, v7;
	v8 =	vld [tilespmem:s31+$0x16530];
	(erf) = vrcp.f32 v6;
	s1 =	smov.u32 s0;
	s0 =	sadd.s32 $0x200, s0  }
0x5c: {  	v6 =	vld [tilespmem:s11+$0x18D50];
	v4 =	vsub.f32 $0.0e+00, v4;
	(erf) = vrcp.f32 v5  }
0x5d: {  	v5 =	vld [tilespmem:s11+$0x18D10];
	(erf) = vrcp.f32 v9;
	v7 =	vpop (erf)  }
0x5e: {  	v9 =	vld [tilespmem:s31+$0x16510];
	v11 =	vmul.f32 v7, v3;
	[tilespmem:s31+$0x1B540] =	vst v7;
	v4 =	vmul.f32 $1.442695020e+00, v4  }
0x5f: {  	v7 =	vld [tilespmem:s31+$0x16550]  }
0x60: {  	v10 =	vld [tilespmem:s11+$0x18D40];
	[tilespmem:s31+$0x13D40] =	vst v11;
	v3 =	vpop (erf);
	(erf) = vpow2.f32 v4  }
0x61: {  	v4 =	vld [tilespmem:s11+$0x13D40];
	v14 =	vadd.f32 $1.000000000e+00, v3  }
0x62: {  	v11 =	vld [tilespmem:s11+$0x18D20];
	v12 =	vpop (erf)  }
0x63: {  	v13 =	vld [tilespmem:s11+$0x1B540];
	v12 =	vadd.f32 $1.000000000e+00, v12;
	(erf) = vrcp.f32 v14;
	v3 =	vpop (erf)  }
0x64: {  	v14 =	vld [tilespmem:s11+$0x18D30];
	v16 =	vmul.f32 v3, v9;
	[tilespmem:s31+$0x1B510] =	vst v3;
	v3 =	vpop (erf)  }
0x65: {  	v15 =	vld [tilespmem:s11+$0x1B510];
	v7 =	vmul.f32 v3, v7;
	[tilespmem:s31+$0x1B550] =	vst v3;
	v3 =	vpop (erf);
	(erf) = vrcp.f32 v12  }
0x66: {  	v4 =	vadd.f32 v10, v4;
	v10 =	vld [tilespmem:s11+$0x1B550];
	[tilespmem:s31+$0x13D10] =	vst v16;
	v8 =	vmul.f32 v3, v8;
	v9 =	vpop (erf)  }
0x67: {  	v12 =	vld [tilespmem:s11+$0x13D10];
	v16 =	vmul.f32 v9, v2;
	[tilespmem:s31+$0x13D50] =	vst v7  }
0x68: {  	v4 =	vadd.f32 v13, v4;
	v7 =	vld [tilespmem:s11+$0x13D50];
	[tilespmem:s31+$0x13D30] =	vst v8  }
0x69: {  	v8 =	vld [tilespmem:s11+$0x13D30];
	[tilespmem:s31+$0x13D20] =	vst v16;
	v2 =	vpop (erf)  }
0x6a: {  	v13 =	vld [tilespmem:s11+$0x13D20];
	v4 =	vsub.f32 $0.0e+00, v4;
	[tilespmem:s31+$0x1B530] =	vst v3;
	v2 =	vadd.f32 $1.000000000e+00, v2  }
0x6b: {  	v3 =	vld [tilespmem:s11+$0x1B530];
	[tilespmem:s31+$0x1B520] =	vst v9  }
0x6c: {  	v5 =	vadd.f32 v5, v12;
	v9 =	vld [tilespmem:s11+$0x1B520];
	v16 =	vmul.f32 $1.442695020e+00, v4;
	v12 =	vpop (erf);
	(erf) = vrcp.f32 v2  }
0x6d: {  	v2 =	vadd.f32 v6, v7;
	v1 =	vmul.f32 v12, v1;
	[tilespmem:s31+$0x1B500] =	vst v12;
	v6 =	vld [tilespmem:s31+$0x16560]  }
0x6e: {  	v5 =	vadd.f32 v15, v5;
	v7 =	vadd.f32 v14, v8;
	v8 =	vld [tilespmem:s11+$0x18D70];
	(erf) = vpow2.f32 v16;
	v4 =	vpop (erf)  }
0x6f: {  	v12 =	vld [tilespmem:s11+$0x18D00];
	v11 =	vadd.f32 v11, v13;
	v2 =	vadd.f32 v10, v2;
	[tilespmem:s31+$0x13D00] =	vst v1;
	v0 =	vmul.f32 v4, v0  }
0x70: {  	v1 =	vld [tilespmem:s11+$0x13D00];
	v5 =	vsub.f32 $0.0e+00, v5;
	v3 =	vadd.f32 v3, v7;
	[tilespmem:s31+$0x1B570] =	vst v4  }
0x71: {  	v4 =	vld [tilespmem:s11+$0x1B500];
	v7 =	vadd.f32 v9, v11;
	v2 =	vsub.f32 $0.0e+00, v2;
	[tilespmem:s31+$0x13D70] =	vst v0  }
0x72: {  	v0 =	vmul.f32 $1.442695020e+00, v5;
	v3 =	vsub.f32 $0.0e+00, v3;
	v5 =	vld [tilespmem:s11+$0x13D70]  }
0x73: {  	v7 =	vsub.f32 $0.0e+00, v7;
	v10 =	vmul.f32 $1.442695020e+00, v2  }
0x74: {  	v3 =	vmul.f32 $1.442695020e+00, v3;
	v9 =	vld [tilespmem:s11+$0x1B570];
	(erf) = vpow2.f32 v0  }
0x75: {  	v0 =	vadd.f32 v12, v1;
	v7 =	vmul.f32 $1.442695020e+00, v7;
	(erf) = vpow2.f32 v10;
	v2 =	vpop (erf)  }
0x76: {  	(erf) = vpow2.f32 v3;
	v3 =	vmul.f32 v2, v6;
	[tilespmem:s31+$0x1B560] =	vst v2  }
0x77: {  	v0 =	vadd.f32 v4, v0;
	v2 =	vadd.f32 v8, v5;
	(erf) = vpow2.f32 v7;
	v1 =	vpop (erf)  }
0x78: {  	v1 =	vadd.f32 $1.000000000e+00, v1;
	v4 =	vld [tilespmem:s11+$0x18D60];
	[tilespmem:s31+$0x13D60] =	vst v3;
	s31 =	smov.u32 s11  }
0x79: {  	v0 =	vsub.f32 $0.0e+00, v0;
	v5 =	vld [tilespmem:s31+$0x13D60];
	v2 =	vadd.f32 v9, v2  }
0x7a: {  	(erf) = vrcp.f32 v1  }
0x7b: {  	v3 =	vmul.f32 $1.442695020e+00, v0;
	v7 =	vld [tilespmem:s31+$0x1B560];
	v0 =	vsub.f32 $0.0e+00, v2  }
.Ltmp0:
0x7c: {  	(pc) =	sbr.rel @p0 .LBB2_3-.Ltmp0, $4  }
0x7d: {  	v2 =	vmul.f32 $1.442695020e+00, v0;
	v0 =	vld [tilespmem:s31+$0x16570];
	(erf) = vpow2.f32 v3;
	v1 =	vpop (erf)  }
0x7e: {  	v8 =	vadd.f32 $1.000000000e+00, v1;
	v3 =	vld [tilespmem:s31+$0x16540];
	v4 =	vadd.f32 v4, v5;
	v5 =	vpop (erf)  }
0x7f: {  	v1 =	vld [tilespmem:s31+$0x16500];
	v6 =	vadd.f32 $1.000000000e+00, v5;
	v5 =	vpop (erf);
	(erf) = vpow2.f32 v2  }
0x80: {  	v2 =	vld [tilespmem:s31+$0x16520];
	v5 =	vadd.f32 $1.000000000e+00, v5;
	v4 =	vadd.f32 v7, v4;
	(erf) = vrcp.f32 v8;
	v7 =	vpop (erf)  }
0x81: {  	_ = 	snop  }
0x82: {  	v8 =	vld [tilespmem:s31+$0x16530];
	(erf) = vrcp.f32 v6;
	v49 =	vadd.f32 $1.000000000e+00, v7;
	v4 =	vsub.f32 $0.0e+00, v4  }
0x83: {  	v12 =	vld [tilespmem:s31+$0x16510];
	(erf) = vrcp.f32 v5  }
0x84: {  	s0 =	sshra.s32 s1, $0x2;
	v47 =	vld [tilespmem:s31+$0x16550];
	v11 =	vpop (erf);
	(erf) = vrcp.f32 v49;
	v4 =	vmul.f32 $1.442695020e+00, v4  }
0x85: {  	v9 =	vld [tilespmem:s0+$0x18D50];
	v3 =	vmul.f32 v11, v3  }
0x86: {  	v10 =	vld [tilespmem:s0+$0x18D10];
	[tilespmem:s31+$0x1B540] =	vst v11;
	(erf) = vpow2.f32 v4  }
0x87: {  	v48 =	vld [tilespmem:s0+$0x18D40];
	[tilespmem:s31+$0x13D40] =	vst v3  }
0x88: {  	v51 =	vpop (erf);
	v50 =	vld [tilespmem:s0+$0x13D40]  }
0x89: {  	v13 =	vld [tilespmem:s0+$0x18D20];
	v7 =	vadd.f32 $1.000000000e+00, v51;
	v52 =	vpop (erf)  }
0x8a: {  	v14 =	vld [tilespmem:s0+$0x1B540];
	v15 =	vpop (erf)  }
0x8b: {  	v16 =	vld [tilespmem:s0+$0x18D30];
	v3 =	vadd.f32 $1.000000000e+00, v52;
	[tilespmem:s31+$0x1B510] =	vst v15;
	v17 =	vpop (erf);
	v12 =	vmul.f32 v15, v12;
	(erf) = vrcp.f32 v7  }
0x8c: {  	v18 =	vld [tilespmem:s0+$0x1B510];
	[tilespmem:s31+$0x1B550] =	vst v17;
	v6 =	vmul.f32 v17, v47;
	v54 =	vpop (erf)  }
0x8d: {  	v53 =	vld [tilespmem:s0+$0x1B550];
	[tilespmem:s31+$0x13D10] =	vst v12;
	v55 =	vmul.f32 v54, v8;
	v56 =	vpop (erf);
	(erf) = vrcp.f32 v3  }
0x8e: {  	v12 =	vld [tilespmem:s0+$0x13D10];
	[tilespmem:s31+$0x13D50] =	vst v6;
	v2 =	vmul.f32 v56, v2  }
0x8f: {  	v57 =	vld [tilespmem:s0+$0x13D50];
	[tilespmem:s31+$0x13D30] =	vst v55;
	v59 =	vpop (erf)  }
0x90: {  	v5 =	vadd.f32 v48, v50;
	v7 =	vld [tilespmem:s0+$0x13D30];
	[tilespmem:s31+$0x13D20] =	vst v2;
	v4 =	vadd.f32 $1.000000000e+00, v59  }
0x91: {  	v2 =	vld [tilespmem:s0+$0x13D20];
	[tilespmem:s31+$0x1B530] =	vst v54  }
0x92: {  	v5 =	vadd.f32 v14, v5;
	v58 =	vld [tilespmem:s0+$0x1B530];
	[tilespmem:s31+$0x1B520] =	vst v56;
	(erf) = vrcp.f32 v4  }
0x93: {  	v6 =	vld [tilespmem:s0+$0x1B520]  }
0x94: {  	v5 =	vsub.f32 $0.0e+00, v5;
	v10 =	vadd.f32 v10, v12;
	v60 =	vpop (erf)  }
0x95: {  	v61 =	vld [tilespmem:s31+$0x16560];
	v8 =	vadd.f32 v9, v57;
	[tilespmem:s31+$0x1B500] =	vst v60;
	v1 =	vmul.f32 v60, v1;
	v7 =	vadd.f32 v16, v7  }
0x96: {  	v14 =	vmul.f32 $1.442695020e+00, v5;
	v16 =	vadd.f32 v18, v10;
	v62 =	vld [tilespmem:s0+$0x18D70];
	v17 =	vpop (erf);
	v2 =	vadd.f32 v13, v2  }
0x97: {  	v63 =	vld [tilespmem:s0+$0x18D00];
	v8 =	vadd.f32 v53, v8;
	[tilespmem:s31+$0x13D00] =	vst v1;
	v0 =	vmul.f32 v17, v0;
	v3 =	vadd.f32 v58, v7  }
0x98: {  	v5 =	vsub.f32 $0.0e+00, v16;
	v18 =	vld [tilespmem:s0+$0x13D00];
	[tilespmem:s31+$0x1B570] =	vst v17;
	v2 =	vadd.f32 v6, v2  }
0x99: {  	(erf) = vpow2.f32 v14;
	v20 =	vsub.f32 $0.0e+00, v8;
	v19 =	vld [tilespmem:s0+$0x1B500];
	[tilespmem:s31+$0x13D70] =	vst v0;
	v21 =	vsub.f32 $0.0e+00, v3  }
0x9a: {  	v22 =	vmul.f32 $1.442695020e+00, v5;
	v23 =	vld [tilespmem:s0+$0x13D70]  }
0x9b: {  	v2 =	vsub.f32 $0.0e+00, v2;
	v1 =	vmul.f32 $1.442695020e+00, v20;
	v0 =	vmul.f32 $1.442695020e+00, v21;
	v25 =	vpop (erf)  }
0x9c: {  	v24 =	vld [tilespmem:s0+$0x1B570];
	(erf) = vpow2.f32 v22;
	v26 =	vmul.f32 v25, v61  }
0x9d: {  	v2 =	vmul.f32 $1.442695020e+00, v2;
	(erf) = vpow2.f32 v1;
	[tilespmem:s31+$0x1B560] =	vst v25  }
0x9e: {  	v28 =	vadd.f32 v63, v18;
	(erf) = vpow2.f32 v0;
	v27 =	vld [tilespmem:s0+$0x18D60];
	[tilespmem:s31+$0x13D60] =	vst v26  }
0x9f: {  	(erf) = vpow2.f32 v2;
	v29 =	vadd.f32 v62, v23;
	v30 =	vld [tilespmem:s0+$0x13D60]  }
0xa0: {  	v31 =	vadd.f32 v19, v28  }
0xa1: {  	v32 =	vld [tilespmem:s0+$0x1B560];
	v0 =	vadd.f32 v24, v29  }
0xa2: {  	v33 =	vpop (erf);
	v3 =	vsub.f32 $0.0e+00, v31  }
0xa3: {  	v5 =	vadd.f32 $1.000000000e+00, v33;
	v0 =	vsub.f32 $0.0e+00, v0  }
0xa4: {  	v3 =	vmul.f32 $1.442695020e+00, v3;
	v1 =	vadd.f32 v27, v30  }
0xa5: {  	(erf) = vrcp.f32 v5;
	v34 =	vpop (erf);
	v0 =	vmul.f32 $1.442695020e+00, v0  }
0xa6: {  	(erf) = vpow2.f32 v3;
	v2 =	vadd.f32 $1.000000000e+00, v34;
	v35 =	vpop (erf);
	v1 =	vadd.f32 v32, v1  }
0xa7: {  	v3 =	vadd.f32 $1.000000000e+00, v35;
	v36 =	vpop (erf);
	(erf) = vpow2.f32 v0  }
0xa8: {  	v37 =	vadd.f32 $1.000000000e+00, v36;
	v38 =	vpop (erf);
	(erf) = vrcp.f32 v2;
	v1 =	vsub.f32 $0.0e+00, v1  }
0xa9: {  	v2 =	vadd.f32 $1.000000000e+00, v38;
	(erf) = vrcp.f32 v3  }
0xaa: {  	(erf) = vrcp.f32 v37;
	v39 =	vmul.f32 $1.442695020e+00, v1  }
0xab: {  	(erf) = vrcp.f32 v2  }
0xac: {  	(erf) = vpow2.f32 v39;
	_ =	sdelay $0x1  }
0xad: {  	v40 =	vpop (erf)  }
0xae: {  	v41 =	vld [tilespmem:s0+$0x16540];
	v42 =	vpop (erf)  }
0xaf: {  	v43 =	vpop (erf)  }
0xb0: {  	v44 =	vpop (erf)  }
0xb1: {  	v45 =	vld [tilespmem:s0+$0x16510];
	v2 =	vadd.f32 $1.000000000e+00, v42;
	v46 =	vpop (erf)  }
0xb2: {  	v48 =	vpop (erf)  }
0xb3: {  	v47 =	vld [tilespmem:s0+$0x16550];
	v1 =	vmul.f32 v40, v41;
	v3 =	vadd.f32 $1.000000000e+00, v43;
	(erf) = vrcp.f32 v2;
	v49 =	vpop (erf)  }
0xb4: {  	[tilespmem:s0+$0x1B540] =	vst v40;
	v51 =	vpop (erf)  }
0xb5: {  	v9 =	vld [tilespmem:s0+$0x16530];
	[tilespmem:s0+$0x13D40] =	vst v1;
	(erf) = vrcp.f32 v3;
	v0 =	vadd.f32 $1.000000000e+00, v51  }
0xb6: {  	v50 =	vld [tilespmem:s0+$0x16520];
	v52 =	vmul.f32 v44, v45;
	[tilespmem:s0+$0x1B510] =	vst v44  }
0xb7: {  	[tilespmem:s0+$0x1B550] =	vst v46;
	(erf) = vrcp.f32 v0  }
0xb8: {  	v54 =	vld [tilespmem:s0+$0x16500];
	v53 =	vmul.f32 v46, v47;
	[tilespmem:s0+$0x13D10] =	vst v52  }
0xb9: {  	[tilespmem:s0+$0x1B530] =	vst v48  }
0xba: {  	v57 =	vld [tilespmem:s0+$0x16570];
	v55 =	vmul.f32 v48, v9;
	[tilespmem:s0+$0x13D50] =	vst v53  }
0xbb: {  	v56 =	vmul.f32 v49, v50;
	[tilespmem:s0+$0x1B520] =	vst v49  }
0xbc: {  	v59 =	vld [tilespmem:s0+$0x16560];
	[tilespmem:s0+$0x13D30] =	vst v55;
	v58 =	vpop (erf)  }
0xbd: {  	[tilespmem:s0+$0x13D20] =	vst v56;
	v0 =	vmul.f32 v58, v54  }
0xbe: {  	[tilespmem:s0+$0x1B500] =	vst v58;
	v60 =	vpop (erf)  }
0xbf: {  	[tilespmem:s0+$0x13D00] =	vst v0;
	v61 =	vmul.f32 v60, v57  }
0xc0: {  	[tilespmem:s0+$0x1B570] =	vst v60;
	v62 =	vpop (erf)  }
0xc1: {  	[tilespmem:s0+$0x13D70] =	vst v61;
	v63 =	vmul.f32 v62, v59  }
0xc2: {  	[tilespmem:s0+$0x1B560] =	vst v62  }
0xc3: {  	[tilespmem:s0+$0x13D60] =	vst v63  }
0xc4: {  	[spmem:s2] =	stream.indirect.scatter.add.f32 [tilespmem:s23], [sflag:$0x1], $0x80, s19, s22, $0xb8;
	[tilespmem:$0x1DD00] =	vst v63  }
0xc5: {  	s29 =	sadd.s32 $0x1, s29;
	s31 =	sadd.s32 s10, s30  }
0xc6: {  	[hbm4b:s31+s3] =	stream.linear.scatter [tilespmem:s20], [sflag:$0x2], $0x2800, $0x38;
	[tilespmem:$0x1DD00] =	vst v63  }
0xc7: {  	p0 =	sne.s32 s29, $0x7D;
	_ =	swait.ge [sflag:s21], $0x2800  }
.Ltmp1:
0xc8: {  	[sflag:s21] =	ssyncset.done $0x0;
	(pc) =	sbr.rel @p0 .LBB2_2-.Ltmp1, $4  }
0xc9: {  	[sflag:s21] =	ssyncadd.s32 $0xFFFFD800  }
0xca: {  	_ =	swait.ge [sflag:s26], $0x2800  }
0xcb: {  	[sflag:s26] =	ssyncset.done $0x0  }
0xcc: {  	[sflag:s26] =	ssyncadd.s32 $0xFFFFD800  }
0xcd: {  	s28 =	sadd.s32 $0x1, s28  }
0xce: {  	p0 =	sne.s32 s28, s15  }
.Ltmp2:
0xcf: {  	[bflag:$0x0] =	sbarrier.arrive $0xFFFF;
	(pc) =	sbr.rel @p0 .LBB2_1-.Ltmp2, $4  }
0xd0: {  	[hbm:s14], [sflag:s12] =	dma.local [spmem:s16], $0x2780  }
0xd1: {  	_ =	swait.ge [sflag:s17], $0x2780  }
0xd2: {  	[sflag:s17] =	ssyncset.done $0x0  }
0xd3: {  	[sflag:s17] =	ssyncadd.s32 $0xFFFFD880  }
0xd4: {  	_ =	sfence.sel $0x180000  }
0xd5: {  	[bflag:$0x0] =	sbarrier.arrive $0xFFFF  }
0xd6: {  	_ =	strace $0x90000059  }
0xd7: {  	s0 =	stileid.u32;
	[bflag:$0x2] =	sbarrier.arrive $0xFFFF  }
0xd8: {  	p0 =	sne.s32 s0, $0x0;
	s0 =	rddreg [dreg:$0x2]  }
0xd9: {  	s0 =	sadd.s32 @!p0 $0x100000, s0  }
0xda: {  	[sflag:s0] =	ssyncadd.tile.s32 @!p0 $0x1;
	_ =	shalt  }
.Lfunc_end2:
_tile_overlayer_lowered:
.L_overlay_start_2:
0xdb: {  	(tag) =	ssettag $0x2  }
0xdc: {  	s0 =	rddreg [dreg:$0x0];
	s2 =	stileid.u32  }
0xdd: {  	s1 =	rddreg [dreg:$0x1];
	p0 =	sne.s32 s2, $0x0  }
0xde: {  	s3 =	rddreg [dreg:$0x2];
	[bflag:$0x3] =	sbarrier.arrive $0xFFFF;
	s2 =	simm.s32 @!p0 $0x1C03  }
0xdf: {  	[timem:s3], [sflag:s2] =	dma.local @!p0 [hbm:s0], s1  }
0xe0: {  	s0 =	simm.s32 @!p0 $0x3  }
0xe1: {  	_ =	swait.ge @!p0 [sflag:s0], s1  }
0xe2: {  	s1 =	ssub.s32 @!p0 $0x0, s1;
	[sflag:s0] =	ssyncset.done @!p0 $0x0  }
0xe3: {  	[sflag:s0] =	ssyncadd.s32 @!p0 s1  }
0xe4: {  	[bflag:$0x3] =	sbarrier.arrive $0xFFFF  }
0xe5: {  	_ =	shalt  }

// kernel: kernel.48.cloned.1.call-start
scs
__scs_entry_jumppad:
0x0: {  	(pc) =	sbr.rel $0x88, $3  }
0x1: {  	(tag) =	ssettag $0x0;
	lr =	simm.s32 $0x1  }
0x2: {  	[smem:$0x3F84] =	sst lr;
	_ =	strace $0xD0000000  }
0x3: {  	_ = 	snop  }
0x4: {  	_ = 	snop  }
0x5: {  	_ = 	snop  }
0x6: {  	_ = 	snop  }
0x7: {  	_ = 	snop  }
__scs_overlays_trampoline_lowered:
0x8: {  	[smem:$0x3F93] =	sst s0  }
0x9: {  	[smem:$0x3F94] =	sst s1  }
0xa: {  	[smem:$0x3F95] =	sst s2  }
0xb: {  	[smem:$0x3F96] =	sst s3  }
0xc: {  	[smem:$0x3F97] =	sst s4  }
0xd: {  	[smem:$0x3F98] =	sst s5  }
0xe: {  	[smem:$0x3F99] =	sst s6  }
0xf: {  	[smem:$0x3F9A] =	sst s7  }
0x10: {  	[smem:$0x3F9B] =	sst s8  }
0x11: {  	[smem:$0x3F9C] =	sst s9;
	s0 =	simm.s32 @!p0 $0x0  }
0x12: {  	s1 =	sld [smem:$0x3F82];
	s0 =	simm.s32 @p0 $0x1  }
0x13: {  	[smem:$0x3F9D] =	sst s0;
	s0 =	simm.s32 @!p1 $0x0  }
0x14: {  	s2 =	sld [smem:$0x3F81];
	s0 =	simm.s32 @p1 $0x1  }
0x15: {  	[smem:$0x3F9E] =	sst s0;
	s0 =	simm.s32 @!p2 $0x0  }
0x16: {  	s3 =	sld [smem:$0x3FDB];
	s0 =	simm.s32 @p2 $0x1  }
0x17: {  	s4 =	simm.s32 $0x1BF5;
	[smem:$0x3FA0] =	sst s0  }
0x18: {  	s0 =	sld [smem:$0x3F83];
	_ =	swait.ge [sflag:s4], $0x0  }
0x19: {  	s7 =	sld [smem:$0x3F84]  }
0x1a: {  	s8 =	sadd.s32 $0xFFFFE003, lr  }
0x1b: {  	s9 =	sadd.s32 $0xFFFFFEF7, lr;
	s5 =	simm.s32 $0xFFFFFFFF;
	p2 =	slt.u32 s8, $0xFFFFF086  }
0x1c: {  	p1 =	slt.u32 s9, $0xF7A;
	s5 =	simm.s32 @!p2 $0x0  }
0x1d: {  	s5 =	simm.s32 @p1 $0x1;
	p0 =	seq.s32 s7, s2  }
0x1e: {  	s7 =	smul.u32 @!p0 $0xF7A, s2;
	p2 =	seq.s32 @!p0 s5, $0x0  }
0x1f: {  	s9 =	smul.u32 $0xF7A, s1;
	s8 =	simm.s32 @!p0 $0x1BF5;
	p2 =	por !p2, p0  }
0x20: {  	[sflag:s8] =	ssyncset.s32 @!p0 $0xFFFFF086;
	s6 =	sadd.s32 @!p0 s3, s7;
	s7 =	simm.s32 @!p0 $0x108  }
0x21: {  	s3 =	sadd.s32 s3, s9;
	s6 =	sadd.s32 @!p0 $0x88, s6;
	s7 =	simm.s32 @p2 $0x1082  }
0x22: {  	[simem:s7], [sflag:s8] =	dma.local @!p0 [hbm:s6], $0xF7A  }
0x23: {  	s9 =	sor.u32 $0xD0000000, s2;
	s6 =	simm.s32 $0x108;
	_ =	swait.ge @!p0 [sflag:s8], $0x0  }
0x24: {  	s3 =	sadd.s32 $0x88, s3;
	s6 =	simm.s32 @!p1 $0x1082;
	[sflag:s4] =	ssyncset.s32 $0xFFFFF086  }
0x25: {  	[simem:s6], [sflag:s4] =	dma.local [hbm:s3], $0xF7A  }
0x26: {  	[smem:$0x3F84] =	sst s1;
	(tag) =	ssettag s2;
	_ =	strace s9  }
0x27: {  	s1 =	sld [smem:$0x3F94]  }
0x28: {  	s2 =	sld [smem:$0x3F95]  }
0x29: {  	s4 =	sld [smem:$0x3F97]  }
0x2a: {  	p0 =	seq.s32 s5, $0x0;
	s5 =	sld [smem:$0x3F98]  }
0x2b: {  	s6 =	sld [smem:$0x3F99]  }
0x2c: {  	s7 =	sld [smem:$0x3F9A]  }
0x2d: {  	s3 =	simm.s32 $0x108;
	s8 =	sld [smem:$0x3F9B]  }
0x2e: {  	s3 =	simm.s32 @!p0 $0x1082;
	s9 =	sld [smem:$0x3F9C]  }
0x2f: {  	lr =	sadd.s32 s0, s3;
	s0 =	sld [smem:$0x3F93]  }
0x30: {  	s3 =	sld [smem:$0x3F96]  }
0x31: {  	[smem:$0x3F9F] =	sst s10  }
0x32: {  	s10 =	sld [smem:$0x3F9D];
	_ =	sdelay $0x3  }
0x33: {  	p0 =	seq.s32 s10, $0x1;
	s10 =	sld [smem:$0x3F9F];
	_ =	sdelay $0x3  }
0x34: {  	[smem:$0x3F9F] =	sst s10  }
0x35: {  	s10 =	sld [smem:$0x3F9E];
	_ =	sdelay $0x3  }
0x36: {  	p1 =	seq.s32 s10, $0x1;
	s10 =	sld [smem:$0x3F9F];
	_ =	sdelay $0x3  }
0x37: {  	[smem:$0x3F9F] =	sst s10  }
0x38: {  	s10 =	sld [smem:$0x3FA0]  }
0x39: {  	_ = 	snop;
	(pc) =	sbr.ind lr, $3  }
0x3a: {  	_ = 	snop  }
0x3b: {  	_ = 	snop  }
0x3c: {  	p2 =	seq.s32 s10, $0x1;
	s10 =	sld [smem:$0x3F9F]  }
0x3d: {  	_ =	shalt  }
0x3e: {  	_ =	shalt  }
0x3f: {  	_ =	shalt  }
0x40: {  	_ =	shalt  }
0x41: {  	_ =	shalt  }
0x42: {  	_ =	shalt  }
0x43: {  	_ =	shalt  }
0x44: {  	_ =	shalt  }
0x45: {  	_ =	shalt  }
0x46: {  	_ =	shalt  }
0x47: {  	_ =	shalt  }
0x48: {  	_ =	shalt  }
0x49: {  	_ =	shalt  }
0x4a: {  	_ =	shalt  }
0x4b: {  	_ =	shalt  }
0x4c: {  	_ =	shalt  }
0x4d: {  	_ =	shalt  }
0x4e: {  	_ =	shalt  }
0x4f: {  	_ =	shalt  }
0x50: {  	_ =	shalt  }
0x51: {  	_ =	shalt  }
0x52: {  	_ =	shalt  }
0x53: {  	_ =	shalt  }
0x54: {  	_ =	shalt  }
0x55: {  	_ =	shalt  }
0x56: {  	_ =	shalt  }
0x57: {  	_ =	shalt  }
0x58: {  	_ =	shalt  }
0x59: {  	_ =	shalt  }
0x5a: {  	_ =	shalt  }
0x5b: {  	_ =	shalt  }
0x5c: {  	_ =	shalt  }
0x5d: {  	_ =	shalt  }
0x5e: {  	_ =	shalt  }
0x5f: {  	_ =	shalt  }
0x60: {  	_ =	shalt  }
0x61: {  	_ =	shalt  }
0x62: {  	_ =	shalt  }
0x63: {  	_ =	shalt  }
0x64: {  	_ =	shalt  }
0x65: {  	_ =	shalt  }
0x66: {  	_ =	shalt  }
0x67: {  	_ =	shalt  }
0x68: {  	_ =	shalt  }
0x69: {  	_ =	shalt  }
0x6a: {  	_ =	shalt  }
0x6b: {  	_ =	shalt  }
0x6c: {  	_ =	shalt  }
0x6d: {  	_ =	shalt  }
0x6e: {  	_ =	shalt  }
0x6f: {  	_ =	shalt  }
0x70: {  	_ =	shalt  }
0x71: {  	_ =	shalt  }
0x72: {  	_ =	shalt  }
0x73: {  	_ =	shalt  }
0x74: {  	_ =	shalt  }
0x75: {  	_ =	shalt  }
0x76: {  	_ =	shalt  }
0x77: {  	_ =	shalt  }
0x78: {  	_ =	shalt  }
0x79: {  	_ =	shalt  }
0x7a: {  	_ =	shalt  }
0x7b: {  	_ =	shalt  }
0x7c: {  	_ =	shalt  }
0x7d: {  	_ =	shalt  }
0x7e: {  	_ =	shalt  }
0x7f: {  	_ =	shalt  }
0x80: {  	_ =	shalt  }
0x81: {  	_ =	shalt  }
0x82: {  	_ =	shalt  }
0x83: {  	_ =	shalt  }
0x84: {  	_ =	shalt  }
0x85: {  	_ =	shalt  }
0x86: {  	_ =	shalt  }
0x87: {  	_ =	shalt  }
.Lfunc_end0:
.L_simem_size_0:
called_computation.7_lowered:
.L_overlay_start_0:
0x88: {  	s2 =	sld [smem:$0x3FD9]  }
0x89: {  	s3 =	sld [smem:$0x3FFE];
	_ =	sdelay $0x1  }
0x8a: {  	s1 =	srdreg.scid  }
0x8b: {  	s0 =	sand.u32 $0x1, s1  }
0x8c: {  	s16 =	sshll.u32 s0, $0xA;
	s2 =	sadd.s32 s3, s2  }
0x8d: {  	s2 =	sadd.s32 s2, s16  }
0x8e: {  	[smem:$0x3FAB] =	sst s2  }
0x8f: {  	_ = 	snop  }
0x90: {  	(tm) =	ssettm $0x1  }
0x91: {  	s17 =	sld [smem:$0x3FFB];
	_ =	sdelay $0x3  }
0x92: {  	_ =	strace s17  }
0x93: {  	s2 =	sld [smem:$0x3FFC];
	_ =	sdelay $0x3  }
0x94: {  	_ =	strace s2  }
0x95: {  	s2 =	sld [smem:$0x3FFD];
	_ =	sdelay $0x3  }
0x96: {  	_ =	strace s2  }
0x97: {  	_ =	strace $0x8FFFFFFF  }
0x98: {  	s18 =	sld [smem:$0x3FDB];
	_ =	sdelay $0x1  }
0x99: {  	s19 =	simm.s32 $_scs_section_size  }
0x9a: {  	s4 =	simm.s32 $_size__tile_overlayer_lowered;
	s5 =	simm.s32 $_tile_overlayer_lowered  }
0x9b: {  	s22 =	simm.s32 $0x1BFF;
	s21 =	sshll.u32 s5, $0x1;
	s2 =	sadd.s32 s19, s18  }
0x9c: {  	s6 =	simm.s32 $0x0;
	s20 =	sshll.u32 s4, $0x1;
	s4 =	sadd.s32 s21, s2  }
0x9d: {  	[timem:s6], [sflag:s22] =	dma.local [hbm:s4], s20  }
0x9e: {  	_ =	swait.ge [sflag:s22], s20  }
0x9f: {  	s3 =	ssub.s32 $0x0, s20;
	[sflag:s22] =	ssyncset.done $0x0  }
0xa0: {  	[sflag:s22] =	ssyncadd.s32 s3;
	_ =	sdelay $0x1  }
0xa1: {  	s23 =	simm.s32 $0x1B8B  }
0xa2: {  	_ =	swait.ge [sflag:s23], $0x1  }
0xa3: {  	[sflag:s23] =	ssyncset.done $0x0  }
0xa4: {  	s25 =	simm.s32 $0x1B8E;
	s24 =	sld [smem:$0x3FFE];
	[sflag:s23] =	ssyncadd.s32 $0xFFFFFFFF  }
0xa5: {  	s26 =	simm.s32 $execute0_lowered;
	[smem:$0x3FD2] =	sst s25  }
0xa6: {  	s4 =	sshll.u32 s26, $0x1;
	_ =	strace $0x8000005B;
	[dreg:$0x1] =	wrdreg $0xFFFFFFFF  }
0xa7: {  	s28 =	simm.s32 $_size_execute0_lowered;
	s2 =	sadd.s32 s2, s4;
	[dreg:$0x0] =	wrdreg $0x0  }
0xa8: {  	s4 =	sshll.u32 s28, $0x1;
	[dreg:$0x2] =	wrdreg s2  }
0xa9: {  	[dreg:$0x3] =	wrdreg s4  }
0xaa: {  	[dreg:$0x4] =	wrdreg $0xC0  }
0xab: {  	_ =	task [dreg:s6], $0x5FFFF  }
0xac: {  	[dreg:$0x1] =	wrdreg $0xFFFFFFFF  }
0xad: {  	[dreg:$0x0] =	wrdreg $0x60  }
0xae: {  	[dreg:$0x2] =	wrdreg s24  }
0xaf: {  	[dreg:$0x3] =	wrdreg $0x0  }
0xb0: {  	[dreg:$0x4] =	wrdreg $0x9  }
0xb1: {  	_ =	task.clear_ibuf [dreg:s6], $0x5FFFF;
	_ =	strace $0x9000005B  }
0xb2: {  	s29 =	simm.s32 $0x9;
	_ =	strace $0x8000005D  }
0xb3: {  	_ =	swait.ge [sflag:s29], $0x1  }
0xb4: {  	[sflag:s29] =	ssyncadd.s32 $0xFFFFFFFF  }
0xb5: {  	_ =	strace $0x9000005D  }
0xb6: {  	_ =	sfence  }
0xb7: {  	s30 =	sld [smem:$0x0];
	_ =	sdelay $0x2  }
0xb8: {  	s31 =	sshll.u32 s1, $0xD;
	s1 =	sshrl.u32 s1, $0x2  }
0xb9: {  	s3 =	sand.u32 $0x4000, s31;
	s1 =	sadd.s32 s1, s30  }
0xba: {  	s0 =	sor.u32 s3, s0;
	s1 =	sshll.u32 s1, $0x11  }
0xbb: {  	s0 =	sor.u32 s1, s0  }
0xbc: {  	s0 =	sadd.s32 $0x8F2B, s0  }
0xbd: {  	[sflag:s0] =	ssyncadd.remote.s32 $0x1  }
0xbe: {  	_ =	sfence.sel $0xFFFF  }
0xbf: {  	[dreg:$0x0] =	wrdreg $0xFFFFFFFF;
	(pc) =	sbr.abs _section_cstart, $3  }
0xc0: {  	[dreg:$0x1] =	wrdreg $0xFFFFFFFF  }
0xc1: {  	_ =	task.clear_ibuf [dreg:s6], $0x2FFFF;
	_ =	strace $0x9FFFFFFF  }
0xc2: {  	(tm) =	ssettm $0x7FFFFFFF  }
0xc3: {  	_ =	shalt  }
tec
execute0_lowered:
.L_overlay_start_1:
0x0: {  	(tag) =	ssettag $0x1  }
0x1: {  	s0 =	srdreg.scid;
	s4 =	rddreg [dreg:$0x0]  }
0x2: {  	s2 =	rddreg [dreg:$0x1];
	s5 =	sand.u32 $0x1, s0  }
0x3: {  	s0 =	stileid.u32;
	s6 =	smul.u32 $0x27100, s5  }
0x4: {  	s1 =	rddreg [dreg:$0x2];
	s3 =	simm.s32 $0x0;
	s7 =	smul.u32 $0x2710, s0  }
0x5: {  	s13 =	simm.s32 $0x13C00;
	s14 =	simm.s32 $0x1;
	s8 =	smul.u32 $0x271000, s5  }
0x6: {  	s15 =	simm.s32 $0xC8;
	[smem:$0x7FF] =	sst s3;
	s25 =	smul.u32 $0x13C00, s0  }
0x7: {  	s16 =	simm.s32 $0x0;
	s9 =	smul.u32 $0x13C000, s5;
	_ =	strace $0x8000005C  }
0x8: {  	s5 =	ssub.s32 $0x2, s5;
	s11 =	smul.u32 $0x4F000, s0;
	s30 =	sshll.u32 s0, $0x6  }
0x9: {  	s31 =	smul.u32 $0x27100, s0;
	s28 =	sshrl.u32 s5, $0x1;
	s6 =	sadd.s32 s7, s6  }
0xa: {  	s8 =	sadd.s32 s8, s4;
	s26 =	sshrl.u32 s25, $0x3;
	s7 =	sadd.s32 s25, s9  }
0xb: {  	s9 =	ssub.s32 s5, s28;
	s29 =	sshrl.u32 s11, $0x2;
	s5 =	sor.u32 $0x1C02, s30  }
0xc: {  	s11 =	simm.s32 $0x2;
	s6 =	sshrl.u32 s6, $0x3;
	s7 =	sshrl.u32 s7, $0x3  }
0xd: {  	s12 =	sadd.s32 s29, s2;
	s8 =	sadd.s32 s31, s8;
	s10 =	sadd.s32 s6, s4  }
0xe: {  	s6 =	sadd.s32 s26, s4;
	s7 =	sadd.s32 s7, s4;
	s8 =	sadd.s32 $0xAE0E00, s8  }
0xf: {  	s4 =	sadd.s32 $0xAB9600, s6;
	s6 =	sadd.s32 $0x626600, s7;
	s7 =	smax.u32 s9, $0x1  }
0x10: {  	s9 =	sadd.s32 $0x27E00, s10;
	s10 =	sshrl.u32 s12, $0x3;
	s12 =	simm.s32 $0x13D00  }
.LBB2_1:
0x11: {  	[spmem:s10], [sflag:s5] =	dma.local [hbm:s4], $0x2780  }
0x12: {  	_ =	swait.ge [sflag:s11], $0x2780  }
0x13: {  	[sflag:s11] =	ssyncset.done $0x0  }
0x14: {  	[sflag:s11] =	ssyncadd.s32 $0xFFFFD880  }
0x15: {  	[bflag:$0x0] =	sbarrier.arrive $0xFFFF  }
0x16: {  	[tilespmem:s12], [sflag:$0x1] =	stream.linear.gather [hbm4b:s8+s3], $0x6400, $0x38;
	[tilespmem:$0x1A100] =	vst v63  }
0x17: {  	s17 =	sadd.s32 $0x0, s9  }
0x18: {  	[tilespmem:s13], [sflag:$0x1] =	stream.linear.gather [hbm4b:s17+s3], $0xC8, $0x38;
	[tilespmem:$0x1A100] =	vst v63  }
0x19: {  	_ =	swait.ge [sflag:s14], $0x6400  }
0x1a: {  	[sflag:s14] =	ssyncset.done $0x0  }
0x1b: {  	[sflag:s14] =	ssyncadd.s32 $0xFFFF9C00  }
0x1c: {  	_ =	swait.ge [sflag:s14], $0xC8  }
0x1d: {  	[sflag:s14] =	ssyncset.done $0x0  }
0x1e: {  	[sflag:s14] =	ssyncadd.s32 $0xFFFFFF38  }
0x1f: {  	[spmem:s2] =	stream.indirect.scatter.add.f32 [tilespmem:s12], [sflag:$0x1], $0x80, s13, s15, $0xb8;
	[tilespmem:$0x1A100] =	vst v63  }
0x20: {  	_ =	swait.ge [sflag:s14], $0x6400  }
0x21: {  	s18 =	smov.u32 s8;
	s17 =	simm.s32 $0x19;
	[sflag:s14] =	ssyncset.done $0x0  }
.LBB2_2:
0x22: {  	p0 =	sne.s32 s17, $0x4C9;
	[sflag:s14] =	ssyncadd.s32 $0xFFFF9C00;
	s18 =	sadd.s32 $0xC80, s18  }
0x23: {  	[tilespmem:s12], [sflag:$0x1] =	stream.linear.gather [hbm4b:s18+s3], $0x6400, $0x38;
	[tilespmem:$0x1A100] =	vst v63  }
0x24: {  	s19 =	sadd.s32 s17, s9;
	s17 =	sadd.s32 $0x19, s17  }
0x25: {  	[tilespmem:s13], [sflag:$0x1] =	stream.linear.gather [hbm4b:s19+s3], $0xC8, $0x38;
	[tilespmem:$0x1A100] =	vst v63  }
0x26: {  	_ =	swait.ge [sflag:s14], $0x6400  }
0x27: {  	[sflag:s14] =	ssyncset.done $0x0  }
0x28: {  	[sflag:s14] =	ssyncadd.s32 $0xFFFF9C00  }
0x29: {  	_ =	swait.ge [sflag:s14], $0xC8  }
.Ltmp0:
0x2a: {  	[sflag:s14] =	ssyncset.done $0x0;
	(pc) =	sbr.rel @p0 .LBB2_2-.Ltmp0, $4  }
0x2b: {  	[sflag:s14] =	ssyncadd.s32 $0xFFFFFF38  }
0x2c: {  	[spmem:s2] =	stream.indirect.scatter.add.f32 [tilespmem:s12], [sflag:$0x1], $0x80, s13, s15, $0xb8;
	[tilespmem:$0x1A100] =	vst v63  }
0x2d: {  	_ =	swait.ge [sflag:s14], $0x6400  }
0x2e: {  	[sflag:s14] =	ssyncset.done $0x0  }
0x2f: {  	s16 =	sadd.s32 $0x1, s16  }
0x30: {  	[sflag:s14] =	ssyncadd.s32 $0xFFFF9C00;
	p0 =	sne.s32 s16, s7  }
.Ltmp1:
0x31: {  	[bflag:$0x0] =	sbarrier.arrive $0xFFFF;
	(pc) =	sbr.rel @p0 .LBB2_1-.Ltmp1, $4  }
0x32: {  	[hbm:s6], [sflag:s5] =	dma.local [spmem:s10], $0x2780  }
0x33: {  	_ =	swait.ge [sflag:s11], $0x2780  }
0x34: {  	[sflag:s11] =	ssyncset.done $0x0  }
0x35: {  	[sflag:s11] =	ssyncadd.s32 $0xFFFFD880  }
0x36: {  	_ =	sfence.sel $0x180000  }
0x37: {  	[bflag:$0x0] =	sbarrier.arrive $0xFFFF  }
0x38: {  	p0 =	sne.s32 s0, $0x0;
	_ =	strace $0x9000005C  }
0x39: {  	s0 =	sadd.s32 @!p0 $0x100000, s1;
	[bflag:$0x2] =	sbarrier.arrive $0xFFFF  }
0x3a: {  	[sflag:s0] =	ssyncadd.tile.s32 @!p0 $0x1;
	_ =	shalt  }
.Lfunc_end2:
_tile_overlayer_lowered:
.L_overlay_start_2:
0x3b: {  	(tag) =	ssettag $0x2  }
0x3c: {  	s0 =	rddreg [dreg:$0x0];
	s2 =	stileid.u32  }
0x3d: {  	s1 =	rddreg [dreg:$0x1];
	p0 =	sne.s32 s2, $0x0  }
0x3e: {  	s3 =	rddreg [dreg:$0x2];
	[bflag:$0x3] =	sbarrier.arrive $0xFFFF;
	s2 =	simm.s32 @!p0 $0x1C02  }
0x3f: {  	[timem:s3], [sflag:s2] =	dma.local @!p0 [hbm:s0], s1  }
0x40: {  	s0 =	simm.s32 @!p0 $0x2  }
0x41: {  	_ =	swait.ge @!p0 [sflag:s0], s1  }
0x42: {  	s1 =	ssub.s32 @!p0 $0x0, s1;
	[sflag:s0] =	ssyncset.done @!p0 $0x0  }
0x43: {  	[sflag:s0] =	ssyncadd.s32 @!p0 s1  }
0x44: {  	[bflag:$0x3] =	sbarrier.arrive $0xFFFF  }
0x45: {  	_ =	shalt  }

</sc_bundles>
